<compile_context>
chip_gen: v7x
topology: tpu7x:2x2x1
jax: 0.10.2.dev20260603
libtpu: 0.0.44.dev20260713+nightly
codegen_flags: <defaults>
</compile_context>

<pallas_src>
import functools
import math

import jax
import jax.numpy as jnp
from jax import lax
from jax.experimental import pallas as pl
from jax.experimental.pallas import tpu as pltpu
from jax.experimental.pallas import tpu_sc as plsc

D_MODEL = 64
SCALE = math.sqrt(D_MODEL)
LANES = 16
NC, NS = 2, 16
NW = NC * NS
B_ROWS = 4096
SEQ = 200
BT = B_ROWS // NW
DB = 8
RING = 4


def _emb_body(x_hbm, table_hbm, out_hbm, idx_v, b0, b1, b2, b3, t0, t1, t2,
              t3, g0, g1, g2, g3, s0, s1, s2, s3):
    bufs = (b0, b1, b2, b3)
    tbufs = (t0, t1, t2, t3)
    gsems = (g0, g1, g2, g3)
    ssems = (s0, s1, s2, s3)
    wid = lax.axis_index("s") * NC + lax.axis_index("c")
    pltpu.sync_copy(x_hbm.at[:, pl.ds(wid * BT, BT)], idx_v)

    def fire_gather(s, slot):
        pltpu.async_copy(table_hbm.at[idx_v.at[s]], bufs[slot], gsems[slot])

    def wait_gather(slot):
        pltpu.make_async_copy(
            table_hbm.at[idx_v.at[0]], bufs[slot], gsems[slot]
        ).wait()

    def fire_store(s, slot):
        for db in range(DB):
            pltpu.async_copy(
                tbufs[slot].at[db, :, pl.ds(0, BT)],
                out_hbm.at[s, db, wid],
                ssems[slot],
            )

    def wait_store(slot):
        for db in range(DB):
            pltpu.make_async_copy(
                tbufs[slot].at[db, :, pl.ds(0, BT)],
                out_hbm.at[0, db, wid],
                ssems[slot],
            ).wait()

    def transpose_scale(slot, tslot):
        buf = bufs[slot]
        tbuf = tbufs[tslot]
        didx = [
            k * LANES + lax.iota(jnp.int32, LANES)
            for k in range(D_MODEL // LANES)
        ]
        dbv = [d >> 3 for d in didx]
        d8v = [d & 7 for d in didx]

        @plsc.parallel_loop(0, BT, unroll=8)
        def _(r):
            col = jnp.full((LANES,), r, jnp.int32)
            for k in range(D_MODEL // LANES):
                vals = buf[r, pl.ds(k * LANES, LANES)] * SCALE
                plsc.store_scatter(tbuf, [dbv[k], d8v[k], col], vals)

    fire_gather(0, 0)
    fire_gather(1, 1)
    fire_gather(2, 2)

    def outer(t, carry):
        for p in range(RING):
            g = t * RING + p
            nslot = (p + 3) % RING

            @pl.when(g < SEQ)
            def _():
                @pl.when(g + 3 < SEQ)
                def _():
                    fire_gather(g + 3, nslot)

                wait_gather(p)

                @pl.when(g >= RING)
                def _():
                    wait_store(p)

                transpose_scale(p, p)
                fire_store(g, p)

        return carry

    lax.fori_loop(0, (SEQ + RING - 1) // RING, outer, 0)
    wait_store((SEQ - 1) % RING)
    wait_store((SEQ - 2) % RING)
    wait_store((SEQ - 3) % RING)
    wait_store((SEQ - 4) % RING)


@functools.cache
def _build():
    mesh = plsc.VectorSubcoreMesh(
        core_axis_name="c", subcore_axis_name="s", num_cores=NC, num_subcores=NS
    )
    return functools.partial(
        pl.kernel,
        out_type=jax.ShapeDtypeStruct(
            (SEQ, DB, NW, D_MODEL // DB, BT), jnp.float32
        ),
        mesh=mesh,
        scratch_types=[
            pltpu.VMEM((SEQ, BT), jnp.int32),
            pltpu.VMEM((BT, D_MODEL), jnp.float32),
            pltpu.VMEM((BT, D_MODEL), jnp.float32),
            pltpu.VMEM((BT, D_MODEL), jnp.float32),
            pltpu.VMEM((BT, D_MODEL), jnp.float32),
            pltpu.VMEM((DB, D_MODEL // DB, BT + 1), jnp.float32),
            pltpu.VMEM((DB, D_MODEL // DB, BT + 1), jnp.float32),
            pltpu.VMEM((DB, D_MODEL // DB, BT + 1), jnp.float32),
            pltpu.VMEM((DB, D_MODEL // DB, BT + 1), jnp.float32),
            pltpu.SemaphoreType.DMA,
            pltpu.SemaphoreType.DMA,
            pltpu.SemaphoreType.DMA,
            pltpu.SemaphoreType.DMA,
            pltpu.SemaphoreType.DMA,
            pltpu.SemaphoreType.DMA,
            pltpu.SemaphoreType.DMA,
            pltpu.SemaphoreType.DMA,
        ],
        compiler_params=pltpu.CompilerParams(
            use_tc_tiling_on_sc=False, needs_layout_passes=False
        ),
    )(_emb_body)


def kernel(x, lut_weight):
    out5 = _build()(x.T.astype(jnp.int32), lut_weight)
    return out5.transpose((2, 4, 0, 1, 3)).reshape(B_ROWS, SEQ, D_MODEL)

# --- scband reference (transcript-rebuilt; emitter-appended) ---
"""Pipeline reference for scband-embeddings-23184233464678 (READ-ONLY COPY).

The authoritative reference and input builder live on the scoring server;
editing this copy changes nothing except your own understanding.
"""

import jax, jax.numpy as jnp
import numpy as np
import math

D_MODEL = 64
VOCAB = 1000000

def setup_inputs(seed: int = 0) -> dict:
    key = jax.random.key(seed)
    k1, k2 = jax.random.split(key)
    x = jax.random.randint(k1, (4096, 200), 0, VOCAB, dtype=jnp.int64 if jax.config.jax_enable_x64 else jnp.int32)
    lut_weight = jax.random.normal(k2, (VOCAB, D_MODEL), dtype=jnp.float32)
    return {"x": x, "lut_weight": lut_weight}

def reference(x, lut_weight):
    # Embeddings.forward: self.lut(x) * sqrt(d_model)
    emb = jnp.take(lut_weight, x, axis=0)
    return emb * math.sqrt(D_MODEL)

if __name__ == "__main__":
    import jax
    _d = setup_inputs()
    print(jax.jit(kernel)(*tuple(_d.values())))

</pallas_src>

<mosaic_0001>
#map = affine_map<(d0, d1) -> (0, 0)>
#map1 = affine_map<(d0, d1) -> (0, 0, 0, 0, 0)>
module attributes {stable_mosaic.version = 14 : i64} {
  func.func @_emb_body(%arg0: i32, %arg1: i32, %arg2: memref<200x4096xi32, #tpu.memory_space<hbm>>, %arg3: memref<1000000x64xf32, #tpu.memory_space<hbm>>, %arg4: memref<200x8x32x8x128xf32, #tpu.memory_space<hbm>>, %arg5: memref<200x128xi32, #tpu.memory_space<vmem>>, %arg6: memref<128x64xf32, #tpu.memory_space<vmem>>, %arg7: memref<128x64xf32, #tpu.memory_space<vmem>>, %arg8: memref<128x64xf32, #tpu.memory_space<vmem>>, %arg9: memref<128x64xf32, #tpu.memory_space<vmem>>, %arg10: memref<8x8x129xf32, #tpu.memory_space<vmem>>, %arg11: memref<8x8x129xf32, #tpu.memory_space<vmem>>, %arg12: memref<8x8x129xf32, #tpu.memory_space<vmem>>, %arg13: memref<8x8x129xf32, #tpu.memory_space<vmem>>, %arg14: memref<!tpu.dma_semaphore, #tpu.memory_space<semaphore_mem>>, %arg15: memref<!tpu.dma_semaphore, #tpu.memory_space<semaphore_mem>>, %arg16: memref<!tpu.dma_semaphore, #tpu.memory_space<semaphore_mem>>, %arg17: memref<!tpu.dma_semaphore, #tpu.memory_space<semaphore_mem>>, %arg18: memref<!tpu.dma_semaphore, #tpu.memory_space<semaphore_mem>>, %arg19: memref<!tpu.dma_semaphore, #tpu.memory_space<semaphore_mem>>, %arg20: memref<!tpu.dma_semaphore, #tpu.memory_space<semaphore_mem>>, %arg21: memref<!tpu.dma_semaphore, #tpu.memory_space<semaphore_mem>>) attributes {dimension_semantics = [#tpu.dimension_semantics<core_parallel>, #tpu.dimension_semantics<subcore_parallel>], iteration_bounds = array<i64: 2, 16>, scalar_prefetch = 0 : i64, scratch_operands = 17 : i64, tpu.core_type = #tpu.core_type<sc_vector_subcore>, window_params = [{transform_indices = #map}, {transform_indices = #map}, {transform_indices = #map1}]} {
    %mul3A = arith.constant 2 : i32
    %mul3A_0 = arith.muli %arg1, %mul3A : i32
    %add3A = arith.addi %mul3A_0, %arg0 : i32
    %mul3A_1 = arith.constant 128 : i32
    %mul3A_2 = arith.muli %add3A, %mul3A_1 : i32
    "tpu.region"() ({
      %run_scoped3A = tpu.sem_alloc : memref<!tpu.dma_semaphore, #tpu.memory_space<semaphore_mem>>
      %dma_start3A_635 = arith.constant 0 : i32
      %dma_start3A_636 = tpu.memref_slice %arg2[%dma_start3A_635, %mul3A_2] : memref<200x4096xi32, #tpu.memory_space<hbm>> -> memref<200x128xi32, #tpu.memory_space<hbm>>
      %dma_start3A_637 = arith.constant 0 : i32
      %dma_start3A_638 = tpu.memref_slice %arg2[%dma_start3A_637, %mul3A_2] : memref<200x4096xi32, #tpu.memory_space<hbm>> -> memref<200x128xi32, #tpu.memory_space<hbm>>
      tpu.enqueue_dma source(%dma_start3A_638 : memref<200x128xi32, #tpu.memory_space<hbm>>) target(%arg5 : memref<200x128xi32, #tpu.memory_space<vmem>>) target_semaphore(%run_scoped3A : memref<!tpu.dma_semaphore, #tpu.memory_space<semaphore_mem>>)
      %dma_wait3A_639 = arith.constant 0 : i32
      %dma_wait3A_640 = tpu.memref_slice %arg2[%dma_wait3A_639, %mul3A_2] : memref<200x4096xi32, #tpu.memory_space<hbm>> -> memref<200x128xi32, #tpu.memory_space<hbm>>
      %dma_wait3A_641 = arith.constant 0 : i32
      %dma_wait3A_642 = tpu.memref_slice %arg2[%dma_wait3A_641, %mul3A_2] : memref<200x4096xi32, #tpu.memory_space<hbm>> -> memref<200x128xi32, #tpu.memory_space<hbm>>
      tpu.wait_dma2 semaphore(%run_scoped3A : memref<!tpu.dma_semaphore, #tpu.memory_space<semaphore_mem>>) src(%dma_wait3A_642 : memref<200x128xi32, #tpu.memory_space<hbm>>) dst(%arg5 : memref<200x128xi32, #tpu.memory_space<vmem>>)
      tpu.yield
    }) : () -> ()
    %dma_start3A = arith.constant 0 : i32
    %dma_start3A_3 = arith.constant 0 : i32
    %dma_start3A_4 = tpu.memref_slice %arg5[%dma_start3A, %dma_start3A_3] : memref<200x128xi32, #tpu.memory_space<vmem>> -> memref<1x128xi32, #tpu.memory_space<vmem>>
    %dma_start3A_5 = tpu.memref_squeeze %dma_start3A_4 : memref<1x128xi32, #tpu.memory_space<vmem>> -> memref<128xi32, #tpu.memory_space<vmem>>
    %dma_start3A_6 = arith.constant 0 : i32
    %dma_start3A_7 = arith.constant 0 : i32
    %dma_start3A_8 = tpu.memref_slice %arg3[%dma_start3A_6, %dma_start3A_7] : memref<1000000x64xf32, #tpu.memory_space<hbm>> -> memref<1000000x64xf32, #tpu.memory_space<hbm>>
    tpu.enqueue_indirect_dma source(%dma_start3A_8 : memref<1000000x64xf32, #tpu.memory_space<hbm>>) target(%arg6 : memref<128x64xf32, #tpu.memory_space<vmem>>) offsets(%dma_start3A_5 : memref<128xi32, #tpu.memory_space<vmem>>) semaphore(%arg14 : memref<!tpu.dma_semaphore, #tpu.memory_space<semaphore_mem>>)
    %dma_start3A_9 = arith.constant 1 : i32
    %dma_start3A_10 = arith.constant 0 : i32
    %dma_start3A_11 = tpu.memref_slice %arg5[%dma_start3A_9, %dma_start3A_10] : memref<200x128xi32, #tpu.memory_space<vmem>> -> memref<1x128xi32, #tpu.memory_space<vmem>>
    %dma_start3A_12 = tpu.memref_squeeze %dma_start3A_11 : memref<1x128xi32, #tpu.memory_space<vmem>> -> memref<128xi32, #tpu.memory_space<vmem>>
    %dma_start3A_13 = arith.constant 0 : i32
    %dma_start3A_14 = arith.constant 0 : i32
    %dma_start3A_15 = tpu.memref_slice %arg3[%dma_start3A_13, %dma_start3A_14] : memref<1000000x64xf32, #tpu.memory_space<hbm>> -> memref<1000000x64xf32, #tpu.memory_space<hbm>>
    tpu.enqueue_indirect_dma source(%dma_start3A_15 : memref<1000000x64xf32, #tpu.memory_space<hbm>>) target(%arg7 : memref<128x64xf32, #tpu.memory_space<vmem>>) offsets(%dma_start3A_12 : memref<128xi32, #tpu.memory_space<vmem>>) semaphore(%arg15 : memref<!tpu.dma_semaphore, #tpu.memory_space<semaphore_mem>>)
    %dma_start3A_16 = arith.constant 2 : i32
    %dma_start3A_17 = arith.constant 0 : i32
    %dma_start3A_18 = tpu.memref_slice %arg5[%dma_start3A_16, %dma_start3A_17] : memref<200x128xi32, #tpu.memory_space<vmem>> -> memref<1x128xi32, #tpu.memory_space<vmem>>
    %dma_start3A_19 = tpu.memref_squeeze %dma_start3A_18 : memref<1x128xi32, #tpu.memory_space<vmem>> -> memref<128xi32, #tpu.memory_space<vmem>>
    %dma_start3A_20 = arith.constant 0 : i32
    %dma_start3A_21 = arith.constant 0 : i32
    %dma_start3A_22 = tpu.memref_slice %arg3[%dma_start3A_20, %dma_start3A_21] : memref<1000000x64xf32, #tpu.memory_space<hbm>> -> memref<1000000x64xf32, #tpu.memory_space<hbm>>
    tpu.enqueue_indirect_dma source(%dma_start3A_22 : memref<1000000x64xf32, #tpu.memory_space<hbm>>) target(%arg8 : memref<128x64xf32, #tpu.memory_space<vmem>>) offsets(%dma_start3A_19 : memref<128xi32, #tpu.memory_space<vmem>>) semaphore(%arg16 : memref<!tpu.dma_semaphore, #tpu.memory_space<semaphore_mem>>)
    %scan3A = arith.constant 0 : i32
    %scan3A_23 = arith.constant 0 : i32
    %scan3A_24 = arith.constant 50 : i32
    %scan3A_25 = arith.addi %scan3A_23, %scan3A_24 : i32
    %scan3A_26 = arith.constant 1 : i32
    scf.for %scan3A_635 = %scan3A_23 to %scan3A_25 step %scan3A_26  : i32 {
      %mul3A_636 = arith.constant 4 : i32
      %mul3A_637 = arith.muli %scan3A_635, %mul3A_636 : i32
      %add3A_638 = arith.constant 0 : i32
      %add3A_639 = arith.addi %mul3A_637, %add3A_638 : i32
      %lt3A = arith.constant 200 : i32
      %lt3A_640 = arith.cmpi slt, %add3A_639, %lt3A : i32
      %convert_element_type3A = arith.extui %lt3A_640 : i1 to i32
      %cond3A = arith.constant 0 : i32
      %cond3A_641 = arith.cmpi ne, %convert_element_type3A, %cond3A : i32
      scf.if %cond3A_641 {
        %add3A_669 = arith.constant 3 : i32
        %add3A_670 = arith.addi %add3A_639, %add3A_669 : i32
        %lt3A_671 = arith.constant 200 : i32
        %lt3A_672 = arith.cmpi slt, %add3A_670, %lt3A_671 : i32
        %convert_element_type3A_673 = arith.extui %lt3A_672 : i1 to i32
        %cond3A_674 = arith.constant 0 : i32
        %cond3A_675 = arith.cmpi ne, %convert_element_type3A_673, %cond3A_674 : i32
        scf.if %cond3A_675 {
          %add3A_870 = arith.constant 3 : i32
          %add3A_871 = arith.addi %add3A_639, %add3A_870 : i32
          %dma_start3A_872 = arith.constant 0 : i32
          %dma_start3A_873 = tpu.memref_slice %arg5[%add3A_871, %dma_start3A_872] : memref<200x128xi32, #tpu.memory_space<vmem>> -> memref<1x128xi32, #tpu.memory_space<vmem>>
          %dma_start3A_874 = tpu.memref_squeeze %dma_start3A_873 : memref<1x128xi32, #tpu.memory_space<vmem>> -> memref<128xi32, #tpu.memory_space<vmem>>
          %dma_start3A_875 = arith.constant 0 : i32
          %dma_start3A_876 = arith.constant 0 : i32
          %dma_start3A_877 = tpu.memref_slice %arg3[%dma_start3A_875, %dma_start3A_876] : memref<1000000x64xf32, #tpu.memory_space<hbm>> -> memref<1000000x64xf32, #tpu.memory_space<hbm>>
          tpu.enqueue_indirect_dma source(%dma_start3A_877 : memref<1000000x64xf32, #tpu.memory_space<hbm>>) target(%arg9 : memref<128x64xf32, #tpu.memory_space<vmem>>) offsets(%dma_start3A_874 : memref<128xi32, #tpu.memory_space<vmem>>) semaphore(%arg17 : memref<!tpu.dma_semaphore, #tpu.memory_space<semaphore_mem>>)
        } else {
        }
        %dma_wait3A_676 = arith.constant 0 : i32
        %dma_wait3A_677 = arith.constant 0 : i32
        %dma_wait3A_678 = tpu.memref_slice %arg5[%dma_wait3A_676, %dma_wait3A_677] : memref<200x128xi32, #tpu.memory_space<vmem>> -> memref<1x128xi32, #tpu.memory_space<vmem>>
        %dma_wait3A_679 = tpu.memref_squeeze %dma_wait3A_678 : memref<1x128xi32, #tpu.memory_space<vmem>> -> memref<128xi32, #tpu.memory_space<vmem>>
        %dma_wait3A_680 = arith.constant 0 : i32
        %dma_wait3A_681 = arith.constant 0 : i32
        %dma_wait3A_682 = tpu.memref_slice %arg3[%dma_wait3A_680, %dma_wait3A_681] : memref<1000000x64xf32, #tpu.memory_space<hbm>> -> memref<1000000x64xf32, #tpu.memory_space<hbm>>
        tpu.wait_indirect_dma semaphore(%arg14 : memref<!tpu.dma_semaphore, #tpu.memory_space<semaphore_mem>>) src(%dma_wait3A_682 : memref<1000000x64xf32, #tpu.memory_space<hbm>>) dst(%arg6 : memref<128x64xf32, #tpu.memory_space<vmem>>)
        %ge3A = arith.constant 4 : i32
        %ge3A_683 = arith.cmpi sge, %add3A_639, %ge3A : i32
        %convert_element_type3A_684 = arith.extui %ge3A_683 : i1 to i32
        %cond3A_685 = arith.constant 0 : i32
        %cond3A_686 = arith.cmpi ne, %convert_element_type3A_684, %cond3A_685 : i32
        scf.if %cond3A_686 {
          %dma_wait3A_870 = arith.constant 0 : i32
          %dma_wait3A_871 = arith.constant 0 : i32
          %dma_wait3A_872 = arith.constant 0 : i32
          %dma_wait3A_873 = arith.constant 0 : i32
          %dma_wait3A_874 = arith.constant 0 : i32
          %dma_wait3A_875 = tpu.memref_slice %arg10[%dma_wait3A_870, %dma_wait3A_873, %dma_wait3A_874] : memref<8x8x129xf32, #tpu.memory_space<vmem>> -> memref<1x8x128xf32, #tpu.memory_space<vmem>>
          %dma_wait3A_876 = tpu.memref_squeeze %dma_wait3A_875 : memref<1x8x128xf32, #tpu.memory_space<vmem>> -> memref<8x128xf32, #tpu.memory_space<vmem>>
          %dma_wait3A_877 = arith.constant 0 : i32
          %dma_wait3A_878 = arith.constant 0 : i32
          %dma_wait3A_879 = tpu.memref_slice %arg4[%dma_wait3A_871, %dma_wait3A_872, %add3A, %dma_wait3A_877, %dma_wait3A_878] : memref<200x8x32x8x128xf32, #tpu.memory_space<hbm>> -> memref<1x1x1x8x128xf32, #tpu.memory_space<hbm>>
          %dma_wait3A_880 = tpu.memref_squeeze %dma_wait3A_879 : memref<1x1x1x8x128xf32, #tpu.memory_space<hbm>> -> memref<8x128xf32, #tpu.memory_space<hbm>>
          %dma_wait3A_881 = arith.constant 0 : i32
          %dma_wait3A_882 = arith.constant 0 : i32
          %dma_wait3A_883 = tpu.memref_slice %arg4[%dma_wait3A_871, %dma_wait3A_872, %add3A, %dma_wait3A_881, %dma_wait3A_882] : memref<200x8x32x8x128xf32, #tpu.memory_space<hbm>> -> memref<1x1x1x8x128xf32, #tpu.memory_space<hbm>>
          %dma_wait3A_884 = tpu.memref_squeeze %dma_wait3A_883 : memref<1x1x1x8x128xf32, #tpu.memory_space<hbm>> -> memref<8x128xf32, #tpu.memory_space<hbm>>
          %dma_wait3A_885 = arith.constant 0 : i32
          %dma_wait3A_886 = arith.constant 0 : i32
          %dma_wait3A_887 = tpu.memref_slice %arg10[%dma_wait3A_870, %dma_wait3A_885, %dma_wait3A_886] : memref<8x8x129xf32, #tpu.memory_space<vmem>> -> memref<1x8x128xf32, #tpu.memory_space<vmem>>
          %dma_wait3A_888 = tpu.memref_squeeze %dma_wait3A_887 : memref<1x8x128xf32, #tpu.memory_space<vmem>> -> memref<8x128xf32, #tpu.memory_space<vmem>>
          tpu.wait_dma2 semaphore(%arg18 : memref<!tpu.dma_semaphore, #tpu.memory_space<semaphore_mem>>) src(%dma_wait3A_888 : memref<8x128xf32, #tpu.memory_space<vmem>>) dst(%dma_wait3A_884 : memref<8x128xf32, #tpu.memory_space<hbm>>)
          %dma_wait3A_889 = arith.constant 1 : i32
          %dma_wait3A_890 = arith.constant 0 : i32
          %dma_wait3A_891 = arith.constant 1 : i32
          %dma_wait3A_892 = arith.constant 0 : i32
          %dma_wait3A_893 = arith.constant 0 : i32
          %dma_wait3A_894 = tpu.memref_slice %arg10[%dma_wait3A_889, %dma_wait3A_892, %dma_wait3A_893] : memref<8x8x129xf32, #tpu.memory_space<vmem>> -> memref<1x8x128xf32, #tpu.memory_space<vmem>>
          %dma_wait3A_895 = tpu.memref_squeeze %dma_wait3A_894 : memref<1x8x128xf32, #tpu.memory_space<vmem>> -> memref<8x128xf32, #tpu.memory_space<vmem>>
          %dma_wait3A_896 = arith.constant 0 : i32
          %dma_wait3A_897 = arith.constant 0 : i32
          %dma_wait3A_898 = tpu.memref_slice %arg4[%dma_wait3A_890, %dma_wait3A_891, %add3A, %dma_wait3A_896, %dma_wait3A_897] : memref<200x8x32x8x128xf32, #tpu.memory_space<hbm>> -> memref<1x1x1x8x128xf32, #tpu.memory_space<hbm>>
          %dma_wait3A_899 = tpu.memref_squeeze %dma_wait3A_898 : memref<1x1x1x8x128xf32, #tpu.memory_space<hbm>> -> memref<8x128xf32, #tpu.memory_space<hbm>>
          %dma_wait3A_900 = arith.constant 0 : i32
          %dma_wait3A_901 = arith.constant 0 : i32
          %dma_wait3A_902 = tpu.memref_slice %arg4[%dma_wait3A_890, %dma_wait3A_891, %add3A, %dma_wait3A_900, %dma_wait3A_901] : memref<200x8x32x8x128xf32, #tpu.memory_space<hbm>> -> memref<1x1x1x8x128xf32, #tpu.memory_space<hbm>>
          %dma_wait3A_903 = tpu.memref_squeeze %dma_wait3A_902 : memref<1x1x1x8x128xf32, #tpu.memory_space<hbm>> -> memref<8x128xf32, #tpu.memory_space<hbm>>
          %dma_wait3A_904 = arith.constant 0 : i32
          %dma_wait3A_905 = arith.constant 0 : i32
          %dma_wait3A_906 = tpu.memref_slice %arg10[%dma_wait3A_889, %dma_wait3A_904, %dma_wait3A_905] : memref<8x8x129xf32, #tpu.memory_space<vmem>> -> memref<1x8x128xf32, #tpu.memory_space<vmem>>
          %dma_wait3A_907 = tpu.memref_squeeze %dma_wait3A_906 : memref<1x8x128xf32, #tpu.memory_space<vmem>> -> memref<8x128xf32, #tpu.memory_space<vmem>>
          tpu.wait_dma2 semaphore(%arg18 : memref<!tpu.dma_semaphore, #tpu.memory_space<semaphore_mem>>) src(%dma_wait3A_907 : memref<8x128xf32, #tpu.memory_space<vmem>>) dst(%dma_wait3A_903 : memref<8x128xf32, #tpu.memory_space<hbm>>)
          %dma_wait3A_908 = arith.constant 2 : i32
          %dma_wait3A_909 = arith.constant 0 : i32
          %dma_wait3A_910 = arith.constant 2 : i32
          %dma_wait3A_911 = arith.constant 0 : i32
          %dma_wait3A_912 = arith.constant 0 : i32
          %dma_wait3A_913 = tpu.memref_slice %arg10[%dma_wait3A_908, %dma_wait3A_911, %dma_wait3A_912] : memref<8x8x129xf32, #tpu.memory_space<vmem>> -> memref<1x8x128xf32, #tpu.memory_space<vmem>>
          %dma_wait3A_914 = tpu.memref_squeeze %dma_wait3A_913 : memref<1x8x128xf32, #tpu.memory_space<vmem>> -> memref<8x128xf32, #tpu.memory_space<vmem>>
          %dma_wait3A_915 = arith.constant 0 : i32
          %dma_wait3A_916 = arith.constant 0 : i32
          %dma_wait3A_917 = tpu.memref_slice %arg4[%dma_wait3A_909, %dma_wait3A_910, %add3A, %dma_wait3A_915, %dma_wait3A_916] : memref<200x8x32x8x128xf32, #tpu.memory_space<hbm>> -> memref<1x1x1x8x128xf32, #tpu.memory_space<hbm>>
          %dma_wait3A_918 = tpu.memref_squeeze %dma_wait3A_917 : memref<1x1x1x8x128xf32, #tpu.memory_space<hbm>> -> memref<8x128xf32, #tpu.memory_space<hbm>>
          %dma_wait3A_919 = arith.constant 0 : i32
          %dma_wait3A_920 = arith.constant 0 : i32
          %dma_wait3A_921 = tpu.memref_slice %arg4[%dma_wait3A_909, %dma_wait3A_910, %add3A, %dma_wait3A_919, %dma_wait3A_920] : memref<200x8x32x8x128xf32, #tpu.memory_space<hbm>> -> memref<1x1x1x8x128xf32, #tpu.memory_space<hbm>>
          %dma_wait3A_922 = tpu.memref_squeeze %dma_wait3A_921 : memref<1x1x1x8x128xf32, #tpu.memory_space<hbm>> -> memref<8x128xf32, #tpu.memory_space<hbm>>
          %dma_wait3A_923 = arith.constant 0 : i32
          %dma_wait3A_924 = arith.constant 0 : i32
          %dma_wait3A_925 = tpu.memref_slice %arg10[%dma_wait3A_908, %dma_wait3A_923, %dma_wait3A_924] : memref<8x8x129xf32, #tpu.memory_space<vmem>> -> memref<1x8x128xf32, #tpu.memory_space<vmem>>
          %dma_wait3A_926 = tpu.memref_squeeze %dma_wait3A_925 : memref<1x8x128xf32, #tpu.memory_space<vmem>> -> memref<8x128xf32, #tpu.memory_space<vmem>>
          tpu.wait_dma2 semaphore(%arg18 : memref<!tpu.dma_semaphore, #tpu.memory_space<semaphore_mem>>) src(%dma_wait3A_926 : memref<8x128xf32, #tpu.memory_space<vmem>>) dst(%dma_wait3A_922 : memref<8x128xf32, #tpu.memory_space<hbm>>)
          %dma_wait3A_927 = arith.constant 3 : i32
          %dma_wait3A_928 = arith.constant 0 : i32
          %dma_wait3A_929 = arith.constant 3 : i32
          %dma_wait3A_930 = arith.constant 0 : i32
          %dma_wait3A_931 = arith.constant 0 : i32
          %dma_wait3A_932 = tpu.memref_slice %arg10[%dma_wait3A_927, %dma_wait3A_930, %dma_wait3A_931] : memref<8x8x129xf32, #tpu.memory_space<vmem>> -> memref<1x8x128xf32, #tpu.memory_space<vmem>>
          %dma_wait3A_933 = tpu.memref_squeeze %dma_wait3A_932 : memref<1x8x128xf32, #tpu.memory_space<vmem>> -> memref<8x128xf32, #tpu.memory_space<vmem>>
          %dma_wait3A_934 = arith.constant 0 : i32
          %dma_wait3A_935 = arith.constant 0 : i32
          %dma_wait3A_936 = tpu.memref_slice %arg4[%dma_wait3A_928, %dma_wait3A_929, %add3A, %dma_wait3A_934, %dma_wait3A_935] : memref<200x8x32x8x128xf32, #tpu.memory_space<hbm>> -> memref<1x1x1x8x128xf32, #tpu.memory_space<hbm>>
          %dma_wait3A_937 = tpu.memref_squeeze %dma_wait3A_936 : memref<1x1x1x8x128xf32, #tpu.memory_space<hbm>> -> memref<8x128xf32, #tpu.memory_space<hbm>>
          %dma_wait3A_938 = arith.constant 0 : i32
          %dma_wait3A_939 = arith.constant 0 : i32
          %dma_wait3A_940 = tpu.memref_slice %arg4[%dma_wait3A_928, %dma_wait3A_929, %add3A, %dma_wait3A_938, %dma_wait3A_939] : memref<200x8x32x8x128xf32, #tpu.memory_space<hbm>> -> memref<1x1x1x8x128xf32, #tpu.memory_space<hbm>>
          %dma_wait3A_941 = tpu.memref_squeeze %dma_wait3A_940 : memref<1x1x1x8x128xf32, #tpu.memory_space<hbm>> -> memref<8x128xf32, #tpu.memory_space<hbm>>
          %dma_wait3A_942 = arith.constant 0 : i32
          %dma_wait3A_943 = arith.constant 0 : i32
          %dma_wait3A_944 = tpu.memref_slice %arg10[%dma_wait3A_927, %dma_wait3A_942, %dma_wait3A_943] : memref<8x8x129xf32, #tpu.memory_space<vmem>> -> memref<1x8x128xf32, #tpu.memory_space<vmem>>
          %dma_wait3A_945 = tpu.memref_squeeze %dma_wait3A_944 : memref<1x8x128xf32, #tpu.memory_space<vmem>> -> memref<8x128xf32, #tpu.memory_space<vmem>>
          tpu.wait_dma2 semaphore(%arg18 : memref<!tpu.dma_semaphore, #tpu.memory_space<semaphore_mem>>) src(%dma_wait3A_945 : memref<8x128xf32, #tpu.memory_space<vmem>>) dst(%dma_wait3A_941 : memref<8x128xf32, #tpu.memory_space<hbm>>)
          %dma_wait3A_946 = arith.constant 4 : i32
          %dma_wait3A_947 = arith.constant 0 : i32
          %dma_wait3A_948 = arith.constant 4 : i32
          %dma_wait3A_949 = arith.constant 0 : i32
          %dma_wait3A_950 = arith.constant 0 : i32
          %dma_wait3A_951 = tpu.memref_slice %arg10[%dma_wait3A_946, %dma_wait3A_949, %dma_wait3A_950] : memref<8x8x129xf32, #tpu.memory_space<vmem>> -> memref<1x8x128xf32, #tpu.memory_space<vmem>>
          %dma_wait3A_952 = tpu.memref_squeeze %dma_wait3A_951 : memref<1x8x128xf32, #tpu.memory_space<vmem>> -> memref<8x128xf32, #tpu.memory_space<vmem>>
          %dma_wait3A_953 = arith.constant 0 : i32
          %dma_wait3A_954 = arith.constant 0 : i32
          %dma_wait3A_955 = tpu.memref_slice %arg4[%dma_wait3A_947, %dma_wait3A_948, %add3A, %dma_wait3A_953, %dma_wait3A_954] : memref<200x8x32x8x128xf32, #tpu.memory_space<hbm>> -> memref<1x1x1x8x128xf32, #tpu.memory_space<hbm>>
          %dma_wait3A_956 = tpu.memref_squeeze %dma_wait3A_955 : memref<1x1x1x8x128xf32, #tpu.memory_space<hbm>> -> memref<8x128xf32, #tpu.memory_space<hbm>>
          %dma_wait3A_957 = arith.constant 0 : i32
          %dma_wait3A_958 = arith.constant 0 : i32
          %dma_wait3A_959 = tpu.memref_slice %arg4[%dma_wait3A_947, %dma_wait3A_948, %add3A, %dma_wait3A_957, %dma_wait3A_958] : memref<200x8x32x8x128xf32, #tpu.memory_space<hbm>> -> memref<1x1x1x8x128xf32, #tpu.memory_space<hbm>>
          %dma_wait3A_960 = tpu.memref_squeeze %dma_wait3A_959 : memref<1x1x1x8x128xf32, #tpu.memory_space<hbm>> -> memref<8x128xf32, #tpu.memory_space<hbm>>
          %dma_wait3A_961 = arith.constant 0 : i32
          %dma_wait3A_962 = arith.constant 0 : i32
          %dma_wait3A_963 = tpu.memref_slice %arg10[%dma_wait3A_946, %dma_wait3A_961, %dma_wait3A_962] : memref<8x8x129xf32, #tpu.memory_space<vmem>> -> memref<1x8x128xf32, #tpu.memory_space<vmem>>
          %dma_wait3A_964 = tpu.memref_squeeze %dma_wait3A_963 : memref<1x8x128xf32, #tpu.memory_space<vmem>> -> memref<8x128xf32, #tpu.memory_space<vmem>>
          tpu.wait_dma2 semaphore(%arg18 : memref<!tpu.dma_semaphore, #tpu.memory_space<semaphore_mem>>) src(%dma_wait3A_964 : memref<8x128xf32, #tpu.memory_space<vmem>>) dst(%dma_wait3A_960 : memref<8x128xf32, #tpu.memory_space<hbm>>)
          %dma_wait3A_965 = arith.constant 5 : i32
          %dma_wait3A_966 = arith.constant 0 : i32
          %dma_wait3A_967 = arith.constant 5 : i32
          %dma_wait3A_968 = arith.constant 0 : i32
          %dma_wait3A_969 = arith.constant 0 : i32
          %dma_wait3A_970 = tpu.memref_slice %arg10[%dma_wait3A_965, %dma_wait3A_968, %dma_wait3A_969] : memref<8x8x129xf32, #tpu.memory_space<vmem>> -> memref<1x8x128xf32, #tpu.memory_space<vmem>>
          %dma_wait3A_971 = tpu.memref_squeeze %dma_wait3A_970 : memref<1x8x128xf32, #tpu.memory_space<vmem>> -> memref<8x128xf32, #tpu.memory_space<vmem>>
          %dma_wait3A_972 = arith.constant 0 : i32
          %dma_wait3A_973 = arith.constant 0 : i32
          %dma_wait3A_974 = tpu.memref_slice %arg4[%dma_wait3A_966, %dma_wait3A_967, %add3A, %dma_wait3A_972, %dma_wait3A_973] : memref<200x8x32x8x128xf32, #tpu.memory_space<hbm>> -> memref<1x1x1x8x128xf32, #tpu.memory_space<hbm>>
          %dma_wait3A_975 = tpu.memref_squeeze %dma_wait3A_974 : memref<1x1x1x8x128xf32, #tpu.memory_space<hbm>> -> memref<8x128xf32, #tpu.memory_space<hbm>>
          %dma_wait3A_976 = arith.constant 0 : i32
          %dma_wait3A_977 = arith.constant 0 : i32
          %dma_wait3A_978 = tpu.memref_slice %arg4[%dma_wait3A_966, %dma_wait3A_967, %add3A, %dma_wait3A_976, %dma_wait3A_977] : memref<200x8x32x8x128xf32, #tpu.memory_space<hbm>> -> memref<1x1x1x8x128xf32, #tpu.memory_space<hbm>>
          %dma_wait3A_979 = tpu.memref_squeeze %dma_wait3A_978 : memref<1x1x1x8x128xf32, #tpu.memory_space<hbm>> -> memref<8x128xf32, #tpu.memory_space<hbm>>
          %dma_wait3A_980 = arith.constant 0 : i32
          %dma_wait3A_981 = arith.constant 0 : i32
          %dma_wait3A_982 = tpu.memref_slice %arg10[%dma_wait3A_965, %dma_wait3A_980, %dma_wait3A_981] : memref<8x8x129xf32, #tpu.memory_space<vmem>> -> memref<1x8x128xf32, #tpu.memory_space<vmem>>
          %dma_wait3A_983 = tpu.memref_squeeze %dma_wait3A_982 : memref<1x8x128xf32, #tpu.memory_space<vmem>> -> memref<8x128xf32, #tpu.memory_space<vmem>>
          tpu.wait_dma2 semaphore(%arg18 : memref<!tpu.dma_semaphore, #tpu.memory_space<semaphore_mem>>) src(%dma_wait3A_983 : memref<8x128xf32, #tpu.memory_space<vmem>>) dst(%dma_wait3A_979 : memref<8x128xf32, #tpu.memory_space<hbm>>)
          %dma_wait3A_984 = arith.constant 6 : i32
          %dma_wait3A_985 = arith.constant 0 : i32
          %dma_wait3A_986 = arith.constant 6 : i32
          %dma_wait3A_987 = arith.constant 0 : i32
          %dma_wait3A_988 = arith.constant 0 : i32
          %dma_wait3A_989 = tpu.memref_slice %arg10[%dma_wait3A_984, %dma_wait3A_987, %dma_wait3A_988] : memref<8x8x129xf32, #tpu.memory_space<vmem>> -> memref<1x8x128xf32, #tpu.memory_space<vmem>>
          %dma_wait3A_990 = tpu.memref_squeeze %dma_wait3A_989 : memref<1x8x128xf32, #tpu.memory_space<vmem>> -> memref<8x128xf32, #tpu.memory_space<vmem>>
          %dma_wait3A_991 = arith.constant 0 : i32
          %dma_wait3A_992 = arith.constant 0 : i32
          %dma_wait3A_993 = tpu.memref_slice %arg4[%dma_wait3A_985, %dma_wait3A_986, %add3A, %dma_wait3A_991, %dma_wait3A_992] : memref<200x8x32x8x128xf32, #tpu.memory_space<hbm>> -> memref<1x1x1x8x128xf32, #tpu.memory_space<hbm>>
          %dma_wait3A_994 = tpu.memref_squeeze %dma_wait3A_993 : memref<1x1x1x8x128xf32, #tpu.memory_space<hbm>> -> memref<8x128xf32, #tpu.memory_space<hbm>>
          %dma_wait3A_995 = arith.constant 0 : i32
          %dma_wait3A_996 = arith.constant 0 : i32
          %dma_wait3A_997 = tpu.memref_slice %arg4[%dma_wait3A_985, %dma_wait3A_986, %add3A, %dma_wait3A_995, %dma_wait3A_996] : memref<200x8x32x8x128xf32, #tpu.memory_space<hbm>> -> memref<1x1x1x8x128xf32, #tpu.memory_space<hbm>>
          %dma_wait3A_998 = tpu.memref_squeeze %dma_wait3A_997 : memref<1x1x1x8x128xf32, #tpu.memory_space<hbm>> -> memref<8x128xf32, #tpu.memory_space<hbm>>
          %dma_wait3A_999 = arith.constant 0 : i32
          %dma_wait3A_1000 = arith.constant 0 : i32
          %dma_wait3A_1001 = tpu.memref_slice %arg10[%dma_wait3A_984, %dma_wait3A_999, %dma_wait3A_1000] : memref<8x8x129xf32, #tpu.memory_space<vmem>> -> memref<1x8x128xf32, #tpu.memory_space<vmem>>
          %dma_wait3A_1002 = tpu.memref_squeeze %dma_wait3A_1001 : memref<1x8x128xf32, #tpu.memory_space<vmem>> -> memref<8x128xf32, #tpu.memory_space<vmem>>
          tpu.wait_dma2 semaphore(%arg18 : memref<!tpu.dma_semaphore, #tpu.memory_space<semaphore_mem>>) src(%dma_wait3A_1002 : memref<8x128xf32, #tpu.memory_space<vmem>>) dst(%dma_wait3A_998 : memref<8x128xf32, #tpu.memory_space<hbm>>)
          %dma_wait3A_1003 = arith.constant 7 : i32
          %dma_wait3A_1004 = arith.constant 0 : i32
          %dma_wait3A_1005 = arith.constant 7 : i32
          %dma_wait3A_1006 = arith.constant 0 : i32
          %dma_wait3A_1007 = arith.constant 0 : i32
          %dma_wait3A_1008 = tpu.memref_slice %arg10[%dma_wait3A_1003, %dma_wait3A_1006, %dma_wait3A_1007] : memref<8x8x129xf32, #tpu.memory_space<vmem>> -> memref<1x8x128xf32, #tpu.memory_space<vmem>>
          %dma_wait3A_1009 = tpu.memref_squeeze %dma_wait3A_1008 : memref<1x8x128xf32, #tpu.memory_space<vmem>> -> memref<8x128xf32, #tpu.memory_space<vmem>>
          %dma_wait3A_1010 = arith.constant 0 : i32
          %dma_wait3A_1011 = arith.constant 0 : i32
          %dma_wait3A_1012 = tpu.memref_slice %arg4[%dma_wait3A_1004, %dma_wait3A_1005, %add3A, %dma_wait3A_1010, %dma_wait3A_1011] : memref<200x8x32x8x128xf32, #tpu.memory_space<hbm>> -> memref<1x1x1x8x128xf32, #tpu.memory_space<hbm>>
          %dma_wait3A_1013 = tpu.memref_squeeze %dma_wait3A_1012 : memref<1x1x1x8x128xf32, #tpu.memory_space<hbm>> -> memref<8x128xf32, #tpu.memory_space<hbm>>
          %dma_wait3A_1014 = arith.constant 0 : i32
          %dma_wait3A_1015 = arith.constant 0 : i32
          %dma_wait3A_1016 = tpu.memref_slice %arg4[%dma_wait3A_1004, %dma_wait3A_1005, %add3A, %dma_wait3A_1014, %dma_wait3A_1015] : memref<200x8x32x8x128xf32, #tpu.memory_space<hbm>> -> memref<1x1x1x8x128xf32, #tpu.memory_space<hbm>>
          %dma_wait3A_1017 = tpu.memref_squeeze %dma_wait3A_1016 : memref<1x1x1x8x128xf32, #tpu.memory_space<hbm>> -> memref<8x128xf32, #tpu.memory_space<hbm>>
          %dma_wait3A_1018 = arith.constant 0 : i32
          %dma_wait3A_1019 = arith.constant 0 : i32
          %dma_wait3A_1020 = tpu.memref_slice %arg10[%dma_wait3A_1003, %dma_wait3A_1018, %dma_wait3A_1019] : memref<8x8x129xf32, #tpu.memory_space<vmem>> -> memref<1x8x128xf32, #tpu.memory_space<vmem>>
          %dma_wait3A_1021 = tpu.memref_squeeze %dma_wait3A_1020 : memref<1x8x128xf32, #tpu.memory_space<vmem>> -> memref<8x128xf32, #tpu.memory_space<vmem>>
          tpu.wait_dma2 semaphore(%arg18 : memref<!tpu.dma_semaphore, #tpu.memory_space<semaphore_mem>>) src(%dma_wait3A_1021 : memref<8x128xf32, #tpu.memory_space<vmem>>) dst(%dma_wait3A_1017 : memref<8x128xf32, #tpu.memory_space<hbm>>)
        } else {
        }
        %iota3A = tpu.iota {dimensions = array<i32: 0>} : vector<16xi32>
        %add3A_687 = arith.constant 0 : i32
        %add3A_688 = vector.broadcast %add3A_687 : i32 to vector<16xi32>
        %add3A_689 = arith.addi %add3A_688, %iota3A : vector<16xi32>
        %iota3A_690 = tpu.iota {dimensions = array<i32: 0>} : vector<16xi32>
        %add3A_691 = arith.constant 16 : i32
        %add3A_692 = vector.broadcast %add3A_691 : i32 to vector<16xi32>
        %add3A_693 = arith.addi %add3A_692, %iota3A_690 : vector<16xi32>
        %iota3A_694 = tpu.iota {dimensions = array<i32: 0>} : vector<16xi32>
        %add3A_695 = arith.constant 32 : i32
        %add3A_696 = vector.broadcast %add3A_695 : i32 to vector<16xi32>
        %add3A_697 = arith.addi %add3A_696, %iota3A_694 : vector<16xi32>
        %iota3A_698 = tpu.iota {dimensions = array<i32: 0>} : vector<16xi32>
        %add3A_699 = arith.constant 48 : i32
        %add3A_700 = vector.broadcast %add3A_699 : i32 to vector<16xi32>
        %add3A_701 = arith.addi %add3A_700, %iota3A_698 : vector<16xi32>
        %shift_right_arithmetic3A = arith.constant 3 : i32
        %shift_right_arithmetic3A_702 = vector.broadcast %shift_right_arithmetic3A : i32 to vector<16xi32>
        %shift_right_arithmetic3A_703 = arith.shrsi %add3A_689, %shift_right_arithmetic3A_702 : vector<16xi32>
        %shift_right_arithmetic3A_704 = arith.constant 3 : i32
        %shift_right_arithmetic3A_705 = vector.broadcast %shift_right_arithmetic3A_704 : i32 to vector<16xi32>
        %shift_right_arithmetic3A_706 = arith.shrsi %add3A_693, %shift_right_arithmetic3A_705 : vector<16xi32>
        %shift_right_arithmetic3A_707 = arith.constant 3 : i32
        %shift_right_arithmetic3A_708 = vector.broadcast %shift_right_arithmetic3A_707 : i32 to vector<16xi32>
        %shift_right_arithmetic3A_709 = arith.shrsi %add3A_697, %shift_right_arithmetic3A_708 : vector<16xi32>
        %shift_right_arithmetic3A_710 = arith.constant 3 : i32
        %shift_right_arithmetic3A_711 = vector.broadcast %shift_right_arithmetic3A_710 : i32 to vector<16xi32>
        %shift_right_arithmetic3A_712 = arith.shrsi %add3A_701, %shift_right_arithmetic3A_711 : vector<16xi32>
        %and3A = arith.constant 7 : i32
        %and3A_713 = vector.broadcast %and3A : i32 to vector<16xi32>
        %and3A_714 = arith.andi %add3A_689, %and3A_713 : vector<16xi32>
        %and3A_715 = arith.constant 7 : i32
        %and3A_716 = vector.broadcast %and3A_715 : i32 to vector<16xi32>
        %and3A_717 = arith.andi %add3A_693, %and3A_716 : vector<16xi32>
        %and3A_718 = arith.constant 7 : i32
        %and3A_719 = vector.broadcast %and3A_718 : i32 to vector<16xi32>
        %and3A_720 = arith.andi %add3A_697, %and3A_719 : vector<16xi32>
        %and3A_721 = arith.constant 7 : i32
        %and3A_722 = vector.broadcast %and3A_721 : i32 to vector<16xi32>
        %and3A_723 = arith.andi %add3A_701, %and3A_722 : vector<16xi32>
        %parallel_loop3A = arith.constant 0 : i32
        %parallel_loop3A_724 = arith.constant 128 : i32
        %parallel_loop3A_725 = arith.constant 1 : i32
        scf.for %parallel_loop3A_870 = %parallel_loop3A to %parallel_loop3A_724 step %parallel_loop3A_725  : i32 {
          %parallel_loop3A_871 = vector.broadcast %parallel_loop3A_870 : i32 to vector<16xi32>
          %parallel_loop3A_872 = arith.index_cast %parallel_loop3A_870 : i32 to index
          %parallel_loop3A_873 = arith.constant 0 : index
          %parallel_loop3A_874 = tpu.vector_load %arg6[%parallel_loop3A_872, %parallel_loop3A_873] {strides = array<i32>} : memref<128x64xf32, #tpu.memory_space<vmem>>, vector<16xf32>,
          %parallel_loop3A_875 = arith.constant 8.000000e+00 : f32
          %parallel_loop3A_876 = vector.broadcast %parallel_loop3A_875 : f32 to vector<16xf32>
          %parallel_loop3A_877 = arith.mulf %parallel_loop3A_874, %parallel_loop3A_876 : vector<16xf32>
          tpu.vector_store_idx %arg10[%shift_right_arithmetic3A_703, %and3A_714, %parallel_loop3A_871], %parallel_loop3A_877 : memref<8x8x129xf32, #tpu.memory_space<vmem>>[vector<16xi32>, vector<16xi32>, vector<16xi32>], vector<16xf32>,
          %parallel_loop3A_878 = arith.index_cast %parallel_loop3A_870 : i32 to index
          %parallel_loop3A_879 = arith.constant 16 : index
          %parallel_loop3A_880 = tpu.vector_load %arg6[%parallel_loop3A_878, %parallel_loop3A_879] {strides = array<i32>} : memref<128x64xf32, #tpu.memory_space<vmem>>, vector<16xf32>,
          %parallel_loop3A_881 = arith.constant 8.000000e+00 : f32
          %parallel_loop3A_882 = vector.broadcast %parallel_loop3A_881 : f32 to vector<16xf32>
          %parallel_loop3A_883 = arith.mulf %parallel_loop3A_880, %parallel_loop3A_882 : vector<16xf32>
          tpu.vector_store_idx %arg10[%shift_right_arithmetic3A_706, %and3A_717, %parallel_loop3A_871], %parallel_loop3A_883 : memref<8x8x129xf32, #tpu.memory_space<vmem>>[vector<16xi32>, vector<16xi32>, vector<16xi32>], vector<16xf32>,
          %parallel_loop3A_884 = arith.index_cast %parallel_loop3A_870 : i32 to index
          %parallel_loop3A_885 = arith.constant 32 : index
          %parallel_loop3A_886 = tpu.vector_load %arg6[%parallel_loop3A_884, %parallel_loop3A_885] {strides = array<i32>} : memref<128x64xf32, #tpu.memory_space<vmem>>, vector<16xf32>,
          %parallel_loop3A_887 = arith.constant 8.000000e+00 : f32
          %parallel_loop3A_888 = vector.broadcast %parallel_loop3A_887 : f32 to vector<16xf32>
          %parallel_loop3A_889 = arith.mulf %parallel_loop3A_886, %parallel_loop3A_888 : vector<16xf32>
          tpu.vector_store_idx %arg10[%shift_right_arithmetic3A_709, %and3A_720, %parallel_loop3A_871], %parallel_loop3A_889 : memref<8x8x129xf32, #tpu.memory_space<vmem>>[vector<16xi32>, vector<16xi32>, vector<16xi32>], vector<16xf32>,
          %parallel_loop3A_890 = arith.index_cast %parallel_loop3A_870 : i32 to index
          %parallel_loop3A_891 = arith.constant 48 : index
          %parallel_loop3A_892 = tpu.vector_load %arg6[%parallel_loop3A_890, %parallel_loop3A_891] {strides = array<i32>} : memref<128x64xf32, #tpu.memory_space<vmem>>, vector<16xf32>,
          %parallel_loop3A_893 = arith.constant 8.000000e+00 : f32
          %parallel_loop3A_894 = vector.broadcast %parallel_loop3A_893 : f32 to vector<16xf32>
          %parallel_loop3A_895 = arith.mulf %parallel_loop3A_892, %parallel_loop3A_894 : vector<16xf32>
          tpu.vector_store_idx %arg10[%shift_right_arithmetic3A_712, %and3A_723, %parallel_loop3A_871], %parallel_loop3A_895 : memref<8x8x129xf32, #tpu.memory_space<vmem>>[vector<16xi32>, vector<16xi32>, vector<16xi32>], vector<16xf32>,
        } {sc.loop_unroll_factor = 8 : i64, sc.parallel_access}
        %dma_start3A_726 = arith.constant 0 : i32
        %dma_start3A_727 = arith.constant 0 : i32
        %dma_start3A_728 = arith.constant 0 : i32
        %dma_start3A_729 = arith.constant 0 : i32
        %dma_start3A_730 = tpu.memref_slice %arg10[%dma_start3A_726, %dma_start3A_728, %dma_start3A_729] : memref<8x8x129xf32, #tpu.memory_space<vmem>> -> memref<1x8x128xf32, #tpu.memory_space<vmem>>
        %dma_start3A_731 = tpu.memref_squeeze %dma_start3A_730 : memref<1x8x128xf32, #tpu.memory_space<vmem>> -> memref<8x128xf32, #tpu.memory_space<vmem>>
        %dma_start3A_732 = arith.constant 0 : i32
        %dma_start3A_733 = arith.constant 0 : i32
        %dma_start3A_734 = tpu.memref_slice %arg4[%add3A_639, %dma_start3A_727, %add3A, %dma_start3A_732, %dma_start3A_733] : memref<200x8x32x8x128xf32, #tpu.memory_space<hbm>> -> memref<1x1x1x8x128xf32, #tpu.memory_space<hbm>>
        %dma_start3A_735 = tpu.memref_squeeze %dma_start3A_734 : memref<1x1x1x8x128xf32, #tpu.memory_space<hbm>> -> memref<8x128xf32, #tpu.memory_space<hbm>>
        %dma_start3A_736 = arith.constant 0 : i32
        %dma_start3A_737 = arith.constant 0 : i32
        %dma_start3A_738 = tpu.memref_slice %arg4[%add3A_639, %dma_start3A_727, %add3A, %dma_start3A_736, %dma_start3A_737] : memref<200x8x32x8x128xf32, #tpu.memory_space<hbm>> -> memref<1x1x1x8x128xf32, #tpu.memory_space<hbm>>
        %dma_start3A_739 = tpu.memref_squeeze %dma_start3A_738 : memref<1x1x1x8x128xf32, #tpu.memory_space<hbm>> -> memref<8x128xf32, #tpu.memory_space<hbm>>
        %dma_start3A_740 = arith.constant 0 : i32
        %dma_start3A_741 = arith.constant 0 : i32
        %dma_start3A_742 = tpu.memref_slice %arg10[%dma_start3A_726, %dma_start3A_740, %dma_start3A_741] : memref<8x8x129xf32, #tpu.memory_space<vmem>> -> memref<1x8x128xf32, #tpu.memory_space<vmem>>
        %dma_start3A_743 = tpu.memref_squeeze %dma_start3A_742 : memref<1x8x128xf32, #tpu.memory_space<vmem>> -> memref<8x128xf32, #tpu.memory_space<vmem>>
        tpu.enqueue_dma source(%dma_start3A_743 : memref<8x128xf32, #tpu.memory_space<vmem>>) target(%dma_start3A_739 : memref<8x128xf32, #tpu.memory_space<hbm>>) target_semaphore(%arg18 : memref<!tpu.dma_semaphore, #tpu.memory_space<semaphore_mem>>)
        %dma_start3A_744 = arith.constant 1 : i32
        %dma_start3A_745 = arith.constant 1 : i32
        %dma_start3A_746 = arith.constant 0 : i32
        %dma_start3A_747 = arith.constant 0 : i32
        %dma_start3A_748 = tpu.memref_slice %arg10[%dma_start3A_744, %dma_start3A_746, %dma_start3A_747] : memref<8x8x129xf32, #tpu.memory_space<vmem>> -> memref<1x8x128xf32, #tpu.memory_space<vmem>>
        %dma_start3A_749 = tpu.memref_squeeze %dma_start3A_748 : memref<1x8x128xf32, #tpu.memory_space<vmem>> -> memref<8x128xf32, #tpu.memory_space<vmem>>
        %dma_start3A_750 = arith.constant 0 : i32
        %dma_start3A_751 = arith.constant 0 : i32
        %dma_start3A_752 = tpu.memref_slice %arg4[%add3A_639, %dma_start3A_745, %add3A, %dma_start3A_750, %dma_start3A_751] : memref<200x8x32x8x128xf32, #tpu.memory_space<hbm>> -> memref<1x1x1x8x128xf32, #tpu.memory_space<hbm>>
        %dma_start3A_753 = tpu.memref_squeeze %dma_start3A_752 : memref<1x1x1x8x128xf32, #tpu.memory_space<hbm>> -> memref<8x128xf32, #tpu.memory_space<hbm>>
        %dma_start3A_754 = arith.constant 0 : i32
        %dma_start3A_755 = arith.constant 0 : i32
        %dma_start3A_756 = tpu.memref_slice %arg4[%add3A_639, %dma_start3A_745, %add3A, %dma_start3A_754, %dma_start3A_755] : memref<200x8x32x8x128xf32, #tpu.memory_space<hbm>> -> memref<1x1x1x8x128xf32, #tpu.memory_space<hbm>>
        %dma_start3A_757 = tpu.memref_squeeze %dma_start3A_756 : memref<1x1x1x8x128xf32, #tpu.memory_space<hbm>> -> memref<8x128xf32, #tpu.memory_space<hbm>>
        %dma_start3A_758 = arith.constant 0 : i32
        %dma_start3A_759 = arith.constant 0 : i32
        %dma_start3A_760 = tpu.memref_slice %arg10[%dma_start3A_744, %dma_start3A_758, %dma_start3A_759] : memref<8x8x129xf32, #tpu.memory_space<vmem>> -> memref<1x8x128xf32, #tpu.memory_space<vmem>>
        %dma_start3A_761 = tpu.memref_squeeze %dma_start3A_760 : memref<1x8x128xf32, #tpu.memory_space<vmem>> -> memref<8x128xf32, #tpu.memory_space<vmem>>
        tpu.enqueue_dma source(%dma_start3A_761 : memref<8x128xf32, #tpu.memory_space<vmem>>) target(%dma_start3A_757 : memref<8x128xf32, #tpu.memory_space<hbm>>) target_semaphore(%arg18 : memref<!tpu.dma_semaphore, #tpu.memory_space<semaphore_mem>>)
        %dma_start3A_762 = arith.constant 2 : i32
        %dma_start3A_763 = arith.constant 2 : i32
        %dma_start3A_764 = arith.constant 0 : i32
        %dma_start3A_765 = arith.constant 0 : i32
        %dma_start3A_766 = tpu.memref_slice %arg10[%dma_start3A_762, %dma_start3A_764, %dma_start3A_765] : memref<8x8x129xf32, #tpu.memory_space<vmem>> -> memref<1x8x128xf32, #tpu.memory_space<vmem>>
        %dma_start3A_767 = tpu.memref_squeeze %dma_start3A_766 : memref<1x8x128xf32, #tpu.memory_space<vmem>> -> memref<8x128xf32, #tpu.memory_space<vmem>>
        %dma_start3A_768 = arith.constant 0 : i32
        %dma_start3A_769 = arith.constant 0 : i32
        %dma_start3A_770 = tpu.memref_slice %arg4[%add3A_639, %dma_start3A_763, %add3A, %dma_start3A_768, %dma_start3A_769] : memref<200x8x32x8x128xf32, #tpu.memory_space<hbm>> -> memref<1x1x1x8x128xf32, #tpu.memory_space<hbm>>
        %dma_start3A_771 = tpu.memref_squeeze %dma_start3A_770 : memref<1x1x1x8x128xf32, #tpu.memory_space<hbm>> -> memref<8x128xf32, #tpu.memory_space<hbm>>
        %dma_start3A_772 = arith.constant 0 : i32
        %dma_start3A_773 = arith.constant 0 : i32
        %dma_start3A_774 = tpu.memref_slice %arg4[%add3A_639, %dma_start3A_763, %add3A, %dma_start3A_772, %dma_start3A_773] : memref<200x8x32x8x128xf32, #tpu.memory_space<hbm>> -> memref<1x1x1x8x128xf32, #tpu.memory_space<hbm>>
        %dma_start3A_775 = tpu.memref_squeeze %dma_start3A_774 : memref<1x1x1x8x128xf32, #tpu.memory_space<hbm>> -> memref<8x128xf32, #tpu.memory_space<hbm>>
        %dma_start3A_776 = arith.constant 0 : i32
        %dma_start3A_777 = arith.constant 0 : i32
        %dma_start3A_778 = tpu.memref_slice %arg10[%dma_start3A_762, %dma_start3A_776, %dma_start3A_777] : memref<8x8x129xf32, #tpu.memory_space<vmem>> -> memref<1x8x128xf32, #tpu.memory_space<vmem>>
        %dma_start3A_779 = tpu.memref_squeeze %dma_start3A_778 : memref<1x8x128xf32, #tpu.memory_space<vmem>> -> memref<8x128xf32, #tpu.memory_space<vmem>>
        tpu.enqueue_dma source(%dma_start3A_779 : memref<8x128xf32, #tpu.memory_space<vmem>>) target(%dma_start3A_775 : memref<8x128xf32, #tpu.memory_space<hbm>>) target_semaphore(%arg18 : memref<!tpu.dma_semaphore, #tpu.memory_space<semaphore_mem>>)
        %dma_start3A_780 = arith.constant 3 : i32
        %dma_start3A_781 = arith.constant 3 : i32
        %dma_start3A_782 = arith.constant 0 : i32
        %dma_start3A_783 = arith.constant 0 : i32
        %dma_start3A_784 = tpu.memref_slice %arg10[%dma_start3A_780, %dma_start3A_782, %dma_start3A_783] : memref<8x8x129xf32, #tpu.memory_space<vmem>> -> memref<1x8x128xf32, #tpu.memory_space<vmem>>
        %dma_start3A_785 = tpu.memref_squeeze %dma_start3A_784 : memref<1x8x128xf32, #tpu.memory_space<vmem>> -> memref<8x128xf32, #tpu.memory_space<vmem>>
        %dma_start3A_786 = arith.constant 0 : i32
        %dma_start3A_787 = arith.constant 0 : i32
        %dma_start3A_788 = tpu.memref_slice %arg4[%add3A_639, %dma_start3A_781, %add3A, %dma_start3A_786, %dma_start3A_787] : memref<200x8x32x8x128xf32, #tpu.memory_space<hbm>> -> memref<1x1x1x8x128xf32, #tpu.memory_space<hbm>>
        %dma_start3A_789 = tpu.memref_squeeze %dma_start3A_788 : memref<1x1x1x8x128xf32, #tpu.memory_space<hbm>> -> memref<8x128xf32, #tpu.memory_space<hbm>>
        %dma_start3A_790 = arith.constant 0 : i32
        %dma_start3A_791 = arith.constant 0 : i32
        %dma_start3A_792 = tpu.memref_slice %arg4[%add3A_639, %dma_start3A_781, %add3A, %dma_start3A_790, %dma_start3A_791] : memref<200x8x32x8x128xf32, #tpu.memory_space<hbm>> -> memref<1x1x1x8x128xf32, #tpu.memory_space<hbm>>
        %dma_start3A_793 = tpu.memref_squeeze %dma_start3A_792 : memref<1x1x1x8x128xf32, #tpu.memory_space<hbm>> -> memref<8x128xf32, #tpu.memory_space<hbm>>
        %dma_start3A_794 = arith.constant 0 : i32
        %dma_start3A_795 = arith.constant 0 : i32
        %dma_start3A_796 = tpu.memref_slice %arg10[%dma_start3A_780, %dma_start3A_794, %dma_start3A_795] : memref<8x8x129xf32, #tpu.memory_space<vmem>> -> memref<1x8x128xf32, #tpu.memory_space<vmem>>
        %dma_start3A_797 = tpu.memref_squeeze %dma_start3A_796 : memref<1x8x128xf32, #tpu.memory_space<vmem>> -> memref<8x128xf32, #tpu.memory_space<vmem>>
        tpu.enqueue_dma source(%dma_start3A_797 : memref<8x128xf32, #tpu.memory_space<vmem>>) target(%dma_start3A_793 : memref<8x128xf32, #tpu.memory_space<hbm>>) target_semaphore(%arg18 : memref<!tpu.dma_semaphore, #tpu.memory_space<semaphore_mem>>)
        %dma_start3A_798 = arith.constant 4 : i32
        %dma_start3A_799 = arith.constant 4 : i32
        %dma_start3A_800 = arith.constant 0 : i32
        %dma_start3A_801 = arith.constant 0 : i32
        %dma_start3A_802 = tpu.memref_slice %arg10[%dma_start3A_798, %dma_start3A_800, %dma_start3A_801] : memref<8x8x129xf32, #tpu.memory_space<vmem>> -> memref<1x8x128xf32, #tpu.memory_space<vmem>>
        %dma_start3A_803 = tpu.memref_squeeze %dma_start3A_802 : memref<1x8x128xf32, #tpu.memory_space<vmem>> -> memref<8x128xf32, #tpu.memory_space<vmem>>
        %dma_start3A_804 = arith.constant 0 : i32
        %dma_start3A_805 = arith.constant 0 : i32
        %dma_start3A_806 = tpu.memref_slice %arg4[%add3A_639, %dma_start3A_799, %add3A, %dma_start3A_804, %dma_start3A_805] : memref<200x8x32x8x128xf32, #tpu.memory_space<hbm>> -> memref<1x1x1x8x128xf32, #tpu.memory_space<hbm>>
        %dma_start3A_807 = tpu.memref_squeeze %dma_start3A_806 : memref<1x1x1x8x128xf32, #tpu.memory_space<hbm>> -> memref<8x128xf32, #tpu.memory_space<hbm>>
        %dma_start3A_808 = arith.constant 0 : i32
        %dma_start3A_809 = arith.constant 0 : i32
        %dma_start3A_810 = tpu.memref_slice %arg4[%add3A_639, %dma_start3A_799, %add3A, %dma_start3A_808, %dma_start3A_809] : memref<200x8x32x8x128xf32, #tpu.memory_space<hbm>> -> memref<1x1x1x8x128xf32, #tpu.memory_space<hbm>>
        %dma_start3A_811 = tpu.memref_squeeze %dma_start3A_810 : memref<1x1x1x8x128xf32, #tpu.memory_space<hbm>> -> memref<8x128xf32, #tpu.memory_space<hbm>>
        %dma_start3A_812 = arith.constant 0 : i32
        %dma_start3A_813 = arith.constant 0 : i32
        %dma_start3A_814 = tpu.memref_slice %arg10[%dma_start3A_798, %dma_start3A_812, %dma_start3A_813] : memref<8x8x129xf32, #tpu.memory_space<vmem>> -> memref<1x8x128xf32, #tpu.memory_space<vmem>>
        %dma_start3A_815 = tpu.memref_squeeze %dma_start3A_814 : memref<1x8x128xf32, #tpu.memory_space<vmem>> -> memref<8x128xf32, #tpu.memory_space<vmem>>
        tpu.enqueue_dma source(%dma_start3A_815 : memref<8x128xf32, #tpu.memory_space<vmem>>) target(%dma_start3A_811 : memref<8x128xf32, #tpu.memory_space<hbm>>) target_semaphore(%arg18 : memref<!tpu.dma_semaphore, #tpu.memory_space<semaphore_mem>>)
        %dma_start3A_816 = arith.constant 5 : i32
        %dma_start3A_817 = arith.constant 5 : i32
        %dma_start3A_818 = arith.constant 0 : i32
        %dma_start3A_819 = arith.constant 0 : i32
        %dma_start3A_820 = tpu.memref_slice %arg10[%dma_start3A_816, %dma_start3A_818, %dma_start3A_819] : memref<8x8x129xf32, #tpu.memory_space<vmem>> -> memref<1x8x128xf32, #tpu.memory_space<vmem>>
        %dma_start3A_821 = tpu.memref_squeeze %dma_start3A_820 : memref<1x8x128xf32, #tpu.memory_space<vmem>> -> memref<8x128xf32, #tpu.memory_space<vmem>>
        %dma_start3A_822 = arith.constant 0 : i32
        %dma_start3A_823 = arith.constant 0 : i32
        %dma_start3A_824 = tpu.memref_slice %arg4[%add3A_639, %dma_start3A_817, %add3A, %dma_start3A_822, %dma_start3A_823] : memref<200x8x32x8x128xf32, #tpu.memory_space<hbm>> -> memref<1x1x1x8x128xf32, #tpu.memory_space<hbm>>
        %dma_start3A_825 = tpu.memref_squeeze %dma_start3A_824 : memref<1x1x1x8x128xf32, #tpu.memory_space<hbm>> -> memref<8x128xf32, #tpu.memory_space<hbm>>
        %dma_start3A_826 = arith.constant 0 : i32
        %dma_start3A_827 = arith.constant 0 : i32
        %dma_start3A_828 = tpu.memref_slice %arg4[%add3A_639, %dma_start3A_817, %add3A, %dma_start3A_826, %dma_start3A_827] : memref<200x8x32x8x128xf32, #tpu.memory_space<hbm>> -> memref<1x1x1x8x128xf32, #tpu.memory_space<hbm>>
        %dma_start3A_829 = tpu.memref_squeeze %dma_start3A_828 : memref<1x1x1x8x128xf32, #tpu.memory_space<hbm>> -> memref<8x128xf32, #tpu.memory_space<hbm>>
        %dma_start3A_830 = arith.constant 0 : i32
        %dma_start3A_831 = arith.constant 0 : i32
        %dma_start3A_832 = tpu.memref_slice %arg10[%dma_start3A_816, %dma_start3A_830, %dma_start3A_831] : memref<8x8x129xf32, #tpu.memory_space<vmem>> -> memref<1x8x128xf32, #tpu.memory_space<vmem>>
        %dma_start3A_833 = tpu.memref_squeeze %dma_start3A_832 : memref<1x8x128xf32, #tpu.memory_space<vmem>> -> memref<8x128xf32, #tpu.memory_space<vmem>>
        tpu.enqueue_dma source(%dma_start3A_833 : memref<8x128xf32, #tpu.memory_space<vmem>>) target(%dma_start3A_829 : memref<8x128xf32, #tpu.memory_space<hbm>>) target_semaphore(%arg18 : memref<!tpu.dma_semaphore, #tpu.memory_space<semaphore_mem>>)
        %dma_start3A_834 = arith.constant 6 : i32
        %dma_start3A_835 = arith.constant 6 : i32
        %dma_start3A_836 = arith.constant 0 : i32
        %dma_start3A_837 = arith.constant 0 : i32
        %dma_start3A_838 = tpu.memref_slice %arg10[%dma_start3A_834, %dma_start3A_836, %dma_start3A_837] : memref<8x8x129xf32, #tpu.memory_space<vmem>> -> memref<1x8x128xf32, #tpu.memory_space<vmem>>
        %dma_start3A_839 = tpu.memref_squeeze %dma_start3A_838 : memref<1x8x128xf32, #tpu.memory_space<vmem>> -> memref<8x128xf32, #tpu.memory_space<vmem>>
        %dma_start3A_840 = arith.constant 0 : i32
        %dma_start3A_841 = arith.constant 0 : i32
        %dma_start3A_842 = tpu.memref_slice %arg4[%add3A_639, %dma_start3A_835, %add3A, %dma_start3A_840, %dma_start3A_841] : memref<200x8x32x8x128xf32, #tpu.memory_space<hbm>> -> memref<1x1x1x8x128xf32, #tpu.memory_space<hbm>>
        %dma_start3A_843 = tpu.memref_squeeze %dma_start3A_842 : memref<1x1x1x8x128xf32, #tpu.memory_space<hbm>> -> memref<8x128xf32, #tpu.memory_space<hbm>>
        %dma_start3A_844 = arith.constant 0 : i32
        %dma_start3A_845 = arith.constant 0 : i32
        %dma_start3A_846 = tpu.memref_slice %arg4[%add3A_639, %dma_start3A_835, %add3A, %dma_start3A_844, %dma_start3A_845] : memref<200x8x32x8x128xf32, #tpu.memory_space<hbm>> -> memref<1x1x1x8x128xf32, #tpu.memory_space<hbm>>
        %dma_start3A_847 = tpu.memref_squeeze %dma_start3A_846 : memref<1x1x1x8x128xf32, #tpu.memory_space<hbm>> -> memref<8x128xf32, #tpu.memory_space<hbm>>
        %dma_start3A_848 = arith.constant 0 : i32
        %dma_start3A_849 = arith.constant 0 : i32
        %dma_start3A_850 = tpu.memref_slice %arg10[%dma_start3A_834, %dma_start3A_848, %dma_start3A_849] : memref<8x8x129xf32, #tpu.memory_space<vmem>> -> memref<1x8x128xf32, #tpu.memory_space<vmem>>
        %dma_start3A_851 = tpu.memref_squeeze %dma_start3A_850 : memref<1x8x128xf32, #tpu.memory_space<vmem>> -> memref<8x128xf32, #tpu.memory_space<vmem>>
        tpu.enqueue_dma source(%dma_start3A_851 : memref<8x128xf32, #tpu.memory_space<vmem>>) target(%dma_start3A_847 : memref<8x128xf32, #tpu.memory_space<hbm>>) target_semaphore(%arg18 : memref<!tpu.dma_semaphore, #tpu.memory_space<semaphore_mem>>)
        %dma_start3A_852 = arith.constant 7 : i32
        %dma_start3A_853 = arith.constant 7 : i32
        %dma_start3A_854 = arith.constant 0 : i32
        %dma_start3A_855 = arith.constant 0 : i32
        %dma_start3A_856 = tpu.memref_slice %arg10[%dma_start3A_852, %dma_start3A_854, %dma_start3A_855] : memref<8x8x129xf32, #tpu.memory_space<vmem>> -> memref<1x8x128xf32, #tpu.memory_space<vmem>>
        %dma_start3A_857 = tpu.memref_squeeze %dma_start3A_856 : memref<1x8x128xf32, #tpu.memory_space<vmem>> -> memref<8x128xf32, #tpu.memory_space<vmem>>
        %dma_start3A_858 = arith.constant 0 : i32
        %dma_start3A_859 = arith.constant 0 : i32
        %dma_start3A_860 = tpu.memref_slice %arg4[%add3A_639, %dma_start3A_853, %add3A, %dma_start3A_858, %dma_start3A_859] : memref<200x8x32x8x128xf32, #tpu.memory_space<hbm>> -> memref<1x1x1x8x128xf32, #tpu.memory_space<hbm>>
        %dma_start3A_861 = tpu.memref_squeeze %dma_start3A_860 : memref<1x1x1x8x128xf32, #tpu.memory_space<hbm>> -> memref<8x128xf32, #tpu.memory_space<hbm>>
        %dma_start3A_862 = arith.constant 0 : i32
        %dma_start3A_863 = arith.constant 0 : i32
        %dma_start3A_864 = tpu.memref_slice %arg4[%add3A_639, %dma_start3A_853, %add3A, %dma_start3A_862, %dma_start3A_863] : memref<200x8x32x8x128xf32, #tpu.memory_space<hbm>> -> memref<1x1x1x8x128xf32, #tpu.memory_space<hbm>>
        %dma_start3A_865 = tpu.memref_squeeze %dma_start3A_864 : memref<1x1x1x8x128xf32, #tpu.memory_space<hbm>> -> memref<8x128xf32, #tpu.memory_space<hbm>>
        %dma_start3A_866 = arith.constant 0 : i32
        %dma_start3A_867 = arith.constant 0 : i32
        %dma_start3A_868 = tpu.memref_slice %arg10[%dma_start3A_852, %dma_start3A_866, %dma_start3A_867] : memref<8x8x129xf32, #tpu.memory_space<vmem>> -> memref<1x8x128xf32, #tpu.memory_space<vmem>>
        %dma_start3A_869 = tpu.memref_squeeze %dma_start3A_868 : memref<1x8x128xf32, #tpu.memory_space<vmem>> -> memref<8x128xf32, #tpu.memory_space<vmem>>
        tpu.enqueue_dma source(%dma_start3A_869 : memref<8x128xf32, #tpu.memory_space<vmem>>) target(%dma_start3A_865 : memref<8x128xf32, #tpu.memory_space<hbm>>) target_semaphore(%arg18 : memref<!tpu.dma_semaphore, #tpu.memory_space<semaphore_mem>>)
      } else {
      }
      %mul3A_642 = arith.constant 4 : i32
      %mul3A_643 = arith.muli %scan3A_635, %mul3A_642 : i32
      %add3A_644 = arith.constant 1 : i32
      %add3A_645 = arith.addi %mul3A_643, %add3A_644 : i32
      %lt3A_646 = arith.constant 200 : i32
      %lt3A_647 = arith.cmpi slt, %add3A_645, %lt3A_646 : i32
      %convert_element_type3A_648 = arith.extui %lt3A_647 : i1 to i32
      %cond3A_649 = arith.constant 0 : i32
      %cond3A_650 = arith.cmpi ne, %convert_element_type3A_648, %cond3A_649 : i32
      scf.if %cond3A_650 {
        %add3A_669 = arith.constant 3 : i32
        %add3A_670 = arith.addi %add3A_645, %add3A_669 : i32
        %lt3A_671 = arith.constant 200 : i32
        %lt3A_672 = arith.cmpi slt, %add3A_670, %lt3A_671 : i32
        %convert_element_type3A_673 = arith.extui %lt3A_672 : i1 to i32
        %cond3A_674 = arith.constant 0 : i32
        %cond3A_675 = arith.cmpi ne, %convert_element_type3A_673, %cond3A_674 : i32
        scf.if %cond3A_675 {
          %add3A_870 = arith.constant 3 : i32
          %add3A_871 = arith.addi %add3A_645, %add3A_870 : i32
          %dma_start3A_872 = arith.constant 0 : i32
          %dma_start3A_873 = tpu.memref_slice %arg5[%add3A_871, %dma_start3A_872] : memref<200x128xi32, #tpu.memory_space<vmem>> -> memref<1x128xi32, #tpu.memory_space<vmem>>
          %dma_start3A_874 = tpu.memref_squeeze %dma_start3A_873 : memref<1x128xi32, #tpu.memory_space<vmem>> -> memref<128xi32, #tpu.memory_space<vmem>>
          %dma_start3A_875 = arith.constant 0 : i32
          %dma_start3A_876 = arith.constant 0 : i32
          %dma_start3A_877 = tpu.memref_slice %arg3[%dma_start3A_875, %dma_start3A_876] : memref<1000000x64xf32, #tpu.memory_space<hbm>> -> memref<1000000x64xf32, #tpu.memory_space<hbm>>
          tpu.enqueue_indirect_dma source(%dma_start3A_877 : memref<1000000x64xf32, #tpu.memory_space<hbm>>) target(%arg6 : memref<128x64xf32, #tpu.memory_space<vmem>>) offsets(%dma_start3A_874 : memref<128xi32, #tpu.memory_space<vmem>>) semaphore(%arg14 : memref<!tpu.dma_semaphore, #tpu.memory_space<semaphore_mem>>)
        } else {
        }
        %dma_wait3A_676 = arith.constant 0 : i32
        %dma_wait3A_677 = arith.constant 0 : i32
        %dma_wait3A_678 = tpu.memref_slice %arg5[%dma_wait3A_676, %dma_wait3A_677] : memref<200x128xi32, #tpu.memory_space<vmem>> -> memref<1x128xi32, #tpu.memory_space<vmem>>
        %dma_wait3A_679 = tpu.memref_squeeze %dma_wait3A_678 : memref<1x128xi32, #tpu.memory_space<vmem>> -> memref<128xi32, #tpu.memory_space<vmem>>
        %dma_wait3A_680 = arith.constant 0 : i32
        %dma_wait3A_681 = arith.constant 0 : i32
        %dma_wait3A_682 = tpu.memref_slice %arg3[%dma_wait3A_680, %dma_wait3A_681] : memref<1000000x64xf32, #tpu.memory_space<hbm>> -> memref<1000000x64xf32, #tpu.memory_space<hbm>>
        tpu.wait_indirect_dma semaphore(%arg15 : memref<!tpu.dma_semaphore, #tpu.memory_space<semaphore_mem>>) src(%dma_wait3A_682 : memref<1000000x64xf32, #tpu.memory_space<hbm>>) dst(%arg7 : memref<128x64xf32, #tpu.memory_space<vmem>>)
        %ge3A = arith.constant 4 : i32
        %ge3A_683 = arith.cmpi sge, %add3A_645, %ge3A : i32
        %convert_element_type3A_684 = arith.extui %ge3A_683 : i1 to i32
        %cond3A_685 = arith.constant 0 : i32
        %cond3A_686 = arith.cmpi ne, %convert_element_type3A_684, %cond3A_685 : i32
        scf.if %cond3A_686 {
          %dma_wait3A_870 = arith.constant 0 : i32
          %dma_wait3A_871 = arith.constant 0 : i32
          %dma_wait3A_872 = arith.constant 0 : i32
          %dma_wait3A_873 = arith.constant 0 : i32
          %dma_wait3A_874 = arith.constant 0 : i32
          %dma_wait3A_875 = tpu.memref_slice %arg11[%dma_wait3A_870, %dma_wait3A_873, %dma_wait3A_874] : memref<8x8x129xf32, #tpu.memory_space<vmem>> -> memref<1x8x128xf32, #tpu.memory_space<vmem>>
          %dma_wait3A_876 = tpu.memref_squeeze %dma_wait3A_875 : memref<1x8x128xf32, #tpu.memory_space<vmem>> -> memref<8x128xf32, #tpu.memory_space<vmem>>
          %dma_wait3A_877 = arith.constant 0 : i32
          %dma_wait3A_878 = arith.constant 0 : i32
          %dma_wait3A_879 = tpu.memref_slice %arg4[%dma_wait3A_871, %dma_wait3A_872, %add3A, %dma_wait3A_877, %dma_wait3A_878] : memref<200x8x32x8x128xf32, #tpu.memory_space<hbm>> -> memref<1x1x1x8x128xf32, #tpu.memory_space<hbm>>
          %dma_wait3A_880 = tpu.memref_squeeze %dma_wait3A_879 : memref<1x1x1x8x128xf32, #tpu.memory_space<hbm>> -> memref<8x128xf32, #tpu.memory_space<hbm>>
          %dma_wait3A_881 = arith.constant 0 : i32
          %dma_wait3A_882 = arith.constant 0 : i32
          %dma_wait3A_883 = tpu.memref_slice %arg4[%dma_wait3A_871, %dma_wait3A_872, %add3A, %dma_wait3A_881, %dma_wait3A_882] : memref<200x8x32x8x128xf32, #tpu.memory_space<hbm>> -> memref<1x1x1x8x128xf32, #tpu.memory_space<hbm>>
          %dma_wait3A_884 = tpu.memref_squeeze %dma_wait3A_883 : memref<1x1x1x8x128xf32, #tpu.memory_space<hbm>> -> memref<8x128xf32, #tpu.memory_space<hbm>>
          %dma_wait3A_885 = arith.constant 0 : i32
          %dma_wait3A_886 = arith.constant 0 : i32
          %dma_wait3A_887 = tpu.memref_slice %arg11[%dma_wait3A_870, %dma_wait3A_885, %dma_wait3A_886] : memref<8x8x129xf32, #tpu.memory_space<vmem>> -> memref<1x8x128xf32, #tpu.memory_space<vmem>>
          %dma_wait3A_888 = tpu.memref_squeeze %dma_wait3A_887 : memref<1x8x128xf32, #tpu.memory_space<vmem>> -> memref<8x128xf32, #tpu.memory_space<vmem>>
          tpu.wait_dma2 semaphore(%arg19 : memref<!tpu.dma_semaphore, #tpu.memory_space<semaphore_mem>>) src(%dma_wait3A_888 : memref<8x128xf32, #tpu.memory_space<vmem>>) dst(%dma_wait3A_884 : memref<8x128xf32, #tpu.memory_space<hbm>>)
          %dma_wait3A_889 = arith.constant 1 : i32
          %dma_wait3A_890 = arith.constant 0 : i32
          %dma_wait3A_891 = arith.constant 1 : i32
          %dma_wait3A_892 = arith.constant 0 : i32
          %dma_wait3A_893 = arith.constant 0 : i32
          %dma_wait3A_894 = tpu.memref_slice %arg11[%dma_wait3A_889, %dma_wait3A_892, %dma_wait3A_893] : memref<8x8x129xf32, #tpu.memory_space<vmem>> -> memref<1x8x128xf32, #tpu.memory_space<vmem>>
          %dma_wait3A_895 = tpu.memref_squeeze %dma_wait3A_894 : memref<1x8x128xf32, #tpu.memory_space<vmem>> -> memref<8x128xf32, #tpu.memory_space<vmem>>
          %dma_wait3A_896 = arith.constant 0 : i32
          %dma_wait3A_897 = arith.constant 0 : i32
          %dma_wait3A_898 = tpu.memref_slice %arg4[%dma_wait3A_890, %dma_wait3A_891, %add3A, %dma_wait3A_896, %dma_wait3A_897] : memref<200x8x32x8x128xf32, #tpu.memory_space<hbm>> -> memref<1x1x1x8x128xf32, #tpu.memory_space<hbm>>
          %dma_wait3A_899 = tpu.memref_squeeze %dma_wait3A_898 : memref<1x1x1x8x128xf32, #tpu.memory_space<hbm>> -> memref<8x128xf32, #tpu.memory_space<hbm>>
          %dma_wait3A_900 = arith.constant 0 : i32
          %dma_wait3A_901 = arith.constant 0 : i32
          %dma_wait3A_902 = tpu.memref_slice %arg4[%dma_wait3A_890, %dma_wait3A_891, %add3A, %dma_wait3A_900, %dma_wait3A_901] : memref<200x8x32x8x128xf32, #tpu.memory_space<hbm>> -> memref<1x1x1x8x128xf32, #tpu.memory_space<hbm>>
          %dma_wait3A_903 = tpu.memref_squeeze %dma_wait3A_902 : memref<1x1x1x8x128xf32, #tpu.memory_space<hbm>> -> memref<8x128xf32, #tpu.memory_space<hbm>>
          %dma_wait3A_904 = arith.constant 0 : i32
          %dma_wait3A_905 = arith.constant 0 : i32
          %dma_wait3A_906 = tpu.memref_slice %arg11[%dma_wait3A_889, %dma_wait3A_904, %dma_wait3A_905] : memref<8x8x129xf32, #tpu.memory_space<vmem>> -> memref<1x8x128xf32, #tpu.memory_space<vmem>>
          %dma_wait3A_907 = tpu.memref_squeeze %dma_wait3A_906 : memref<1x8x128xf32, #tpu.memory_space<vmem>> -> memref<8x128xf32, #tpu.memory_space<vmem>>
          tpu.wait_dma2 semaphore(%arg19 : memref<!tpu.dma_semaphore, #tpu.memory_space<semaphore_mem>>) src(%dma_wait3A_907 : memref<8x128xf32, #tpu.memory_space<vmem>>) dst(%dma_wait3A_903 : memref<8x128xf32, #tpu.memory_space<hbm>>)
          %dma_wait3A_908 = arith.constant 2 : i32
          %dma_wait3A_909 = arith.constant 0 : i32
          %dma_wait3A_910 = arith.constant 2 : i32
          %dma_wait3A_911 = arith.constant 0 : i32
          %dma_wait3A_912 = arith.constant 0 : i32
          %dma_wait3A_913 = tpu.memref_slice %arg11[%dma_wait3A_908, %dma_wait3A_911, %dma_wait3A_912] : memref<8x8x129xf32, #tpu.memory_space<vmem>> -> memref<1x8x128xf32, #tpu.memory_space<vmem>>
          %dma_wait3A_914 = tpu.memref_squeeze %dma_wait3A_913 : memref<1x8x128xf32, #tpu.memory_space<vmem>> -> memref<8x128xf32, #tpu.memory_space<vmem>>
          %dma_wait3A_915 = arith.constant 0 : i32
          %dma_wait3A_916 = arith.constant 0 : i32
          %dma_wait3A_917 = tpu.memref_slice %arg4[%dma_wait3A_909, %dma_wait3A_910, %add3A, %dma_wait3A_915, %dma_wait3A_916] : memref<200x8x32x8x128xf32, #tpu.memory_space<hbm>> -> memref<1x1x1x8x128xf32, #tpu.memory_space<hbm>>
          %dma_wait3A_918 = tpu.memref_squeeze %dma_wait3A_917 : memref<1x1x1x8x128xf32, #tpu.memory_space<hbm>> -> memref<8x128xf32, #tpu.memory_space<hbm>>
          %dma_wait3A_919 = arith.constant 0 : i32
          %dma_wait3A_920 = arith.constant 0 : i32
          %dma_wait3A_921 = tpu.memref_slice %arg4[%dma_wait3A_909, %dma_wait3A_910, %add3A, %dma_wait3A_919, %dma_wait3A_920] : memref<200x8x32x8x128xf32, #tpu.memory_space<hbm>> -> memref<1x1x1x8x128xf32, #tpu.memory_space<hbm>>
          %dma_wait3A_922 = tpu.memref_squeeze %dma_wait3A_921 : memref<1x1x1x8x128xf32, #tpu.memory_space<hbm>> -> memref<8x128xf32, #tpu.memory_space<hbm>>
          %dma_wait3A_923 = arith.constant 0 : i32
          %dma_wait3A_924 = arith.constant 0 : i32
          %dma_wait3A_925 = tpu.memref_slice %arg11[%dma_wait3A_908, %dma_wait3A_923, %dma_wait3A_924] : memref<8x8x129xf32, #tpu.memory_space<vmem>> -> memref<1x8x128xf32, #tpu.memory_space<vmem>>
          %dma_wait3A_926 = tpu.memref_squeeze %dma_wait3A_925 : memref<1x8x128xf32, #tpu.memory_space<vmem>> -> memref<8x128xf32, #tpu.memory_space<vmem>>
          tpu.wait_dma2 semaphore(%arg19 : memref<!tpu.dma_semaphore, #tpu.memory_space<semaphore_mem>>) src(%dma_wait3A_926 : memref<8x128xf32, #tpu.memory_space<vmem>>) dst(%dma_wait3A_922 : memref<8x128xf32, #tpu.memory_space<hbm>>)
          %dma_wait3A_927 = arith.constant 3 : i32
          %dma_wait3A_928 = arith.constant 0 : i32
          %dma_wait3A_929 = arith.constant 3 : i32
          %dma_wait3A_930 = arith.constant 0 : i32
          %dma_wait3A_931 = arith.constant 0 : i32
          %dma_wait3A_932 = tpu.memref_slice %arg11[%dma_wait3A_927, %dma_wait3A_930, %dma_wait3A_931] : memref<8x8x129xf32, #tpu.memory_space<vmem>> -> memref<1x8x128xf32, #tpu.memory_space<vmem>>
          %dma_wait3A_933 = tpu.memref_squeeze %dma_wait3A_932 : memref<1x8x128xf32, #tpu.memory_space<vmem>> -> memref<8x128xf32, #tpu.memory_space<vmem>>
          %dma_wait3A_934 = arith.constant 0 : i32
          %dma_wait3A_935 = arith.constant 0 : i32
          %dma_wait3A_936 = tpu.memref_slice %arg4[%dma_wait3A_928, %dma_wait3A_929, %add3A, %dma_wait3A_934, %dma_wait3A_935] : memref<200x8x32x8x128xf32, #tpu.memory_space<hbm>> -> memref<1x1x1x8x128xf32, #tpu.memory_space<hbm>>
          %dma_wait3A_937 = tpu.memref_squeeze %dma_wait3A_936 : memref<1x1x1x8x128xf32, #tpu.memory_space<hbm>> -> memref<8x128xf32, #tpu.memory_space<hbm>>
          %dma_wait3A_938 = arith.constant 0 : i32
          %dma_wait3A_939 = arith.constant 0 : i32
          %dma_wait3A_940 = tpu.memref_slice %arg4[%dma_wait3A_928, %dma_wait3A_929, %add3A, %dma_wait3A_938, %dma_wait3A_939] : memref<200x8x32x8x128xf32, #tpu.memory_space<hbm>> -> memref<1x1x1x8x128xf32, #tpu.memory_space<hbm>>
          %dma_wait3A_941 = tpu.memref_squeeze %dma_wait3A_940 : memref<1x1x1x8x128xf32, #tpu.memory_space<hbm>> -> memref<8x128xf32, #tpu.memory_space<hbm>>
          %dma_wait3A_942 = arith.constant 0 : i32
          %dma_wait3A_943 = arith.constant 0 : i32
          %dma_wait3A_944 = tpu.memref_slice %arg11[%dma_wait3A_927, %dma_wait3A_942, %dma_wait3A_943] : memref<8x8x129xf32, #tpu.memory_space<vmem>> -> memref<1x8x128xf32, #tpu.memory_space<vmem>>
          %dma_wait3A_945 = tpu.memref_squeeze %dma_wait3A_944 : memref<1x8x128xf32, #tpu.memory_space<vmem>> -> memref<8x128xf32, #tpu.memory_space<vmem>>
          tpu.wait_dma2 semaphore(%arg19 : memref<!tpu.dma_semaphore, #tpu.memory_space<semaphore_mem>>) src(%dma_wait3A_945 : memref<8x128xf32, #tpu.memory_space<vmem>>) dst(%dma_wait3A_941 : memref<8x128xf32, #tpu.memory_space<hbm>>)
          %dma_wait3A_946 = arith.constant 4 : i32
          %dma_wait3A_947 = arith.constant 0 : i32
          %dma_wait3A_948 = arith.constant 4 : i32
          %dma_wait3A_949 = arith.constant 0 : i32
          %dma_wait3A_950 = arith.constant 0 : i32
          %dma_wait3A_951 = tpu.memref_slice %arg11[%dma_wait3A_946, %dma_wait3A_949, %dma_wait3A_950] : memref<8x8x129xf32, #tpu.memory_space<vmem>> -> memref<1x8x128xf32, #tpu.memory_space<vmem>>
          %dma_wait3A_952 = tpu.memref_squeeze %dma_wait3A_951 : memref<1x8x128xf32, #tpu.memory_space<vmem>> -> memref<8x128xf32, #tpu.memory_space<vmem>>
          %dma_wait3A_953 = arith.constant 0 : i32
          %dma_wait3A_954 = arith.constant 0 : i32
          %dma_wait3A_955 = tpu.memref_slice %arg4[%dma_wait3A_947, %dma_wait3A_948, %add3A, %dma_wait3A_953, %dma_wait3A_954] : memref<200x8x32x8x128xf32, #tpu.memory_space<hbm>> -> memref<1x1x1x8x128xf32, #tpu.memory_space<hbm>>
          %dma_wait3A_956 = tpu.memref_squeeze %dma_wait3A_955 : memref<1x1x1x8x128xf32, #tpu.memory_space<hbm>> -> memref<8x128xf32, #tpu.memory_space<hbm>>
          %dma_wait3A_957 = arith.constant 0 : i32
          %dma_wait3A_958 = arith.constant 0 : i32
          %dma_wait3A_959 = tpu.memref_slice %arg4[%dma_wait3A_947, %dma_wait3A_948, %add3A, %dma_wait3A_957, %dma_wait3A_958] : memref<200x8x32x8x128xf32, #tpu.memory_space<hbm>> -> memref<1x1x1x8x128xf32, #tpu.memory_space<hbm>>
          %dma_wait3A_960 = tpu.memref_squeeze %dma_wait3A_959 : memref<1x1x1x8x128xf32, #tpu.memory_space<hbm>> -> memref<8x128xf32, #tpu.memory_space<hbm>>
          %dma_wait3A_961 = arith.constant 0 : i32
          %dma_wait3A_962 = arith.constant 0 : i32
          %dma_wait3A_963 = tpu.memref_slice %arg11[%dma_wait3A_946, %dma_wait3A_961, %dma_wait3A_962] : memref<8x8x129xf32, #tpu.memory_space<vmem>> -> memref<1x8x128xf32, #tpu.memory_space<vmem>>
          %dma_wait3A_964 = tpu.memref_squeeze %dma_wait3A_963 : memref<1x8x128xf32, #tpu.memory_space<vmem>> -> memref<8x128xf32, #tpu.memory_space<vmem>>
          tpu.wait_dma2 semaphore(%arg19 : memref<!tpu.dma_semaphore, #tpu.memory_space<semaphore_mem>>) src(%dma_wait3A_964 : memref<8x128xf32, #tpu.memory_space<vmem>>) dst(%dma_wait3A_960 : memref<8x128xf32, #tpu.memory_space<hbm>>)
          %dma_wait3A_965 = arith.constant 5 : i32
          %dma_wait3A_966 = arith.constant 0 : i32
          %dma_wait3A_967 = arith.constant 5 : i32
          %dma_wait3A_968 = arith.constant 0 : i32
          %dma_wait3A_969 = arith.constant 0 : i32
          %dma_wait3A_970 = tpu.memref_slice %arg11[%dma_wait3A_965, %dma_wait3A_968, %dma_wait3A_969] : memref<8x8x129xf32, #tpu.memory_space<vmem>> -> memref<1x8x128xf32, #tpu.memory_space<vmem>>
          %dma_wait3A_971 = tpu.memref_squeeze %dma_wait3A_970 : memref<1x8x128xf32, #tpu.memory_space<vmem>> -> memref<8x128xf32, #tpu.memory_space<vmem>>
          %dma_wait3A_972 = arith.constant 0 : i32
          %dma_wait3A_973 = arith.constant 0 : i32
          %dma_wait3A_974 = tpu.memref_slice %arg4[%dma_wait3A_966, %dma_wait3A_967, %add3A, %dma_wait3A_972, %dma_wait3A_973] : memref<200x8x32x8x128xf32, #tpu.memory_space<hbm>> -> memref<1x1x1x8x128xf32, #tpu.memory_space<hbm>>
          %dma_wait3A_975 = tpu.memref_squeeze %dma_wait3A_974 : memref<1x1x1x8x128xf32, #tpu.memory_space<hbm>> -> memref<8x128xf32, #tpu.memory_space<hbm>>
          %dma_wait3A_976 = arith.constant 0 : i32
          %dma_wait3A_977 = arith.constant 0 : i32
          %dma_wait3A_978 = tpu.memref_slice %arg4[%dma_wait3A_966, %dma_wait3A_967, %add3A, %dma_wait3A_976, %dma_wait3A_977] : memref<200x8x32x8x128xf32, #tpu.memory_space<hbm>> -> memref<1x1x1x8x128xf32, #tpu.memory_space<hbm>>
          %dma_wait3A_979 = tpu.memref_squeeze %dma_wait3A_978 : memref<1x1x1x8x128xf32, #tpu.memory_space<hbm>> -> memref<8x128xf32, #tpu.memory_space<hbm>>
          %dma_wait3A_980 = arith.constant 0 : i32
          %dma_wait3A_981 = arith.constant 0 : i32
          %dma_wait3A_982 = tpu.memref_slice %arg11[%dma_wait3A_965, %dma_wait3A_980, %dma_wait3A_981] : memref<8x8x129xf32, #tpu.memory_space<vmem>> -> memref<1x8x128xf32, #tpu.memory_space<vmem>>
          %dma_wait3A_983 = tpu.memref_squeeze %dma_wait3A_982 : memref<1x8x128xf32, #tpu.memory_space<vmem>> -> memref<8x128xf32, #tpu.memory_space<vmem>>
          tpu.wait_dma2 semaphore(%arg19 : memref<!tpu.dma_semaphore, #tpu.memory_space<semaphore_mem>>) src(%dma_wait3A_983 : memref<8x128xf32, #tpu.memory_space<vmem>>) dst(%dma_wait3A_979 : memref<8x128xf32, #tpu.memory_space<hbm>>)
          %dma_wait3A_984 = arith.constant 6 : i32
          %dma_wait3A_985 = arith.constant 0 : i32
          %dma_wait3A_986 = arith.constant 6 : i32
          %dma_wait3A_987 = arith.constant 0 : i32
          %dma_wait3A_988 = arith.constant 0 : i32
          %dma_wait3A_989 = tpu.memref_slice %arg11[%dma_wait3A_984, %dma_wait3A_987, %dma_wait3A_988] : memref<8x8x129xf32, #tpu.memory_space<vmem>> -> memref<1x8x128xf32, #tpu.memory_space<vmem>>
          %dma_wait3A_990 = tpu.memref_squeeze %dma_wait3A_989 : memref<1x8x128xf32, #tpu.memory_space<vmem>> -> memref<8x128xf32, #tpu.memory_space<vmem>>
          %dma_wait3A_991 = arith.constant 0 : i32
          %dma_wait3A_992 = arith.constant 0 : i32
          %dma_wait3A_993 = tpu.memref_slice %arg4[%dma_wait3A_985, %dma_wait3A_986, %add3A, %dma_wait3A_991, %dma_wait3A_992] : memref<200x8x32x8x128xf32, #tpu.memory_space<hbm>> -> memref<1x1x1x8x128xf32, #tpu.memory_space<hbm>>
          %dma_wait3A_994 = tpu.memref_squeeze %dma_wait3A_993 : memref<1x1x1x8x128xf32, #tpu.memory_space<hbm>> -> memref<8x128xf32, #tpu.memory_space<hbm>>
          %dma_wait3A_995 = arith.constant 0 : i32
          %dma_wait3A_996 = arith.constant 0 : i32
          %dma_wait3A_997 = tpu.memref_slice %arg4[%dma_wait3A_985, %dma_wait3A_986, %add3A, %dma_wait3A_995, %dma_wait3A_996] : memref<200x8x32x8x128xf32, #tpu.memory_space<hbm>> -> memref<1x1x1x8x128xf32, #tpu.memory_space<hbm>>
          %dma_wait3A_998 = tpu.memref_squeeze %dma_wait3A_997 : memref<1x1x1x8x128xf32, #tpu.memory_space<hbm>> -> memref<8x128xf32, #tpu.memory_space<hbm>>
          %dma_wait3A_999 = arith.constant 0 : i32
          %dma_wait3A_1000 = arith.constant 0 : i32
          %dma_wait3A_1001 = tpu.memref_slice %arg11[%dma_wait3A_984, %dma_wait3A_999, %dma_wait3A_1000] : memref<8x8x129xf32, #tpu.memory_space<vmem>> -> memref<1x8x128xf32, #tpu.memory_space<vmem>>
          %dma_wait3A_1002 = tpu.memref_squeeze %dma_wait3A_1001 : memref<1x8x128xf32, #tpu.memory_space<vmem>> -> memref<8x128xf32, #tpu.memory_space<vmem>>
          tpu.wait_dma2 semaphore(%arg19 : memref<!tpu.dma_semaphore, #tpu.memory_space<semaphore_mem>>) src(%dma_wait3A_1002 : memref<8x128xf32, #tpu.memory_space<vmem>>) dst(%dma_wait3A_998 : memref<8x128xf32, #tpu.memory_space<hbm>>)
          %dma_wait3A_1003 = arith.constant 7 : i32
          %dma_wait3A_1004 = arith.constant 0 : i32
          %dma_wait3A_1005 = arith.constant 7 : i32
          %dma_wait3A_1006 = arith.constant 0 : i32
          %dma_wait3A_1007 = arith.constant 0 : i32
          %dma_wait3A_1008 = tpu.memref_slice %arg11[%dma_wait3A_1003, %dma_wait3A_1006, %dma_wait3A_1007] : memref<8x8x129xf32, #tpu.memory_space<vmem>> -> memref<1x8x128xf32, #tpu.memory_space<vmem>>
          %dma_wait3A_1009 = tpu.memref_squeeze %dma_wait3A_1008 : memref<1x8x128xf32, #tpu.memory_space<vmem>> -> memref<8x128xf32, #tpu.memory_space<vmem>>
          %dma_wait3A_1010 = arith.constant 0 : i32
          %dma_wait3A_1011 = arith.constant 0 : i32
          %dma_wait3A_1012 = tpu.memref_slice %arg4[%dma_wait3A_1004, %dma_wait3A_1005, %add3A, %dma_wait3A_1010, %dma_wait3A_1011] : memref<200x8x32x8x128xf32, #tpu.memory_space<hbm>> -> memref<1x1x1x8x128xf32, #tpu.memory_space<hbm>>
          %dma_wait3A_1013 = tpu.memref_squeeze %dma_wait3A_1012 : memref<1x1x1x8x128xf32, #tpu.memory_space<hbm>> -> memref<8x128xf32, #tpu.memory_space<hbm>>
          %dma_wait3A_1014 = arith.constant 0 : i32
          %dma_wait3A_1015 = arith.constant 0 : i32
          %dma_wait3A_1016 = tpu.memref_slice %arg4[%dma_wait3A_1004, %dma_wait3A_1005, %add3A, %dma_wait3A_1014, %dma_wait3A_1015] : memref<200x8x32x8x128xf32, #tpu.memory_space<hbm>> -> memref<1x1x1x8x128xf32, #tpu.memory_space<hbm>>
          %dma_wait3A_1017 = tpu.memref_squeeze %dma_wait3A_1016 : memref<1x1x1x8x128xf32, #tpu.memory_space<hbm>> -> memref<8x128xf32, #tpu.memory_space<hbm>>
          %dma_wait3A_1018 = arith.constant 0 : i32
          %dma_wait3A_1019 = arith.constant 0 : i32
          %dma_wait3A_1020 = tpu.memref_slice %arg11[%dma_wait3A_1003, %dma_wait3A_1018, %dma_wait3A_1019] : memref<8x8x129xf32, #tpu.memory_space<vmem>> -> memref<1x8x128xf32, #tpu.memory_space<vmem>>
          %dma_wait3A_1021 = tpu.memref_squeeze %dma_wait3A_1020 : memref<1x8x128xf32, #tpu.memory_space<vmem>> -> memref<8x128xf32, #tpu.memory_space<vmem>>
          tpu.wait_dma2 semaphore(%arg19 : memref<!tpu.dma_semaphore, #tpu.memory_space<semaphore_mem>>) src(%dma_wait3A_1021 : memref<8x128xf32, #tpu.memory_space<vmem>>) dst(%dma_wait3A_1017 : memref<8x128xf32, #tpu.memory_space<hbm>>)
        } else {
        }
        %iota3A = tpu.iota {dimensions = array<i32: 0>} : vector<16xi32>
        %add3A_687 = arith.constant 0 : i32
        %add3A_688 = vector.broadcast %add3A_687 : i32 to vector<16xi32>
        %add3A_689 = arith.addi %add3A_688, %iota3A : vector<16xi32>
        %iota3A_690 = tpu.iota {dimensions = array<i32: 0>} : vector<16xi32>
        %add3A_691 = arith.constant 16 : i32
        %add3A_692 = vector.broadcast %add3A_691 : i32 to vector<16xi32>
        %add3A_693 = arith.addi %add3A_692, %iota3A_690 : vector<16xi32>
        %iota3A_694 = tpu.iota {dimensions = array<i32: 0>} : vector<16xi32>
        %add3A_695 = arith.constant 32 : i32
        %add3A_696 = vector.broadcast %add3A_695 : i32 to vector<16xi32>
        %add3A_697 = arith.addi %add3A_696, %iota3A_694 : vector<16xi32>
        %iota3A_698 = tpu.iota {dimensions = array<i32: 0>} : vector<16xi32>
        %add3A_699 = arith.constant 48 : i32
        %add3A_700 = vector.broadcast %add3A_699 : i32 to vector<16xi32>
        %add3A_701 = arith.addi %add3A_700, %iota3A_698 : vector<16xi32>
        %shift_right_arithmetic3A = arith.constant 3 : i32
        %shift_right_arithmetic3A_702 = vector.broadcast %shift_right_arithmetic3A : i32 to vector<16xi32>
        %shift_right_arithmetic3A_703 = arith.shrsi %add3A_689, %shift_right_arithmetic3A_702 : vector<16xi32>
        %shift_right_arithmetic3A_704 = arith.constant 3 : i32
        %shift_right_arithmetic3A_705 = vector.broadcast %shift_right_arithmetic3A_704 : i32 to vector<16xi32>
        %shift_right_arithmetic3A_706 = arith.shrsi %add3A_693, %shift_right_arithmetic3A_705 : vector<16xi32>
        %shift_right_arithmetic3A_707 = arith.constant 3 : i32
        %shift_right_arithmetic3A_708 = vector.broadcast %shift_right_arithmetic3A_707 : i32 to vector<16xi32>
        %shift_right_arithmetic3A_709 = arith.shrsi %add3A_697, %shift_right_arithmetic3A_708 : vector<16xi32>
        %shift_right_arithmetic3A_710 = arith.constant 3 : i32
        %shift_right_arithmetic3A_711 = vector.broadcast %shift_right_arithmetic3A_710 : i32 to vector<16xi32>
        %shift_right_arithmetic3A_712 = arith.shrsi %add3A_701, %shift_right_arithmetic3A_711 : vector<16xi32>
        %and3A = arith.constant 7 : i32
        %and3A_713 = vector.broadcast %and3A : i32 to vector<16xi32>
        %and3A_714 = arith.andi %add3A_689, %and3A_713 : vector<16xi32>
        %and3A_715 = arith.constant 7 : i32
        %and3A_716 = vector.broadcast %and3A_715 : i32 to vector<16xi32>
        %and3A_717 = arith.andi %add3A_693, %and3A_716 : vector<16xi32>
        %and3A_718 = arith.constant 7 : i32
        %and3A_719 = vector.broadcast %and3A_718 : i32 to vector<16xi32>
        %and3A_720 = arith.andi %add3A_697, %and3A_719 : vector<16xi32>
        %and3A_721 = arith.constant 7 : i32
        %and3A_722 = vector.broadcast %and3A_721 : i32 to vector<16xi32>
        %and3A_723 = arith.andi %add3A_701, %and3A_722 : vector<16xi32>
        %parallel_loop3A = arith.constant 0 : i32
        %parallel_loop3A_724 = arith.constant 128 : i32
        %parallel_loop3A_725 = arith.constant 1 : i32
        scf.for %parallel_loop3A_870 = %parallel_loop3A to %parallel_loop3A_724 step %parallel_loop3A_725  : i32 {
          %parallel_loop3A_871 = vector.broadcast %parallel_loop3A_870 : i32 to vector<16xi32>
          %parallel_loop3A_872 = arith.index_cast %parallel_loop3A_870 : i32 to index
          %parallel_loop3A_873 = arith.constant 0 : index
          %parallel_loop3A_874 = tpu.vector_load %arg7[%parallel_loop3A_872, %parallel_loop3A_873] {strides = array<i32>} : memref<128x64xf32, #tpu.memory_space<vmem>>, vector<16xf32>,
          %parallel_loop3A_875 = arith.constant 8.000000e+00 : f32
          %parallel_loop3A_876 = vector.broadcast %parallel_loop3A_875 : f32 to vector<16xf32>
          %parallel_loop3A_877 = arith.mulf %parallel_loop3A_874, %parallel_loop3A_876 : vector<16xf32>
          tpu.vector_store_idx %arg11[%shift_right_arithmetic3A_703, %and3A_714, %parallel_loop3A_871], %parallel_loop3A_877 : memref<8x8x129xf32, #tpu.memory_space<vmem>>[vector<16xi32>, vector<16xi32>, vector<16xi32>], vector<16xf32>,
          %parallel_loop3A_878 = arith.index_cast %parallel_loop3A_870 : i32 to index
          %parallel_loop3A_879 = arith.constant 16 : index
          %parallel_loop3A_880 = tpu.vector_load %arg7[%parallel_loop3A_878, %parallel_loop3A_879] {strides = array<i32>} : memref<128x64xf32, #tpu.memory_space<vmem>>, vector<16xf32>,
          %parallel_loop3A_881 = arith.constant 8.000000e+00 : f32
          %parallel_loop3A_882 = vector.broadcast %parallel_loop3A_881 : f32 to vector<16xf32>
          %parallel_loop3A_883 = arith.mulf %parallel_loop3A_880, %parallel_loop3A_882 : vector<16xf32>
          tpu.vector_store_idx %arg11[%shift_right_arithmetic3A_706, %and3A_717, %parallel_loop3A_871], %parallel_loop3A_883 : memref<8x8x129xf32, #tpu.memory_space<vmem>>[vector<16xi32>, vector<16xi32>, vector<16xi32>], vector<16xf32>,
          %parallel_loop3A_884 = arith.index_cast %parallel_loop3A_870 : i32 to index
          %parallel_loop3A_885 = arith.constant 32 : index
          %parallel_loop3A_886 = tpu.vector_load %arg7[%parallel_loop3A_884, %parallel_loop3A_885] {strides = array<i32>} : memref<128x64xf32, #tpu.memory_space<vmem>>, vector<16xf32>,
          %parallel_loop3A_887 = arith.constant 8.000000e+00 : f32
          %parallel_loop3A_888 = vector.broadcast %parallel_loop3A_887 : f32 to vector<16xf32>
          %parallel_loop3A_889 = arith.mulf %parallel_loop3A_886, %parallel_loop3A_888 : vector<16xf32>
          tpu.vector_store_idx %arg11[%shift_right_arithmetic3A_709, %and3A_720, %parallel_loop3A_871], %parallel_loop3A_889 : memref<8x8x129xf32, #tpu.memory_space<vmem>>[vector<16xi32>, vector<16xi32>, vector<16xi32>], vector<16xf32>,
          %parallel_loop3A_890 = arith.index_cast %parallel_loop3A_870 : i32 to index
          %parallel_loop3A_891 = arith.constant 48 : index
          %parallel_loop3A_892 = tpu.vector_load %arg7[%parallel_loop3A_890, %parallel_loop3A_891] {strides = array<i32>} : memref<128x64xf32, #tpu.memory_space<vmem>>, vector<16xf32>,
          %parallel_loop3A_893 = arith.constant 8.000000e+00 : f32
          %parallel_loop3A_894 = vector.broadcast %parallel_loop3A_893 : f32 to vector<16xf32>
          %parallel_loop3A_895 = arith.mulf %parallel_loop3A_892, %parallel_loop3A_894 : vector<16xf32>
          tpu.vector_store_idx %arg11[%shift_right_arithmetic3A_712, %and3A_723, %parallel_loop3A_871], %parallel_loop3A_895 : memref<8x8x129xf32, #tpu.memory_space<vmem>>[vector<16xi32>, vector<16xi32>, vector<16xi32>], vector<16xf32>,
        } {sc.loop_unroll_factor = 8 : i64, sc.parallel_access}
        %dma_start3A_726 = arith.constant 0 : i32
        %dma_start3A_727 = arith.constant 0 : i32
        %dma_start3A_728 = arith.constant 0 : i32
        %dma_start3A_729 = arith.constant 0 : i32
        %dma_start3A_730 = tpu.memref_slice %arg11[%dma_start3A_726, %dma_start3A_728, %dma_start3A_729] : memref<8x8x129xf32, #tpu.memory_space<vmem>> -> memref<1x8x128xf32, #tpu.memory_space<vmem>>
        %dma_start3A_731 = tpu.memref_squeeze %dma_start3A_730 : memref<1x8x128xf32, #tpu.memory_space<vmem>> -> memref<8x128xf32, #tpu.memory_space<vmem>>
        %dma_start3A_732 = arith.constant 0 : i32
        %dma_start3A_733 = arith.constant 0 : i32
        %dma_start3A_734 = tpu.memref_slice %arg4[%add3A_645, %dma_start3A_727, %add3A, %dma_start3A_732, %dma_start3A_733] : memref<200x8x32x8x128xf32, #tpu.memory_space<hbm>> -> memref<1x1x1x8x128xf32, #tpu.memory_space<hbm>>
        %dma_start3A_735 = tpu.memref_squeeze %dma_start3A_734 : memref<1x1x1x8x128xf32, #tpu.memory_space<hbm>> -> memref<8x128xf32, #tpu.memory_space<hbm>>
        %dma_start3A_736 = arith.constant 0 : i32
        %dma_start3A_737 = arith.constant 0 : i32
        %dma_start3A_738 = tpu.memref_slice %arg4[%add3A_645, %dma_start3A_727, %add3A, %dma_start3A_736, %dma_start3A_737] : memref<200x8x32x8x128xf32, #tpu.memory_space<hbm>> -> memref<1x1x1x8x128xf32, #tpu.memory_space<hbm>>
        %dma_start3A_739 = tpu.memref_squeeze %dma_start3A_738 : memref<1x1x1x8x128xf32, #tpu.memory_space<hbm>> -> memref<8x128xf32, #tpu.memory_space<hbm>>
        %dma_start3A_740 = arith.constant 0 : i32
        %dma_start3A_741 = arith.constant 0 : i32
        %dma_start3A_742 = tpu.memref_slice %arg11[%dma_start3A_726, %dma_start3A_740, %dma_start3A_741] : memref<8x8x129xf32, #tpu.memory_space<vmem>> -> memref<1x8x128xf32, #tpu.memory_space<vmem>>
        %dma_start3A_743 = tpu.memref_squeeze %dma_start3A_742 : memref<1x8x128xf32, #tpu.memory_space<vmem>> -> memref<8x128xf32, #tpu.memory_space<vmem>>
        tpu.enqueue_dma source(%dma_start3A_743 : memref<8x128xf32, #tpu.memory_space<vmem>>) target(%dma_start3A_739 : memref<8x128xf32, #tpu.memory_space<hbm>>) target_semaphore(%arg19 : memref<!tpu.dma_semaphore, #tpu.memory_space<semaphore_mem>>)
        %dma_start3A_744 = arith.constant 1 : i32
        %dma_start3A_745 = arith.constant 1 : i32
        %dma_start3A_746 = arith.constant 0 : i32
        %dma_start3A_747 = arith.constant 0 : i32
        %dma_start3A_748 = tpu.memref_slice %arg11[%dma_start3A_744, %dma_start3A_746, %dma_start3A_747] : memref<8x8x129xf32, #tpu.memory_space<vmem>> -> memref<1x8x128xf32, #tpu.memory_space<vmem>>
        %dma_start3A_749 = tpu.memref_squeeze %dma_start3A_748 : memref<1x8x128xf32, #tpu.memory_space<vmem>> -> memref<8x128xf32, #tpu.memory_space<vmem>>
        %dma_start3A_750 = arith.constant 0 : i32
        %dma_start3A_751 = arith.constant 0 : i32
        %dma_start3A_752 = tpu.memref_slice %arg4[%add3A_645, %dma_start3A_745, %add3A, %dma_start3A_750, %dma_start3A_751] : memref<200x8x32x8x128xf32, #tpu.memory_space<hbm>> -> memref<1x1x1x8x128xf32, #tpu.memory_space<hbm>>
        %dma_start3A_753 = tpu.memref_squeeze %dma_start3A_752 : memref<1x1x1x8x128xf32, #tpu.memory_space<hbm>> -> memref<8x128xf32, #tpu.memory_space<hbm>>
        %dma_start3A_754 = arith.constant 0 : i32
        %dma_start3A_755 = arith.constant 0 : i32
        %dma_start3A_756 = tpu.memref_slice %arg4[%add3A_645, %dma_start3A_745, %add3A, %dma_start3A_754, %dma_start3A_755] : memref<200x8x32x8x128xf32, #tpu.memory_space<hbm>> -> memref<1x1x1x8x128xf32, #tpu.memory_space<hbm>>
        %dma_start3A_757 = tpu.memref_squeeze %dma_start3A_756 : memref<1x1x1x8x128xf32, #tpu.memory_space<hbm>> -> memref<8x128xf32, #tpu.memory_space<hbm>>
        %dma_start3A_758 = arith.constant 0 : i32
        %dma_start3A_759 = arith.constant 0 : i32
        %dma_start3A_760 = tpu.memref_slice %arg11[%dma_start3A_744, %dma_start3A_758, %dma_start3A_759] : memref<8x8x129xf32, #tpu.memory_space<vmem>> -> memref<1x8x128xf32, #tpu.memory_space<vmem>>
        %dma_start3A_761 = tpu.memref_squeeze %dma_start3A_760 : memref<1x8x128xf32, #tpu.memory_space<vmem>> -> memref<8x128xf32, #tpu.memory_space<vmem>>
        tpu.enqueue_dma source(%dma_start3A_761 : memref<8x128xf32, #tpu.memory_space<vmem>>) target(%dma_start3A_757 : memref<8x128xf32, #tpu.memory_space<hbm>>) target_semaphore(%arg19 : memref<!tpu.dma_semaphore, #tpu.memory_space<semaphore_mem>>)
        %dma_start3A_762 = arith.constant 2 : i32
        %dma_start3A_763 = arith.constant 2 : i32
        %dma_start3A_764 = arith.constant 0 : i32
        %dma_start3A_765 = arith.constant 0 : i32
        %dma_start3A_766 = tpu.memref_slice %arg11[%dma_start3A_762, %dma_start3A_764, %dma_start3A_765] : memref<8x8x129xf32, #tpu.memory_space<vmem>> -> memref<1x8x128xf32, #tpu.memory_space<vmem>>
        %dma_start3A_767 = tpu.memref_squeeze %dma_start3A_766 : memref<1x8x128xf32, #tpu.memory_space<vmem>> -> memref<8x128xf32, #tpu.memory_space<vmem>>
        %dma_start3A_768 = arith.constant 0 : i32
        %dma_start3A_769 = arith.constant 0 : i32
        %dma_start3A_770 = tpu.memref_slice %arg4[%add3A_645, %dma_start3A_763, %add3A, %dma_start3A_768, %dma_start3A_769] : memref<200x8x32x8x128xf32, #tpu.memory_space<hbm>> -> memref<1x1x1x8x128xf32, #tpu.memory_space<hbm>>
        %dma_start3A_771 = tpu.memref_squeeze %dma_start3A_770 : memref<1x1x1x8x128xf32, #tpu.memory_space<hbm>> -> memref<8x128xf32, #tpu.memory_space<hbm>>
        %dma_start3A_772 = arith.constant 0 : i32
        %dma_start3A_773 = arith.constant 0 : i32
        %dma_start3A_774 = tpu.memref_slice %arg4[%add3A_645, %dma_start3A_763, %add3A, %dma_start3A_772, %dma_start3A_773] : memref<200x8x32x8x128xf32, #tpu.memory_space<hbm>> -> memref<1x1x1x8x128xf32, #tpu.memory_space<hbm>>
        %dma_start3A_775 = tpu.memref_squeeze %dma_start3A_774 : memref<1x1x1x8x128xf32, #tpu.memory_space<hbm>> -> memref<8x128xf32, #tpu.memory_space<hbm>>
        %dma_start3A_776 = arith.constant 0 : i32
        %dma_start3A_777 = arith.constant 0 : i32
        %dma_start3A_778 = tpu.memref_slice %arg11[%dma_start3A_762, %dma_start3A_776, %dma_start3A_777] : memref<8x8x129xf32, #tpu.memory_space<vmem>> -> memref<1x8x128xf32, #tpu.memory_space<vmem>>
        %dma_start3A_779 = tpu.memref_squeeze %dma_start3A_778 : memref<1x8x128xf32, #tpu.memory_space<vmem>> -> memref<8x128xf32, #tpu.memory_space<vmem>>
        tpu.enqueue_dma source(%dma_start3A_779 : memref<8x128xf32, #tpu.memory_space<vmem>>) target(%dma_start3A_775 : memref<8x128xf32, #tpu.memory_space<hbm>>) target_semaphore(%arg19 : memref<!tpu.dma_semaphore, #tpu.memory_space<semaphore_mem>>)
        %dma_start3A_780 = arith.constant 3 : i32
        %dma_start3A_781 = arith.constant 3 : i32
        %dma_start3A_782 = arith.constant 0 : i32
        %dma_start3A_783 = arith.constant 0 : i32
        %dma_start3A_784 = tpu.memref_slice %arg11[%dma_start3A_780, %dma_start3A_782, %dma_start3A_783] : memref<8x8x129xf32, #tpu.memory_space<vmem>> -> memref<1x8x128xf32, #tpu.memory_space<vmem>>
        %dma_start3A_785 = tpu.memref_squeeze %dma_start3A_784 : memref<1x8x128xf32, #tpu.memory_space<vmem>> -> memref<8x128xf32, #tpu.memory_space<vmem>>
        %dma_start3A_786 = arith.constant 0 : i32
        %dma_start3A_787 = arith.constant 0 : i32
        %dma_start3A_788 = tpu.memref_slice %arg4[%add3A_645, %dma_start3A_781, %add3A, %dma_start3A_786, %dma_start3A_787] : memref<200x8x32x8x128xf32, #tpu.memory_space<hbm>> -> memref<1x1x1x8x128xf32, #tpu.memory_space<hbm>>
        %dma_start3A_789 = tpu.memref_squeeze %dma_start3A_788 : memref<1x1x1x8x128xf32, #tpu.memory_space<hbm>> -> memref<8x128xf32, #tpu.memory_space<hbm>>
        %dma_start3A_790 = arith.constant 0 : i32
        %dma_start3A_791 = arith.constant 0 : i32
        %dma_start3A_792 = tpu.memref_slice %arg4[%add3A_645, %dma_start3A_781, %add3A, %dma_start3A_790, %dma_start3A_791] : memref<200x8x32x8x128xf32, #tpu.memory_space<hbm>> -> memref<1x1x1x8x128xf32, #tpu.memory_space<hbm>>
        %dma_start3A_793 = tpu.memref_squeeze %dma_start3A_792 : memref<1x1x1x8x128xf32, #tpu.memory_space<hbm>> -> memref<8x128xf32, #tpu.memory_space<hbm>>
        %dma_start3A_794 = arith.constant 0 : i32
        %dma_start3A_795 = arith.constant 0 : i32
        %dma_start3A_796 = tpu.memref_slice %arg11[%dma_start3A_780, %dma_start3A_794, %dma_start3A_795] : memref<8x8x129xf32, #tpu.memory_space<vmem>> -> memref<1x8x128xf32, #tpu.memory_space<vmem>>
        %dma_start3A_797 = tpu.memref_squeeze %dma_start3A_796 : memref<1x8x128xf32, #tpu.memory_space<vmem>> -> memref<8x128xf32, #tpu.memory_space<vmem>>
        tpu.enqueue_dma source(%dma_start3A_797 : memref<8x128xf32, #tpu.memory_space<vmem>>) target(%dma_start3A_793 : memref<8x128xf32, #tpu.memory_space<hbm>>) target_semaphore(%arg19 : memref<!tpu.dma_semaphore, #tpu.memory_space<semaphore_mem>>)
        %dma_start3A_798 = arith.constant 4 : i32
        %dma_start3A_799 = arith.constant 4 : i32
        %dma_start3A_800 = arith.constant 0 : i32
        %dma_start3A_801 = arith.constant 0 : i32
        %dma_start3A_802 = tpu.memref_slice %arg11[%dma_start3A_798, %dma_start3A_800, %dma_start3A_801] : memref<8x8x129xf32, #tpu.memory_space<vmem>> -> memref<1x8x128xf32, #tpu.memory_space<vmem>>
        %dma_start3A_803 = tpu.memref_squeeze %dma_start3A_802 : memref<1x8x128xf32, #tpu.memory_space<vmem>> -> memref<8x128xf32, #tpu.memory_space<vmem>>
        %dma_start3A_804 = arith.constant 0 : i32
        %dma_start3A_805 = arith.constant 0 : i32
        %dma_start3A_806 = tpu.memref_slice %arg4[%add3A_645, %dma_start3A_799, %add3A, %dma_start3A_804, %dma_start3A_805] : memref<200x8x32x8x128xf32, #tpu.memory_space<hbm>> -> memref<1x1x1x8x128xf32, #tpu.memory_space<hbm>>
        %dma_start3A_807 = tpu.memref_squeeze %dma_start3A_806 : memref<1x1x1x8x128xf32, #tpu.memory_space<hbm>> -> memref<8x128xf32, #tpu.memory_space<hbm>>
        %dma_start3A_808 = arith.constant 0 : i32
        %dma_start3A_809 = arith.constant 0 : i32
        %dma_start3A_810 = tpu.memref_slice %arg4[%add3A_645, %dma_start3A_799, %add3A, %dma_start3A_808, %dma_start3A_809] : memref<200x8x32x8x128xf32, #tpu.memory_space<hbm>> -> memref<1x1x1x8x128xf32, #tpu.memory_space<hbm>>
        %dma_start3A_811 = tpu.memref_squeeze %dma_start3A_810 : memref<1x1x1x8x128xf32, #tpu.memory_space<hbm>> -> memref<8x128xf32, #tpu.memory_space<hbm>>
        %dma_start3A_812 = arith.constant 0 : i32
        %dma_start3A_813 = arith.constant 0 : i32
        %dma_start3A_814 = tpu.memref_slice %arg11[%dma_start3A_798, %dma_start3A_812, %dma_start3A_813] : memref<8x8x129xf32, #tpu.memory_space<vmem>> -> memref<1x8x128xf32, #tpu.memory_space<vmem>>
        %dma_start3A_815 = tpu.memref_squeeze %dma_start3A_814 : memref<1x8x128xf32, #tpu.memory_space<vmem>> -> memref<8x128xf32, #tpu.memory_space<vmem>>
        tpu.enqueue_dma source(%dma_start3A_815 : memref<8x128xf32, #tpu.memory_space<vmem>>) target(%dma_start3A_811 : memref<8x128xf32, #tpu.memory_space<hbm>>) target_semaphore(%arg19 : memref<!tpu.dma_semaphore, #tpu.memory_space<semaphore_mem>>)
        %dma_start3A_816 = arith.constant 5 : i32
        %dma_start3A_817 = arith.constant 5 : i32
        %dma_start3A_818 = arith.constant 0 : i32
        %dma_start3A_819 = arith.constant 0 : i32
        %dma_start3A_820 = tpu.memref_slice %arg11[%dma_start3A_816, %dma_start3A_818, %dma_start3A_819] : memref<8x8x129xf32, #tpu.memory_space<vmem>> -> memref<1x8x128xf32, #tpu.memory_space<vmem>>
        %dma_start3A_821 = tpu.memref_squeeze %dma_start3A_820 : memref<1x8x128xf32, #tpu.memory_space<vmem>> -> memref<8x128xf32, #tpu.memory_space<vmem>>
        %dma_start3A_822 = arith.constant 0 : i32
        %dma_start3A_823 = arith.constant 0 : i32
        %dma_start3A_824 = tpu.memref_slice %arg4[%add3A_645, %dma_start3A_817, %add3A, %dma_start3A_822, %dma_start3A_823] : memref<200x8x32x8x128xf32, #tpu.memory_space<hbm>> -> memref<1x1x1x8x128xf32, #tpu.memory_space<hbm>>
        %dma_start3A_825 = tpu.memref_squeeze %dma_start3A_824 : memref<1x1x1x8x128xf32, #tpu.memory_space<hbm>> -> memref<8x128xf32, #tpu.memory_space<hbm>>
        %dma_start3A_826 = arith.constant 0 : i32
        %dma_start3A_827 = arith.constant 0 : i32
        %dma_start3A_828 = tpu.memref_slice %arg4[%add3A_645, %dma_start3A_817, %add3A, %dma_start3A_826, %dma_start3A_827] : memref<200x8x32x8x128xf32, #tpu.memory_space<hbm>> -> memref<1x1x1x8x128xf32, #tpu.memory_space<hbm>>
        %dma_start3A_829 = tpu.memref_squeeze %dma_start3A_828 : memref<1x1x1x8x128xf32, #tpu.memory_space<hbm>> -> memref<8x128xf32, #tpu.memory_space<hbm>>
        %dma_start3A_830 = arith.constant 0 : i32
        %dma_start3A_831 = arith.constant 0 : i32
        %dma_start3A_832 = tpu.memref_slice %arg11[%dma_start3A_816, %dma_start3A_830, %dma_start3A_831] : memref<8x8x129xf32, #tpu.memory_space<vmem>> -> memref<1x8x128xf32, #tpu.memory_space<vmem>>
        %dma_start3A_833 = tpu.memref_squeeze %dma_start3A_832 : memref<1x8x128xf32, #tpu.memory_space<vmem>> -> memref<8x128xf32, #tpu.memory_space<vmem>>
        tpu.enqueue_dma source(%dma_start3A_833 : memref<8x128xf32, #tpu.memory_space<vmem>>) target(%dma_start3A_829 : memref<8x128xf32, #tpu.memory_space<hbm>>) target_semaphore(%arg19 : memref<!tpu.dma_semaphore, #tpu.memory_space<semaphore_mem>>)
        %dma_start3A_834 = arith.constant 6 : i32
        %dma_start3A_835 = arith.constant 6 : i32
        %dma_start3A_836 = arith.constant 0 : i32
        %dma_start3A_837 = arith.constant 0 : i32
        %dma_start3A_838 = tpu.memref_slice %arg11[%dma_start3A_834, %dma_start3A_836, %dma_start3A_837] : memref<8x8x129xf32, #tpu.memory_space<vmem>> -> memref<1x8x128xf32, #tpu.memory_space<vmem>>
        %dma_start3A_839 = tpu.memref_squeeze %dma_start3A_838 : memref<1x8x128xf32, #tpu.memory_space<vmem>> -> memref<8x128xf32, #tpu.memory_space<vmem>>
        %dma_start3A_840 = arith.constant 0 : i32
        %dma_start3A_841 = arith.constant 0 : i32
        %dma_start3A_842 = tpu.memref_slice %arg4[%add3A_645, %dma_start3A_835, %add3A, %dma_start3A_840, %dma_start3A_841] : memref<200x8x32x8x128xf32, #tpu.memory_space<hbm>> -> memref<1x1x1x8x128xf32, #tpu.memory_space<hbm>>
        %dma_start3A_843 = tpu.memref_squeeze %dma_start3A_842 : memref<1x1x1x8x128xf32, #tpu.memory_space<hbm>> -> memref<8x128xf32, #tpu.memory_space<hbm>>
        %dma_start3A_844 = arith.constant 0 : i32
        %dma_start3A_845 = arith.constant 0 : i32
        %dma_start3A_846 = tpu.memref_slice %arg4[%add3A_645, %dma_start3A_835, %add3A, %dma_start3A_844, %dma_start3A_845] : memref<200x8x32x8x128xf32, #tpu.memory_space<hbm>> -> memref<1x1x1x8x128xf32, #tpu.memory_space<hbm>>
        %dma_start3A_847 = tpu.memref_squeeze %dma_start3A_846 : memref<1x1x1x8x128xf32, #tpu.memory_space<hbm>> -> memref<8x128xf32, #tpu.memory_space<hbm>>
        %dma_start3A_848 = arith.constant 0 : i32
        %dma_start3A_849 = arith.constant 0 : i32
        %dma_start3A_850 = tpu.memref_slice %arg11[%dma_start3A_834, %dma_start3A_848, %dma_start3A_849] : memref<8x8x129xf32, #tpu.memory_space<vmem>> -> memref<1x8x128xf32, #tpu.memory_space<vmem>>
        %dma_start3A_851 = tpu.memref_squeeze %dma_start3A_850 : memref<1x8x128xf32, #tpu.memory_space<vmem>> -> memref<8x128xf32, #tpu.memory_space<vmem>>
        tpu.enqueue_dma source(%dma_start3A_851 : memref<8x128xf32, #tpu.memory_space<vmem>>) target(%dma_start3A_847 : memref<8x128xf32, #tpu.memory_space<hbm>>) target_semaphore(%arg19 : memref<!tpu.dma_semaphore, #tpu.memory_space<semaphore_mem>>)
        %dma_start3A_852 = arith.constant 7 : i32
        %dma_start3A_853 = arith.constant 7 : i32
        %dma_start3A_854 = arith.constant 0 : i32
        %dma_start3A_855 = arith.constant 0 : i32
        %dma_start3A_856 = tpu.memref_slice %arg11[%dma_start3A_852, %dma_start3A_854, %dma_start3A_855] : memref<8x8x129xf32, #tpu.memory_space<vmem>> -> memref<1x8x128xf32, #tpu.memory_space<vmem>>
        %dma_start3A_857 = tpu.memref_squeeze %dma_start3A_856 : memref<1x8x128xf32, #tpu.memory_space<vmem>> -> memref<8x128xf32, #tpu.memory_space<vmem>>
        %dma_start3A_858 = arith.constant 0 : i32
        %dma_start3A_859 = arith.constant 0 : i32
        %dma_start3A_860 = tpu.memref_slice %arg4[%add3A_645, %dma_start3A_853, %add3A, %dma_start3A_858, %dma_start3A_859] : memref<200x8x32x8x128xf32, #tpu.memory_space<hbm>> -> memref<1x1x1x8x128xf32, #tpu.memory_space<hbm>>
        %dma_start3A_861 = tpu.memref_squeeze %dma_start3A_860 : memref<1x1x1x8x128xf32, #tpu.memory_space<hbm>> -> memref<8x128xf32, #tpu.memory_space<hbm>>
        %dma_start3A_862 = arith.constant 0 : i32
        %dma_start3A_863 = arith.constant 0 : i32
        %dma_start3A_864 = tpu.memref_slice %arg4[%add3A_645, %dma_start3A_853, %add3A, %dma_start3A_862, %dma_start3A_863] : memref<200x8x32x8x128xf32, #tpu.memory_space<hbm>> -> memref<1x1x1x8x128xf32, #tpu.memory_space<hbm>>
        %dma_start3A_865 = tpu.memref_squeeze %dma_start3A_864 : memref<1x1x1x8x128xf32, #tpu.memory_space<hbm>> -> memref<8x128xf32, #tpu.memory_space<hbm>>
        %dma_start3A_866 = arith.constant 0 : i32
        %dma_start3A_867 = arith.constant 0 : i32
        %dma_start3A_868 = tpu.memref_slice %arg11[%dma_start3A_852, %dma_start3A_866, %dma_start3A_867] : memref<8x8x129xf32, #tpu.memory_space<vmem>> -> memref<1x8x128xf32, #tpu.memory_space<vmem>>
        %dma_start3A_869 = tpu.memref_squeeze %dma_start3A_868 : memref<1x8x128xf32, #tpu.memory_space<vmem>> -> memref<8x128xf32, #tpu.memory_space<vmem>>
        tpu.enqueue_dma source(%dma_start3A_869 : memref<8x128xf32, #tpu.memory_space<vmem>>) target(%dma_start3A_865 : memref<8x128xf32, #tpu.memory_space<hbm>>) target_semaphore(%arg19 : memref<!tpu.dma_semaphore, #tpu.memory_space<semaphore_mem>>)
      } else {
      }
      %mul3A_651 = arith.constant 4 : i32
      %mul3A_652 = arith.muli %scan3A_635, %mul3A_651 : i32
      %add3A_653 = arith.constant 2 : i32
      %add3A_654 = arith.addi %mul3A_652, %add3A_653 : i32
      %lt3A_655 = arith.constant 200 : i32
      %lt3A_656 = arith.cmpi slt, %add3A_654, %lt3A_655 : i32
      %convert_element_type3A_657 = arith.extui %lt3A_656 : i1 to i32
      %cond3A_658 = arith.constant 0 : i32
      %cond3A_659 = arith.cmpi ne, %convert_element_type3A_657, %cond3A_658 : i32
      scf.if %cond3A_659 {
        %add3A_669 = arith.constant 3 : i32
        %add3A_670 = arith.addi %add3A_654, %add3A_669 : i32
        %lt3A_671 = arith.constant 200 : i32
        %lt3A_672 = arith.cmpi slt, %add3A_670, %lt3A_671 : i32
        %convert_element_type3A_673 = arith.extui %lt3A_672 : i1 to i32
        %cond3A_674 = arith.constant 0 : i32
        %cond3A_675 = arith.cmpi ne, %convert_element_type3A_673, %cond3A_674 : i32
        scf.if %cond3A_675 {
          %add3A_870 = arith.constant 3 : i32
          %add3A_871 = arith.addi %add3A_654, %add3A_870 : i32
          %dma_start3A_872 = arith.constant 0 : i32
          %dma_start3A_873 = tpu.memref_slice %arg5[%add3A_871, %dma_start3A_872] : memref<200x128xi32, #tpu.memory_space<vmem>> -> memref<1x128xi32, #tpu.memory_space<vmem>>
          %dma_start3A_874 = tpu.memref_squeeze %dma_start3A_873 : memref<1x128xi32, #tpu.memory_space<vmem>> -> memref<128xi32, #tpu.memory_space<vmem>>
          %dma_start3A_875 = arith.constant 0 : i32
          %dma_start3A_876 = arith.constant 0 : i32
          %dma_start3A_877 = tpu.memref_slice %arg3[%dma_start3A_875, %dma_start3A_876] : memref<1000000x64xf32, #tpu.memory_space<hbm>> -> memref<1000000x64xf32, #tpu.memory_space<hbm>>
          tpu.enqueue_indirect_dma source(%dma_start3A_877 : memref<1000000x64xf32, #tpu.memory_space<hbm>>) target(%arg7 : memref<128x64xf32, #tpu.memory_space<vmem>>) offsets(%dma_start3A_874 : memref<128xi32, #tpu.memory_space<vmem>>) semaphore(%arg15 : memref<!tpu.dma_semaphore, #tpu.memory_space<semaphore_mem>>)
        } else {
        }
        %dma_wait3A_676 = arith.constant 0 : i32
        %dma_wait3A_677 = arith.constant 0 : i32
        %dma_wait3A_678 = tpu.memref_slice %arg5[%dma_wait3A_676, %dma_wait3A_677] : memref<200x128xi32, #tpu.memory_space<vmem>> -> memref<1x128xi32, #tpu.memory_space<vmem>>
        %dma_wait3A_679 = tpu.memref_squeeze %dma_wait3A_678 : memref<1x128xi32, #tpu.memory_space<vmem>> -> memref<128xi32, #tpu.memory_space<vmem>>
        %dma_wait3A_680 = arith.constant 0 : i32
        %dma_wait3A_681 = arith.constant 0 : i32
        %dma_wait3A_682 = tpu.memref_slice %arg3[%dma_wait3A_680, %dma_wait3A_681] : memref<1000000x64xf32, #tpu.memory_space<hbm>> -> memref<1000000x64xf32, #tpu.memory_space<hbm>>
        tpu.wait_indirect_dma semaphore(%arg16 : memref<!tpu.dma_semaphore, #tpu.memory_space<semaphore_mem>>) src(%dma_wait3A_682 : memref<1000000x64xf32, #tpu.memory_space<hbm>>) dst(%arg8 : memref<128x64xf32, #tpu.memory_space<vmem>>)
        %ge3A = arith.constant 4 : i32
        %ge3A_683 = arith.cmpi sge, %add3A_654, %ge3A : i32
        %convert_element_type3A_684 = arith.extui %ge3A_683 : i1 to i32
        %cond3A_685 = arith.constant 0 : i32
        %cond3A_686 = arith.cmpi ne, %convert_element_type3A_684, %cond3A_685 : i32
        scf.if %cond3A_686 {
          %dma_wait3A_870 = arith.constant 0 : i32
          %dma_wait3A_871 = arith.constant 0 : i32
          %dma_wait3A_872 = arith.constant 0 : i32
          %dma_wait3A_873 = arith.constant 0 : i32
          %dma_wait3A_874 = arith.constant 0 : i32
          %dma_wait3A_875 = tpu.memref_slice %arg12[%dma_wait3A_870, %dma_wait3A_873, %dma_wait3A_874] : memref<8x8x129xf32, #tpu.memory_space<vmem>> -> memref<1x8x128xf32, #tpu.memory_space<vmem>>
          %dma_wait3A_876 = tpu.memref_squeeze %dma_wait3A_875 : memref<1x8x128xf32, #tpu.memory_space<vmem>> -> memref<8x128xf32, #tpu.memory_space<vmem>>
          %dma_wait3A_877 = arith.constant 0 : i32
          %dma_wait3A_878 = arith.constant 0 : i32
          %dma_wait3A_879 = tpu.memref_slice %arg4[%dma_wait3A_871, %dma_wait3A_872, %add3A, %dma_wait3A_877, %dma_wait3A_878] : memref<200x8x32x8x128xf32, #tpu.memory_space<hbm>> -> memref<1x1x1x8x128xf32, #tpu.memory_space<hbm>>
          %dma_wait3A_880 = tpu.memref_squeeze %dma_wait3A_879 : memref<1x1x1x8x128xf32, #tpu.memory_space<hbm>> -> memref<8x128xf32, #tpu.memory_space<hbm>>
          %dma_wait3A_881 = arith.constant 0 : i32
          %dma_wait3A_882 = arith.constant 0 : i32
          %dma_wait3A_883 = tpu.memref_slice %arg4[%dma_wait3A_871, %dma_wait3A_872, %add3A, %dma_wait3A_881, %dma_wait3A_882] : memref<200x8x32x8x128xf32, #tpu.memory_space<hbm>> -> memref<1x1x1x8x128xf32, #tpu.memory_space<hbm>>
          %dma_wait3A_884 = tpu.memref_squeeze %dma_wait3A_883 : memref<1x1x1x8x128xf32, #tpu.memory_space<hbm>> -> memref<8x128xf32, #tpu.memory_space<hbm>>
          %dma_wait3A_885 = arith.constant 0 : i32
          %dma_wait3A_886 = arith.constant 0 : i32
          %dma_wait3A_887 = tpu.memref_slice %arg12[%dma_wait3A_870, %dma_wait3A_885, %dma_wait3A_886] : memref<8x8x129xf32, #tpu.memory_space<vmem>> -> memref<1x8x128xf32, #tpu.memory_space<vmem>>
          %dma_wait3A_888 = tpu.memref_squeeze %dma_wait3A_887 : memref<1x8x128xf32, #tpu.memory_space<vmem>> -> memref<8x128xf32, #tpu.memory_space<vmem>>
          tpu.wait_dma2 semaphore(%arg20 : memref<!tpu.dma_semaphore, #tpu.memory_space<semaphore_mem>>) src(%dma_wait3A_888 : memref<8x128xf32, #tpu.memory_space<vmem>>) dst(%dma_wait3A_884 : memref<8x128xf32, #tpu.memory_space<hbm>>)
          %dma_wait3A_889 = arith.constant 1 : i32
          %dma_wait3A_890 = arith.constant 0 : i32
          %dma_wait3A_891 = arith.constant 1 : i32
          %dma_wait3A_892 = arith.constant 0 : i32
          %dma_wait3A_893 = arith.constant 0 : i32
          %dma_wait3A_894 = tpu.memref_slice %arg12[%dma_wait3A_889, %dma_wait3A_892, %dma_wait3A_893] : memref<8x8x129xf32, #tpu.memory_space<vmem>> -> memref<1x8x128xf32, #tpu.memory_space<vmem>>
          %dma_wait3A_895 = tpu.memref_squeeze %dma_wait3A_894 : memref<1x8x128xf32, #tpu.memory_space<vmem>> -> memref<8x128xf32, #tpu.memory_space<vmem>>
          %dma_wait3A_896 = arith.constant 0 : i32
          %dma_wait3A_897 = arith.constant 0 : i32
          %dma_wait3A_898 = tpu.memref_slice %arg4[%dma_wait3A_890, %dma_wait3A_891, %add3A, %dma_wait3A_896, %dma_wait3A_897] : memref<200x8x32x8x128xf32, #tpu.memory_space<hbm>> -> memref<1x1x1x8x128xf32, #tpu.memory_space<hbm>>
          %dma_wait3A_899 = tpu.memref_squeeze %dma_wait3A_898 : memref<1x1x1x8x128xf32, #tpu.memory_space<hbm>> -> memref<8x128xf32, #tpu.memory_space<hbm>>
          %dma_wait3A_900 = arith.constant 0 : i32
          %dma_wait3A_901 = arith.constant 0 : i32
          %dma_wait3A_902 = tpu.memref_slice %arg4[%dma_wait3A_890, %dma_wait3A_891, %add3A, %dma_wait3A_900, %dma_wait3A_901] : memref<200x8x32x8x128xf32, #tpu.memory_space<hbm>> -> memref<1x1x1x8x128xf32, #tpu.memory_space<hbm>>
          %dma_wait3A_903 = tpu.memref_squeeze %dma_wait3A_902 : memref<1x1x1x8x128xf32, #tpu.memory_space<hbm>> -> memref<8x128xf32, #tpu.memory_space<hbm>>
          %dma_wait3A_904 = arith.constant 0 : i32
          %dma_wait3A_905 = arith.constant 0 : i32
          %dma_wait3A_906 = tpu.memref_slice %arg12[%dma_wait3A_889, %dma_wait3A_904, %dma_wait3A_905] : memref<8x8x129xf32, #tpu.memory_space<vmem>> -> memref<1x8x128xf32, #tpu.memory_space<vmem>>
          %dma_wait3A_907 = tpu.memref_squeeze %dma_wait3A_906 : memref<1x8x128xf32, #tpu.memory_space<vmem>> -> memref<8x128xf32, #tpu.memory_space<vmem>>
          tpu.wait_dma2 semaphore(%arg20 : memref<!tpu.dma_semaphore, #tpu.memory_space<semaphore_mem>>) src(%dma_wait3A_907 : memref<8x128xf32, #tpu.memory_space<vmem>>) dst(%dma_wait3A_903 : memref<8x128xf32, #tpu.memory_space<hbm>>)
          %dma_wait3A_908 = arith.constant 2 : i32
          %dma_wait3A_909 = arith.constant 0 : i32
          %dma_wait3A_910 = arith.constant 2 : i32
          %dma_wait3A_911 = arith.constant 0 : i32
          %dma_wait3A_912 = arith.constant 0 : i32
          %dma_wait3A_913 = tpu.memref_slice %arg12[%dma_wait3A_908, %dma_wait3A_911, %dma_wait3A_912] : memref<8x8x129xf32, #tpu.memory_space<vmem>> -> memref<1x8x128xf32, #tpu.memory_space<vmem>>
          %dma_wait3A_914 = tpu.memref_squeeze %dma_wait3A_913 : memref<1x8x128xf32, #tpu.memory_space<vmem>> -> memref<8x128xf32, #tpu.memory_space<vmem>>
          %dma_wait3A_915 = arith.constant 0 : i32
          %dma_wait3A_916 = arith.constant 0 : i32
          %dma_wait3A_917 = tpu.memref_slice %arg4[%dma_wait3A_909, %dma_wait3A_910, %add3A, %dma_wait3A_915, %dma_wait3A_916] : memref<200x8x32x8x128xf32, #tpu.memory_space<hbm>> -> memref<1x1x1x8x128xf32, #tpu.memory_space<hbm>>
          %dma_wait3A_918 = tpu.memref_squeeze %dma_wait3A_917 : memref<1x1x1x8x128xf32, #tpu.memory_space<hbm>> -> memref<8x128xf32, #tpu.memory_space<hbm>>
          %dma_wait3A_919 = arith.constant 0 : i32
          %dma_wait3A_920 = arith.constant 0 : i32
          %dma_wait3A_921 = tpu.memref_slice %arg4[%dma_wait3A_909, %dma_wait3A_910, %add3A, %dma_wait3A_919, %dma_wait3A_920] : memref<200x8x32x8x128xf32, #tpu.memory_space<hbm>> -> memref<1x1x1x8x128xf32, #tpu.memory_space<hbm>>
          %dma_wait3A_922 = tpu.memref_squeeze %dma_wait3A_921 : memref<1x1x1x8x128xf32, #tpu.memory_space<hbm>> -> memref<8x128xf32, #tpu.memory_space<hbm>>
          %dma_wait3A_923 = arith.constant 0 : i32
          %dma_wait3A_924 = arith.constant 0 : i32
          %dma_wait3A_925 = tpu.memref_slice %arg12[%dma_wait3A_908, %dma_wait3A_923, %dma_wait3A_924] : memref<8x8x129xf32, #tpu.memory_space<vmem>> -> memref<1x8x128xf32, #tpu.memory_space<vmem>>
          %dma_wait3A_926 = tpu.memref_squeeze %dma_wait3A_925 : memref<1x8x128xf32, #tpu.memory_space<vmem>> -> memref<8x128xf32, #tpu.memory_space<vmem>>
          tpu.wait_dma2 semaphore(%arg20 : memref<!tpu.dma_semaphore, #tpu.memory_space<semaphore_mem>>) src(%dma_wait3A_926 : memref<8x128xf32, #tpu.memory_space<vmem>>) dst(%dma_wait3A_922 : memref<8x128xf32, #tpu.memory_space<hbm>>)
          %dma_wait3A_927 = arith.constant 3 : i32
          %dma_wait3A_928 = arith.constant 0 : i32
          %dma_wait3A_929 = arith.constant 3 : i32
          %dma_wait3A_930 = arith.constant 0 : i32
          %dma_wait3A_931 = arith.constant 0 : i32
          %dma_wait3A_932 = tpu.memref_slice %arg12[%dma_wait3A_927, %dma_wait3A_930, %dma_wait3A_931] : memref<8x8x129xf32, #tpu.memory_space<vmem>> -> memref<1x8x128xf32, #tpu.memory_space<vmem>>
          %dma_wait3A_933 = tpu.memref_squeeze %dma_wait3A_932 : memref<1x8x128xf32, #tpu.memory_space<vmem>> -> memref<8x128xf32, #tpu.memory_space<vmem>>
          %dma_wait3A_934 = arith.constant 0 : i32
          %dma_wait3A_935 = arith.constant 0 : i32
          %dma_wait3A_936 = tpu.memref_slice %arg4[%dma_wait3A_928, %dma_wait3A_929, %add3A, %dma_wait3A_934, %dma_wait3A_935] : memref<200x8x32x8x128xf32, #tpu.memory_space<hbm>> -> memref<1x1x1x8x128xf32, #tpu.memory_space<hbm>>
          %dma_wait3A_937 = tpu.memref_squeeze %dma_wait3A_936 : memref<1x1x1x8x128xf32, #tpu.memory_space<hbm>> -> memref<8x128xf32, #tpu.memory_space<hbm>>
          %dma_wait3A_938 = arith.constant 0 : i32
          %dma_wait3A_939 = arith.constant 0 : i32
          %dma_wait3A_940 = tpu.memref_slice %arg4[%dma_wait3A_928, %dma_wait3A_929, %add3A, %dma_wait3A_938, %dma_wait3A_939] : memref<200x8x32x8x128xf32, #tpu.memory_space<hbm>> -> memref<1x1x1x8x128xf32, #tpu.memory_space<hbm>>
          %dma_wait3A_941 = tpu.memref_squeeze %dma_wait3A_940 : memref<1x1x1x8x128xf32, #tpu.memory_space<hbm>> -> memref<8x128xf32, #tpu.memory_space<hbm>>
          %dma_wait3A_942 = arith.constant 0 : i32
          %dma_wait3A_943 = arith.constant 0 : i32
          %dma_wait3A_944 = tpu.memref_slice %arg12[%dma_wait3A_927, %dma_wait3A_942, %dma_wait3A_943] : memref<8x8x129xf32, #tpu.memory_space<vmem>> -> memref<1x8x128xf32, #tpu.memory_space<vmem>>
          %dma_wait3A_945 = tpu.memref_squeeze %dma_wait3A_944 : memref<1x8x128xf32, #tpu.memory_space<vmem>> -> memref<8x128xf32, #tpu.memory_space<vmem>>
          tpu.wait_dma2 semaphore(%arg20 : memref<!tpu.dma_semaphore, #tpu.memory_space<semaphore_mem>>) src(%dma_wait3A_945 : memref<8x128xf32, #tpu.memory_space<vmem>>) dst(%dma_wait3A_941 : memref<8x128xf32, #tpu.memory_space<hbm>>)
          %dma_wait3A_946 = arith.constant 4 : i32
          %dma_wait3A_947 = arith.constant 0 : i32
          %dma_wait3A_948 = arith.constant 4 : i32
          %dma_wait3A_949 = arith.constant 0 : i32
          %dma_wait3A_950 = arith.constant 0 : i32
          %dma_wait3A_951 = tpu.memref_slice %arg12[%dma_wait3A_946, %dma_wait3A_949, %dma_wait3A_950] : memref<8x8x129xf32, #tpu.memory_space<vmem>> -> memref<1x8x128xf32, #tpu.memory_space<vmem>>
          %dma_wait3A_952 = tpu.memref_squeeze %dma_wait3A_951 : memref<1x8x128xf32, #tpu.memory_space<vmem>> -> memref<8x128xf32, #tpu.memory_space<vmem>>
          %dma_wait3A_953 = arith.constant 0 : i32
          %dma_wait3A_954 = arith.constant 0 : i32
          %dma_wait3A_955 = tpu.memref_slice %arg4[%dma_wait3A_947, %dma_wait3A_948, %add3A, %dma_wait3A_953, %dma_wait3A_954] : memref<200x8x32x8x128xf32, #tpu.memory_space<hbm>> -> memref<1x1x1x8x128xf32, #tpu.memory_space<hbm>>
          %dma_wait3A_956 = tpu.memref_squeeze %dma_wait3A_955 : memref<1x1x1x8x128xf32, #tpu.memory_space<hbm>> -> memref<8x128xf32, #tpu.memory_space<hbm>>
          %dma_wait3A_957 = arith.constant 0 : i32
          %dma_wait3A_958 = arith.constant 0 : i32
          %dma_wait3A_959 = tpu.memref_slice %arg4[%dma_wait3A_947, %dma_wait3A_948, %add3A, %dma_wait3A_957, %dma_wait3A_958] : memref<200x8x32x8x128xf32, #tpu.memory_space<hbm>> -> memref<1x1x1x8x128xf32, #tpu.memory_space<hbm>>
          %dma_wait3A_960 = tpu.memref_squeeze %dma_wait3A_959 : memref<1x1x1x8x128xf32, #tpu.memory_space<hbm>> -> memref<8x128xf32, #tpu.memory_space<hbm>>
          %dma_wait3A_961 = arith.constant 0 : i32
          %dma_wait3A_962 = arith.constant 0 : i32
          %dma_wait3A_963 = tpu.memref_slice %arg12[%dma_wait3A_946, %dma_wait3A_961, %dma_wait3A_962] : memref<8x8x129xf32, #tpu.memory_space<vmem>> -> memref<1x8x128xf32, #tpu.memory_space<vmem>>
          %dma_wait3A_964 = tpu.memref_squeeze %dma_wait3A_963 : memref<1x8x128xf32, #tpu.memory_space<vmem>> -> memref<8x128xf32, #tpu.memory_space<vmem>>
          tpu.wait_dma2 semaphore(%arg20 : memref<!tpu.dma_semaphore, #tpu.memory_space<semaphore_mem>>) src(%dma_wait3A_964 : memref<8x128xf32, #tpu.memory_space<vmem>>) dst(%dma_wait3A_960 : memref<8x128xf32, #tpu.memory_space<hbm>>)
          %dma_wait3A_965 = arith.constant 5 : i32
          %dma_wait3A_966 = arith.constant 0 : i32
          %dma_wait3A_967 = arith.constant 5 : i32
          %dma_wait3A_968 = arith.constant 0 : i32
          %dma_wait3A_969 = arith.constant 0 : i32
          %dma_wait3A_970 = tpu.memref_slice %arg12[%dma_wait3A_965, %dma_wait3A_968, %dma_wait3A_969] : memref<8x8x129xf32, #tpu.memory_space<vmem>> -> memref<1x8x128xf32, #tpu.memory_space<vmem>>
          %dma_wait3A_971 = tpu.memref_squeeze %dma_wait3A_970 : memref<1x8x128xf32, #tpu.memory_space<vmem>> -> memref<8x128xf32, #tpu.memory_space<vmem>>
          %dma_wait3A_972 = arith.constant 0 : i32
          %dma_wait3A_973 = arith.constant 0 : i32
          %dma_wait3A_974 = tpu.memref_slice %arg4[%dma_wait3A_966, %dma_wait3A_967, %add3A, %dma_wait3A_972, %dma_wait3A_973] : memref<200x8x32x8x128xf32, #tpu.memory_space<hbm>> -> memref<1x1x1x8x128xf32, #tpu.memory_space<hbm>>
          %dma_wait3A_975 = tpu.memref_squeeze %dma_wait3A_974 : memref<1x1x1x8x128xf32, #tpu.memory_space<hbm>> -> memref<8x128xf32, #tpu.memory_space<hbm>>
          %dma_wait3A_976 = arith.constant 0 : i32
          %dma_wait3A_977 = arith.constant 0 : i32
          %dma_wait3A_978 = tpu.memref_slice %arg4[%dma_wait3A_966, %dma_wait3A_967, %add3A, %dma_wait3A_976, %dma_wait3A_977] : memref<200x8x32x8x128xf32, #tpu.memory_space<hbm>> -> memref<1x1x1x8x128xf32, #tpu.memory_space<hbm>>
          %dma_wait3A_979 = tpu.memref_squeeze %dma_wait3A_978 : memref<1x1x1x8x128xf32, #tpu.memory_space<hbm>> -> memref<8x128xf32, #tpu.memory_space<hbm>>
          %dma_wait3A_980 = arith.constant 0 : i32
          %dma_wait3A_981 = arith.constant 0 : i32
          %dma_wait3A_982 = tpu.memref_slice %arg12[%dma_wait3A_965, %dma_wait3A_980, %dma_wait3A_981] : memref<8x8x129xf32, #tpu.memory_space<vmem>> -> memref<1x8x128xf32, #tpu.memory_space<vmem>>
          %dma_wait3A_983 = tpu.memref_squeeze %dma_wait3A_982 : memref<1x8x128xf32, #tpu.memory_space<vmem>> -> memref<8x128xf32, #tpu.memory_space<vmem>>
          tpu.wait_dma2 semaphore(%arg20 : memref<!tpu.dma_semaphore, #tpu.memory_space<semaphore_mem>>) src(%dma_wait3A_983 : memref<8x128xf32, #tpu.memory_space<vmem>>) dst(%dma_wait3A_979 : memref<8x128xf32, #tpu.memory_space<hbm>>)
          %dma_wait3A_984 = arith.constant 6 : i32
          %dma_wait3A_985 = arith.constant 0 : i32
          %dma_wait3A_986 = arith.constant 6 : i32
          %dma_wait3A_987 = arith.constant 0 : i32
          %dma_wait3A_988 = arith.constant 0 : i32
          %dma_wait3A_989 = tpu.memref_slice %arg12[%dma_wait3A_984, %dma_wait3A_987, %dma_wait3A_988] : memref<8x8x129xf32, #tpu.memory_space<vmem>> -> memref<1x8x128xf32, #tpu.memory_space<vmem>>
          %dma_wait3A_990 = tpu.memref_squeeze %dma_wait3A_989 : memref<1x8x128xf32, #tpu.memory_space<vmem>> -> memref<8x128xf32, #tpu.memory_space<vmem>>
          %dma_wait3A_991 = arith.constant 0 : i32
          %dma_wait3A_992 = arith.constant 0 : i32
          %dma_wait3A_993 = tpu.memref_slice %arg4[%dma_wait3A_985, %dma_wait3A_986, %add3A, %dma_wait3A_991, %dma_wait3A_992] : memref<200x8x32x8x128xf32, #tpu.memory_space<hbm>> -> memref<1x1x1x8x128xf32, #tpu.memory_space<hbm>>
          %dma_wait3A_994 = tpu.memref_squeeze %dma_wait3A_993 : memref<1x1x1x8x128xf32, #tpu.memory_space<hbm>> -> memref<8x128xf32, #tpu.memory_space<hbm>>
          %dma_wait3A_995 = arith.constant 0 : i32
          %dma_wait3A_996 = arith.constant 0 : i32
          %dma_wait3A_997 = tpu.memref_slice %arg4[%dma_wait3A_985, %dma_wait3A_986, %add3A, %dma_wait3A_995, %dma_wait3A_996] : memref<200x8x32x8x128xf32, #tpu.memory_space<hbm>> -> memref<1x1x1x8x128xf32, #tpu.memory_space<hbm>>
          %dma_wait3A_998 = tpu.memref_squeeze %dma_wait3A_997 : memref<1x1x1x8x128xf32, #tpu.memory_space<hbm>> -> memref<8x128xf32, #tpu.memory_space<hbm>>
          %dma_wait3A_999 = arith.constant 0 : i32
          %dma_wait3A_1000 = arith.constant 0 : i32
          %dma_wait3A_1001 = tpu.memref_slice %arg12[%dma_wait3A_984, %dma_wait3A_999, %dma_wait3A_1000] : memref<8x8x129xf32, #tpu.memory_space<vmem>> -> memref<1x8x128xf32, #tpu.memory_space<vmem>>
          %dma_wait3A_1002 = tpu.memref_squeeze %dma_wait3A_1001 : memref<1x8x128xf32, #tpu.memory_space<vmem>> -> memref<8x128xf32, #tpu.memory_space<vmem>>
          tpu.wait_dma2 semaphore(%arg20 : memref<!tpu.dma_semaphore, #tpu.memory_space<semaphore_mem>>) src(%dma_wait3A_1002 : memref<8x128xf32, #tpu.memory_space<vmem>>) dst(%dma_wait3A_998 : memref<8x128xf32, #tpu.memory_space<hbm>>)
          %dma_wait3A_1003 = arith.constant 7 : i32
          %dma_wait3A_1004 = arith.constant 0 : i32
          %dma_wait3A_1005 = arith.constant 7 : i32
          %dma_wait3A_1006 = arith.constant 0 : i32
          %dma_wait3A_1007 = arith.constant 0 : i32
          %dma_wait3A_1008 = tpu.memref_slice %arg12[%dma_wait3A_1003, %dma_wait3A_1006, %dma_wait3A_1007] : memref<8x8x129xf32, #tpu.memory_space<vmem>> -> memref<1x8x128xf32, #tpu.memory_space<vmem>>
          %dma_wait3A_1009 = tpu.memref_squeeze %dma_wait3A_1008 : memref<1x8x128xf32, #tpu.memory_space<vmem>> -> memref<8x128xf32, #tpu.memory_space<vmem>>
          %dma_wait3A_1010 = arith.constant 0 : i32
          %dma_wait3A_1011 = arith.constant 0 : i32
          %dma_wait3A_1012 = tpu.memref_slice %arg4[%dma_wait3A_1004, %dma_wait3A_1005, %add3A, %dma_wait3A_1010, %dma_wait3A_1011] : memref<200x8x32x8x128xf32, #tpu.memory_space<hbm>> -> memref<1x1x1x8x128xf32, #tpu.memory_space<hbm>>
          %dma_wait3A_1013 = tpu.memref_squeeze %dma_wait3A_1012 : memref<1x1x1x8x128xf32, #tpu.memory_space<hbm>> -> memref<8x128xf32, #tpu.memory_space<hbm>>
          %dma_wait3A_1014 = arith.constant 0 : i32
          %dma_wait3A_1015 = arith.constant 0 : i32
          %dma_wait3A_1016 = tpu.memref_slice %arg4[%dma_wait3A_1004, %dma_wait3A_1005, %add3A, %dma_wait3A_1014, %dma_wait3A_1015] : memref<200x8x32x8x128xf32, #tpu.memory_space<hbm>> -> memref<1x1x1x8x128xf32, #tpu.memory_space<hbm>>
          %dma_wait3A_1017 = tpu.memref_squeeze %dma_wait3A_1016 : memref<1x1x1x8x128xf32, #tpu.memory_space<hbm>> -> memref<8x128xf32, #tpu.memory_space<hbm>>
          %dma_wait3A_1018 = arith.constant 0 : i32
          %dma_wait3A_1019 = arith.constant 0 : i32
          %dma_wait3A_1020 = tpu.memref_slice %arg12[%dma_wait3A_1003, %dma_wait3A_1018, %dma_wait3A_1019] : memref<8x8x129xf32, #tpu.memory_space<vmem>> -> memref<1x8x128xf32, #tpu.memory_space<vmem>>
          %dma_wait3A_1021 = tpu.memref_squeeze %dma_wait3A_1020 : memref<1x8x128xf32, #tpu.memory_space<vmem>> -> memref<8x128xf32, #tpu.memory_space<vmem>>
          tpu.wait_dma2 semaphore(%arg20 : memref<!tpu.dma_semaphore, #tpu.memory_space<semaphore_mem>>) src(%dma_wait3A_1021 : memref<8x128xf32, #tpu.memory_space<vmem>>) dst(%dma_wait3A_1017 : memref<8x128xf32, #tpu.memory_space<hbm>>)
        } else {
        }
        %iota3A = tpu.iota {dimensions = array<i32: 0>} : vector<16xi32>
        %add3A_687 = arith.constant 0 : i32
        %add3A_688 = vector.broadcast %add3A_687 : i32 to vector<16xi32>
        %add3A_689 = arith.addi %add3A_688, %iota3A : vector<16xi32>
        %iota3A_690 = tpu.iota {dimensions = array<i32: 0>} : vector<16xi32>
        %add3A_691 = arith.constant 16 : i32
        %add3A_692 = vector.broadcast %add3A_691 : i32 to vector<16xi32>
        %add3A_693 = arith.addi %add3A_692, %iota3A_690 : vector<16xi32>
        %iota3A_694 = tpu.iota {dimensions = array<i32: 0>} : vector<16xi32>
        %add3A_695 = arith.constant 32 : i32
        %add3A_696 = vector.broadcast %add3A_695 : i32 to vector<16xi32>
        %add3A_697 = arith.addi %add3A_696, %iota3A_694 : vector<16xi32>
        %iota3A_698 = tpu.iota {dimensions = array<i32: 0>} : vector<16xi32>
        %add3A_699 = arith.constant 48 : i32
        %add3A_700 = vector.broadcast %add3A_699 : i32 to vector<16xi32>
        %add3A_701 = arith.addi %add3A_700, %iota3A_698 : vector<16xi32>
        %shift_right_arithmetic3A = arith.constant 3 : i32
        %shift_right_arithmetic3A_702 = vector.broadcast %shift_right_arithmetic3A : i32 to vector<16xi32>
        %shift_right_arithmetic3A_703 = arith.shrsi %add3A_689, %shift_right_arithmetic3A_702 : vector<16xi32>
        %shift_right_arithmetic3A_704 = arith.constant 3 : i32
        %shift_right_arithmetic3A_705 = vector.broadcast %shift_right_arithmetic3A_704 : i32 to vector<16xi32>
        %shift_right_arithmetic3A_706 = arith.shrsi %add3A_693, %shift_right_arithmetic3A_705 : vector<16xi32>
        %shift_right_arithmetic3A_707 = arith.constant 3 : i32
        %shift_right_arithmetic3A_708 = vector.broadcast %shift_right_arithmetic3A_707 : i32 to vector<16xi32>
        %shift_right_arithmetic3A_709 = arith.shrsi %add3A_697, %shift_right_arithmetic3A_708 : vector<16xi32>
        %shift_right_arithmetic3A_710 = arith.constant 3 : i32
        %shift_right_arithmetic3A_711 = vector.broadcast %shift_right_arithmetic3A_710 : i32 to vector<16xi32>
        %shift_right_arithmetic3A_712 = arith.shrsi %add3A_701, %shift_right_arithmetic3A_711 : vector<16xi32>
        %and3A = arith.constant 7 : i32
        %and3A_713 = vector.broadcast %and3A : i32 to vector<16xi32>
        %and3A_714 = arith.andi %add3A_689, %and3A_713 : vector<16xi32>
        %and3A_715 = arith.constant 7 : i32
        %and3A_716 = vector.broadcast %and3A_715 : i32 to vector<16xi32>
        %and3A_717 = arith.andi %add3A_693, %and3A_716 : vector<16xi32>
        %and3A_718 = arith.constant 7 : i32
        %and3A_719 = vector.broadcast %and3A_718 : i32 to vector<16xi32>
        %and3A_720 = arith.andi %add3A_697, %and3A_719 : vector<16xi32>
        %and3A_721 = arith.constant 7 : i32
        %and3A_722 = vector.broadcast %and3A_721 : i32 to vector<16xi32>
        %and3A_723 = arith.andi %add3A_701, %and3A_722 : vector<16xi32>
        %parallel_loop3A = arith.constant 0 : i32
        %parallel_loop3A_724 = arith.constant 128 : i32
        %parallel_loop3A_725 = arith.constant 1 : i32
        scf.for %parallel_loop3A_870 = %parallel_loop3A to %parallel_loop3A_724 step %parallel_loop3A_725  : i32 {
          %parallel_loop3A_871 = vector.broadcast %parallel_loop3A_870 : i32 to vector<16xi32>
          %parallel_loop3A_872 = arith.index_cast %parallel_loop3A_870 : i32 to index
          %parallel_loop3A_873 = arith.constant 0 : index
          %parallel_loop3A_874 = tpu.vector_load %arg8[%parallel_loop3A_872, %parallel_loop3A_873] {strides = array<i32>} : memref<128x64xf32, #tpu.memory_space<vmem>>, vector<16xf32>,
          %parallel_loop3A_875 = arith.constant 8.000000e+00 : f32
          %parallel_loop3A_876 = vector.broadcast %parallel_loop3A_875 : f32 to vector<16xf32>
          %parallel_loop3A_877 = arith.mulf %parallel_loop3A_874, %parallel_loop3A_876 : vector<16xf32>
          tpu.vector_store_idx %arg12[%shift_right_arithmetic3A_703, %and3A_714, %parallel_loop3A_871], %parallel_loop3A_877 : memref<8x8x129xf32, #tpu.memory_space<vmem>>[vector<16xi32>, vector<16xi32>, vector<16xi32>], vector<16xf32>,
          %parallel_loop3A_878 = arith.index_cast %parallel_loop3A_870 : i32 to index
          %parallel_loop3A_879 = arith.constant 16 : index
          %parallel_loop3A_880 = tpu.vector_load %arg8[%parallel_loop3A_878, %parallel_loop3A_879] {strides = array<i32>} : memref<128x64xf32, #tpu.memory_space<vmem>>, vector<16xf32>,
          %parallel_loop3A_881 = arith.constant 8.000000e+00 : f32
          %parallel_loop3A_882 = vector.broadcast %parallel_loop3A_881 : f32 to vector<16xf32>
          %parallel_loop3A_883 = arith.mulf %parallel_loop3A_880, %parallel_loop3A_882 : vector<16xf32>
          tpu.vector_store_idx %arg12[%shift_right_arithmetic3A_706, %and3A_717, %parallel_loop3A_871], %parallel_loop3A_883 : memref<8x8x129xf32, #tpu.memory_space<vmem>>[vector<16xi32>, vector<16xi32>, vector<16xi32>], vector<16xf32>,
          %parallel_loop3A_884 = arith.index_cast %parallel_loop3A_870 : i32 to index
          %parallel_loop3A_885 = arith.constant 32 : index
          %parallel_loop3A_886 = tpu.vector_load %arg8[%parallel_loop3A_884, %parallel_loop3A_885] {strides = array<i32>} : memref<128x64xf32, #tpu.memory_space<vmem>>, vector<16xf32>,
          %parallel_loop3A_887 = arith.constant 8.000000e+00 : f32
          %parallel_loop3A_888 = vector.broadcast %parallel_loop3A_887 : f32 to vector<16xf32>
          %parallel_loop3A_889 = arith.mulf %parallel_loop3A_886, %parallel_loop3A_888 : vector<16xf32>
          tpu.vector_store_idx %arg12[%shift_right_arithmetic3A_709, %and3A_720, %parallel_loop3A_871], %parallel_loop3A_889 : memref<8x8x129xf32, #tpu.memory_space<vmem>>[vector<16xi32>, vector<16xi32>, vector<16xi32>], vector<16xf32>,
          %parallel_loop3A_890 = arith.index_cast %parallel_loop3A_870 : i32 to index
          %parallel_loop3A_891 = arith.constant 48 : index
          %parallel_loop3A_892 = tpu.vector_load %arg8[%parallel_loop3A_890, %parallel_loop3A_891] {strides = array<i32>} : memref<128x64xf32, #tpu.memory_space<vmem>>, vector<16xf32>,
          %parallel_loop3A_893 = arith.constant 8.000000e+00 : f32
          %parallel_loop3A_894 = vector.broadcast %parallel_loop3A_893 : f32 to vector<16xf32>
          %parallel_loop3A_895 = arith.mulf %parallel_loop3A_892, %parallel_loop3A_894 : vector<16xf32>
          tpu.vector_store_idx %arg12[%shift_right_arithmetic3A_712, %and3A_723, %parallel_loop3A_871], %parallel_loop3A_895 : memref<8x8x129xf32, #tpu.memory_space<vmem>>[vector<16xi32>, vector<16xi32>, vector<16xi32>], vector<16xf32>,
        } {sc.loop_unroll_factor = 8 : i64, sc.parallel_access}
        %dma_start3A_726 = arith.constant 0 : i32
        %dma_start3A_727 = arith.constant 0 : i32
        %dma_start3A_728 = arith.constant 0 : i32
        %dma_start3A_729 = arith.constant 0 : i32
        %dma_start3A_730 = tpu.memref_slice %arg12[%dma_start3A_726, %dma_start3A_728, %dma_start3A_729] : memref<8x8x129xf32, #tpu.memory_space<vmem>> -> memref<1x8x128xf32, #tpu.memory_space<vmem>>
        %dma_start3A_731 = tpu.memref_squeeze %dma_start3A_730 : memref<1x8x128xf32, #tpu.memory_space<vmem>> -> memref<8x128xf32, #tpu.memory_space<vmem>>
        %dma_start3A_732 = arith.constant 0 : i32
        %dma_start3A_733 = arith.constant 0 : i32
        %dma_start3A_734 = tpu.memref_slice %arg4[%add3A_654, %dma_start3A_727, %add3A, %dma_start3A_732, %dma_start3A_733] : memref<200x8x32x8x128xf32, #tpu.memory_space<hbm>> -> memref<1x1x1x8x128xf32, #tpu.memory_space<hbm>>
        %dma_start3A_735 = tpu.memref_squeeze %dma_start3A_734 : memref<1x1x1x8x128xf32, #tpu.memory_space<hbm>> -> memref<8x128xf32, #tpu.memory_space<hbm>>
        %dma_start3A_736 = arith.constant 0 : i32
        %dma_start3A_737 = arith.constant 0 : i32
        %dma_start3A_738 = tpu.memref_slice %arg4[%add3A_654, %dma_start3A_727, %add3A, %dma_start3A_736, %dma_start3A_737] : memref<200x8x32x8x128xf32, #tpu.memory_space<hbm>> -> memref<1x1x1x8x128xf32, #tpu.memory_space<hbm>>
        %dma_start3A_739 = tpu.memref_squeeze %dma_start3A_738 : memref<1x1x1x8x128xf32, #tpu.memory_space<hbm>> -> memref<8x128xf32, #tpu.memory_space<hbm>>
        %dma_start3A_740 = arith.constant 0 : i32
        %dma_start3A_741 = arith.constant 0 : i32
        %dma_start3A_742 = tpu.memref_slice %arg12[%dma_start3A_726, %dma_start3A_740, %dma_start3A_741] : memref<8x8x129xf32, #tpu.memory_space<vmem>> -> memref<1x8x128xf32, #tpu.memory_space<vmem>>
        %dma_start3A_743 = tpu.memref_squeeze %dma_start3A_742 : memref<1x8x128xf32, #tpu.memory_space<vmem>> -> memref<8x128xf32, #tpu.memory_space<vmem>>
        tpu.enqueue_dma source(%dma_start3A_743 : memref<8x128xf32, #tpu.memory_space<vmem>>) target(%dma_start3A_739 : memref<8x128xf32, #tpu.memory_space<hbm>>) target_semaphore(%arg20 : memref<!tpu.dma_semaphore, #tpu.memory_space<semaphore_mem>>)
        %dma_start3A_744 = arith.constant 1 : i32
        %dma_start3A_745 = arith.constant 1 : i32
        %dma_start3A_746 = arith.constant 0 : i32
        %dma_start3A_747 = arith.constant 0 : i32
        %dma_start3A_748 = tpu.memref_slice %arg12[%dma_start3A_744, %dma_start3A_746, %dma_start3A_747] : memref<8x8x129xf32, #tpu.memory_space<vmem>> -> memref<1x8x128xf32, #tpu.memory_space<vmem>>
        %dma_start3A_749 = tpu.memref_squeeze %dma_start3A_748 : memref<1x8x128xf32, #tpu.memory_space<vmem>> -> memref<8x128xf32, #tpu.memory_space<vmem>>
        %dma_start3A_750 = arith.constant 0 : i32
        %dma_start3A_751 = arith.constant 0 : i32
        %dma_start3A_752 = tpu.memref_slice %arg4[%add3A_654, %dma_start3A_745, %add3A, %dma_start3A_750, %dma_start3A_751] : memref<200x8x32x8x128xf32, #tpu.memory_space<hbm>> -> memref<1x1x1x8x128xf32, #tpu.memory_space<hbm>>
        %dma_start3A_753 = tpu.memref_squeeze %dma_start3A_752 : memref<1x1x1x8x128xf32, #tpu.memory_space<hbm>> -> memref<8x128xf32, #tpu.memory_space<hbm>>
        %dma_start3A_754 = arith.constant 0 : i32
        %dma_start3A_755 = arith.constant 0 : i32
        %dma_start3A_756 = tpu.memref_slice %arg4[%add3A_654, %dma_start3A_745, %add3A, %dma_start3A_754, %dma_start3A_755] : memref<200x8x32x8x128xf32, #tpu.memory_space<hbm>> -> memref<1x1x1x8x128xf32, #tpu.memory_space<hbm>>
        %dma_start3A_757 = tpu.memref_squeeze %dma_start3A_756 : memref<1x1x1x8x128xf32, #tpu.memory_space<hbm>> -> memref<8x128xf32, #tpu.memory_space<hbm>>
        %dma_start3A_758 = arith.constant 0 : i32
        %dma_start3A_759 = arith.constant 0 : i32
        %dma_start3A_760 = tpu.memref_slice %arg12[%dma_start3A_744, %dma_start3A_758, %dma_start3A_759] : memref<8x8x129xf32, #tpu.memory_space<vmem>> -> memref<1x8x128xf32, #tpu.memory_space<vmem>>
        %dma_start3A_761 = tpu.memref_squeeze %dma_start3A_760 : memref<1x8x128xf32, #tpu.memory_space<vmem>> -> memref<8x128xf32, #tpu.memory_space<vmem>>
        tpu.enqueue_dma source(%dma_start3A_761 : memref<8x128xf32, #tpu.memory_space<vmem>>) target(%dma_start3A_757 : memref<8x128xf32, #tpu.memory_space<hbm>>) target_semaphore(%arg20 : memref<!tpu.dma_semaphore, #tpu.memory_space<semaphore_mem>>)
        %dma_start3A_762 = arith.constant 2 : i32
        %dma_start3A_763 = arith.constant 2 : i32
        %dma_start3A_764 = arith.constant 0 : i32
        %dma_start3A_765 = arith.constant 0 : i32
        %dma_start3A_766 = tpu.memref_slice %arg12[%dma_start3A_762, %dma_start3A_764, %dma_start3A_765] : memref<8x8x129xf32, #tpu.memory_space<vmem>> -> memref<1x8x128xf32, #tpu.memory_space<vmem>>
        %dma_start3A_767 = tpu.memref_squeeze %dma_start3A_766 : memref<1x8x128xf32, #tpu.memory_space<vmem>> -> memref<8x128xf32, #tpu.memory_space<vmem>>
        %dma_start3A_768 = arith.constant 0 : i32
        %dma_start3A_769 = arith.constant 0 : i32
        %dma_start3A_770 = tpu.memref_slice %arg4[%add3A_654, %dma_start3A_763, %add3A, %dma_start3A_768, %dma_start3A_769] : memref<200x8x32x8x128xf32, #tpu.memory_space<hbm>> -> memref<1x1x1x8x128xf32, #tpu.memory_space<hbm>>
        %dma_start3A_771 = tpu.memref_squeeze %dma_start3A_770 : memref<1x1x1x8x128xf32, #tpu.memory_space<hbm>> -> memref<8x128xf32, #tpu.memory_space<hbm>>
        %dma_start3A_772 = arith.constant 0 : i32
        %dma_start3A_773 = arith.constant 0 : i32
        %dma_start3A_774 = tpu.memref_slice %arg4[%add3A_654, %dma_start3A_763, %add3A, %dma_start3A_772, %dma_start3A_773] : memref<200x8x32x8x128xf32, #tpu.memory_space<hbm>> -> memref<1x1x1x8x128xf32, #tpu.memory_space<hbm>>
        %dma_start3A_775 = tpu.memref_squeeze %dma_start3A_774 : memref<1x1x1x8x128xf32, #tpu.memory_space<hbm>> -> memref<8x128xf32, #tpu.memory_space<hbm>>
        %dma_start3A_776 = arith.constant 0 : i32
        %dma_start3A_777 = arith.constant 0 : i32
        %dma_start3A_778 = tpu.memref_slice %arg12[%dma_start3A_762, %dma_start3A_776, %dma_start3A_777] : memref<8x8x129xf32, #tpu.memory_space<vmem>> -> memref<1x8x128xf32, #tpu.memory_space<vmem>>
        %dma_start3A_779 = tpu.memref_squeeze %dma_start3A_778 : memref<1x8x128xf32, #tpu.memory_space<vmem>> -> memref<8x128xf32, #tpu.memory_space<vmem>>
        tpu.enqueue_dma source(%dma_start3A_779 : memref<8x128xf32, #tpu.memory_space<vmem>>) target(%dma_start3A_775 : memref<8x128xf32, #tpu.memory_space<hbm>>) target_semaphore(%arg20 : memref<!tpu.dma_semaphore, #tpu.memory_space<semaphore_mem>>)
        %dma_start3A_780 = arith.constant 3 : i32
        %dma_start3A_781 = arith.constant 3 : i32
        %dma_start3A_782 = arith.constant 0 : i32
        %dma_start3A_783 = arith.constant 0 : i32
        %dma_start3A_784 = tpu.memref_slice %arg12[%dma_start3A_780, %dma_start3A_782, %dma_start3A_783] : memref<8x8x129xf32, #tpu.memory_space<vmem>> -> memref<1x8x128xf32, #tpu.memory_space<vmem>>
        %dma_start3A_785 = tpu.memref_squeeze %dma_start3A_784 : memref<1x8x128xf32, #tpu.memory_space<vmem>> -> memref<8x128xf32, #tpu.memory_space<vmem>>
        %dma_start3A_786 = arith.constant 0 : i32
        %dma_start3A_787 = arith.constant 0 : i32
        %dma_start3A_788 = tpu.memref_slice %arg4[%add3A_654, %dma_start3A_781, %add3A, %dma_start3A_786, %dma_start3A_787] : memref<200x8x32x8x128xf32, #tpu.memory_space<hbm>> -> memref<1x1x1x8x128xf32, #tpu.memory_space<hbm>>
        %dma_start3A_789 = tpu.memref_squeeze %dma_start3A_788 : memref<1x1x1x8x128xf32, #tpu.memory_space<hbm>> -> memref<8x128xf32, #tpu.memory_space<hbm>>
        %dma_start3A_790 = arith.constant 0 : i32
        %dma_start3A_791 = arith.constant 0 : i32
        %dma_start3A_792 = tpu.memref_slice %arg4[%add3A_654, %dma_start3A_781, %add3A, %dma_start3A_790, %dma_start3A_791] : memref<200x8x32x8x128xf32, #tpu.memory_space<hbm>> -> memref<1x1x1x8x128xf32, #tpu.memory_space<hbm>>
        %dma_start3A_793 = tpu.memref_squeeze %dma_start3A_792 : memref<1x1x1x8x128xf32, #tpu.memory_space<hbm>> -> memref<8x128xf32, #tpu.memory_space<hbm>>
        %dma_start3A_794 = arith.constant 0 : i32
        %dma_start3A_795 = arith.constant 0 : i32
        %dma_start3A_796 = tpu.memref_slice %arg12[%dma_start3A_780, %dma_start3A_794, %dma_start3A_795] : memref<8x8x129xf32, #tpu.memory_space<vmem>> -> memref<1x8x128xf32, #tpu.memory_space<vmem>>
        %dma_start3A_797 = tpu.memref_squeeze %dma_start3A_796 : memref<1x8x128xf32, #tpu.memory_space<vmem>> -> memref<8x128xf32, #tpu.memory_space<vmem>>
        tpu.enqueue_dma source(%dma_start3A_797 : memref<8x128xf32, #tpu.memory_space<vmem>>) target(%dma_start3A_793 : memref<8x128xf32, #tpu.memory_space<hbm>>) target_semaphore(%arg20 : memref<!tpu.dma_semaphore, #tpu.memory_space<semaphore_mem>>)
        %dma_start3A_798 = arith.constant 4 : i32
        %dma_start3A_799 = arith.constant 4 : i32
        %dma_start3A_800 = arith.constant 0 : i32
        %dma_start3A_801 = arith.constant 0 : i32
        %dma_start3A_802 = tpu.memref_slice %arg12[%dma_start3A_798, %dma_start3A_800, %dma_start3A_801] : memref<8x8x129xf32, #tpu.memory_space<vmem>> -> memref<1x8x128xf32, #tpu.memory_space<vmem>>
        %dma_start3A_803 = tpu.memref_squeeze %dma_start3A_802 : memref<1x8x128xf32, #tpu.memory_space<vmem>> -> memref<8x128xf32, #tpu.memory_space<vmem>>
        %dma_start3A_804 = arith.constant 0 : i32
        %dma_start3A_805 = arith.constant 0 : i32
        %dma_start3A_806 = tpu.memref_slice %arg4[%add3A_654, %dma_start3A_799, %add3A, %dma_start3A_804, %dma_start3A_805] : memref<200x8x32x8x128xf32, #tpu.memory_space<hbm>> -> memref<1x1x1x8x128xf32, #tpu.memory_space<hbm>>
        %dma_start3A_807 = tpu.memref_squeeze %dma_start3A_806 : memref<1x1x1x8x128xf32, #tpu.memory_space<hbm>> -> memref<8x128xf32, #tpu.memory_space<hbm>>
        %dma_start3A_808 = arith.constant 0 : i32
        %dma_start3A_809 = arith.constant 0 : i32
        %dma_start3A_810 = tpu.memref_slice %arg4[%add3A_654, %dma_start3A_799, %add3A, %dma_start3A_808, %dma_start3A_809] : memref<200x8x32x8x128xf32, #tpu.memory_space<hbm>> -> memref<1x1x1x8x128xf32, #tpu.memory_space<hbm>>
        %dma_start3A_811 = tpu.memref_squeeze %dma_start3A_810 : memref<1x1x1x8x128xf32, #tpu.memory_space<hbm>> -> memref<8x128xf32, #tpu.memory_space<hbm>>
        %dma_start3A_812 = arith.constant 0 : i32
        %dma_start3A_813 = arith.constant 0 : i32
        %dma_start3A_814 = tpu.memref_slice %arg12[%dma_start3A_798, %dma_start3A_812, %dma_start3A_813] : memref<8x8x129xf32, #tpu.memory_space<vmem>> -> memref<1x8x128xf32, #tpu.memory_space<vmem>>
        %dma_start3A_815 = tpu.memref_squeeze %dma_start3A_814 : memref<1x8x128xf32, #tpu.memory_space<vmem>> -> memref<8x128xf32, #tpu.memory_space<vmem>>
        tpu.enqueue_dma source(%dma_start3A_815 : memref<8x128xf32, #tpu.memory_space<vmem>>) target(%dma_start3A_811 : memref<8x128xf32, #tpu.memory_space<hbm>>) target_semaphore(%arg20 : memref<!tpu.dma_semaphore, #tpu.memory_space<semaphore_mem>>)
        %dma_start3A_816 = arith.constant 5 : i32
        %dma_start3A_817 = arith.constant 5 : i32
        %dma_start3A_818 = arith.constant 0 : i32
        %dma_start3A_819 = arith.constant 0 : i32
        %dma_start3A_820 = tpu.memref_slice %arg12[%dma_start3A_816, %dma_start3A_818, %dma_start3A_819] : memref<8x8x129xf32, #tpu.memory_space<vmem>> -> memref<1x8x128xf32, #tpu.memory_space<vmem>>
        %dma_start3A_821 = tpu.memref_squeeze %dma_start3A_820 : memref<1x8x128xf32, #tpu.memory_space<vmem>> -> memref<8x128xf32, #tpu.memory_space<vmem>>
        %dma_start3A_822 = arith.constant 0 : i32
        %dma_start3A_823 = arith.constant 0 : i32
        %dma_start3A_824 = tpu.memref_slice %arg4[%add3A_654, %dma_start3A_817, %add3A, %dma_start3A_822, %dma_start3A_823] : memref<200x8x32x8x128xf32, #tpu.memory_space<hbm>> -> memref<1x1x1x8x128xf32, #tpu.memory_space<hbm>>
        %dma_start3A_825 = tpu.memref_squeeze %dma_start3A_824 : memref<1x1x1x8x128xf32, #tpu.memory_space<hbm>> -> memref<8x128xf32, #tpu.memory_space<hbm>>
        %dma_start3A_826 = arith.constant 0 : i32
        %dma_start3A_827 = arith.constant 0 : i32
        %dma_start3A_828 = tpu.memref_slice %arg4[%add3A_654, %dma_start3A_817, %add3A, %dma_start3A_826, %dma_start3A_827] : memref<200x8x32x8x128xf32, #tpu.memory_space<hbm>> -> memref<1x1x1x8x128xf32, #tpu.memory_space<hbm>>
        %dma_start3A_829 = tpu.memref_squeeze %dma_start3A_828 : memref<1x1x1x8x128xf32, #tpu.memory_space<hbm>> -> memref<8x128xf32, #tpu.memory_space<hbm>>
        %dma_start3A_830 = arith.constant 0 : i32
        %dma_start3A_831 = arith.constant 0 : i32
        %dma_start3A_832 = tpu.memref_slice %arg12[%dma_start3A_816, %dma_start3A_830, %dma_start3A_831] : memref<8x8x129xf32, #tpu.memory_space<vmem>> -> memref<1x8x128xf32, #tpu.memory_space<vmem>>
        %dma_start3A_833 = tpu.memref_squeeze %dma_start3A_832 : memref<1x8x128xf32, #tpu.memory_space<vmem>> -> memref<8x128xf32, #tpu.memory_space<vmem>>
        tpu.enqueue_dma source(%dma_start3A_833 : memref<8x128xf32, #tpu.memory_space<vmem>>) target(%dma_start3A_829 : memref<8x128xf32, #tpu.memory_space<hbm>>) target_semaphore(%arg20 : memref<!tpu.dma_semaphore, #tpu.memory_space<semaphore_mem>>)
        %dma_start3A_834 = arith.constant 6 : i32
        %dma_start3A_835 = arith.constant 6 : i32
        %dma_start3A_836 = arith.constant 0 : i32
        %dma_start3A_837 = arith.constant 0 : i32
        %dma_start3A_838 = tpu.memref_slice %arg12[%dma_start3A_834, %dma_start3A_836, %dma_start3A_837] : memref<8x8x129xf32, #tpu.memory_space<vmem>> -> memref<1x8x128xf32, #tpu.memory_space<vmem>>
        %dma_start3A_839 = tpu.memref_squeeze %dma_start3A_838 : memref<1x8x128xf32, #tpu.memory_space<vmem>> -> memref<8x128xf32, #tpu.memory_space<vmem>>
        %dma_start3A_840 = arith.constant 0 : i32
        %dma_start3A_841 = arith.constant 0 : i32
        %dma_start3A_842 = tpu.memref_slice %arg4[%add3A_654, %dma_start3A_835, %add3A, %dma_start3A_840, %dma_start3A_841] : memref<200x8x32x8x128xf32, #tpu.memory_space<hbm>> -> memref<1x1x1x8x128xf32, #tpu.memory_space<hbm>>
        %dma_start3A_843 = tpu.memref_squeeze %dma_start3A_842 : memref<1x1x1x8x128xf32, #tpu.memory_space<hbm>> -> memref<8x128xf32, #tpu.memory_space<hbm>>
        %dma_start3A_844 = arith.constant 0 : i32
        %dma_start3A_845 = arith.constant 0 : i32
        %dma_start3A_846 = tpu.memref_slice %arg4[%add3A_654, %dma_start3A_835, %add3A, %dma_start3A_844, %dma_start3A_845] : memref<200x8x32x8x128xf32, #tpu.memory_space<hbm>> -> memref<1x1x1x8x128xf32, #tpu.memory_space<hbm>>
        %dma_start3A_847 = tpu.memref_squeeze %dma_start3A_846 : memref<1x1x1x8x128xf32, #tpu.memory_space<hbm>> -> memref<8x128xf32, #tpu.memory_space<hbm>>
        %dma_start3A_848 = arith.constant 0 : i32
        %dma_start3A_849 = arith.constant 0 : i32
        %dma_start3A_850 = tpu.memref_slice %arg12[%dma_start3A_834, %dma_start3A_848, %dma_start3A_849] : memref<8x8x129xf32, #tpu.memory_space<vmem>> -> memref<1x8x128xf32, #tpu.memory_space<vmem>>
        %dma_start3A_851 = tpu.memref_squeeze %dma_start3A_850 : memref<1x8x128xf32, #tpu.memory_space<vmem>> -> memref<8x128xf32, #tpu.memory_space<vmem>>
        tpu.enqueue_dma source(%dma_start3A_851 : memref<8x128xf32, #tpu.memory_space<vmem>>) target(%dma_start3A_847 : memref<8x128xf32, #tpu.memory_space<hbm>>) target_semaphore(%arg20 : memref<!tpu.dma_semaphore, #tpu.memory_space<semaphore_mem>>)
        %dma_start3A_852 = arith.constant 7 : i32
        %dma_start3A_853 = arith.constant 7 : i32
        %dma_start3A_854 = arith.constant 0 : i32
        %dma_start3A_855 = arith.constant 0 : i32
        %dma_start3A_856 = tpu.memref_slice %arg12[%dma_start3A_852, %dma_start3A_854, %dma_start3A_855] : memref<8x8x129xf32, #tpu.memory_space<vmem>> -> memref<1x8x128xf32, #tpu.memory_space<vmem>>
        %dma_start3A_857 = tpu.memref_squeeze %dma_start3A_856 : memref<1x8x128xf32, #tpu.memory_space<vmem>> -> memref<8x128xf32, #tpu.memory_space<vmem>>
        %dma_start3A_858 = arith.constant 0 : i32
        %dma_start3A_859 = arith.constant 0 : i32
        %dma_start3A_860 = tpu.memref_slice %arg4[%add3A_654, %dma_start3A_853, %add3A, %dma_start3A_858, %dma_start3A_859] : memref<200x8x32x8x128xf32, #tpu.memory_space<hbm>> -> memref<1x1x1x8x128xf32, #tpu.memory_space<hbm>>
        %dma_start3A_861 = tpu.memref_squeeze %dma_start3A_860 : memref<1x1x1x8x128xf32, #tpu.memory_space<hbm>> -> memref<8x128xf32, #tpu.memory_space<hbm>>
        %dma_start3A_862 = arith.constant 0 : i32
        %dma_start3A_863 = arith.constant 0 : i32
        %dma_start3A_864 = tpu.memref_slice %arg4[%add3A_654, %dma_start3A_853, %add3A, %dma_start3A_862, %dma_start3A_863] : memref<200x8x32x8x128xf32, #tpu.memory_space<hbm>> -> memref<1x1x1x8x128xf32, #tpu.memory_space<hbm>>
        %dma_start3A_865 = tpu.memref_squeeze %dma_start3A_864 : memref<1x1x1x8x128xf32, #tpu.memory_space<hbm>> -> memref<8x128xf32, #tpu.memory_space<hbm>>
        %dma_start3A_866 = arith.constant 0 : i32
        %dma_start3A_867 = arith.constant 0 : i32
        %dma_start3A_868 = tpu.memref_slice %arg12[%dma_start3A_852, %dma_start3A_866, %dma_start3A_867] : memref<8x8x129xf32, #tpu.memory_space<vmem>> -> memref<1x8x128xf32, #tpu.memory_space<vmem>>
        %dma_start3A_869 = tpu.memref_squeeze %dma_start3A_868 : memref<1x8x128xf32, #tpu.memory_space<vmem>> -> memref<8x128xf32, #tpu.memory_space<vmem>>
        tpu.enqueue_dma source(%dma_start3A_869 : memref<8x128xf32, #tpu.memory_space<vmem>>) target(%dma_start3A_865 : memref<8x128xf32, #tpu.memory_space<hbm>>) target_semaphore(%arg20 : memref<!tpu.dma_semaphore, #tpu.memory_space<semaphore_mem>>)
      } else {
      }
      %mul3A_660 = arith.constant 4 : i32
      %mul3A_661 = arith.muli %scan3A_635, %mul3A_660 : i32
      %add3A_662 = arith.constant 3 : i32
      %add3A_663 = arith.addi %mul3A_661, %add3A_662 : i32
      %lt3A_664 = arith.constant 200 : i32
      %lt3A_665 = arith.cmpi slt, %add3A_663, %lt3A_664 : i32
      %convert_element_type3A_666 = arith.extui %lt3A_665 : i1 to i32
      %cond3A_667 = arith.constant 0 : i32
      %cond3A_668 = arith.cmpi ne, %convert_element_type3A_666, %cond3A_667 : i32
      scf.if %cond3A_668 {
        %add3A_669 = arith.constant 3 : i32
        %add3A_670 = arith.addi %add3A_663, %add3A_669 : i32
        %lt3A_671 = arith.constant 200 : i32
        %lt3A_672 = arith.cmpi slt, %add3A_670, %lt3A_671 : i32
        %convert_element_type3A_673 = arith.extui %lt3A_672 : i1 to i32
        %cond3A_674 = arith.constant 0 : i32
        %cond3A_675 = arith.cmpi ne, %convert_element_type3A_673, %cond3A_674 : i32
        scf.if %cond3A_675 {
          %add3A_870 = arith.constant 3 : i32
          %add3A_871 = arith.addi %add3A_663, %add3A_870 : i32
          %dma_start3A_872 = arith.constant 0 : i32
          %dma_start3A_873 = tpu.memref_slice %arg5[%add3A_871, %dma_start3A_872] : memref<200x128xi32, #tpu.memory_space<vmem>> -> memref<1x128xi32, #tpu.memory_space<vmem>>
          %dma_start3A_874 = tpu.memref_squeeze %dma_start3A_873 : memref<1x128xi32, #tpu.memory_space<vmem>> -> memref<128xi32, #tpu.memory_space<vmem>>
          %dma_start3A_875 = arith.constant 0 : i32
          %dma_start3A_876 = arith.constant 0 : i32
          %dma_start3A_877 = tpu.memref_slice %arg3[%dma_start3A_875, %dma_start3A_876] : memref<1000000x64xf32, #tpu.memory_space<hbm>> -> memref<1000000x64xf32, #tpu.memory_space<hbm>>
          tpu.enqueue_indirect_dma source(%dma_start3A_877 : memref<1000000x64xf32, #tpu.memory_space<hbm>>) target(%arg8 : memref<128x64xf32, #tpu.memory_space<vmem>>) offsets(%dma_start3A_874 : memref<128xi32, #tpu.memory_space<vmem>>) semaphore(%arg16 : memref<!tpu.dma_semaphore, #tpu.memory_space<semaphore_mem>>)
        } else {
        }
        %dma_wait3A_676 = arith.constant 0 : i32
        %dma_wait3A_677 = arith.constant 0 : i32
        %dma_wait3A_678 = tpu.memref_slice %arg5[%dma_wait3A_676, %dma_wait3A_677] : memref<200x128xi32, #tpu.memory_space<vmem>> -> memref<1x128xi32, #tpu.memory_space<vmem>>
        %dma_wait3A_679 = tpu.memref_squeeze %dma_wait3A_678 : memref<1x128xi32, #tpu.memory_space<vmem>> -> memref<128xi32, #tpu.memory_space<vmem>>
        %dma_wait3A_680 = arith.constant 0 : i32
        %dma_wait3A_681 = arith.constant 0 : i32
        %dma_wait3A_682 = tpu.memref_slice %arg3[%dma_wait3A_680, %dma_wait3A_681] : memref<1000000x64xf32, #tpu.memory_space<hbm>> -> memref<1000000x64xf32, #tpu.memory_space<hbm>>
        tpu.wait_indirect_dma semaphore(%arg17 : memref<!tpu.dma_semaphore, #tpu.memory_space<semaphore_mem>>) src(%dma_wait3A_682 : memref<1000000x64xf32, #tpu.memory_space<hbm>>) dst(%arg9 : memref<128x64xf32, #tpu.memory_space<vmem>>)
        %ge3A = arith.constant 4 : i32
        %ge3A_683 = arith.cmpi sge, %add3A_663, %ge3A : i32
        %convert_element_type3A_684 = arith.extui %ge3A_683 : i1 to i32
        %cond3A_685 = arith.constant 0 : i32
        %cond3A_686 = arith.cmpi ne, %convert_element_type3A_684, %cond3A_685 : i32
        scf.if %cond3A_686 {
          %dma_wait3A_870 = arith.constant 0 : i32
          %dma_wait3A_871 = arith.constant 0 : i32
          %dma_wait3A_872 = arith.constant 0 : i32
          %dma_wait3A_873 = arith.constant 0 : i32
          %dma_wait3A_874 = arith.constant 0 : i32
          %dma_wait3A_875 = tpu.memref_slice %arg13[%dma_wait3A_870, %dma_wait3A_873, %dma_wait3A_874] : memref<8x8x129xf32, #tpu.memory_space<vmem>> -> memref<1x8x128xf32, #tpu.memory_space<vmem>>
          %dma_wait3A_876 = tpu.memref_squeeze %dma_wait3A_875 : memref<1x8x128xf32, #tpu.memory_space<vmem>> -> memref<8x128xf32, #tpu.memory_space<vmem>>
          %dma_wait3A_877 = arith.constant 0 : i32
          %dma_wait3A_878 = arith.constant 0 : i32
          %dma_wait3A_879 = tpu.memref_slice %arg4[%dma_wait3A_871, %dma_wait3A_872, %add3A, %dma_wait3A_877, %dma_wait3A_878] : memref<200x8x32x8x128xf32, #tpu.memory_space<hbm>> -> memref<1x1x1x8x128xf32, #tpu.memory_space<hbm>>
          %dma_wait3A_880 = tpu.memref_squeeze %dma_wait3A_879 : memref<1x1x1x8x128xf32, #tpu.memory_space<hbm>> -> memref<8x128xf32, #tpu.memory_space<hbm>>
          %dma_wait3A_881 = arith.constant 0 : i32
          %dma_wait3A_882 = arith.constant 0 : i32
          %dma_wait3A_883 = tpu.memref_slice %arg4[%dma_wait3A_871, %dma_wait3A_872, %add3A, %dma_wait3A_881, %dma_wait3A_882] : memref<200x8x32x8x128xf32, #tpu.memory_space<hbm>> -> memref<1x1x1x8x128xf32, #tpu.memory_space<hbm>>
          %dma_wait3A_884 = tpu.memref_squeeze %dma_wait3A_883 : memref<1x1x1x8x128xf32, #tpu.memory_space<hbm>> -> memref<8x128xf32, #tpu.memory_space<hbm>>
          %dma_wait3A_885 = arith.constant 0 : i32
          %dma_wait3A_886 = arith.constant 0 : i32
          %dma_wait3A_887 = tpu.memref_slice %arg13[%dma_wait3A_870, %dma_wait3A_885, %dma_wait3A_886] : memref<8x8x129xf32, #tpu.memory_space<vmem>> -> memref<1x8x128xf32, #tpu.memory_space<vmem>>
          %dma_wait3A_888 = tpu.memref_squeeze %dma_wait3A_887 : memref<1x8x128xf32, #tpu.memory_space<vmem>> -> memref<8x128xf32, #tpu.memory_space<vmem>>
          tpu.wait_dma2 semaphore(%arg21 : memref<!tpu.dma_semaphore, #tpu.memory_space<semaphore_mem>>) src(%dma_wait3A_888 : memref<8x128xf32, #tpu.memory_space<vmem>>) dst(%dma_wait3A_884 : memref<8x128xf32, #tpu.memory_space<hbm>>)
          %dma_wait3A_889 = arith.constant 1 : i32
          %dma_wait3A_890 = arith.constant 0 : i32
          %dma_wait3A_891 = arith.constant 1 : i32
          %dma_wait3A_892 = arith.constant 0 : i32
          %dma_wait3A_893 = arith.constant 0 : i32
          %dma_wait3A_894 = tpu.memref_slice %arg13[%dma_wait3A_889, %dma_wait3A_892, %dma_wait3A_893] : memref<8x8x129xf32, #tpu.memory_space<vmem>> -> memref<1x8x128xf32, #tpu.memory_space<vmem>>
          %dma_wait3A_895 = tpu.memref_squeeze %dma_wait3A_894 : memref<1x8x128xf32, #tpu.memory_space<vmem>> -> memref<8x128xf32, #tpu.memory_space<vmem>>
          %dma_wait3A_896 = arith.constant 0 : i32
          %dma_wait3A_897 = arith.constant 0 : i32
          %dma_wait3A_898 = tpu.memref_slice %arg4[%dma_wait3A_890, %dma_wait3A_891, %add3A, %dma_wait3A_896, %dma_wait3A_897] : memref<200x8x32x8x128xf32, #tpu.memory_space<hbm>> -> memref<1x1x1x8x128xf32, #tpu.memory_space<hbm>>
          %dma_wait3A_899 = tpu.memref_squeeze %dma_wait3A_898 : memref<1x1x1x8x128xf32, #tpu.memory_space<hbm>> -> memref<8x128xf32, #tpu.memory_space<hbm>>
          %dma_wait3A_900 = arith.constant 0 : i32
          %dma_wait3A_901 = arith.constant 0 : i32
          %dma_wait3A_902 = tpu.memref_slice %arg4[%dma_wait3A_890, %dma_wait3A_891, %add3A, %dma_wait3A_900, %dma_wait3A_901] : memref<200x8x32x8x128xf32, #tpu.memory_space<hbm>> -> memref<1x1x1x8x128xf32, #tpu.memory_space<hbm>>
          %dma_wait3A_903 = tpu.memref_squeeze %dma_wait3A_902 : memref<1x1x1x8x128xf32, #tpu.memory_space<hbm>> -> memref<8x128xf32, #tpu.memory_space<hbm>>
          %dma_wait3A_904 = arith.constant 0 : i32
          %dma_wait3A_905 = arith.constant 0 : i32
          %dma_wait3A_906 = tpu.memref_slice %arg13[%dma_wait3A_889, %dma_wait3A_904, %dma_wait3A_905] : memref<8x8x129xf32, #tpu.memory_space<vmem>> -> memref<1x8x128xf32, #tpu.memory_space<vmem>>
          %dma_wait3A_907 = tpu.memref_squeeze %dma_wait3A_906 : memref<1x8x128xf32, #tpu.memory_space<vmem>> -> memref<8x128xf32, #tpu.memory_space<vmem>>
          tpu.wait_dma2 semaphore(%arg21 : memref<!tpu.dma_semaphore, #tpu.memory_space<semaphore_mem>>) src(%dma_wait3A_907 : memref<8x128xf32, #tpu.memory_space<vmem>>) dst(%dma_wait3A_903 : memref<8x128xf32, #tpu.memory_space<hbm>>)
          %dma_wait3A_908 = arith.constant 2 : i32
          %dma_wait3A_909 = arith.constant 0 : i32
          %dma_wait3A_910 = arith.constant 2 : i32
          %dma_wait3A_911 = arith.constant 0 : i32
          %dma_wait3A_912 = arith.constant 0 : i32
          %dma_wait3A_913 = tpu.memref_slice %arg13[%dma_wait3A_908, %dma_wait3A_911, %dma_wait3A_912] : memref<8x8x129xf32, #tpu.memory_space<vmem>> -> memref<1x8x128xf32, #tpu.memory_space<vmem>>
          %dma_wait3A_914 = tpu.memref_squeeze %dma_wait3A_913 : memref<1x8x128xf32, #tpu.memory_space<vmem>> -> memref<8x128xf32, #tpu.memory_space<vmem>>
          %dma_wait3A_915 = arith.constant 0 : i32
          %dma_wait3A_916 = arith.constant 0 : i32
          %dma_wait3A_917 = tpu.memref_slice %arg4[%dma_wait3A_909, %dma_wait3A_910, %add3A, %dma_wait3A_915, %dma_wait3A_916] : memref<200x8x32x8x128xf32, #tpu.memory_space<hbm>> -> memref<1x1x1x8x128xf32, #tpu.memory_space<hbm>>
          %dma_wait3A_918 = tpu.memref_squeeze %dma_wait3A_917 : memref<1x1x1x8x128xf32, #tpu.memory_space<hbm>> -> memref<8x128xf32, #tpu.memory_space<hbm>>
          %dma_wait3A_919 = arith.constant 0 : i32
          %dma_wait3A_920 = arith.constant 0 : i32
          %dma_wait3A_921 = tpu.memref_slice %arg4[%dma_wait3A_909, %dma_wait3A_910, %add3A, %dma_wait3A_919, %dma_wait3A_920] : memref<200x8x32x8x128xf32, #tpu.memory_space<hbm>> -> memref<1x1x1x8x128xf32, #tpu.memory_space<hbm>>
          %dma_wait3A_922 = tpu.memref_squeeze %dma_wait3A_921 : memref<1x1x1x8x128xf32, #tpu.memory_space<hbm>> -> memref<8x128xf32, #tpu.memory_space<hbm>>
          %dma_wait3A_923 = arith.constant 0 : i32
          %dma_wait3A_924 = arith.constant 0 : i32
          %dma_wait3A_925 = tpu.memref_slice %arg13[%dma_wait3A_908, %dma_wait3A_923, %dma_wait3A_924] : memref<8x8x129xf32, #tpu.memory_space<vmem>> -> memref<1x8x128xf32, #tpu.memory_space<vmem>>
          %dma_wait3A_926 = tpu.memref_squeeze %dma_wait3A_925 : memref<1x8x128xf32, #tpu.memory_space<vmem>> -> memref<8x128xf32, #tpu.memory_space<vmem>>
          tpu.wait_dma2 semaphore(%arg21 : memref<!tpu.dma_semaphore, #tpu.memory_space<semaphore_mem>>) src(%dma_wait3A_926 : memref<8x128xf32, #tpu.memory_space<vmem>>) dst(%dma_wait3A_922 : memref<8x128xf32, #tpu.memory_space<hbm>>)
          %dma_wait3A_927 = arith.constant 3 : i32
          %dma_wait3A_928 = arith.constant 0 : i32
          %dma_wait3A_929 = arith.constant 3 : i32
          %dma_wait3A_930 = arith.constant 0 : i32
          %dma_wait3A_931 = arith.constant 0 : i32
          %dma_wait3A_932 = tpu.memref_slice %arg13[%dma_wait3A_927, %dma_wait3A_930, %dma_wait3A_931] : memref<8x8x129xf32, #tpu.memory_space<vmem>> -> memref<1x8x128xf32, #tpu.memory_space<vmem>>
          %dma_wait3A_933 = tpu.memref_squeeze %dma_wait3A_932 : memref<1x8x128xf32, #tpu.memory_space<vmem>> -> memref<8x128xf32, #tpu.memory_space<vmem>>
          %dma_wait3A_934 = arith.constant 0 : i32
          %dma_wait3A_935 = arith.constant 0 : i32
          %dma_wait3A_936 = tpu.memref_slice %arg4[%dma_wait3A_928, %dma_wait3A_929, %add3A, %dma_wait3A_934, %dma_wait3A_935] : memref<200x8x32x8x128xf32, #tpu.memory_space<hbm>> -> memref<1x1x1x8x128xf32, #tpu.memory_space<hbm>>
          %dma_wait3A_937 = tpu.memref_squeeze %dma_wait3A_936 : memref<1x1x1x8x128xf32, #tpu.memory_space<hbm>> -> memref<8x128xf32, #tpu.memory_space<hbm>>
          %dma_wait3A_938 = arith.constant 0 : i32
          %dma_wait3A_939 = arith.constant 0 : i32
          %dma_wait3A_940 = tpu.memref_slice %arg4[%dma_wait3A_928, %dma_wait3A_929, %add3A, %dma_wait3A_938, %dma_wait3A_939] : memref<200x8x32x8x128xf32, #tpu.memory_space<hbm>> -> memref<1x1x1x8x128xf32, #tpu.memory_space<hbm>>
          %dma_wait3A_941 = tpu.memref_squeeze %dma_wait3A_940 : memref<1x1x1x8x128xf32, #tpu.memory_space<hbm>> -> memref<8x128xf32, #tpu.memory_space<hbm>>
          %dma_wait3A_942 = arith.constant 0 : i32
          %dma_wait3A_943 = arith.constant 0 : i32
          %dma_wait3A_944 = tpu.memref_slice %arg13[%dma_wait3A_927, %dma_wait3A_942, %dma_wait3A_943] : memref<8x8x129xf32, #tpu.memory_space<vmem>> -> memref<1x8x128xf32, #tpu.memory_space<vmem>>
          %dma_wait3A_945 = tpu.memref_squeeze %dma_wait3A_944 : memref<1x8x128xf32, #tpu.memory_space<vmem>> -> memref<8x128xf32, #tpu.memory_space<vmem>>
          tpu.wait_dma2 semaphore(%arg21 : memref<!tpu.dma_semaphore, #tpu.memory_space<semaphore_mem>>) src(%dma_wait3A_945 : memref<8x128xf32, #tpu.memory_space<vmem>>) dst(%dma_wait3A_941 : memref<8x128xf32, #tpu.memory_space<hbm>>)
          %dma_wait3A_946 = arith.constant 4 : i32
          %dma_wait3A_947 = arith.constant 0 : i32
          %dma_wait3A_948 = arith.constant 4 : i32
          %dma_wait3A_949 = arith.constant 0 : i32
          %dma_wait3A_950 = arith.constant 0 : i32
          %dma_wait3A_951 = tpu.memref_slice %arg13[%dma_wait3A_946, %dma_wait3A_949, %dma_wait3A_950] : memref<8x8x129xf32, #tpu.memory_space<vmem>> -> memref<1x8x128xf32, #tpu.memory_space<vmem>>
          %dma_wait3A_952 = tpu.memref_squeeze %dma_wait3A_951 : memref<1x8x128xf32, #tpu.memory_space<vmem>> -> memref<8x128xf32, #tpu.memory_space<vmem>>
          %dma_wait3A_953 = arith.constant 0 : i32
          %dma_wait3A_954 = arith.constant 0 : i32
          %dma_wait3A_955 = tpu.memref_slice %arg4[%dma_wait3A_947, %dma_wait3A_948, %add3A, %dma_wait3A_953, %dma_wait3A_954] : memref<200x8x32x8x128xf32, #tpu.memory_space<hbm>> -> memref<1x1x1x8x128xf32, #tpu.memory_space<hbm>>
          %dma_wait3A_956 = tpu.memref_squeeze %dma_wait3A_955 : memref<1x1x1x8x128xf32, #tpu.memory_space<hbm>> -> memref<8x128xf32, #tpu.memory_space<hbm>>
          %dma_wait3A_957 = arith.constant 0 : i32
          %dma_wait3A_958 = arith.constant 0 : i32
          %dma_wait3A_959 = tpu.memref_slice %arg4[%dma_wait3A_947, %dma_wait3A_948, %add3A, %dma_wait3A_957, %dma_wait3A_958] : memref<200x8x32x8x128xf32, #tpu.memory_space<hbm>> -> memref<1x1x1x8x128xf32, #tpu.memory_space<hbm>>
          %dma_wait3A_960 = tpu.memref_squeeze %dma_wait3A_959 : memref<1x1x1x8x128xf32, #tpu.memory_space<hbm>> -> memref<8x128xf32, #tpu.memory_space<hbm>>
          %dma_wait3A_961 = arith.constant 0 : i32
          %dma_wait3A_962 = arith.constant 0 : i32
          %dma_wait3A_963 = tpu.memref_slice %arg13[%dma_wait3A_946, %dma_wait3A_961, %dma_wait3A_962] : memref<8x8x129xf32, #tpu.memory_space<vmem>> -> memref<1x8x128xf32, #tpu.memory_space<vmem>>
          %dma_wait3A_964 = tpu.memref_squeeze %dma_wait3A_963 : memref<1x8x128xf32, #tpu.memory_space<vmem>> -> memref<8x128xf32, #tpu.memory_space<vmem>>
          tpu.wait_dma2 semaphore(%arg21 : memref<!tpu.dma_semaphore, #tpu.memory_space<semaphore_mem>>) src(%dma_wait3A_964 : memref<8x128xf32, #tpu.memory_space<vmem>>) dst(%dma_wait3A_960 : memref<8x128xf32, #tpu.memory_space<hbm>>)
          %dma_wait3A_965 = arith.constant 5 : i32
          %dma_wait3A_966 = arith.constant 0 : i32
          %dma_wait3A_967 = arith.constant 5 : i32
          %dma_wait3A_968 = arith.constant 0 : i32
          %dma_wait3A_969 = arith.constant 0 : i32
          %dma_wait3A_970 = tpu.memref_slice %arg13[%dma_wait3A_965, %dma_wait3A_968, %dma_wait3A_969] : memref<8x8x129xf32, #tpu.memory_space<vmem>> -> memref<1x8x128xf32, #tpu.memory_space<vmem>>
          %dma_wait3A_971 = tpu.memref_squeeze %dma_wait3A_970 : memref<1x8x128xf32, #tpu.memory_space<vmem>> -> memref<8x128xf32, #tpu.memory_space<vmem>>
          %dma_wait3A_972 = arith.constant 0 : i32
          %dma_wait3A_973 = arith.constant 0 : i32
          %dma_wait3A_974 = tpu.memref_slice %arg4[%dma_wait3A_966, %dma_wait3A_967, %add3A, %dma_wait3A_972, %dma_wait3A_973] : memref<200x8x32x8x128xf32, #tpu.memory_space<hbm>> -> memref<1x1x1x8x128xf32, #tpu.memory_space<hbm>>
          %dma_wait3A_975 = tpu.memref_squeeze %dma_wait3A_974 : memref<1x1x1x8x128xf32, #tpu.memory_space<hbm>> -> memref<8x128xf32, #tpu.memory_space<hbm>>
          %dma_wait3A_976 = arith.constant 0 : i32
          %dma_wait3A_977 = arith.constant 0 : i32
          %dma_wait3A_978 = tpu.memref_slice %arg4[%dma_wait3A_966, %dma_wait3A_967, %add3A, %dma_wait3A_976, %dma_wait3A_977] : memref<200x8x32x8x128xf32, #tpu.memory_space<hbm>> -> memref<1x1x1x8x128xf32, #tpu.memory_space<hbm>>
          %dma_wait3A_979 = tpu.memref_squeeze %dma_wait3A_978 : memref<1x1x1x8x128xf32, #tpu.memory_space<hbm>> -> memref<8x128xf32, #tpu.memory_space<hbm>>
          %dma_wait3A_980 = arith.constant 0 : i32
          %dma_wait3A_981 = arith.constant 0 : i32
          %dma_wait3A_982 = tpu.memref_slice %arg13[%dma_wait3A_965, %dma_wait3A_980, %dma_wait3A_981] : memref<8x8x129xf32, #tpu.memory_space<vmem>> -> memref<1x8x128xf32, #tpu.memory_space<vmem>>
          %dma_wait3A_983 = tpu.memref_squeeze %dma_wait3A_982 : memref<1x8x128xf32, #tpu.memory_space<vmem>> -> memref<8x128xf32, #tpu.memory_space<vmem>>
          tpu.wait_dma2 semaphore(%arg21 : memref<!tpu.dma_semaphore, #tpu.memory_space<semaphore_mem>>) src(%dma_wait3A_983 : memref<8x128xf32, #tpu.memory_space<vmem>>) dst(%dma_wait3A_979 : memref<8x128xf32, #tpu.memory_space<hbm>>)
          %dma_wait3A_984 = arith.constant 6 : i32
          %dma_wait3A_985 = arith.constant 0 : i32
          %dma_wait3A_986 = arith.constant 6 : i32
          %dma_wait3A_987 = arith.constant 0 : i32
          %dma_wait3A_988 = arith.constant 0 : i32
          %dma_wait3A_989 = tpu.memref_slice %arg13[%dma_wait3A_984, %dma_wait3A_987, %dma_wait3A_988] : memref<8x8x129xf32, #tpu.memory_space<vmem>> -> memref<1x8x128xf32, #tpu.memory_space<vmem>>
          %dma_wait3A_990 = tpu.memref_squeeze %dma_wait3A_989 : memref<1x8x128xf32, #tpu.memory_space<vmem>> -> memref<8x128xf32, #tpu.memory_space<vmem>>
          %dma_wait3A_991 = arith.constant 0 : i32
          %dma_wait3A_992 = arith.constant 0 : i32
          %dma_wait3A_993 = tpu.memref_slice %arg4[%dma_wait3A_985, %dma_wait3A_986, %add3A, %dma_wait3A_991, %dma_wait3A_992] : memref<200x8x32x8x128xf32, #tpu.memory_space<hbm>> -> memref<1x1x1x8x128xf32, #tpu.memory_space<hbm>>
          %dma_wait3A_994 = tpu.memref_squeeze %dma_wait3A_993 : memref<1x1x1x8x128xf32, #tpu.memory_space<hbm>> -> memref<8x128xf32, #tpu.memory_space<hbm>>
          %dma_wait3A_995 = arith.constant 0 : i32
          %dma_wait3A_996 = arith.constant 0 : i32
          %dma_wait3A_997 = tpu.memref_slice %arg4[%dma_wait3A_985, %dma_wait3A_986, %add3A, %dma_wait3A_995, %dma_wait3A_996] : memref<200x8x32x8x128xf32, #tpu.memory_space<hbm>> -> memref<1x1x1x8x128xf32, #tpu.memory_space<hbm>>
          %dma_wait3A_998 = tpu.memref_squeeze %dma_wait3A_997 : memref<1x1x1x8x128xf32, #tpu.memory_space<hbm>> -> memref<8x128xf32, #tpu.memory_space<hbm>>
          %dma_wait3A_999 = arith.constant 0 : i32
          %dma_wait3A_1000 = arith.constant 0 : i32
          %dma_wait3A_1001 = tpu.memref_slice %arg13[%dma_wait3A_984, %dma_wait3A_999, %dma_wait3A_1000] : memref<8x8x129xf32, #tpu.memory_space<vmem>> -> memref<1x8x128xf32, #tpu.memory_space<vmem>>
          %dma_wait3A_1002 = tpu.memref_squeeze %dma_wait3A_1001 : memref<1x8x128xf32, #tpu.memory_space<vmem>> -> memref<8x128xf32, #tpu.memory_space<vmem>>
          tpu.wait_dma2 semaphore(%arg21 : memref<!tpu.dma_semaphore, #tpu.memory_space<semaphore_mem>>) src(%dma_wait3A_1002 : memref<8x128xf32, #tpu.memory_space<vmem>>) dst(%dma_wait3A_998 : memref<8x128xf32, #tpu.memory_space<hbm>>)
          %dma_wait3A_1003 = arith.constant 7 : i32
          %dma_wait3A_1004 = arith.constant 0 : i32
          %dma_wait3A_1005 = arith.constant 7 : i32
          %dma_wait3A_1006 = arith.constant 0 : i32
          %dma_wait3A_1007 = arith.constant 0 : i32
          %dma_wait3A_1008 = tpu.memref_slice %arg13[%dma_wait3A_1003, %dma_wait3A_1006, %dma_wait3A_1007] : memref<8x8x129xf32, #tpu.memory_space<vmem>> -> memref<1x8x128xf32, #tpu.memory_space<vmem>>
          %dma_wait3A_1009 = tpu.memref_squeeze %dma_wait3A_1008 : memref<1x8x128xf32, #tpu.memory_space<vmem>> -> memref<8x128xf32, #tpu.memory_space<vmem>>
          %dma_wait3A_1010 = arith.constant 0 : i32
          %dma_wait3A_1011 = arith.constant 0 : i32
          %dma_wait3A_1012 = tpu.memref_slice %arg4[%dma_wait3A_1004, %dma_wait3A_1005, %add3A, %dma_wait3A_1010, %dma_wait3A_1011] : memref<200x8x32x8x128xf32, #tpu.memory_space<hbm>> -> memref<1x1x1x8x128xf32, #tpu.memory_space<hbm>>
          %dma_wait3A_1013 = tpu.memref_squeeze %dma_wait3A_1012 : memref<1x1x1x8x128xf32, #tpu.memory_space<hbm>> -> memref<8x128xf32, #tpu.memory_space<hbm>>
          %dma_wait3A_1014 = arith.constant 0 : i32
          %dma_wait3A_1015 = arith.constant 0 : i32
          %dma_wait3A_1016 = tpu.memref_slice %arg4[%dma_wait3A_1004, %dma_wait3A_1005, %add3A, %dma_wait3A_1014, %dma_wait3A_1015] : memref<200x8x32x8x128xf32, #tpu.memory_space<hbm>> -> memref<1x1x1x8x128xf32, #tpu.memory_space<hbm>>
          %dma_wait3A_1017 = tpu.memref_squeeze %dma_wait3A_1016 : memref<1x1x1x8x128xf32, #tpu.memory_space<hbm>> -> memref<8x128xf32, #tpu.memory_space<hbm>>
          %dma_wait3A_1018 = arith.constant 0 : i32
          %dma_wait3A_1019 = arith.constant 0 : i32
          %dma_wait3A_1020 = tpu.memref_slice %arg13[%dma_wait3A_1003, %dma_wait3A_1018, %dma_wait3A_1019] : memref<8x8x129xf32, #tpu.memory_space<vmem>> -> memref<1x8x128xf32, #tpu.memory_space<vmem>>
          %dma_wait3A_1021 = tpu.memref_squeeze %dma_wait3A_1020 : memref<1x8x128xf32, #tpu.memory_space<vmem>> -> memref<8x128xf32, #tpu.memory_space<vmem>>
          tpu.wait_dma2 semaphore(%arg21 : memref<!tpu.dma_semaphore, #tpu.memory_space<semaphore_mem>>) src(%dma_wait3A_1021 : memref<8x128xf32, #tpu.memory_space<vmem>>) dst(%dma_wait3A_1017 : memref<8x128xf32, #tpu.memory_space<hbm>>)
        } else {
        }
        %iota3A = tpu.iota {dimensions = array<i32: 0>} : vector<16xi32>
        %add3A_687 = arith.constant 0 : i32
        %add3A_688 = vector.broadcast %add3A_687 : i32 to vector<16xi32>
        %add3A_689 = arith.addi %add3A_688, %iota3A : vector<16xi32>
        %iota3A_690 = tpu.iota {dimensions = array<i32: 0>} : vector<16xi32>
        %add3A_691 = arith.constant 16 : i32
        %add3A_692 = vector.broadcast %add3A_691 : i32 to vector<16xi32>
        %add3A_693 = arith.addi %add3A_692, %iota3A_690 : vector<16xi32>
        %iota3A_694 = tpu.iota {dimensions = array<i32: 0>} : vector<16xi32>
        %add3A_695 = arith.constant 32 : i32
        %add3A_696 = vector.broadcast %add3A_695 : i32 to vector<16xi32>
        %add3A_697 = arith.addi %add3A_696, %iota3A_694 : vector<16xi32>
        %iota3A_698 = tpu.iota {dimensions = array<i32: 0>} : vector<16xi32>
        %add3A_699 = arith.constant 48 : i32
        %add3A_700 = vector.broadcast %add3A_699 : i32 to vector<16xi32>
        %add3A_701 = arith.addi %add3A_700, %iota3A_698 : vector<16xi32>
        %shift_right_arithmetic3A = arith.constant 3 : i32
        %shift_right_arithmetic3A_702 = vector.broadcast %shift_right_arithmetic3A : i32 to vector<16xi32>
        %shift_right_arithmetic3A_703 = arith.shrsi %add3A_689, %shift_right_arithmetic3A_702 : vector<16xi32>
        %shift_right_arithmetic3A_704 = arith.constant 3 : i32
        %shift_right_arithmetic3A_705 = vector.broadcast %shift_right_arithmetic3A_704 : i32 to vector<16xi32>
        %shift_right_arithmetic3A_706 = arith.shrsi %add3A_693, %shift_right_arithmetic3A_705 : vector<16xi32>
        %shift_right_arithmetic3A_707 = arith.constant 3 : i32
        %shift_right_arithmetic3A_708 = vector.broadcast %shift_right_arithmetic3A_707 : i32 to vector<16xi32>
        %shift_right_arithmetic3A_709 = arith.shrsi %add3A_697, %shift_right_arithmetic3A_708 : vector<16xi32>
        %shift_right_arithmetic3A_710 = arith.constant 3 : i32
        %shift_right_arithmetic3A_711 = vector.broadcast %shift_right_arithmetic3A_710 : i32 to vector<16xi32>
        %shift_right_arithmetic3A_712 = arith.shrsi %add3A_701, %shift_right_arithmetic3A_711 : vector<16xi32>
        %and3A = arith.constant 7 : i32
        %and3A_713 = vector.broadcast %and3A : i32 to vector<16xi32>
        %and3A_714 = arith.andi %add3A_689, %and3A_713 : vector<16xi32>
        %and3A_715 = arith.constant 7 : i32
        %and3A_716 = vector.broadcast %and3A_715 : i32 to vector<16xi32>
        %and3A_717 = arith.andi %add3A_693, %and3A_716 : vector<16xi32>
        %and3A_718 = arith.constant 7 : i32
        %and3A_719 = vector.broadcast %and3A_718 : i32 to vector<16xi32>
        %and3A_720 = arith.andi %add3A_697, %and3A_719 : vector<16xi32>
        %and3A_721 = arith.constant 7 : i32
        %and3A_722 = vector.broadcast %and3A_721 : i32 to vector<16xi32>
        %and3A_723 = arith.andi %add3A_701, %and3A_722 : vector<16xi32>
        %parallel_loop3A = arith.constant 0 : i32
        %parallel_loop3A_724 = arith.constant 128 : i32
        %parallel_loop3A_725 = arith.constant 1 : i32
        scf.for %parallel_loop3A_870 = %parallel_loop3A to %parallel_loop3A_724 step %parallel_loop3A_725  : i32 {
          %parallel_loop3A_871 = vector.broadcast %parallel_loop3A_870 : i32 to vector<16xi32>
          %parallel_loop3A_872 = arith.index_cast %parallel_loop3A_870 : i32 to index
          %parallel_loop3A_873 = arith.constant 0 : index
          %parallel_loop3A_874 = tpu.vector_load %arg9[%parallel_loop3A_872, %parallel_loop3A_873] {strides = array<i32>} : memref<128x64xf32, #tpu.memory_space<vmem>>, vector<16xf32>,
          %parallel_loop3A_875 = arith.constant 8.000000e+00 : f32
          %parallel_loop3A_876 = vector.broadcast %parallel_loop3A_875 : f32 to vector<16xf32>
          %parallel_loop3A_877 = arith.mulf %parallel_loop3A_874, %parallel_loop3A_876 : vector<16xf32>
          tpu.vector_store_idx %arg13[%shift_right_arithmetic3A_703, %and3A_714, %parallel_loop3A_871], %parallel_loop3A_877 : memref<8x8x129xf32, #tpu.memory_space<vmem>>[vector<16xi32>, vector<16xi32>, vector<16xi32>], vector<16xf32>,
          %parallel_loop3A_878 = arith.index_cast %parallel_loop3A_870 : i32 to index
          %parallel_loop3A_879 = arith.constant 16 : index
          %parallel_loop3A_880 = tpu.vector_load %arg9[%parallel_loop3A_878, %parallel_loop3A_879] {strides = array<i32>} : memref<128x64xf32, #tpu.memory_space<vmem>>, vector<16xf32>,
          %parallel_loop3A_881 = arith.constant 8.000000e+00 : f32
          %parallel_loop3A_882 = vector.broadcast %parallel_loop3A_881 : f32 to vector<16xf32>
          %parallel_loop3A_883 = arith.mulf %parallel_loop3A_880, %parallel_loop3A_882 : vector<16xf32>
          tpu.vector_store_idx %arg13[%shift_right_arithmetic3A_706, %and3A_717, %parallel_loop3A_871], %parallel_loop3A_883 : memref<8x8x129xf32, #tpu.memory_space<vmem>>[vector<16xi32>, vector<16xi32>, vector<16xi32>], vector<16xf32>,
          %parallel_loop3A_884 = arith.index_cast %parallel_loop3A_870 : i32 to index
          %parallel_loop3A_885 = arith.constant 32 : index
          %parallel_loop3A_886 = tpu.vector_load %arg9[%parallel_loop3A_884, %parallel_loop3A_885] {strides = array<i32>} : memref<128x64xf32, #tpu.memory_space<vmem>>, vector<16xf32>,
          %parallel_loop3A_887 = arith.constant 8.000000e+00 : f32
          %parallel_loop3A_888 = vector.broadcast %parallel_loop3A_887 : f32 to vector<16xf32>
          %parallel_loop3A_889 = arith.mulf %parallel_loop3A_886, %parallel_loop3A_888 : vector<16xf32>
          tpu.vector_store_idx %arg13[%shift_right_arithmetic3A_709, %and3A_720, %parallel_loop3A_871], %parallel_loop3A_889 : memref<8x8x129xf32, #tpu.memory_space<vmem>>[vector<16xi32>, vector<16xi32>, vector<16xi32>], vector<16xf32>,
          %parallel_loop3A_890 = arith.index_cast %parallel_loop3A_870 : i32 to index
          %parallel_loop3A_891 = arith.constant 48 : index
          %parallel_loop3A_892 = tpu.vector_load %arg9[%parallel_loop3A_890, %parallel_loop3A_891] {strides = array<i32>} : memref<128x64xf32, #tpu.memory_space<vmem>>, vector<16xf32>,
          %parallel_loop3A_893 = arith.constant 8.000000e+00 : f32
          %parallel_loop3A_894 = vector.broadcast %parallel_loop3A_893 : f32 to vector<16xf32>
          %parallel_loop3A_895 = arith.mulf %parallel_loop3A_892, %parallel_loop3A_894 : vector<16xf32>
          tpu.vector_store_idx %arg13[%shift_right_arithmetic3A_712, %and3A_723, %parallel_loop3A_871], %parallel_loop3A_895 : memref<8x8x129xf32, #tpu.memory_space<vmem>>[vector<16xi32>, vector<16xi32>, vector<16xi32>], vector<16xf32>,
        } {sc.loop_unroll_factor = 8 : i64, sc.parallel_access}
        %dma_start3A_726 = arith.constant 0 : i32
        %dma_start3A_727 = arith.constant 0 : i32
        %dma_start3A_728 = arith.constant 0 : i32
        %dma_start3A_729 = arith.constant 0 : i32
        %dma_start3A_730 = tpu.memref_slice %arg13[%dma_start3A_726, %dma_start3A_728, %dma_start3A_729] : memref<8x8x129xf32, #tpu.memory_space<vmem>> -> memref<1x8x128xf32, #tpu.memory_space<vmem>>
        %dma_start3A_731 = tpu.memref_squeeze %dma_start3A_730 : memref<1x8x128xf32, #tpu.memory_space<vmem>> -> memref<8x128xf32, #tpu.memory_space<vmem>>
        %dma_start3A_732 = arith.constant 0 : i32
        %dma_start3A_733 = arith.constant 0 : i32
        %dma_start3A_734 = tpu.memref_slice %arg4[%add3A_663, %dma_start3A_727, %add3A, %dma_start3A_732, %dma_start3A_733] : memref<200x8x32x8x128xf32, #tpu.memory_space<hbm>> -> memref<1x1x1x8x128xf32, #tpu.memory_space<hbm>>
        %dma_start3A_735 = tpu.memref_squeeze %dma_start3A_734 : memref<1x1x1x8x128xf32, #tpu.memory_space<hbm>> -> memref<8x128xf32, #tpu.memory_space<hbm>>
        %dma_start3A_736 = arith.constant 0 : i32
        %dma_start3A_737 = arith.constant 0 : i32
        %dma_start3A_738 = tpu.memref_slice %arg4[%add3A_663, %dma_start3A_727, %add3A, %dma_start3A_736, %dma_start3A_737] : memref<200x8x32x8x128xf32, #tpu.memory_space<hbm>> -> memref<1x1x1x8x128xf32, #tpu.memory_space<hbm>>
        %dma_start3A_739 = tpu.memref_squeeze %dma_start3A_738 : memref<1x1x1x8x128xf32, #tpu.memory_space<hbm>> -> memref<8x128xf32, #tpu.memory_space<hbm>>
        %dma_start3A_740 = arith.constant 0 : i32
        %dma_start3A_741 = arith.constant 0 : i32
        %dma_start3A_742 = tpu.memref_slice %arg13[%dma_start3A_726, %dma_start3A_740, %dma_start3A_741] : memref<8x8x129xf32, #tpu.memory_space<vmem>> -> memref<1x8x128xf32, #tpu.memory_space<vmem>>
        %dma_start3A_743 = tpu.memref_squeeze %dma_start3A_742 : memref<1x8x128xf32, #tpu.memory_space<vmem>> -> memref<8x128xf32, #tpu.memory_space<vmem>>
        tpu.enqueue_dma source(%dma_start3A_743 : memref<8x128xf32, #tpu.memory_space<vmem>>) target(%dma_start3A_739 : memref<8x128xf32, #tpu.memory_space<hbm>>) target_semaphore(%arg21 : memref<!tpu.dma_semaphore, #tpu.memory_space<semaphore_mem>>)
        %dma_start3A_744 = arith.constant 1 : i32
        %dma_start3A_745 = arith.constant 1 : i32
        %dma_start3A_746 = arith.constant 0 : i32
        %dma_start3A_747 = arith.constant 0 : i32
        %dma_start3A_748 = tpu.memref_slice %arg13[%dma_start3A_744, %dma_start3A_746, %dma_start3A_747] : memref<8x8x129xf32, #tpu.memory_space<vmem>> -> memref<1x8x128xf32, #tpu.memory_space<vmem>>
        %dma_start3A_749 = tpu.memref_squeeze %dma_start3A_748 : memref<1x8x128xf32, #tpu.memory_space<vmem>> -> memref<8x128xf32, #tpu.memory_space<vmem>>
        %dma_start3A_750 = arith.constant 0 : i32
        %dma_start3A_751 = arith.constant 0 : i32
        %dma_start3A_752 = tpu.memref_slice %arg4[%add3A_663, %dma_start3A_745, %add3A, %dma_start3A_750, %dma_start3A_751] : memref<200x8x32x8x128xf32, #tpu.memory_space<hbm>> -> memref<1x1x1x8x128xf32, #tpu.memory_space<hbm>>
        %dma_start3A_753 = tpu.memref_squeeze %dma_start3A_752 : memref<1x1x1x8x128xf32, #tpu.memory_space<hbm>> -> memref<8x128xf32, #tpu.memory_space<hbm>>
        %dma_start3A_754 = arith.constant 0 : i32
        %dma_start3A_755 = arith.constant 0 : i32
        %dma_start3A_756 = tpu.memref_slice %arg4[%add3A_663, %dma_start3A_745, %add3A, %dma_start3A_754, %dma_start3A_755] : memref<200x8x32x8x128xf32, #tpu.memory_space<hbm>> -> memref<1x1x1x8x128xf32, #tpu.memory_space<hbm>>
        %dma_start3A_757 = tpu.memref_squeeze %dma_start3A_756 : memref<1x1x1x8x128xf32, #tpu.memory_space<hbm>> -> memref<8x128xf32, #tpu.memory_space<hbm>>
        %dma_start3A_758 = arith.constant 0 : i32
        %dma_start3A_759 = arith.constant 0 : i32
        %dma_start3A_760 = tpu.memref_slice %arg13[%dma_start3A_744, %dma_start3A_758, %dma_start3A_759] : memref<8x8x129xf32, #tpu.memory_space<vmem>> -> memref<1x8x128xf32, #tpu.memory_space<vmem>>
        %dma_start3A_761 = tpu.memref_squeeze %dma_start3A_760 : memref<1x8x128xf32, #tpu.memory_space<vmem>> -> memref<8x128xf32, #tpu.memory_space<vmem>>
        tpu.enqueue_dma source(%dma_start3A_761 : memref<8x128xf32, #tpu.memory_space<vmem>>) target(%dma_start3A_757 : memref<8x128xf32, #tpu.memory_space<hbm>>) target_semaphore(%arg21 : memref<!tpu.dma_semaphore, #tpu.memory_space<semaphore_mem>>)
        %dma_start3A_762 = arith.constant 2 : i32
        %dma_start3A_763 = arith.constant 2 : i32
        %dma_start3A_764 = arith.constant 0 : i32
        %dma_start3A_765 = arith.constant 0 : i32
        %dma_start3A_766 = tpu.memref_slice %arg13[%dma_start3A_762, %dma_start3A_764, %dma_start3A_765] : memref<8x8x129xf32, #tpu.memory_space<vmem>> -> memref<1x8x128xf32, #tpu.memory_space<vmem>>
        %dma_start3A_767 = tpu.memref_squeeze %dma_start3A_766 : memref<1x8x128xf32, #tpu.memory_space<vmem>> -> memref<8x128xf32, #tpu.memory_space<vmem>>
        %dma_start3A_768 = arith.constant 0 : i32
        %dma_start3A_769 = arith.constant 0 : i32
        %dma_start3A_770 = tpu.memref_slice %arg4[%add3A_663, %dma_start3A_763, %add3A, %dma_start3A_768, %dma_start3A_769] : memref<200x8x32x8x128xf32, #tpu.memory_space<hbm>> -> memref<1x1x1x8x128xf32, #tpu.memory_space<hbm>>
        %dma_start3A_771 = tpu.memref_squeeze %dma_start3A_770 : memref<1x1x1x8x128xf32, #tpu.memory_space<hbm>> -> memref<8x128xf32, #tpu.memory_space<hbm>>
        %dma_start3A_772 = arith.constant 0 : i32
        %dma_start3A_773 = arith.constant 0 : i32
        %dma_start3A_774 = tpu.memref_slice %arg4[%add3A_663, %dma_start3A_763, %add3A, %dma_start3A_772, %dma_start3A_773] : memref<200x8x32x8x128xf32, #tpu.memory_space<hbm>> -> memref<1x1x1x8x128xf32, #tpu.memory_space<hbm>>
        %dma_start3A_775 = tpu.memref_squeeze %dma_start3A_774 : memref<1x1x1x8x128xf32, #tpu.memory_space<hbm>> -> memref<8x128xf32, #tpu.memory_space<hbm>>
        %dma_start3A_776 = arith.constant 0 : i32
        %dma_start3A_777 = arith.constant 0 : i32
        %dma_start3A_778 = tpu.memref_slice %arg13[%dma_start3A_762, %dma_start3A_776, %dma_start3A_777] : memref<8x8x129xf32, #tpu.memory_space<vmem>> -> memref<1x8x128xf32, #tpu.memory_space<vmem>>
        %dma_start3A_779 = tpu.memref_squeeze %dma_start3A_778 : memref<1x8x128xf32, #tpu.memory_space<vmem>> -> memref<8x128xf32, #tpu.memory_space<vmem>>
        tpu.enqueue_dma source(%dma_start3A_779 : memref<8x128xf32, #tpu.memory_space<vmem>>) target(%dma_start3A_775 : memref<8x128xf32, #tpu.memory_space<hbm>>) target_semaphore(%arg21 : memref<!tpu.dma_semaphore, #tpu.memory_space<semaphore_mem>>)
        %dma_start3A_780 = arith.constant 3 : i32
        %dma_start3A_781 = arith.constant 3 : i32
        %dma_start3A_782 = arith.constant 0 : i32
        %dma_start3A_783 = arith.constant 0 : i32
        %dma_start3A_784 = tpu.memref_slice %arg13[%dma_start3A_780, %dma_start3A_782, %dma_start3A_783] : memref<8x8x129xf32, #tpu.memory_space<vmem>> -> memref<1x8x128xf32, #tpu.memory_space<vmem>>
        %dma_start3A_785 = tpu.memref_squeeze %dma_start3A_784 : memref<1x8x128xf32, #tpu.memory_space<vmem>> -> memref<8x128xf32, #tpu.memory_space<vmem>>
        %dma_start3A_786 = arith.constant 0 : i32
        %dma_start3A_787 = arith.constant 0 : i32
        %dma_start3A_788 = tpu.memref_slice %arg4[%add3A_663, %dma_start3A_781, %add3A, %dma_start3A_786, %dma_start3A_787] : memref<200x8x32x8x128xf32, #tpu.memory_space<hbm>> -> memref<1x1x1x8x128xf32, #tpu.memory_space<hbm>>
        %dma_start3A_789 = tpu.memref_squeeze %dma_start3A_788 : memref<1x1x1x8x128xf32, #tpu.memory_space<hbm>> -> memref<8x128xf32, #tpu.memory_space<hbm>>
        %dma_start3A_790 = arith.constant 0 : i32
        %dma_start3A_791 = arith.constant 0 : i32
        %dma_start3A_792 = tpu.memref_slice %arg4[%add3A_663, %dma_start3A_781, %add3A, %dma_start3A_790, %dma_start3A_791] : memref<200x8x32x8x128xf32, #tpu.memory_space<hbm>> -> memref<1x1x1x8x128xf32, #tpu.memory_space<hbm>>
        %dma_start3A_793 = tpu.memref_squeeze %dma_start3A_792 : memref<1x1x1x8x128xf32, #tpu.memory_space<hbm>> -> memref<8x128xf32, #tpu.memory_space<hbm>>
        %dma_start3A_794 = arith.constant 0 : i32
        %dma_start3A_795 = arith.constant 0 : i32
        %dma_start3A_796 = tpu.memref_slice %arg13[%dma_start3A_780, %dma_start3A_794, %dma_start3A_795] : memref<8x8x129xf32, #tpu.memory_space<vmem>> -> memref<1x8x128xf32, #tpu.memory_space<vmem>>
        %dma_start3A_797 = tpu.memref_squeeze %dma_start3A_796 : memref<1x8x128xf32, #tpu.memory_space<vmem>> -> memref<8x128xf32, #tpu.memory_space<vmem>>
        tpu.enqueue_dma source(%dma_start3A_797 : memref<8x128xf32, #tpu.memory_space<vmem>>) target(%dma_start3A_793 : memref<8x128xf32, #tpu.memory_space<hbm>>) target_semaphore(%arg21 : memref<!tpu.dma_semaphore, #tpu.memory_space<semaphore_mem>>)
        %dma_start3A_798 = arith.constant 4 : i32
        %dma_start3A_799 = arith.constant 4 : i32
        %dma_start3A_800 = arith.constant 0 : i32
        %dma_start3A_801 = arith.constant 0 : i32
        %dma_start3A_802 = tpu.memref_slice %arg13[%dma_start3A_798, %dma_start3A_800, %dma_start3A_801] : memref<8x8x129xf32, #tpu.memory_space<vmem>> -> memref<1x8x128xf32, #tpu.memory_space<vmem>>
        %dma_start3A_803 = tpu.memref_squeeze %dma_start3A_802 : memref<1x8x128xf32, #tpu.memory_space<vmem>> -> memref<8x128xf32, #tpu.memory_space<vmem>>
        %dma_start3A_804 = arith.constant 0 : i32
        %dma_start3A_805 = arith.constant 0 : i32
        %dma_start3A_806 = tpu.memref_slice %arg4[%add3A_663, %dma_start3A_799, %add3A, %dma_start3A_804, %dma_start3A_805] : memref<200x8x32x8x128xf32, #tpu.memory_space<hbm>> -> memref<1x1x1x8x128xf32, #tpu.memory_space<hbm>>
        %dma_start3A_807 = tpu.memref_squeeze %dma_start3A_806 : memref<1x1x1x8x128xf32, #tpu.memory_space<hbm>> -> memref<8x128xf32, #tpu.memory_space<hbm>>
        %dma_start3A_808 = arith.constant 0 : i32
        %dma_start3A_809 = arith.constant 0 : i32
        %dma_start3A_810 = tpu.memref_slice %arg4[%add3A_663, %dma_start3A_799, %add3A, %dma_start3A_808, %dma_start3A_809] : memref<200x8x32x8x128xf32, #tpu.memory_space<hbm>> -> memref<1x1x1x8x128xf32, #tpu.memory_space<hbm>>
        %dma_start3A_811 = tpu.memref_squeeze %dma_start3A_810 : memref<1x1x1x8x128xf32, #tpu.memory_space<hbm>> -> memref<8x128xf32, #tpu.memory_space<hbm>>
        %dma_start3A_812 = arith.constant 0 : i32
        %dma_start3A_813 = arith.constant 0 : i32
        %dma_start3A_814 = tpu.memref_slice %arg13[%dma_start3A_798, %dma_start3A_812, %dma_start3A_813] : memref<8x8x129xf32, #tpu.memory_space<vmem>> -> memref<1x8x128xf32, #tpu.memory_space<vmem>>
        %dma_start3A_815 = tpu.memref_squeeze %dma_start3A_814 : memref<1x8x128xf32, #tpu.memory_space<vmem>> -> memref<8x128xf32, #tpu.memory_space<vmem>>
        tpu.enqueue_dma source(%dma_start3A_815 : memref<8x128xf32, #tpu.memory_space<vmem>>) target(%dma_start3A_811 : memref<8x128xf32, #tpu.memory_space<hbm>>) target_semaphore(%arg21 : memref<!tpu.dma_semaphore, #tpu.memory_space<semaphore_mem>>)
        %dma_start3A_816 = arith.constant 5 : i32
        %dma_start3A_817 = arith.constant 5 : i32
        %dma_start3A_818 = arith.constant 0 : i32
        %dma_start3A_819 = arith.constant 0 : i32
        %dma_start3A_820 = tpu.memref_slice %arg13[%dma_start3A_816, %dma_start3A_818, %dma_start3A_819] : memref<8x8x129xf32, #tpu.memory_space<vmem>> -> memref<1x8x128xf32, #tpu.memory_space<vmem>>
        %dma_start3A_821 = tpu.memref_squeeze %dma_start3A_820 : memref<1x8x128xf32, #tpu.memory_space<vmem>> -> memref<8x128xf32, #tpu.memory_space<vmem>>
        %dma_start3A_822 = arith.constant 0 : i32
        %dma_start3A_823 = arith.constant 0 : i32
        %dma_start3A_824 = tpu.memref_slice %arg4[%add3A_663, %dma_start3A_817, %add3A, %dma_start3A_822, %dma_start3A_823] : memref<200x8x32x8x128xf32, #tpu.memory_space<hbm>> -> memref<1x1x1x8x128xf32, #tpu.memory_space<hbm>>
        %dma_start3A_825 = tpu.memref_squeeze %dma_start3A_824 : memref<1x1x1x8x128xf32, #tpu.memory_space<hbm>> -> memref<8x128xf32, #tpu.memory_space<hbm>>
        %dma_start3A_826 = arith.constant 0 : i32
        %dma_start3A_827 = arith.constant 0 : i32
        %dma_start3A_828 = tpu.memref_slice %arg4[%add3A_663, %dma_start3A_817, %add3A, %dma_start3A_826, %dma_start3A_827] : memref<200x8x32x8x128xf32, #tpu.memory_space<hbm>> -> memref<1x1x1x8x128xf32, #tpu.memory_space<hbm>>
        %dma_start3A_829 = tpu.memref_squeeze %dma_start3A_828 : memref<1x1x1x8x128xf32, #tpu.memory_space<hbm>> -> memref<8x128xf32, #tpu.memory_space<hbm>>
        %dma_start3A_830 = arith.constant 0 : i32
        %dma_start3A_831 = arith.constant 0 : i32
        %dma_start3A_832 = tpu.memref_slice %arg13[%dma_start3A_816, %dma_start3A_830, %dma_start3A_831] : memref<8x8x129xf32, #tpu.memory_space<vmem>> -> memref<1x8x128xf32, #tpu.memory_space<vmem>>
        %dma_start3A_833 = tpu.memref_squeeze %dma_start3A_832 : memref<1x8x128xf32, #tpu.memory_space<vmem>> -> memref<8x128xf32, #tpu.memory_space<vmem>>
        tpu.enqueue_dma source(%dma_start3A_833 : memref<8x128xf32, #tpu.memory_space<vmem>>) target(%dma_start3A_829 : memref<8x128xf32, #tpu.memory_space<hbm>>) target_semaphore(%arg21 : memref<!tpu.dma_semaphore, #tpu.memory_space<semaphore_mem>>)
        %dma_start3A_834 = arith.constant 6 : i32
        %dma_start3A_835 = arith.constant 6 : i32
        %dma_start3A_836 = arith.constant 0 : i32
        %dma_start3A_837 = arith.constant 0 : i32
        %dma_start3A_838 = tpu.memref_slice %arg13[%dma_start3A_834, %dma_start3A_836, %dma_start3A_837] : memref<8x8x129xf32, #tpu.memory_space<vmem>> -> memref<1x8x128xf32, #tpu.memory_space<vmem>>
        %dma_start3A_839 = tpu.memref_squeeze %dma_start3A_838 : memref<1x8x128xf32, #tpu.memory_space<vmem>> -> memref<8x128xf32, #tpu.memory_space<vmem>>
        %dma_start3A_840 = arith.constant 0 : i32
        %dma_start3A_841 = arith.constant 0 : i32
        %dma_start3A_842 = tpu.memref_slice %arg4[%add3A_663, %dma_start3A_835, %add3A, %dma_start3A_840, %dma_start3A_841] : memref<200x8x32x8x128xf32, #tpu.memory_space<hbm>> -> memref<1x1x1x8x128xf32, #tpu.memory_space<hbm>>
        %dma_start3A_843 = tpu.memref_squeeze %dma_start3A_842 : memref<1x1x1x8x128xf32, #tpu.memory_space<hbm>> -> memref<8x128xf32, #tpu.memory_space<hbm>>
        %dma_start3A_844 = arith.constant 0 : i32
        %dma_start3A_845 = arith.constant 0 : i32
        %dma_start3A_846 = tpu.memref_slice %arg4[%add3A_663, %dma_start3A_835, %add3A, %dma_start3A_844, %dma_start3A_845] : memref<200x8x32x8x128xf32, #tpu.memory_space<hbm>> -> memref<1x1x1x8x128xf32, #tpu.memory_space<hbm>>
        %dma_start3A_847 = tpu.memref_squeeze %dma_start3A_846 : memref<1x1x1x8x128xf32, #tpu.memory_space<hbm>> -> memref<8x128xf32, #tpu.memory_space<hbm>>
        %dma_start3A_848 = arith.constant 0 : i32
        %dma_start3A_849 = arith.constant 0 : i32
        %dma_start3A_850 = tpu.memref_slice %arg13[%dma_start3A_834, %dma_start3A_848, %dma_start3A_849] : memref<8x8x129xf32, #tpu.memory_space<vmem>> -> memref<1x8x128xf32, #tpu.memory_space<vmem>>
        %dma_start3A_851 = tpu.memref_squeeze %dma_start3A_850 : memref<1x8x128xf32, #tpu.memory_space<vmem>> -> memref<8x128xf32, #tpu.memory_space<vmem>>
        tpu.enqueue_dma source(%dma_start3A_851 : memref<8x128xf32, #tpu.memory_space<vmem>>) target(%dma_start3A_847 : memref<8x128xf32, #tpu.memory_space<hbm>>) target_semaphore(%arg21 : memref<!tpu.dma_semaphore, #tpu.memory_space<semaphore_mem>>)
        %dma_start3A_852 = arith.constant 7 : i32
        %dma_start3A_853 = arith.constant 7 : i32
        %dma_start3A_854 = arith.constant 0 : i32
        %dma_start3A_855 = arith.constant 0 : i32
        %dma_start3A_856 = tpu.memref_slice %arg13[%dma_start3A_852, %dma_start3A_854, %dma_start3A_855] : memref<8x8x129xf32, #tpu.memory_space<vmem>> -> memref<1x8x128xf32, #tpu.memory_space<vmem>>
        %dma_start3A_857 = tpu.memref_squeeze %dma_start3A_856 : memref<1x8x128xf32, #tpu.memory_space<vmem>> -> memref<8x128xf32, #tpu.memory_space<vmem>>
        %dma_start3A_858 = arith.constant 0 : i32
        %dma_start3A_859 = arith.constant 0 : i32
        %dma_start3A_860 = tpu.memref_slice %arg4[%add3A_663, %dma_start3A_853, %add3A, %dma_start3A_858, %dma_start3A_859] : memref<200x8x32x8x128xf32, #tpu.memory_space<hbm>> -> memref<1x1x1x8x128xf32, #tpu.memory_space<hbm>>
        %dma_start3A_861 = tpu.memref_squeeze %dma_start3A_860 : memref<1x1x1x8x128xf32, #tpu.memory_space<hbm>> -> memref<8x128xf32, #tpu.memory_space<hbm>>
        %dma_start3A_862 = arith.constant 0 : i32
        %dma_start3A_863 = arith.constant 0 : i32
        %dma_start3A_864 = tpu.memref_slice %arg4[%add3A_663, %dma_start3A_853, %add3A, %dma_start3A_862, %dma_start3A_863] : memref<200x8x32x8x128xf32, #tpu.memory_space<hbm>> -> memref<1x1x1x8x128xf32, #tpu.memory_space<hbm>>
        %dma_start3A_865 = tpu.memref_squeeze %dma_start3A_864 : memref<1x1x1x8x128xf32, #tpu.memory_space<hbm>> -> memref<8x128xf32, #tpu.memory_space<hbm>>
        %dma_start3A_866 = arith.constant 0 : i32
        %dma_start3A_867 = arith.constant 0 : i32
        %dma_start3A_868 = tpu.memref_slice %arg13[%dma_start3A_852, %dma_start3A_866, %dma_start3A_867] : memref<8x8x129xf32, #tpu.memory_space<vmem>> -> memref<1x8x128xf32, #tpu.memory_space<vmem>>
        %dma_start3A_869 = tpu.memref_squeeze %dma_start3A_868 : memref<1x8x128xf32, #tpu.memory_space<vmem>> -> memref<8x128xf32, #tpu.memory_space<vmem>>
        tpu.enqueue_dma source(%dma_start3A_869 : memref<8x128xf32, #tpu.memory_space<vmem>>) target(%dma_start3A_865 : memref<8x128xf32, #tpu.memory_space<hbm>>) target_semaphore(%arg21 : memref<!tpu.dma_semaphore, #tpu.memory_space<semaphore_mem>>)
      } else {
      }
    }
    %scan3A_27 = arith.constant 50 : i32
    %dma_wait3A = arith.constant 0 : i32
    %dma_wait3A_28 = arith.constant 0 : i32
    %dma_wait3A_29 = arith.constant 0 : i32
    %dma_wait3A_30 = arith.constant 0 : i32
    %dma_wait3A_31 = arith.constant 0 : i32
    %dma_wait3A_32 = tpu.memref_slice %arg13[%dma_wait3A, %dma_wait3A_30, %dma_wait3A_31] : memref<8x8x129xf32, #tpu.memory_space<vmem>> -> memref<1x8x128xf32, #tpu.memory_space<vmem>>
    %dma_wait3A_33 = tpu.memref_squeeze %dma_wait3A_32 : memref<1x8x128xf32, #tpu.memory_space<vmem>> -> memref<8x128xf32, #tpu.memory_space<vmem>>
    %dma_wait3A_34 = arith.constant 0 : i32
    %dma_wait3A_35 = arith.constant 0 : i32
    %dma_wait3A_36 = tpu.memref_slice %arg4[%dma_wait3A_28, %dma_wait3A_29, %add3A, %dma_wait3A_34, %dma_wait3A_35] : memref<200x8x32x8x128xf32, #tpu.memory_space<hbm>> -> memref<1x1x1x8x128xf32, #tpu.memory_space<hbm>>
    %dma_wait3A_37 = tpu.memref_squeeze %dma_wait3A_36 : memref<1x1x1x8x128xf32, #tpu.memory_space<hbm>> -> memref<8x128xf32, #tpu.memory_space<hbm>>
    %dma_wait3A_38 = arith.constant 0 : i32
    %dma_wait3A_39 = arith.constant 0 : i32
    %dma_wait3A_40 = tpu.memref_slice %arg4[%dma_wait3A_28, %dma_wait3A_29, %add3A, %dma_wait3A_38, %dma_wait3A_39] : memref<200x8x32x8x128xf32, #tpu.memory_space<hbm>> -> memref<1x1x1x8x128xf32, #tpu.memory_space<hbm>>
    %dma_wait3A_41 = tpu.memref_squeeze %dma_wait3A_40 : memref<1x1x1x8x128xf32, #tpu.memory_space<hbm>> -> memref<8x128xf32, #tpu.memory_space<hbm>>
    %dma_wait3A_42 = arith.constant 0 : i32
    %dma_wait3A_43 = arith.constant 0 : i32
    %dma_wait3A_44 = tpu.memref_slice %arg13[%dma_wait3A, %dma_wait3A_42, %dma_wait3A_43] : memref<8x8x129xf32, #tpu.memory_space<vmem>> -> memref<1x8x128xf32, #tpu.memory_space<vmem>>
    %dma_wait3A_45 = tpu.memref_squeeze %dma_wait3A_44 : memref<1x8x128xf32, #tpu.memory_space<vmem>> -> memref<8x128xf32, #tpu.memory_space<vmem>>
    tpu.wait_dma2 semaphore(%arg21 : memref<!tpu.dma_semaphore, #tpu.memory_space<semaphore_mem>>) src(%dma_wait3A_45 : memref<8x128xf32, #tpu.memory_space<vmem>>) dst(%dma_wait3A_41 : memref<8x128xf32, #tpu.memory_space<hbm>>)
    %dma_wait3A_46 = arith.constant 1 : i32
    %dma_wait3A_47 = arith.constant 0 : i32
    %dma_wait3A_48 = arith.constant 1 : i32
    %dma_wait3A_49 = arith.constant 0 : i32
    %dma_wait3A_50 = arith.constant 0 : i32
    %dma_wait3A_51 = tpu.memref_slice %arg13[%dma_wait3A_46, %dma_wait3A_49, %dma_wait3A_50] : memref<8x8x129xf32, #tpu.memory_space<vmem>> -> memref<1x8x128xf32, #tpu.memory_space<vmem>>
    %dma_wait3A_52 = tpu.memref_squeeze %dma_wait3A_51 : memref<1x8x128xf32, #tpu.memory_space<vmem>> -> memref<8x128xf32, #tpu.memory_space<vmem>>
    %dma_wait3A_53 = arith.constant 0 : i32
    %dma_wait3A_54 = arith.constant 0 : i32
    %dma_wait3A_55 = tpu.memref_slice %arg4[%dma_wait3A_47, %dma_wait3A_48, %add3A, %dma_wait3A_53, %dma_wait3A_54] : memref<200x8x32x8x128xf32, #tpu.memory_space<hbm>> -> memref<1x1x1x8x128xf32, #tpu.memory_space<hbm>>
    %dma_wait3A_56 = tpu.memref_squeeze %dma_wait3A_55 : memref<1x1x1x8x128xf32, #tpu.memory_space<hbm>> -> memref<8x128xf32, #tpu.memory_space<hbm>>
    %dma_wait3A_57 = arith.constant 0 : i32
    %dma_wait3A_58 = arith.constant 0 : i32
    %dma_wait3A_59 = tpu.memref_slice %arg4[%dma_wait3A_47, %dma_wait3A_48, %add3A, %dma_wait3A_57, %dma_wait3A_58] : memref<200x8x32x8x128xf32, #tpu.memory_space<hbm>> -> memref<1x1x1x8x128xf32, #tpu.memory_space<hbm>>
    %dma_wait3A_60 = tpu.memref_squeeze %dma_wait3A_59 : memref<1x1x1x8x128xf32, #tpu.memory_space<hbm>> -> memref<8x128xf32, #tpu.memory_space<hbm>>
    %dma_wait3A_61 = arith.constant 0 : i32
    %dma_wait3A_62 = arith.constant 0 : i32
    %dma_wait3A_63 = tpu.memref_slice %arg13[%dma_wait3A_46, %dma_wait3A_61, %dma_wait3A_62] : memref<8x8x129xf32, #tpu.memory_space<vmem>> -> memref<1x8x128xf32, #tpu.memory_space<vmem>>
    %dma_wait3A_64 = tpu.memref_squeeze %dma_wait3A_63 : memref<1x8x128xf32, #tpu.memory_space<vmem>> -> memref<8x128xf32, #tpu.memory_space<vmem>>
    tpu.wait_dma2 semaphore(%arg21 : memref<!tpu.dma_semaphore, #tpu.memory_space<semaphore_mem>>) src(%dma_wait3A_64 : memref<8x128xf32, #tpu.memory_space<vmem>>) dst(%dma_wait3A_60 : memref<8x128xf32, #tpu.memory_space<hbm>>)
    %dma_wait3A_65 = arith.constant 2 : i32
    %dma_wait3A_66 = arith.constant 0 : i32
    %dma_wait3A_67 = arith.constant 2 : i32
    %dma_wait3A_68 = arith.constant 0 : i32
    %dma_wait3A_69 = arith.constant 0 : i32
    %dma_wait3A_70 = tpu.memref_slice %arg13[%dma_wait3A_65, %dma_wait3A_68, %dma_wait3A_69] : memref<8x8x129xf32, #tpu.memory_space<vmem>> -> memref<1x8x128xf32, #tpu.memory_space<vmem>>
    %dma_wait3A_71 = tpu.memref_squeeze %dma_wait3A_70 : memref<1x8x128xf32, #tpu.memory_space<vmem>> -> memref<8x128xf32, #tpu.memory_space<vmem>>
    %dma_wait3A_72 = arith.constant 0 : i32
    %dma_wait3A_73 = arith.constant 0 : i32
    %dma_wait3A_74 = tpu.memref_slice %arg4[%dma_wait3A_66, %dma_wait3A_67, %add3A, %dma_wait3A_72, %dma_wait3A_73] : memref<200x8x32x8x128xf32, #tpu.memory_space<hbm>> -> memref<1x1x1x8x128xf32, #tpu.memory_space<hbm>>
    %dma_wait3A_75 = tpu.memref_squeeze %dma_wait3A_74 : memref<1x1x1x8x128xf32, #tpu.memory_space<hbm>> -> memref<8x128xf32, #tpu.memory_space<hbm>>
    %dma_wait3A_76 = arith.constant 0 : i32
    %dma_wait3A_77 = arith.constant 0 : i32
    %dma_wait3A_78 = tpu.memref_slice %arg4[%dma_wait3A_66, %dma_wait3A_67, %add3A, %dma_wait3A_76, %dma_wait3A_77] : memref<200x8x32x8x128xf32, #tpu.memory_space<hbm>> -> memref<1x1x1x8x128xf32, #tpu.memory_space<hbm>>
    %dma_wait3A_79 = tpu.memref_squeeze %dma_wait3A_78 : memref<1x1x1x8x128xf32, #tpu.memory_space<hbm>> -> memref<8x128xf32, #tpu.memory_space<hbm>>
    %dma_wait3A_80 = arith.constant 0 : i32
    %dma_wait3A_81 = arith.constant 0 : i32
    %dma_wait3A_82 = tpu.memref_slice %arg13[%dma_wait3A_65, %dma_wait3A_80, %dma_wait3A_81] : memref<8x8x129xf32, #tpu.memory_space<vmem>> -> memref<1x8x128xf32, #tpu.memory_space<vmem>>
    %dma_wait3A_83 = tpu.memref_squeeze %dma_wait3A_82 : memref<1x8x128xf32, #tpu.memory_space<vmem>> -> memref<8x128xf32, #tpu.memory_space<vmem>>
    tpu.wait_dma2 semaphore(%arg21 : memref<!tpu.dma_semaphore, #tpu.memory_space<semaphore_mem>>) src(%dma_wait3A_83 : memref<8x128xf32, #tpu.memory_space<vmem>>) dst(%dma_wait3A_79 : memref<8x128xf32, #tpu.memory_space<hbm>>)
    %dma_wait3A_84 = arith.constant 3 : i32
    %dma_wait3A_85 = arith.constant 0 : i32
    %dma_wait3A_86 = arith.constant 3 : i32
    %dma_wait3A_87 = arith.constant 0 : i32
    %dma_wait3A_88 = arith.constant 0 : i32
    %dma_wait3A_89 = tpu.memref_slice %arg13[%dma_wait3A_84, %dma_wait3A_87, %dma_wait3A_88] : memref<8x8x129xf32, #tpu.memory_space<vmem>> -> memref<1x8x128xf32, #tpu.memory_space<vmem>>
    %dma_wait3A_90 = tpu.memref_squeeze %dma_wait3A_89 : memref<1x8x128xf32, #tpu.memory_space<vmem>> -> memref<8x128xf32, #tpu.memory_space<vmem>>
    %dma_wait3A_91 = arith.constant 0 : i32
    %dma_wait3A_92 = arith.constant 0 : i32
    %dma_wait3A_93 = tpu.memref_slice %arg4[%dma_wait3A_85, %dma_wait3A_86, %add3A, %dma_wait3A_91, %dma_wait3A_92] : memref<200x8x32x8x128xf32, #tpu.memory_space<hbm>> -> memref<1x1x1x8x128xf32, #tpu.memory_space<hbm>>
    %dma_wait3A_94 = tpu.memref_squeeze %dma_wait3A_93 : memref<1x1x1x8x128xf32, #tpu.memory_space<hbm>> -> memref<8x128xf32, #tpu.memory_space<hbm>>
    %dma_wait3A_95 = arith.constant 0 : i32
    %dma_wait3A_96 = arith.constant 0 : i32
    %dma_wait3A_97 = tpu.memref_slice %arg4[%dma_wait3A_85, %dma_wait3A_86, %add3A, %dma_wait3A_95, %dma_wait3A_96] : memref<200x8x32x8x128xf32, #tpu.memory_space<hbm>> -> memref<1x1x1x8x128xf32, #tpu.memory_space<hbm>>
    %dma_wait3A_98 = tpu.memref_squeeze %dma_wait3A_97 : memref<1x1x1x8x128xf32, #tpu.memory_space<hbm>> -> memref<8x128xf32, #tpu.memory_space<hbm>>
    %dma_wait3A_99 = arith.constant 0 : i32
    %dma_wait3A_100 = arith.constant 0 : i32
    %dma_wait3A_101 = tpu.memref_slice %arg13[%dma_wait3A_84, %dma_wait3A_99, %dma_wait3A_100] : memref<8x8x129xf32, #tpu.memory_space<vmem>> -> memref<1x8x128xf32, #tpu.memory_space<vmem>>
    %dma_wait3A_102 = tpu.memref_squeeze %dma_wait3A_101 : memref<1x8x128xf32, #tpu.memory_space<vmem>> -> memref<8x128xf32, #tpu.memory_space<vmem>>
    tpu.wait_dma2 semaphore(%arg21 : memref<!tpu.dma_semaphore, #tpu.memory_space<semaphore_mem>>) src(%dma_wait3A_102 : memref<8x128xf32, #tpu.memory_space<vmem>>) dst(%dma_wait3A_98 : memref<8x128xf32, #tpu.memory_space<hbm>>)
    %dma_wait3A_103 = arith.constant 4 : i32
    %dma_wait3A_104 = arith.constant 0 : i32
    %dma_wait3A_105 = arith.constant 4 : i32
    %dma_wait3A_106 = arith.constant 0 : i32
    %dma_wait3A_107 = arith.constant 0 : i32
    %dma_wait3A_108 = tpu.memref_slice %arg13[%dma_wait3A_103, %dma_wait3A_106, %dma_wait3A_107] : memref<8x8x129xf32, #tpu.memory_space<vmem>> -> memref<1x8x128xf32, #tpu.memory_space<vmem>>
    %dma_wait3A_109 = tpu.memref_squeeze %dma_wait3A_108 : memref<1x8x128xf32, #tpu.memory_space<vmem>> -> memref<8x128xf32, #tpu.memory_space<vmem>>
    %dma_wait3A_110 = arith.constant 0 : i32
    %dma_wait3A_111 = arith.constant 0 : i32
    %dma_wait3A_112 = tpu.memref_slice %arg4[%dma_wait3A_104, %dma_wait3A_105, %add3A, %dma_wait3A_110, %dma_wait3A_111] : memref<200x8x32x8x128xf32, #tpu.memory_space<hbm>> -> memref<1x1x1x8x128xf32, #tpu.memory_space<hbm>>
    %dma_wait3A_113 = tpu.memref_squeeze %dma_wait3A_112 : memref<1x1x1x8x128xf32, #tpu.memory_space<hbm>> -> memref<8x128xf32, #tpu.memory_space<hbm>>
    %dma_wait3A_114 = arith.constant 0 : i32
    %dma_wait3A_115 = arith.constant 0 : i32
    %dma_wait3A_116 = tpu.memref_slice %arg4[%dma_wait3A_104, %dma_wait3A_105, %add3A, %dma_wait3A_114, %dma_wait3A_115] : memref<200x8x32x8x128xf32, #tpu.memory_space<hbm>> -> memref<1x1x1x8x128xf32, #tpu.memory_space<hbm>>
    %dma_wait3A_117 = tpu.memref_squeeze %dma_wait3A_116 : memref<1x1x1x8x128xf32, #tpu.memory_space<hbm>> -> memref<8x128xf32, #tpu.memory_space<hbm>>
    %dma_wait3A_118 = arith.constant 0 : i32
    %dma_wait3A_119 = arith.constant 0 : i32
    %dma_wait3A_120 = tpu.memref_slice %arg13[%dma_wait3A_103, %dma_wait3A_118, %dma_wait3A_119] : memref<8x8x129xf32, #tpu.memory_space<vmem>> -> memref<1x8x128xf32, #tpu.memory_space<vmem>>
    %dma_wait3A_121 = tpu.memref_squeeze %dma_wait3A_120 : memref<1x8x128xf32, #tpu.memory_space<vmem>> -> memref<8x128xf32, #tpu.memory_space<vmem>>
    tpu.wait_dma2 semaphore(%arg21 : memref<!tpu.dma_semaphore, #tpu.memory_space<semaphore_mem>>) src(%dma_wait3A_121 : memref<8x128xf32, #tpu.memory_space<vmem>>) dst(%dma_wait3A_117 : memref<8x128xf32, #tpu.memory_space<hbm>>)
    %dma_wait3A_122 = arith.constant 5 : i32
    %dma_wait3A_123 = arith.constant 0 : i32
    %dma_wait3A_124 = arith.constant 5 : i32
    %dma_wait3A_125 = arith.constant 0 : i32
    %dma_wait3A_126 = arith.constant 0 : i32
    %dma_wait3A_127 = tpu.memref_slice %arg13[%dma_wait3A_122, %dma_wait3A_125, %dma_wait3A_126] : memref<8x8x129xf32, #tpu.memory_space<vmem>> -> memref<1x8x128xf32, #tpu.memory_space<vmem>>
    %dma_wait3A_128 = tpu.memref_squeeze %dma_wait3A_127 : memref<1x8x128xf32, #tpu.memory_space<vmem>> -> memref<8x128xf32, #tpu.memory_space<vmem>>
    %dma_wait3A_129 = arith.constant 0 : i32
    %dma_wait3A_130 = arith.constant 0 : i32
    %dma_wait3A_131 = tpu.memref_slice %arg4[%dma_wait3A_123, %dma_wait3A_124, %add3A, %dma_wait3A_129, %dma_wait3A_130] : memref<200x8x32x8x128xf32, #tpu.memory_space<hbm>> -> memref<1x1x1x8x128xf32, #tpu.memory_space<hbm>>
    %dma_wait3A_132 = tpu.memref_squeeze %dma_wait3A_131 : memref<1x1x1x8x128xf32, #tpu.memory_space<hbm>> -> memref<8x128xf32, #tpu.memory_space<hbm>>
    %dma_wait3A_133 = arith.constant 0 : i32
    %dma_wait3A_134 = arith.constant 0 : i32
    %dma_wait3A_135 = tpu.memref_slice %arg4[%dma_wait3A_123, %dma_wait3A_124, %add3A, %dma_wait3A_133, %dma_wait3A_134] : memref<200x8x32x8x128xf32, #tpu.memory_space<hbm>> -> memref<1x1x1x8x128xf32, #tpu.memory_space<hbm>>
    %dma_wait3A_136 = tpu.memref_squeeze %dma_wait3A_135 : memref<1x1x1x8x128xf32, #tpu.memory_space<hbm>> -> memref<8x128xf32, #tpu.memory_space<hbm>>
    %dma_wait3A_137 = arith.constant 0 : i32
    %dma_wait3A_138 = arith.constant 0 : i32
    %dma_wait3A_139 = tpu.memref_slice %arg13[%dma_wait3A_122, %dma_wait3A_137, %dma_wait3A_138] : memref<8x8x129xf32, #tpu.memory_space<vmem>> -> memref<1x8x128xf32, #tpu.memory_space<vmem>>
    %dma_wait3A_140 = tpu.memref_squeeze %dma_wait3A_139 : memref<1x8x128xf32, #tpu.memory_space<vmem>> -> memref<8x128xf32, #tpu.memory_space<vmem>>
    tpu.wait_dma2 semaphore(%arg21 : memref<!tpu.dma_semaphore, #tpu.memory_space<semaphore_mem>>) src(%dma_wait3A_140 : memref<8x128xf32, #tpu.memory_space<vmem>>) dst(%dma_wait3A_136 : memref<8x128xf32, #tpu.memory_space<hbm>>)
    %dma_wait3A_141 = arith.constant 6 : i32
    %dma_wait3A_142 = arith.constant 0 : i32
    %dma_wait3A_143 = arith.constant 6 : i32
    %dma_wait3A_144 = arith.constant 0 : i32
    %dma_wait3A_145 = arith.constant 0 : i32
    %dma_wait3A_146 = tpu.memref_slice %arg13[%dma_wait3A_141, %dma_wait3A_144, %dma_wait3A_145] : memref<8x8x129xf32, #tpu.memory_space<vmem>> -> memref<1x8x128xf32, #tpu.memory_space<vmem>>
    %dma_wait3A_147 = tpu.memref_squeeze %dma_wait3A_146 : memref<1x8x128xf32, #tpu.memory_space<vmem>> -> memref<8x128xf32, #tpu.memory_space<vmem>>
    %dma_wait3A_148 = arith.constant 0 : i32
    %dma_wait3A_149 = arith.constant 0 : i32
    %dma_wait3A_150 = tpu.memref_slice %arg4[%dma_wait3A_142, %dma_wait3A_143, %add3A, %dma_wait3A_148, %dma_wait3A_149] : memref<200x8x32x8x128xf32, #tpu.memory_space<hbm>> -> memref<1x1x1x8x128xf32, #tpu.memory_space<hbm>>
    %dma_wait3A_151 = tpu.memref_squeeze %dma_wait3A_150 : memref<1x1x1x8x128xf32, #tpu.memory_space<hbm>> -> memref<8x128xf32, #tpu.memory_space<hbm>>
    %dma_wait3A_152 = arith.constant 0 : i32
    %dma_wait3A_153 = arith.constant 0 : i32
    %dma_wait3A_154 = tpu.memref_slice %arg4[%dma_wait3A_142, %dma_wait3A_143, %add3A, %dma_wait3A_152, %dma_wait3A_153] : memref<200x8x32x8x128xf32, #tpu.memory_space<hbm>> -> memref<1x1x1x8x128xf32, #tpu.memory_space<hbm>>
    %dma_wait3A_155 = tpu.memref_squeeze %dma_wait3A_154 : memref<1x1x1x8x128xf32, #tpu.memory_space<hbm>> -> memref<8x128xf32, #tpu.memory_space<hbm>>
    %dma_wait3A_156 = arith.constant 0 : i32
    %dma_wait3A_157 = arith.constant 0 : i32
    %dma_wait3A_158 = tpu.memref_slice %arg13[%dma_wait3A_141, %dma_wait3A_156, %dma_wait3A_157] : memref<8x8x129xf32, #tpu.memory_space<vmem>> -> memref<1x8x128xf32, #tpu.memory_space<vmem>>
    %dma_wait3A_159 = tpu.memref_squeeze %dma_wait3A_158 : memref<1x8x128xf32, #tpu.memory_space<vmem>> -> memref<8x128xf32, #tpu.memory_space<vmem>>
    tpu.wait_dma2 semaphore(%arg21 : memref<!tpu.dma_semaphore, #tpu.memory_space<semaphore_mem>>) src(%dma_wait3A_159 : memref<8x128xf32, #tpu.memory_space<vmem>>) dst(%dma_wait3A_155 : memref<8x128xf32, #tpu.memory_space<hbm>>)
    %dma_wait3A_160 = arith.constant 7 : i32
    %dma_wait3A_161 = arith.constant 0 : i32
    %dma_wait3A_162 = arith.constant 7 : i32
    %dma_wait3A_163 = arith.constant 0 : i32
    %dma_wait3A_164 = arith.constant 0 : i32
    %dma_wait3A_165 = tpu.memref_slice %arg13[%dma_wait3A_160, %dma_wait3A_163, %dma_wait3A_164] : memref<8x8x129xf32, #tpu.memory_space<vmem>> -> memref<1x8x128xf32, #tpu.memory_space<vmem>>
    %dma_wait3A_166 = tpu.memref_squeeze %dma_wait3A_165 : memref<1x8x128xf32, #tpu.memory_space<vmem>> -> memref<8x128xf32, #tpu.memory_space<vmem>>
    %dma_wait3A_167 = arith.constant 0 : i32
    %dma_wait3A_168 = arith.constant 0 : i32
    %dma_wait3A_169 = tpu.memref_slice %arg4[%dma_wait3A_161, %dma_wait3A_162, %add3A, %dma_wait3A_167, %dma_wait3A_168] : memref<200x8x32x8x128xf32, #tpu.memory_space<hbm>> -> memref<1x1x1x8x128xf32, #tpu.memory_space<hbm>>
    %dma_wait3A_170 = tpu.memref_squeeze %dma_wait3A_169 : memref<1x1x1x8x128xf32, #tpu.memory_space<hbm>> -> memref<8x128xf32, #tpu.memory_space<hbm>>
    %dma_wait3A_171 = arith.constant 0 : i32
    %dma_wait3A_172 = arith.constant 0 : i32
    %dma_wait3A_173 = tpu.memref_slice %arg4[%dma_wait3A_161, %dma_wait3A_162, %add3A, %dma_wait3A_171, %dma_wait3A_172] : memref<200x8x32x8x128xf32, #tpu.memory_space<hbm>> -> memref<1x1x1x8x128xf32, #tpu.memory_space<hbm>>
    %dma_wait3A_174 = tpu.memref_squeeze %dma_wait3A_173 : memref<1x1x1x8x128xf32, #tpu.memory_space<hbm>> -> memref<8x128xf32, #tpu.memory_space<hbm>>
    %dma_wait3A_175 = arith.constant 0 : i32
    %dma_wait3A_176 = arith.constant 0 : i32
    %dma_wait3A_177 = tpu.memref_slice %arg13[%dma_wait3A_160, %dma_wait3A_175, %dma_wait3A_176] : memref<8x8x129xf32, #tpu.memory_space<vmem>> -> memref<1x8x128xf32, #tpu.memory_space<vmem>>
    %dma_wait3A_178 = tpu.memref_squeeze %dma_wait3A_177 : memref<1x8x128xf32, #tpu.memory_space<vmem>> -> memref<8x128xf32, #tpu.memory_space<vmem>>
    tpu.wait_dma2 semaphore(%arg21 : memref<!tpu.dma_semaphore, #tpu.memory_space<semaphore_mem>>) src(%dma_wait3A_178 : memref<8x128xf32, #tpu.memory_space<vmem>>) dst(%dma_wait3A_174 : memref<8x128xf32, #tpu.memory_space<hbm>>)
    %dma_wait3A_179 = arith.constant 0 : i32
    %dma_wait3A_180 = arith.constant 0 : i32
    %dma_wait3A_181 = arith.constant 0 : i32
    %dma_wait3A_182 = arith.constant 0 : i32
    %dma_wait3A_183 = arith.constant 0 : i32
    %dma_wait3A_184 = tpu.memref_slice %arg12[%dma_wait3A_179, %dma_wait3A_182, %dma_wait3A_183] : memref<8x8x129xf32, #tpu.memory_space<vmem>> -> memref<1x8x128xf32, #tpu.memory_space<vmem>>
    %dma_wait3A_185 = tpu.memref_squeeze %dma_wait3A_184 : memref<1x8x128xf32, #tpu.memory_space<vmem>> -> memref<8x128xf32, #tpu.memory_space<vmem>>
    %dma_wait3A_186 = arith.constant 0 : i32
    %dma_wait3A_187 = arith.constant 0 : i32
    %dma_wait3A_188 = tpu.memref_slice %arg4[%dma_wait3A_180, %dma_wait3A_181, %add3A, %dma_wait3A_186, %dma_wait3A_187] : memref<200x8x32x8x128xf32, #tpu.memory_space<hbm>> -> memref<1x1x1x8x128xf32, #tpu.memory_space<hbm>>
    %dma_wait3A_189 = tpu.memref_squeeze %dma_wait3A_188 : memref<1x1x1x8x128xf32, #tpu.memory_space<hbm>> -> memref<8x128xf32, #tpu.memory_space<hbm>>
    %dma_wait3A_190 = arith.constant 0 : i32
    %dma_wait3A_191 = arith.constant 0 : i32
    %dma_wait3A_192 = tpu.memref_slice %arg4[%dma_wait3A_180, %dma_wait3A_181, %add3A, %dma_wait3A_190, %dma_wait3A_191] : memref<200x8x32x8x128xf32, #tpu.memory_space<hbm>> -> memref<1x1x1x8x128xf32, #tpu.memory_space<hbm>>
    %dma_wait3A_193 = tpu.memref_squeeze %dma_wait3A_192 : memref<1x1x1x8x128xf32, #tpu.memory_space<hbm>> -> memref<8x128xf32, #tpu.memory_space<hbm>>
    %dma_wait3A_194 = arith.constant 0 : i32
    %dma_wait3A_195 = arith.constant 0 : i32
    %dma_wait3A_196 = tpu.memref_slice %arg12[%dma_wait3A_179, %dma_wait3A_194, %dma_wait3A_195] : memref<8x8x129xf32, #tpu.memory_space<vmem>> -> memref<1x8x128xf32, #tpu.memory_space<vmem>>
    %dma_wait3A_197 = tpu.memref_squeeze %dma_wait3A_196 : memref<1x8x128xf32, #tpu.memory_space<vmem>> -> memref<8x128xf32, #tpu.memory_space<vmem>>
    tpu.wait_dma2 semaphore(%arg20 : memref<!tpu.dma_semaphore, #tpu.memory_space<semaphore_mem>>) src(%dma_wait3A_197 : memref<8x128xf32, #tpu.memory_space<vmem>>) dst(%dma_wait3A_193 : memref<8x128xf32, #tpu.memory_space<hbm>>)
    %dma_wait3A_198 = arith.constant 1 : i32
    %dma_wait3A_199 = arith.constant 0 : i32
    %dma_wait3A_200 = arith.constant 1 : i32
    %dma_wait3A_201 = arith.constant 0 : i32
    %dma_wait3A_202 = arith.constant 0 : i32
    %dma_wait3A_203 = tpu.memref_slice %arg12[%dma_wait3A_198, %dma_wait3A_201, %dma_wait3A_202] : memref<8x8x129xf32, #tpu.memory_space<vmem>> -> memref<1x8x128xf32, #tpu.memory_space<vmem>>
    %dma_wait3A_204 = tpu.memref_squeeze %dma_wait3A_203 : memref<1x8x128xf32, #tpu.memory_space<vmem>> -> memref<8x128xf32, #tpu.memory_space<vmem>>
    %dma_wait3A_205 = arith.constant 0 : i32
    %dma_wait3A_206 = arith.constant 0 : i32
    %dma_wait3A_207 = tpu.memref_slice %arg4[%dma_wait3A_199, %dma_wait3A_200, %add3A, %dma_wait3A_205, %dma_wait3A_206] : memref<200x8x32x8x128xf32, #tpu.memory_space<hbm>> -> memref<1x1x1x8x128xf32, #tpu.memory_space<hbm>>
    %dma_wait3A_208 = tpu.memref_squeeze %dma_wait3A_207 : memref<1x1x1x8x128xf32, #tpu.memory_space<hbm>> -> memref<8x128xf32, #tpu.memory_space<hbm>>
    %dma_wait3A_209 = arith.constant 0 : i32
    %dma_wait3A_210 = arith.constant 0 : i32
    %dma_wait3A_211 = tpu.memref_slice %arg4[%dma_wait3A_199, %dma_wait3A_200, %add3A, %dma_wait3A_209, %dma_wait3A_210] : memref<200x8x32x8x128xf32, #tpu.memory_space<hbm>> -> memref<1x1x1x8x128xf32, #tpu.memory_space<hbm>>
    %dma_wait3A_212 = tpu.memref_squeeze %dma_wait3A_211 : memref<1x1x1x8x128xf32, #tpu.memory_space<hbm>> -> memref<8x128xf32, #tpu.memory_space<hbm>>
    %dma_wait3A_213 = arith.constant 0 : i32
    %dma_wait3A_214 = arith.constant 0 : i32
    %dma_wait3A_215 = tpu.memref_slice %arg12[%dma_wait3A_198, %dma_wait3A_213, %dma_wait3A_214] : memref<8x8x129xf32, #tpu.memory_space<vmem>> -> memref<1x8x128xf32, #tpu.memory_space<vmem>>
    %dma_wait3A_216 = tpu.memref_squeeze %dma_wait3A_215 : memref<1x8x128xf32, #tpu.memory_space<vmem>> -> memref<8x128xf32, #tpu.memory_space<vmem>>
    tpu.wait_dma2 semaphore(%arg20 : memref<!tpu.dma_semaphore, #tpu.memory_space<semaphore_mem>>) src(%dma_wait3A_216 : memref<8x128xf32, #tpu.memory_space<vmem>>) dst(%dma_wait3A_212 : memref<8x128xf32, #tpu.memory_space<hbm>>)
    %dma_wait3A_217 = arith.constant 2 : i32
    %dma_wait3A_218 = arith.constant 0 : i32
    %dma_wait3A_219 = arith.constant 2 : i32
    %dma_wait3A_220 = arith.constant 0 : i32
    %dma_wait3A_221 = arith.constant 0 : i32
    %dma_wait3A_222 = tpu.memref_slice %arg12[%dma_wait3A_217, %dma_wait3A_220, %dma_wait3A_221] : memref<8x8x129xf32, #tpu.memory_space<vmem>> -> memref<1x8x128xf32, #tpu.memory_space<vmem>>
    %dma_wait3A_223 = tpu.memref_squeeze %dma_wait3A_222 : memref<1x8x128xf32, #tpu.memory_space<vmem>> -> memref<8x128xf32, #tpu.memory_space<vmem>>
    %dma_wait3A_224 = arith.constant 0 : i32
    %dma_wait3A_225 = arith.constant 0 : i32
    %dma_wait3A_226 = tpu.memref_slice %arg4[%dma_wait3A_218, %dma_wait3A_219, %add3A, %dma_wait3A_224, %dma_wait3A_225] : memref<200x8x32x8x128xf32, #tpu.memory_space<hbm>> -> memref<1x1x1x8x128xf32, #tpu.memory_space<hbm>>
    %dma_wait3A_227 = tpu.memref_squeeze %dma_wait3A_226 : memref<1x1x1x8x128xf32, #tpu.memory_space<hbm>> -> memref<8x128xf32, #tpu.memory_space<hbm>>
    %dma_wait3A_228 = arith.constant 0 : i32
    %dma_wait3A_229 = arith.constant 0 : i32
    %dma_wait3A_230 = tpu.memref_slice %arg4[%dma_wait3A_218, %dma_wait3A_219, %add3A, %dma_wait3A_228, %dma_wait3A_229] : memref<200x8x32x8x128xf32, #tpu.memory_space<hbm>> -> memref<1x1x1x8x128xf32, #tpu.memory_space<hbm>>
    %dma_wait3A_231 = tpu.memref_squeeze %dma_wait3A_230 : memref<1x1x1x8x128xf32, #tpu.memory_space<hbm>> -> memref<8x128xf32, #tpu.memory_space<hbm>>
    %dma_wait3A_232 = arith.constant 0 : i32
    %dma_wait3A_233 = arith.constant 0 : i32
    %dma_wait3A_234 = tpu.memref_slice %arg12[%dma_wait3A_217, %dma_wait3A_232, %dma_wait3A_233] : memref<8x8x129xf32, #tpu.memory_space<vmem>> -> memref<1x8x128xf32, #tpu.memory_space<vmem>>
    %dma_wait3A_235 = tpu.memref_squeeze %dma_wait3A_234 : memref<1x8x128xf32, #tpu.memory_space<vmem>> -> memref<8x128xf32, #tpu.memory_space<vmem>>
    tpu.wait_dma2 semaphore(%arg20 : memref<!tpu.dma_semaphore, #tpu.memory_space<semaphore_mem>>) src(%dma_wait3A_235 : memref<8x128xf32, #tpu.memory_space<vmem>>) dst(%dma_wait3A_231 : memref<8x128xf32, #tpu.memory_space<hbm>>)
    %dma_wait3A_236 = arith.constant 3 : i32
    %dma_wait3A_237 = arith.constant 0 : i32
    %dma_wait3A_238 = arith.constant 3 : i32
    %dma_wait3A_239 = arith.constant 0 : i32
    %dma_wait3A_240 = arith.constant 0 : i32
    %dma_wait3A_241 = tpu.memref_slice %arg12[%dma_wait3A_236, %dma_wait3A_239, %dma_wait3A_240] : memref<8x8x129xf32, #tpu.memory_space<vmem>> -> memref<1x8x128xf32, #tpu.memory_space<vmem>>
    %dma_wait3A_242 = tpu.memref_squeeze %dma_wait3A_241 : memref<1x8x128xf32, #tpu.memory_space<vmem>> -> memref<8x128xf32, #tpu.memory_space<vmem>>
    %dma_wait3A_243 = arith.constant 0 : i32
    %dma_wait3A_244 = arith.constant 0 : i32
    %dma_wait3A_245 = tpu.memref_slice %arg4[%dma_wait3A_237, %dma_wait3A_238, %add3A, %dma_wait3A_243, %dma_wait3A_244] : memref<200x8x32x8x128xf32, #tpu.memory_space<hbm>> -> memref<1x1x1x8x128xf32, #tpu.memory_space<hbm>>
    %dma_wait3A_246 = tpu.memref_squeeze %dma_wait3A_245 : memref<1x1x1x8x128xf32, #tpu.memory_space<hbm>> -> memref<8x128xf32, #tpu.memory_space<hbm>>
    %dma_wait3A_247 = arith.constant 0 : i32
    %dma_wait3A_248 = arith.constant 0 : i32
    %dma_wait3A_249 = tpu.memref_slice %arg4[%dma_wait3A_237, %dma_wait3A_238, %add3A, %dma_wait3A_247, %dma_wait3A_248] : memref<200x8x32x8x128xf32, #tpu.memory_space<hbm>> -> memref<1x1x1x8x128xf32, #tpu.memory_space<hbm>>
    %dma_wait3A_250 = tpu.memref_squeeze %dma_wait3A_249 : memref<1x1x1x8x128xf32, #tpu.memory_space<hbm>> -> memref<8x128xf32, #tpu.memory_space<hbm>>
    %dma_wait3A_251 = arith.constant 0 : i32
    %dma_wait3A_252 = arith.constant 0 : i32
    %dma_wait3A_253 = tpu.memref_slice %arg12[%dma_wait3A_236, %dma_wait3A_251, %dma_wait3A_252] : memref<8x8x129xf32, #tpu.memory_space<vmem>> -> memref<1x8x128xf32, #tpu.memory_space<vmem>>
    %dma_wait3A_254 = tpu.memref_squeeze %dma_wait3A_253 : memref<1x8x128xf32, #tpu.memory_space<vmem>> -> memref<8x128xf32, #tpu.memory_space<vmem>>
    tpu.wait_dma2 semaphore(%arg20 : memref<!tpu.dma_semaphore, #tpu.memory_space<semaphore_mem>>) src(%dma_wait3A_254 : memref<8x128xf32, #tpu.memory_space<vmem>>) dst(%dma_wait3A_250 : memref<8x128xf32, #tpu.memory_space<hbm>>)
    %dma_wait3A_255 = arith.constant 4 : i32
    %dma_wait3A_256 = arith.constant 0 : i32
    %dma_wait3A_257 = arith.constant 4 : i32
    %dma_wait3A_258 = arith.constant 0 : i32
    %dma_wait3A_259 = arith.constant 0 : i32
    %dma_wait3A_260 = tpu.memref_slice %arg12[%dma_wait3A_255, %dma_wait3A_258, %dma_wait3A_259] : memref<8x8x129xf32, #tpu.memory_space<vmem>> -> memref<1x8x128xf32, #tpu.memory_space<vmem>>
    %dma_wait3A_261 = tpu.memref_squeeze %dma_wait3A_260 : memref<1x8x128xf32, #tpu.memory_space<vmem>> -> memref<8x128xf32, #tpu.memory_space<vmem>>
    %dma_wait3A_262 = arith.constant 0 : i32
    %dma_wait3A_263 = arith.constant 0 : i32
    %dma_wait3A_264 = tpu.memref_slice %arg4[%dma_wait3A_256, %dma_wait3A_257, %add3A, %dma_wait3A_262, %dma_wait3A_263] : memref<200x8x32x8x128xf32, #tpu.memory_space<hbm>> -> memref<1x1x1x8x128xf32, #tpu.memory_space<hbm>>
    %dma_wait3A_265 = tpu.memref_squeeze %dma_wait3A_264 : memref<1x1x1x8x128xf32, #tpu.memory_space<hbm>> -> memref<8x128xf32, #tpu.memory_space<hbm>>
    %dma_wait3A_266 = arith.constant 0 : i32
    %dma_wait3A_267 = arith.constant 0 : i32
    %dma_wait3A_268 = tpu.memref_slice %arg4[%dma_wait3A_256, %dma_wait3A_257, %add3A, %dma_wait3A_266, %dma_wait3A_267] : memref<200x8x32x8x128xf32, #tpu.memory_space<hbm>> -> memref<1x1x1x8x128xf32, #tpu.memory_space<hbm>>
    %dma_wait3A_269 = tpu.memref_squeeze %dma_wait3A_268 : memref<1x1x1x8x128xf32, #tpu.memory_space<hbm>> -> memref<8x128xf32, #tpu.memory_space<hbm>>
    %dma_wait3A_270 = arith.constant 0 : i32
    %dma_wait3A_271 = arith.constant 0 : i32
    %dma_wait3A_272 = tpu.memref_slice %arg12[%dma_wait3A_255, %dma_wait3A_270, %dma_wait3A_271] : memref<8x8x129xf32, #tpu.memory_space<vmem>> -> memref<1x8x128xf32, #tpu.memory_space<vmem>>
    %dma_wait3A_273 = tpu.memref_squeeze %dma_wait3A_272 : memref<1x8x128xf32, #tpu.memory_space<vmem>> -> memref<8x128xf32, #tpu.memory_space<vmem>>
    tpu.wait_dma2 semaphore(%arg20 : memref<!tpu.dma_semaphore, #tpu.memory_space<semaphore_mem>>) src(%dma_wait3A_273 : memref<8x128xf32, #tpu.memory_space<vmem>>) dst(%dma_wait3A_269 : memref<8x128xf32, #tpu.memory_space<hbm>>)
    %dma_wait3A_274 = arith.constant 5 : i32
    %dma_wait3A_275 = arith.constant 0 : i32
    %dma_wait3A_276 = arith.constant 5 : i32
    %dma_wait3A_277 = arith.constant 0 : i32
    %dma_wait3A_278 = arith.constant 0 : i32
    %dma_wait3A_279 = tpu.memref_slice %arg12[%dma_wait3A_274, %dma_wait3A_277, %dma_wait3A_278] : memref<8x8x129xf32, #tpu.memory_space<vmem>> -> memref<1x8x128xf32, #tpu.memory_space<vmem>>
    %dma_wait3A_280 = tpu.memref_squeeze %dma_wait3A_279 : memref<1x8x128xf32, #tpu.memory_space<vmem>> -> memref<8x128xf32, #tpu.memory_space<vmem>>
    %dma_wait3A_281 = arith.constant 0 : i32
    %dma_wait3A_282 = arith.constant 0 : i32
    %dma_wait3A_283 = tpu.memref_slice %arg4[%dma_wait3A_275, %dma_wait3A_276, %add3A, %dma_wait3A_281, %dma_wait3A_282] : memref<200x8x32x8x128xf32, #tpu.memory_space<hbm>> -> memref<1x1x1x8x128xf32, #tpu.memory_space<hbm>>
    %dma_wait3A_284 = tpu.memref_squeeze %dma_wait3A_283 : memref<1x1x1x8x128xf32, #tpu.memory_space<hbm>> -> memref<8x128xf32, #tpu.memory_space<hbm>>
    %dma_wait3A_285 = arith.constant 0 : i32
    %dma_wait3A_286 = arith.constant 0 : i32
    %dma_wait3A_287 = tpu.memref_slice %arg4[%dma_wait3A_275, %dma_wait3A_276, %add3A, %dma_wait3A_285, %dma_wait3A_286] : memref<200x8x32x8x128xf32, #tpu.memory_space<hbm>> -> memref<1x1x1x8x128xf32, #tpu.memory_space<hbm>>
    %dma_wait3A_288 = tpu.memref_squeeze %dma_wait3A_287 : memref<1x1x1x8x128xf32, #tpu.memory_space<hbm>> -> memref<8x128xf32, #tpu.memory_space<hbm>>
    %dma_wait3A_289 = arith.constant 0 : i32
    %dma_wait3A_290 = arith.constant 0 : i32
    %dma_wait3A_291 = tpu.memref_slice %arg12[%dma_wait3A_274, %dma_wait3A_289, %dma_wait3A_290] : memref<8x8x129xf32, #tpu.memory_space<vmem>> -> memref<1x8x128xf32, #tpu.memory_space<vmem>>
    %dma_wait3A_292 = tpu.memref_squeeze %dma_wait3A_291 : memref<1x8x128xf32, #tpu.memory_space<vmem>> -> memref<8x128xf32, #tpu.memory_space<vmem>>
    tpu.wait_dma2 semaphore(%arg20 : memref<!tpu.dma_semaphore, #tpu.memory_space<semaphore_mem>>) src(%dma_wait3A_292 : memref<8x128xf32, #tpu.memory_space<vmem>>) dst(%dma_wait3A_288 : memref<8x128xf32, #tpu.memory_space<hbm>>)
    %dma_wait3A_293 = arith.constant 6 : i32
    %dma_wait3A_294 = arith.constant 0 : i32
    %dma_wait3A_295 = arith.constant 6 : i32
    %dma_wait3A_296 = arith.constant 0 : i32
    %dma_wait3A_297 = arith.constant 0 : i32
    %dma_wait3A_298 = tpu.memref_slice %arg12[%dma_wait3A_293, %dma_wait3A_296, %dma_wait3A_297] : memref<8x8x129xf32, #tpu.memory_space<vmem>> -> memref<1x8x128xf32, #tpu.memory_space<vmem>>
    %dma_wait3A_299 = tpu.memref_squeeze %dma_wait3A_298 : memref<1x8x128xf32, #tpu.memory_space<vmem>> -> memref<8x128xf32, #tpu.memory_space<vmem>>
    %dma_wait3A_300 = arith.constant 0 : i32
    %dma_wait3A_301 = arith.constant 0 : i32
    %dma_wait3A_302 = tpu.memref_slice %arg4[%dma_wait3A_294, %dma_wait3A_295, %add3A, %dma_wait3A_300, %dma_wait3A_301] : memref<200x8x32x8x128xf32, #tpu.memory_space<hbm>> -> memref<1x1x1x8x128xf32, #tpu.memory_space<hbm>>
    %dma_wait3A_303 = tpu.memref_squeeze %dma_wait3A_302 : memref<1x1x1x8x128xf32, #tpu.memory_space<hbm>> -> memref<8x128xf32, #tpu.memory_space<hbm>>
    %dma_wait3A_304 = arith.constant 0 : i32
    %dma_wait3A_305 = arith.constant 0 : i32
    %dma_wait3A_306 = tpu.memref_slice %arg4[%dma_wait3A_294, %dma_wait3A_295, %add3A, %dma_wait3A_304, %dma_wait3A_305] : memref<200x8x32x8x128xf32, #tpu.memory_space<hbm>> -> memref<1x1x1x8x128xf32, #tpu.memory_space<hbm>>
    %dma_wait3A_307 = tpu.memref_squeeze %dma_wait3A_306 : memref<1x1x1x8x128xf32, #tpu.memory_space<hbm>> -> memref<8x128xf32, #tpu.memory_space<hbm>>
    %dma_wait3A_308 = arith.constant 0 : i32
    %dma_wait3A_309 = arith.constant 0 : i32
    %dma_wait3A_310 = tpu.memref_slice %arg12[%dma_wait3A_293, %dma_wait3A_308, %dma_wait3A_309] : memref<8x8x129xf32, #tpu.memory_space<vmem>> -> memref<1x8x128xf32, #tpu.memory_space<vmem>>
    %dma_wait3A_311 = tpu.memref_squeeze %dma_wait3A_310 : memref<1x8x128xf32, #tpu.memory_space<vmem>> -> memref<8x128xf32, #tpu.memory_space<vmem>>
    tpu.wait_dma2 semaphore(%arg20 : memref<!tpu.dma_semaphore, #tpu.memory_space<semaphore_mem>>) src(%dma_wait3A_311 : memref<8x128xf32, #tpu.memory_space<vmem>>) dst(%dma_wait3A_307 : memref<8x128xf32, #tpu.memory_space<hbm>>)
    %dma_wait3A_312 = arith.constant 7 : i32
    %dma_wait3A_313 = arith.constant 0 : i32
    %dma_wait3A_314 = arith.constant 7 : i32
    %dma_wait3A_315 = arith.constant 0 : i32
    %dma_wait3A_316 = arith.constant 0 : i32
    %dma_wait3A_317 = tpu.memref_slice %arg12[%dma_wait3A_312, %dma_wait3A_315, %dma_wait3A_316] : memref<8x8x129xf32, #tpu.memory_space<vmem>> -> memref<1x8x128xf32, #tpu.memory_space<vmem>>
    %dma_wait3A_318 = tpu.memref_squeeze %dma_wait3A_317 : memref<1x8x128xf32, #tpu.memory_space<vmem>> -> memref<8x128xf32, #tpu.memory_space<vmem>>
    %dma_wait3A_319 = arith.constant 0 : i32
    %dma_wait3A_320 = arith.constant 0 : i32
    %dma_wait3A_321 = tpu.memref_slice %arg4[%dma_wait3A_313, %dma_wait3A_314, %add3A, %dma_wait3A_319, %dma_wait3A_320] : memref<200x8x32x8x128xf32, #tpu.memory_space<hbm>> -> memref<1x1x1x8x128xf32, #tpu.memory_space<hbm>>
    %dma_wait3A_322 = tpu.memref_squeeze %dma_wait3A_321 : memref<1x1x1x8x128xf32, #tpu.memory_space<hbm>> -> memref<8x128xf32, #tpu.memory_space<hbm>>
    %dma_wait3A_323 = arith.constant 0 : i32
    %dma_wait3A_324 = arith.constant 0 : i32
    %dma_wait3A_325 = tpu.memref_slice %arg4[%dma_wait3A_313, %dma_wait3A_314, %add3A, %dma_wait3A_323, %dma_wait3A_324] : memref<200x8x32x8x128xf32, #tpu.memory_space<hbm>> -> memref<1x1x1x8x128xf32, #tpu.memory_space<hbm>>
    %dma_wait3A_326 = tpu.memref_squeeze %dma_wait3A_325 : memref<1x1x1x8x128xf32, #tpu.memory_space<hbm>> -> memref<8x128xf32, #tpu.memory_space<hbm>>
    %dma_wait3A_327 = arith.constant 0 : i32
    %dma_wait3A_328 = arith.constant 0 : i32
    %dma_wait3A_329 = tpu.memref_slice %arg12[%dma_wait3A_312, %dma_wait3A_327, %dma_wait3A_328] : memref<8x8x129xf32, #tpu.memory_space<vmem>> -> memref<1x8x128xf32, #tpu.memory_space<vmem>>
    %dma_wait3A_330 = tpu.memref_squeeze %dma_wait3A_329 : memref<1x8x128xf32, #tpu.memory_space<vmem>> -> memref<8x128xf32, #tpu.memory_space<vmem>>
    tpu.wait_dma2 semaphore(%arg20 : memref<!tpu.dma_semaphore, #tpu.memory_space<semaphore_mem>>) src(%dma_wait3A_330 : memref<8x128xf32, #tpu.memory_space<vmem>>) dst(%dma_wait3A_326 : memref<8x128xf32, #tpu.memory_space<hbm>>)
    %dma_wait3A_331 = arith.constant 0 : i32
    %dma_wait3A_332 = arith.constant 0 : i32
    %dma_wait3A_333 = arith.constant 0 : i32
    %dma_wait3A_334 = arith.constant 0 : i32
    %dma_wait3A_335 = arith.constant 0 : i32
    %dma_wait3A_336 = tpu.memref_slice %arg11[%dma_wait3A_331, %dma_wait3A_334, %dma_wait3A_335] : memref<8x8x129xf32, #tpu.memory_space<vmem>> -> memref<1x8x128xf32, #tpu.memory_space<vmem>>
    %dma_wait3A_337 = tpu.memref_squeeze %dma_wait3A_336 : memref<1x8x128xf32, #tpu.memory_space<vmem>> -> memref<8x128xf32, #tpu.memory_space<vmem>>
    %dma_wait3A_338 = arith.constant 0 : i32
    %dma_wait3A_339 = arith.constant 0 : i32
    %dma_wait3A_340 = tpu.memref_slice %arg4[%dma_wait3A_332, %dma_wait3A_333, %add3A, %dma_wait3A_338, %dma_wait3A_339] : memref<200x8x32x8x128xf32, #tpu.memory_space<hbm>> -> memref<1x1x1x8x128xf32, #tpu.memory_space<hbm>>
    %dma_wait3A_341 = tpu.memref_squeeze %dma_wait3A_340 : memref<1x1x1x8x128xf32, #tpu.memory_space<hbm>> -> memref<8x128xf32, #tpu.memory_space<hbm>>
    %dma_wait3A_342 = arith.constant 0 : i32
    %dma_wait3A_343 = arith.constant 0 : i32
    %dma_wait3A_344 = tpu.memref_slice %arg4[%dma_wait3A_332, %dma_wait3A_333, %add3A, %dma_wait3A_342, %dma_wait3A_343] : memref<200x8x32x8x128xf32, #tpu.memory_space<hbm>> -> memref<1x1x1x8x128xf32, #tpu.memory_space<hbm>>
    %dma_wait3A_345 = tpu.memref_squeeze %dma_wait3A_344 : memref<1x1x1x8x128xf32, #tpu.memory_space<hbm>> -> memref<8x128xf32, #tpu.memory_space<hbm>>
    %dma_wait3A_346 = arith.constant 0 : i32
    %dma_wait3A_347 = arith.constant 0 : i32
    %dma_wait3A_348 = tpu.memref_slice %arg11[%dma_wait3A_331, %dma_wait3A_346, %dma_wait3A_347] : memref<8x8x129xf32, #tpu.memory_space<vmem>> -> memref<1x8x128xf32, #tpu.memory_space<vmem>>
    %dma_wait3A_349 = tpu.memref_squeeze %dma_wait3A_348 : memref<1x8x128xf32, #tpu.memory_space<vmem>> -> memref<8x128xf32, #tpu.memory_space<vmem>>
    tpu.wait_dma2 semaphore(%arg19 : memref<!tpu.dma_semaphore, #tpu.memory_space<semaphore_mem>>) src(%dma_wait3A_349 : memref<8x128xf32, #tpu.memory_space<vmem>>) dst(%dma_wait3A_345 : memref<8x128xf32, #tpu.memory_space<hbm>>)
    %dma_wait3A_350 = arith.constant 1 : i32
    %dma_wait3A_351 = arith.constant 0 : i32
    %dma_wait3A_352 = arith.constant 1 : i32
    %dma_wait3A_353 = arith.constant 0 : i32
    %dma_wait3A_354 = arith.constant 0 : i32
    %dma_wait3A_355 = tpu.memref_slice %arg11[%dma_wait3A_350, %dma_wait3A_353, %dma_wait3A_354] : memref<8x8x129xf32, #tpu.memory_space<vmem>> -> memref<1x8x128xf32, #tpu.memory_space<vmem>>
    %dma_wait3A_356 = tpu.memref_squeeze %dma_wait3A_355 : memref<1x8x128xf32, #tpu.memory_space<vmem>> -> memref<8x128xf32, #tpu.memory_space<vmem>>
    %dma_wait3A_357 = arith.constant 0 : i32
    %dma_wait3A_358 = arith.constant 0 : i32
    %dma_wait3A_359 = tpu.memref_slice %arg4[%dma_wait3A_351, %dma_wait3A_352, %add3A, %dma_wait3A_357, %dma_wait3A_358] : memref<200x8x32x8x128xf32, #tpu.memory_space<hbm>> -> memref<1x1x1x8x128xf32, #tpu.memory_space<hbm>>
    %dma_wait3A_360 = tpu.memref_squeeze %dma_wait3A_359 : memref<1x1x1x8x128xf32, #tpu.memory_space<hbm>> -> memref<8x128xf32, #tpu.memory_space<hbm>>
    %dma_wait3A_361 = arith.constant 0 : i32
    %dma_wait3A_362 = arith.constant 0 : i32
    %dma_wait3A_363 = tpu.memref_slice %arg4[%dma_wait3A_351, %dma_wait3A_352, %add3A, %dma_wait3A_361, %dma_wait3A_362] : memref<200x8x32x8x128xf32, #tpu.memory_space<hbm>> -> memref<1x1x1x8x128xf32, #tpu.memory_space<hbm>>
    %dma_wait3A_364 = tpu.memref_squeeze %dma_wait3A_363 : memref<1x1x1x8x128xf32, #tpu.memory_space<hbm>> -> memref<8x128xf32, #tpu.memory_space<hbm>>
    %dma_wait3A_365 = arith.constant 0 : i32
    %dma_wait3A_366 = arith.constant 0 : i32
    %dma_wait3A_367 = tpu.memref_slice %arg11[%dma_wait3A_350, %dma_wait3A_365, %dma_wait3A_366] : memref<8x8x129xf32, #tpu.memory_space<vmem>> -> memref<1x8x128xf32, #tpu.memory_space<vmem>>
    %dma_wait3A_368 = tpu.memref_squeeze %dma_wait3A_367 : memref<1x8x128xf32, #tpu.memory_space<vmem>> -> memref<8x128xf32, #tpu.memory_space<vmem>>
    tpu.wait_dma2 semaphore(%arg19 : memref<!tpu.dma_semaphore, #tpu.memory_space<semaphore_mem>>) src(%dma_wait3A_368 : memref<8x128xf32, #tpu.memory_space<vmem>>) dst(%dma_wait3A_364 : memref<8x128xf32, #tpu.memory_space<hbm>>)
    %dma_wait3A_369 = arith.constant 2 : i32
    %dma_wait3A_370 = arith.constant 0 : i32
    %dma_wait3A_371 = arith.constant 2 : i32
    %dma_wait3A_372 = arith.constant 0 : i32
    %dma_wait3A_373 = arith.constant 0 : i32
    %dma_wait3A_374 = tpu.memref_slice %arg11[%dma_wait3A_369, %dma_wait3A_372, %dma_wait3A_373] : memref<8x8x129xf32, #tpu.memory_space<vmem>> -> memref<1x8x128xf32, #tpu.memory_space<vmem>>
    %dma_wait3A_375 = tpu.memref_squeeze %dma_wait3A_374 : memref<1x8x128xf32, #tpu.memory_space<vmem>> -> memref<8x128xf32, #tpu.memory_space<vmem>>
    %dma_wait3A_376 = arith.constant 0 : i32
    %dma_wait3A_377 = arith.constant 0 : i32
    %dma_wait3A_378 = tpu.memref_slice %arg4[%dma_wait3A_370, %dma_wait3A_371, %add3A, %dma_wait3A_376, %dma_wait3A_377] : memref<200x8x32x8x128xf32, #tpu.memory_space<hbm>> -> memref<1x1x1x8x128xf32, #tpu.memory_space<hbm>>
    %dma_wait3A_379 = tpu.memref_squeeze %dma_wait3A_378 : memref<1x1x1x8x128xf32, #tpu.memory_space<hbm>> -> memref<8x128xf32, #tpu.memory_space<hbm>>
    %dma_wait3A_380 = arith.constant 0 : i32
    %dma_wait3A_381 = arith.constant 0 : i32
    %dma_wait3A_382 = tpu.memref_slice %arg4[%dma_wait3A_370, %dma_wait3A_371, %add3A, %dma_wait3A_380, %dma_wait3A_381] : memref<200x8x32x8x128xf32, #tpu.memory_space<hbm>> -> memref<1x1x1x8x128xf32, #tpu.memory_space<hbm>>
    %dma_wait3A_383 = tpu.memref_squeeze %dma_wait3A_382 : memref<1x1x1x8x128xf32, #tpu.memory_space<hbm>> -> memref<8x128xf32, #tpu.memory_space<hbm>>
    %dma_wait3A_384 = arith.constant 0 : i32
    %dma_wait3A_385 = arith.constant 0 : i32
    %dma_wait3A_386 = tpu.memref_slice %arg11[%dma_wait3A_369, %dma_wait3A_384, %dma_wait3A_385] : memref<8x8x129xf32, #tpu.memory_space<vmem>> -> memref<1x8x128xf32, #tpu.memory_space<vmem>>
    %dma_wait3A_387 = tpu.memref_squeeze %dma_wait3A_386 : memref<1x8x128xf32, #tpu.memory_space<vmem>> -> memref<8x128xf32, #tpu.memory_space<vmem>>
    tpu.wait_dma2 semaphore(%arg19 : memref<!tpu.dma_semaphore, #tpu.memory_space<semaphore_mem>>) src(%dma_wait3A_387 : memref<8x128xf32, #tpu.memory_space<vmem>>) dst(%dma_wait3A_383 : memref<8x128xf32, #tpu.memory_space<hbm>>)
    %dma_wait3A_388 = arith.constant 3 : i32
    %dma_wait3A_389 = arith.constant 0 : i32
    %dma_wait3A_390 = arith.constant 3 : i32
    %dma_wait3A_391 = arith.constant 0 : i32
    %dma_wait3A_392 = arith.constant 0 : i32
    %dma_wait3A_393 = tpu.memref_slice %arg11[%dma_wait3A_388, %dma_wait3A_391, %dma_wait3A_392] : memref<8x8x129xf32, #tpu.memory_space<vmem>> -> memref<1x8x128xf32, #tpu.memory_space<vmem>>
    %dma_wait3A_394 = tpu.memref_squeeze %dma_wait3A_393 : memref<1x8x128xf32, #tpu.memory_space<vmem>> -> memref<8x128xf32, #tpu.memory_space<vmem>>
    %dma_wait3A_395 = arith.constant 0 : i32
    %dma_wait3A_396 = arith.constant 0 : i32
    %dma_wait3A_397 = tpu.memref_slice %arg4[%dma_wait3A_389, %dma_wait3A_390, %add3A, %dma_wait3A_395, %dma_wait3A_396] : memref<200x8x32x8x128xf32, #tpu.memory_space<hbm>> -> memref<1x1x1x8x128xf32, #tpu.memory_space<hbm>>
    %dma_wait3A_398 = tpu.memref_squeeze %dma_wait3A_397 : memref<1x1x1x8x128xf32, #tpu.memory_space<hbm>> -> memref<8x128xf32, #tpu.memory_space<hbm>>
    %dma_wait3A_399 = arith.constant 0 : i32
    %dma_wait3A_400 = arith.constant 0 : i32
    %dma_wait3A_401 = tpu.memref_slice %arg4[%dma_wait3A_389, %dma_wait3A_390, %add3A, %dma_wait3A_399, %dma_wait3A_400] : memref<200x8x32x8x128xf32, #tpu.memory_space<hbm>> -> memref<1x1x1x8x128xf32, #tpu.memory_space<hbm>>
    %dma_wait3A_402 = tpu.memref_squeeze %dma_wait3A_401 : memref<1x1x1x8x128xf32, #tpu.memory_space<hbm>> -> memref<8x128xf32, #tpu.memory_space<hbm>>
    %dma_wait3A_403 = arith.constant 0 : i32
    %dma_wait3A_404 = arith.constant 0 : i32
    %dma_wait3A_405 = tpu.memref_slice %arg11[%dma_wait3A_388, %dma_wait3A_403, %dma_wait3A_404] : memref<8x8x129xf32, #tpu.memory_space<vmem>> -> memref<1x8x128xf32, #tpu.memory_space<vmem>>
    %dma_wait3A_406 = tpu.memref_squeeze %dma_wait3A_405 : memref<1x8x128xf32, #tpu.memory_space<vmem>> -> memref<8x128xf32, #tpu.memory_space<vmem>>
    tpu.wait_dma2 semaphore(%arg19 : memref<!tpu.dma_semaphore, #tpu.memory_space<semaphore_mem>>) src(%dma_wait3A_406 : memref<8x128xf32, #tpu.memory_space<vmem>>) dst(%dma_wait3A_402 : memref<8x128xf32, #tpu.memory_space<hbm>>)
    %dma_wait3A_407 = arith.constant 4 : i32
    %dma_wait3A_408 = arith.constant 0 : i32
    %dma_wait3A_409 = arith.constant 4 : i32
    %dma_wait3A_410 = arith.constant 0 : i32
    %dma_wait3A_411 = arith.constant 0 : i32
    %dma_wait3A_412 = tpu.memref_slice %arg11[%dma_wait3A_407, %dma_wait3A_410, %dma_wait3A_411] : memref<8x8x129xf32, #tpu.memory_space<vmem>> -> memref<1x8x128xf32, #tpu.memory_space<vmem>>
    %dma_wait3A_413 = tpu.memref_squeeze %dma_wait3A_412 : memref<1x8x128xf32, #tpu.memory_space<vmem>> -> memref<8x128xf32, #tpu.memory_space<vmem>>
    %dma_wait3A_414 = arith.constant 0 : i32
    %dma_wait3A_415 = arith.constant 0 : i32
    %dma_wait3A_416 = tpu.memref_slice %arg4[%dma_wait3A_408, %dma_wait3A_409, %add3A, %dma_wait3A_414, %dma_wait3A_415] : memref<200x8x32x8x128xf32, #tpu.memory_space<hbm>> -> memref<1x1x1x8x128xf32, #tpu.memory_space<hbm>>
    %dma_wait3A_417 = tpu.memref_squeeze %dma_wait3A_416 : memref<1x1x1x8x128xf32, #tpu.memory_space<hbm>> -> memref<8x128xf32, #tpu.memory_space<hbm>>
    %dma_wait3A_418 = arith.constant 0 : i32
    %dma_wait3A_419 = arith.constant 0 : i32
    %dma_wait3A_420 = tpu.memref_slice %arg4[%dma_wait3A_408, %dma_wait3A_409, %add3A, %dma_wait3A_418, %dma_wait3A_419] : memref<200x8x32x8x128xf32, #tpu.memory_space<hbm>> -> memref<1x1x1x8x128xf32, #tpu.memory_space<hbm>>
    %dma_wait3A_421 = tpu.memref_squeeze %dma_wait3A_420 : memref<1x1x1x8x128xf32, #tpu.memory_space<hbm>> -> memref<8x128xf32, #tpu.memory_space<hbm>>
    %dma_wait3A_422 = arith.constant 0 : i32
    %dma_wait3A_423 = arith.constant 0 : i32
    %dma_wait3A_424 = tpu.memref_slice %arg11[%dma_wait3A_407, %dma_wait3A_422, %dma_wait3A_423] : memref<8x8x129xf32, #tpu.memory_space<vmem>> -> memref<1x8x128xf32, #tpu.memory_space<vmem>>
    %dma_wait3A_425 = tpu.memref_squeeze %dma_wait3A_424 : memref<1x8x128xf32, #tpu.memory_space<vmem>> -> memref<8x128xf32, #tpu.memory_space<vmem>>
    tpu.wait_dma2 semaphore(%arg19 : memref<!tpu.dma_semaphore, #tpu.memory_space<semaphore_mem>>) src(%dma_wait3A_425 : memref<8x128xf32, #tpu.memory_space<vmem>>) dst(%dma_wait3A_421 : memref<8x128xf32, #tpu.memory_space<hbm>>)
    %dma_wait3A_426 = arith.constant 5 : i32
    %dma_wait3A_427 = arith.constant 0 : i32
    %dma_wait3A_428 = arith.constant 5 : i32
    %dma_wait3A_429 = arith.constant 0 : i32
    %dma_wait3A_430 = arith.constant 0 : i32
    %dma_wait3A_431 = tpu.memref_slice %arg11[%dma_wait3A_426, %dma_wait3A_429, %dma_wait3A_430] : memref<8x8x129xf32, #tpu.memory_space<vmem>> -> memref<1x8x128xf32, #tpu.memory_space<vmem>>
    %dma_wait3A_432 = tpu.memref_squeeze %dma_wait3A_431 : memref<1x8x128xf32, #tpu.memory_space<vmem>> -> memref<8x128xf32, #tpu.memory_space<vmem>>
    %dma_wait3A_433 = arith.constant 0 : i32
    %dma_wait3A_434 = arith.constant 0 : i32
    %dma_wait3A_435 = tpu.memref_slice %arg4[%dma_wait3A_427, %dma_wait3A_428, %add3A, %dma_wait3A_433, %dma_wait3A_434] : memref<200x8x32x8x128xf32, #tpu.memory_space<hbm>> -> memref<1x1x1x8x128xf32, #tpu.memory_space<hbm>>
    %dma_wait3A_436 = tpu.memref_squeeze %dma_wait3A_435 : memref<1x1x1x8x128xf32, #tpu.memory_space<hbm>> -> memref<8x128xf32, #tpu.memory_space<hbm>>
    %dma_wait3A_437 = arith.constant 0 : i32
    %dma_wait3A_438 = arith.constant 0 : i32
    %dma_wait3A_439 = tpu.memref_slice %arg4[%dma_wait3A_427, %dma_wait3A_428, %add3A, %dma_wait3A_437, %dma_wait3A_438] : memref<200x8x32x8x128xf32, #tpu.memory_space<hbm>> -> memref<1x1x1x8x128xf32, #tpu.memory_space<hbm>>
    %dma_wait3A_440 = tpu.memref_squeeze %dma_wait3A_439 : memref<1x1x1x8x128xf32, #tpu.memory_space<hbm>> -> memref<8x128xf32, #tpu.memory_space<hbm>>
    %dma_wait3A_441 = arith.constant 0 : i32
    %dma_wait3A_442 = arith.constant 0 : i32
    %dma_wait3A_443 = tpu.memref_slice %arg11[%dma_wait3A_426, %dma_wait3A_441, %dma_wait3A_442] : memref<8x8x129xf32, #tpu.memory_space<vmem>> -> memref<1x8x128xf32, #tpu.memory_space<vmem>>
    %dma_wait3A_444 = tpu.memref_squeeze %dma_wait3A_443 : memref<1x8x128xf32, #tpu.memory_space<vmem>> -> memref<8x128xf32, #tpu.memory_space<vmem>>
    tpu.wait_dma2 semaphore(%arg19 : memref<!tpu.dma_semaphore, #tpu.memory_space<semaphore_mem>>) src(%dma_wait3A_444 : memref<8x128xf32, #tpu.memory_space<vmem>>) dst(%dma_wait3A_440 : memref<8x128xf32, #tpu.memory_space<hbm>>)
    %dma_wait3A_445 = arith.constant 6 : i32
    %dma_wait3A_446 = arith.constant 0 : i32
    %dma_wait3A_447 = arith.constant 6 : i32
    %dma_wait3A_448 = arith.constant 0 : i32
    %dma_wait3A_449 = arith.constant 0 : i32
    %dma_wait3A_450 = tpu.memref_slice %arg11[%dma_wait3A_445, %dma_wait3A_448, %dma_wait3A_449] : memref<8x8x129xf32, #tpu.memory_space<vmem>> -> memref<1x8x128xf32, #tpu.memory_space<vmem>>
    %dma_wait3A_451 = tpu.memref_squeeze %dma_wait3A_450 : memref<1x8x128xf32, #tpu.memory_space<vmem>> -> memref<8x128xf32, #tpu.memory_space<vmem>>
    %dma_wait3A_452 = arith.constant 0 : i32
    %dma_wait3A_453 = arith.constant 0 : i32
    %dma_wait3A_454 = tpu.memref_slice %arg4[%dma_wait3A_446, %dma_wait3A_447, %add3A, %dma_wait3A_452, %dma_wait3A_453] : memref<200x8x32x8x128xf32, #tpu.memory_space<hbm>> -> memref<1x1x1x8x128xf32, #tpu.memory_space<hbm>>
    %dma_wait3A_455 = tpu.memref_squeeze %dma_wait3A_454 : memref<1x1x1x8x128xf32, #tpu.memory_space<hbm>> -> memref<8x128xf32, #tpu.memory_space<hbm>>
    %dma_wait3A_456 = arith.constant 0 : i32
    %dma_wait3A_457 = arith.constant 0 : i32
    %dma_wait3A_458 = tpu.memref_slice %arg4[%dma_wait3A_446, %dma_wait3A_447, %add3A, %dma_wait3A_456, %dma_wait3A_457] : memref<200x8x32x8x128xf32, #tpu.memory_space<hbm>> -> memref<1x1x1x8x128xf32, #tpu.memory_space<hbm>>
    %dma_wait3A_459 = tpu.memref_squeeze %dma_wait3A_458 : memref<1x1x1x8x128xf32, #tpu.memory_space<hbm>> -> memref<8x128xf32, #tpu.memory_space<hbm>>
    %dma_wait3A_460 = arith.constant 0 : i32
    %dma_wait3A_461 = arith.constant 0 : i32
    %dma_wait3A_462 = tpu.memref_slice %arg11[%dma_wait3A_445, %dma_wait3A_460, %dma_wait3A_461] : memref<8x8x129xf32, #tpu.memory_space<vmem>> -> memref<1x8x128xf32, #tpu.memory_space<vmem>>
    %dma_wait3A_463 = tpu.memref_squeeze %dma_wait3A_462 : memref<1x8x128xf32, #tpu.memory_space<vmem>> -> memref<8x128xf32, #tpu.memory_space<vmem>>
    tpu.wait_dma2 semaphore(%arg19 : memref<!tpu.dma_semaphore, #tpu.memory_space<semaphore_mem>>) src(%dma_wait3A_463 : memref<8x128xf32, #tpu.memory_space<vmem>>) dst(%dma_wait3A_459 : memref<8x128xf32, #tpu.memory_space<hbm>>)
    %dma_wait3A_464 = arith.constant 7 : i32
    %dma_wait3A_465 = arith.constant 0 : i32
    %dma_wait3A_466 = arith.constant 7 : i32
    %dma_wait3A_467 = arith.constant 0 : i32
    %dma_wait3A_468 = arith.constant 0 : i32
    %dma_wait3A_469 = tpu.memref_slice %arg11[%dma_wait3A_464, %dma_wait3A_467, %dma_wait3A_468] : memref<8x8x129xf32, #tpu.memory_space<vmem>> -> memref<1x8x128xf32, #tpu.memory_space<vmem>>
    %dma_wait3A_470 = tpu.memref_squeeze %dma_wait3A_469 : memref<1x8x128xf32, #tpu.memory_space<vmem>> -> memref<8x128xf32, #tpu.memory_space<vmem>>
    %dma_wait3A_471 = arith.constant 0 : i32
    %dma_wait3A_472 = arith.constant 0 : i32
    %dma_wait3A_473 = tpu.memref_slice %arg4[%dma_wait3A_465, %dma_wait3A_466, %add3A, %dma_wait3A_471, %dma_wait3A_472] : memref<200x8x32x8x128xf32, #tpu.memory_space<hbm>> -> memref<1x1x1x8x128xf32, #tpu.memory_space<hbm>>
    %dma_wait3A_474 = tpu.memref_squeeze %dma_wait3A_473 : memref<1x1x1x8x128xf32, #tpu.memory_space<hbm>> -> memref<8x128xf32, #tpu.memory_space<hbm>>
    %dma_wait3A_475 = arith.constant 0 : i32
    %dma_wait3A_476 = arith.constant 0 : i32
    %dma_wait3A_477 = tpu.memref_slice %arg4[%dma_wait3A_465, %dma_wait3A_466, %add3A, %dma_wait3A_475, %dma_wait3A_476] : memref<200x8x32x8x128xf32, #tpu.memory_space<hbm>> -> memref<1x1x1x8x128xf32, #tpu.memory_space<hbm>>
    %dma_wait3A_478 = tpu.memref_squeeze %dma_wait3A_477 : memref<1x1x1x8x128xf32, #tpu.memory_space<hbm>> -> memref<8x128xf32, #tpu.memory_space<hbm>>
    %dma_wait3A_479 = arith.constant 0 : i32
    %dma_wait3A_480 = arith.constant 0 : i32
    %dma_wait3A_481 = tpu.memref_slice %arg11[%dma_wait3A_464, %dma_wait3A_479, %dma_wait3A_480] : memref<8x8x129xf32, #tpu.memory_space<vmem>> -> memref<1x8x128xf32, #tpu.memory_space<vmem>>
    %dma_wait3A_482 = tpu.memref_squeeze %dma_wait3A_481 : memref<1x8x128xf32, #tpu.memory_space<vmem>> -> memref<8x128xf32, #tpu.memory_space<vmem>>
    tpu.wait_dma2 semaphore(%arg19 : memref<!tpu.dma_semaphore, #tpu.memory_space<semaphore_mem>>) src(%dma_wait3A_482 : memref<8x128xf32, #tpu.memory_space<vmem>>) dst(%dma_wait3A_478 : memref<8x128xf32, #tpu.memory_space<hbm>>)
    %dma_wait3A_483 = arith.constant 0 : i32
    %dma_wait3A_484 = arith.constant 0 : i32
    %dma_wait3A_485 = arith.constant 0 : i32
    %dma_wait3A_486 = arith.constant 0 : i32
    %dma_wait3A_487 = arith.constant 0 : i32
    %dma_wait3A_488 = tpu.memref_slice %arg10[%dma_wait3A_483, %dma_wait3A_486, %dma_wait3A_487] : memref<8x8x129xf32, #tpu.memory_space<vmem>> -> memref<1x8x128xf32, #tpu.memory_space<vmem>>
    %dma_wait3A_489 = tpu.memref_squeeze %dma_wait3A_488 : memref<1x8x128xf32, #tpu.memory_space<vmem>> -> memref<8x128xf32, #tpu.memory_space<vmem>>
    %dma_wait3A_490 = arith.constant 0 : i32
    %dma_wait3A_491 = arith.constant 0 : i32
    %dma_wait3A_492 = tpu.memref_slice %arg4[%dma_wait3A_484, %dma_wait3A_485, %add3A, %dma_wait3A_490, %dma_wait3A_491] : memref<200x8x32x8x128xf32, #tpu.memory_space<hbm>> -> memref<1x1x1x8x128xf32, #tpu.memory_space<hbm>>
    %dma_wait3A_493 = tpu.memref_squeeze %dma_wait3A_492 : memref<1x1x1x8x128xf32, #tpu.memory_space<hbm>> -> memref<8x128xf32, #tpu.memory_space<hbm>>
    %dma_wait3A_494 = arith.constant 0 : i32
    %dma_wait3A_495 = arith.constant 0 : i32
    %dma_wait3A_496 = tpu.memref_slice %arg4[%dma_wait3A_484, %dma_wait3A_485, %add3A, %dma_wait3A_494, %dma_wait3A_495] : memref<200x8x32x8x128xf32, #tpu.memory_space<hbm>> -> memref<1x1x1x8x128xf32, #tpu.memory_space<hbm>>
    %dma_wait3A_497 = tpu.memref_squeeze %dma_wait3A_496 : memref<1x1x1x8x128xf32, #tpu.memory_space<hbm>> -> memref<8x128xf32, #tpu.memory_space<hbm>>
    %dma_wait3A_498 = arith.constant 0 : i32
    %dma_wait3A_499 = arith.constant 0 : i32
    %dma_wait3A_500 = tpu.memref_slice %arg10[%dma_wait3A_483, %dma_wait3A_498, %dma_wait3A_499] : memref<8x8x129xf32, #tpu.memory_space<vmem>> -> memref<1x8x128xf32, #tpu.memory_space<vmem>>
    %dma_wait3A_501 = tpu.memref_squeeze %dma_wait3A_500 : memref<1x8x128xf32, #tpu.memory_space<vmem>> -> memref<8x128xf32, #tpu.memory_space<vmem>>
    tpu.wait_dma2 semaphore(%arg18 : memref<!tpu.dma_semaphore, #tpu.memory_space<semaphore_mem>>) src(%dma_wait3A_501 : memref<8x128xf32, #tpu.memory_space<vmem>>) dst(%dma_wait3A_497 : memref<8x128xf32, #tpu.memory_space<hbm>>)
    %dma_wait3A_502 = arith.constant 1 : i32
    %dma_wait3A_503 = arith.constant 0 : i32
    %dma_wait3A_504 = arith.constant 1 : i32
    %dma_wait3A_505 = arith.constant 0 : i32
    %dma_wait3A_506 = arith.constant 0 : i32
    %dma_wait3A_507 = tpu.memref_slice %arg10[%dma_wait3A_502, %dma_wait3A_505, %dma_wait3A_506] : memref<8x8x129xf32, #tpu.memory_space<vmem>> -> memref<1x8x128xf32, #tpu.memory_space<vmem>>
    %dma_wait3A_508 = tpu.memref_squeeze %dma_wait3A_507 : memref<1x8x128xf32, #tpu.memory_space<vmem>> -> memref<8x128xf32, #tpu.memory_space<vmem>>
    %dma_wait3A_509 = arith.constant 0 : i32
    %dma_wait3A_510 = arith.constant 0 : i32
    %dma_wait3A_511 = tpu.memref_slice %arg4[%dma_wait3A_503, %dma_wait3A_504, %add3A, %dma_wait3A_509, %dma_wait3A_510] : memref<200x8x32x8x128xf32, #tpu.memory_space<hbm>> -> memref<1x1x1x8x128xf32, #tpu.memory_space<hbm>>
    %dma_wait3A_512 = tpu.memref_squeeze %dma_wait3A_511 : memref<1x1x1x8x128xf32, #tpu.memory_space<hbm>> -> memref<8x128xf32, #tpu.memory_space<hbm>>
    %dma_wait3A_513 = arith.constant 0 : i32
    %dma_wait3A_514 = arith.constant 0 : i32
    %dma_wait3A_515 = tpu.memref_slice %arg4[%dma_wait3A_503, %dma_wait3A_504, %add3A, %dma_wait3A_513, %dma_wait3A_514] : memref<200x8x32x8x128xf32, #tpu.memory_space<hbm>> -> memref<1x1x1x8x128xf32, #tpu.memory_space<hbm>>
    %dma_wait3A_516 = tpu.memref_squeeze %dma_wait3A_515 : memref<1x1x1x8x128xf32, #tpu.memory_space<hbm>> -> memref<8x128xf32, #tpu.memory_space<hbm>>
    %dma_wait3A_517 = arith.constant 0 : i32
    %dma_wait3A_518 = arith.constant 0 : i32
    %dma_wait3A_519 = tpu.memref_slice %arg10[%dma_wait3A_502, %dma_wait3A_517, %dma_wait3A_518] : memref<8x8x129xf32, #tpu.memory_space<vmem>> -> memref<1x8x128xf32, #tpu.memory_space<vmem>>
    %dma_wait3A_520 = tpu.memref_squeeze %dma_wait3A_519 : memref<1x8x128xf32, #tpu.memory_space<vmem>> -> memref<8x128xf32, #tpu.memory_space<vmem>>
    tpu.wait_dma2 semaphore(%arg18 : memref<!tpu.dma_semaphore, #tpu.memory_space<semaphore_mem>>) src(%dma_wait3A_520 : memref<8x128xf32, #tpu.memory_space<vmem>>) dst(%dma_wait3A_516 : memref<8x128xf32, #tpu.memory_space<hbm>>)
    %dma_wait3A_521 = arith.constant 2 : i32
    %dma_wait3A_522 = arith.constant 0 : i32
    %dma_wait3A_523 = arith.constant 2 : i32
    %dma_wait3A_524 = arith.constant 0 : i32
    %dma_wait3A_525 = arith.constant 0 : i32
    %dma_wait3A_526 = tpu.memref_slice %arg10[%dma_wait3A_521, %dma_wait3A_524, %dma_wait3A_525] : memref<8x8x129xf32, #tpu.memory_space<vmem>> -> memref<1x8x128xf32, #tpu.memory_space<vmem>>
    %dma_wait3A_527 = tpu.memref_squeeze %dma_wait3A_526 : memref<1x8x128xf32, #tpu.memory_space<vmem>> -> memref<8x128xf32, #tpu.memory_space<vmem>>
    %dma_wait3A_528 = arith.constant 0 : i32
    %dma_wait3A_529 = arith.constant 0 : i32
    %dma_wait3A_530 = tpu.memref_slice %arg4[%dma_wait3A_522, %dma_wait3A_523, %add3A, %dma_wait3A_528, %dma_wait3A_529] : memref<200x8x32x8x128xf32, #tpu.memory_space<hbm>> -> memref<1x1x1x8x128xf32, #tpu.memory_space<hbm>>
    %dma_wait3A_531 = tpu.memref_squeeze %dma_wait3A_530 : memref<1x1x1x8x128xf32, #tpu.memory_space<hbm>> -> memref<8x128xf32, #tpu.memory_space<hbm>>
    %dma_wait3A_532 = arith.constant 0 : i32
    %dma_wait3A_533 = arith.constant 0 : i32
    %dma_wait3A_534 = tpu.memref_slice %arg4[%dma_wait3A_522, %dma_wait3A_523, %add3A, %dma_wait3A_532, %dma_wait3A_533] : memref<200x8x32x8x128xf32, #tpu.memory_space<hbm>> -> memref<1x1x1x8x128xf32, #tpu.memory_space<hbm>>
    %dma_wait3A_535 = tpu.memref_squeeze %dma_wait3A_534 : memref<1x1x1x8x128xf32, #tpu.memory_space<hbm>> -> memref<8x128xf32, #tpu.memory_space<hbm>>
    %dma_wait3A_536 = arith.constant 0 : i32
    %dma_wait3A_537 = arith.constant 0 : i32
    %dma_wait3A_538 = tpu.memref_slice %arg10[%dma_wait3A_521, %dma_wait3A_536, %dma_wait3A_537] : memref<8x8x129xf32, #tpu.memory_space<vmem>> -> memref<1x8x128xf32, #tpu.memory_space<vmem>>
    %dma_wait3A_539 = tpu.memref_squeeze %dma_wait3A_538 : memref<1x8x128xf32, #tpu.memory_space<vmem>> -> memref<8x128xf32, #tpu.memory_space<vmem>>
    tpu.wait_dma2 semaphore(%arg18 : memref<!tpu.dma_semaphore, #tpu.memory_space<semaphore_mem>>) src(%dma_wait3A_539 : memref<8x128xf32, #tpu.memory_space<vmem>>) dst(%dma_wait3A_535 : memref<8x128xf32, #tpu.memory_space<hbm>>)
    %dma_wait3A_540 = arith.constant 3 : i32
    %dma_wait3A_541 = arith.constant 0 : i32
    %dma_wait3A_542 = arith.constant 3 : i32
    %dma_wait3A_543 = arith.constant 0 : i32
    %dma_wait3A_544 = arith.constant 0 : i32
    %dma_wait3A_545 = tpu.memref_slice %arg10[%dma_wait3A_540, %dma_wait3A_543, %dma_wait3A_544] : memref<8x8x129xf32, #tpu.memory_space<vmem>> -> memref<1x8x128xf32, #tpu.memory_space<vmem>>
    %dma_wait3A_546 = tpu.memref_squeeze %dma_wait3A_545 : memref<1x8x128xf32, #tpu.memory_space<vmem>> -> memref<8x128xf32, #tpu.memory_space<vmem>>
    %dma_wait3A_547 = arith.constant 0 : i32
    %dma_wait3A_548 = arith.constant 0 : i32
    %dma_wait3A_549 = tpu.memref_slice %arg4[%dma_wait3A_541, %dma_wait3A_542, %add3A, %dma_wait3A_547, %dma_wait3A_548] : memref<200x8x32x8x128xf32, #tpu.memory_space<hbm>> -> memref<1x1x1x8x128xf32, #tpu.memory_space<hbm>>
    %dma_wait3A_550 = tpu.memref_squeeze %dma_wait3A_549 : memref<1x1x1x8x128xf32, #tpu.memory_space<hbm>> -> memref<8x128xf32, #tpu.memory_space<hbm>>
    %dma_wait3A_551 = arith.constant 0 : i32
    %dma_wait3A_552 = arith.constant 0 : i32
    %dma_wait3A_553 = tpu.memref_slice %arg4[%dma_wait3A_541, %dma_wait3A_542, %add3A, %dma_wait3A_551, %dma_wait3A_552] : memref<200x8x32x8x128xf32, #tpu.memory_space<hbm>> -> memref<1x1x1x8x128xf32, #tpu.memory_space<hbm>>
    %dma_wait3A_554 = tpu.memref_squeeze %dma_wait3A_553 : memref<1x1x1x8x128xf32, #tpu.memory_space<hbm>> -> memref<8x128xf32, #tpu.memory_space<hbm>>
    %dma_wait3A_555 = arith.constant 0 : i32
    %dma_wait3A_556 = arith.constant 0 : i32
    %dma_wait3A_557 = tpu.memref_slice %arg10[%dma_wait3A_540, %dma_wait3A_555, %dma_wait3A_556] : memref<8x8x129xf32, #tpu.memory_space<vmem>> -> memref<1x8x128xf32, #tpu.memory_space<vmem>>
    %dma_wait3A_558 = tpu.memref_squeeze %dma_wait3A_557 : memref<1x8x128xf32, #tpu.memory_space<vmem>> -> memref<8x128xf32, #tpu.memory_space<vmem>>
    tpu.wait_dma2 semaphore(%arg18 : memref<!tpu.dma_semaphore, #tpu.memory_space<semaphore_mem>>) src(%dma_wait3A_558 : memref<8x128xf32, #tpu.memory_space<vmem>>) dst(%dma_wait3A_554 : memref<8x128xf32, #tpu.memory_space<hbm>>)
    %dma_wait3A_559 = arith.constant 4 : i32
    %dma_wait3A_560 = arith.constant 0 : i32
    %dma_wait3A_561 = arith.constant 4 : i32
    %dma_wait3A_562 = arith.constant 0 : i32
    %dma_wait3A_563 = arith.constant 0 : i32
    %dma_wait3A_564 = tpu.memref_slice %arg10[%dma_wait3A_559, %dma_wait3A_562, %dma_wait3A_563] : memref<8x8x129xf32, #tpu.memory_space<vmem>> -> memref<1x8x128xf32, #tpu.memory_space<vmem>>
    %dma_wait3A_565 = tpu.memref_squeeze %dma_wait3A_564 : memref<1x8x128xf32, #tpu.memory_space<vmem>> -> memref<8x128xf32, #tpu.memory_space<vmem>>
    %dma_wait3A_566 = arith.constant 0 : i32
    %dma_wait3A_567 = arith.constant 0 : i32
    %dma_wait3A_568 = tpu.memref_slice %arg4[%dma_wait3A_560, %dma_wait3A_561, %add3A, %dma_wait3A_566, %dma_wait3A_567] : memref<200x8x32x8x128xf32, #tpu.memory_space<hbm>> -> memref<1x1x1x8x128xf32, #tpu.memory_space<hbm>>
    %dma_wait3A_569 = tpu.memref_squeeze %dma_wait3A_568 : memref<1x1x1x8x128xf32, #tpu.memory_space<hbm>> -> memref<8x128xf32, #tpu.memory_space<hbm>>
    %dma_wait3A_570 = arith.constant 0 : i32
    %dma_wait3A_571 = arith.constant 0 : i32
    %dma_wait3A_572 = tpu.memref_slice %arg4[%dma_wait3A_560, %dma_wait3A_561, %add3A, %dma_wait3A_570, %dma_wait3A_571] : memref<200x8x32x8x128xf32, #tpu.memory_space<hbm>> -> memref<1x1x1x8x128xf32, #tpu.memory_space<hbm>>
    %dma_wait3A_573 = tpu.memref_squeeze %dma_wait3A_572 : memref<1x1x1x8x128xf32, #tpu.memory_space<hbm>> -> memref<8x128xf32, #tpu.memory_space<hbm>>
    %dma_wait3A_574 = arith.constant 0 : i32
    %dma_wait3A_575 = arith.constant 0 : i32
    %dma_wait3A_576 = tpu.memref_slice %arg10[%dma_wait3A_559, %dma_wait3A_574, %dma_wait3A_575] : memref<8x8x129xf32, #tpu.memory_space<vmem>> -> memref<1x8x128xf32, #tpu.memory_space<vmem>>
    %dma_wait3A_577 = tpu.memref_squeeze %dma_wait3A_576 : memref<1x8x128xf32, #tpu.memory_space<vmem>> -> memref<8x128xf32, #tpu.memory_space<vmem>>
    tpu.wait_dma2 semaphore(%arg18 : memref<!tpu.dma_semaphore, #tpu.memory_space<semaphore_mem>>) src(%dma_wait3A_577 : memref<8x128xf32, #tpu.memory_space<vmem>>) dst(%dma_wait3A_573 : memref<8x128xf32, #tpu.memory_space<hbm>>)
    %dma_wait3A_578 = arith.constant 5 : i32
    %dma_wait3A_579 = arith.constant 0 : i32
    %dma_wait3A_580 = arith.constant 5 : i32
    %dma_wait3A_581 = arith.constant 0 : i32
    %dma_wait3A_582 = arith.constant 0 : i32
    %dma_wait3A_583 = tpu.memref_slice %arg10[%dma_wait3A_578, %dma_wait3A_581, %dma_wait3A_582] : memref<8x8x129xf32, #tpu.memory_space<vmem>> -> memref<1x8x128xf32, #tpu.memory_space<vmem>>
    %dma_wait3A_584 = tpu.memref_squeeze %dma_wait3A_583 : memref<1x8x128xf32, #tpu.memory_space<vmem>> -> memref<8x128xf32, #tpu.memory_space<vmem>>
    %dma_wait3A_585 = arith.constant 0 : i32
    %dma_wait3A_586 = arith.constant 0 : i32
    %dma_wait3A_587 = tpu.memref_slice %arg4[%dma_wait3A_579, %dma_wait3A_580, %add3A, %dma_wait3A_585, %dma_wait3A_586] : memref<200x8x32x8x128xf32, #tpu.memory_space<hbm>> -> memref<1x1x1x8x128xf32, #tpu.memory_space<hbm>>
    %dma_wait3A_588 = tpu.memref_squeeze %dma_wait3A_587 : memref<1x1x1x8x128xf32, #tpu.memory_space<hbm>> -> memref<8x128xf32, #tpu.memory_space<hbm>>
    %dma_wait3A_589 = arith.constant 0 : i32
    %dma_wait3A_590 = arith.constant 0 : i32
    %dma_wait3A_591 = tpu.memref_slice %arg4[%dma_wait3A_579, %dma_wait3A_580, %add3A, %dma_wait3A_589, %dma_wait3A_590] : memref<200x8x32x8x128xf32, #tpu.memory_space<hbm>> -> memref<1x1x1x8x128xf32, #tpu.memory_space<hbm>>
    %dma_wait3A_592 = tpu.memref_squeeze %dma_wait3A_591 : memref<1x1x1x8x128xf32, #tpu.memory_space<hbm>> -> memref<8x128xf32, #tpu.memory_space<hbm>>
    %dma_wait3A_593 = arith.constant 0 : i32
    %dma_wait3A_594 = arith.constant 0 : i32
    %dma_wait3A_595 = tpu.memref_slice %arg10[%dma_wait3A_578, %dma_wait3A_593, %dma_wait3A_594] : memref<8x8x129xf32, #tpu.memory_space<vmem>> -> memref<1x8x128xf32, #tpu.memory_space<vmem>>
    %dma_wait3A_596 = tpu.memref_squeeze %dma_wait3A_595 : memref<1x8x128xf32, #tpu.memory_space<vmem>> -> memref<8x128xf32, #tpu.memory_space<vmem>>
    tpu.wait_dma2 semaphore(%arg18 : memref<!tpu.dma_semaphore, #tpu.memory_space<semaphore_mem>>) src(%dma_wait3A_596 : memref<8x128xf32, #tpu.memory_space<vmem>>) dst(%dma_wait3A_592 : memref<8x128xf32, #tpu.memory_space<hbm>>)
    %dma_wait3A_597 = arith.constant 6 : i32
    %dma_wait3A_598 = arith.constant 0 : i32
    %dma_wait3A_599 = arith.constant 6 : i32
    %dma_wait3A_600 = arith.constant 0 : i32
    %dma_wait3A_601 = arith.constant 0 : i32
    %dma_wait3A_602 = tpu.memref_slice %arg10[%dma_wait3A_597, %dma_wait3A_600, %dma_wait3A_601] : memref<8x8x129xf32, #tpu.memory_space<vmem>> -> memref<1x8x128xf32, #tpu.memory_space<vmem>>
    %dma_wait3A_603 = tpu.memref_squeeze %dma_wait3A_602 : memref<1x8x128xf32, #tpu.memory_space<vmem>> -> memref<8x128xf32, #tpu.memory_space<vmem>>
    %dma_wait3A_604 = arith.constant 0 : i32
    %dma_wait3A_605 = arith.constant 0 : i32
    %dma_wait3A_606 = tpu.memref_slice %arg4[%dma_wait3A_598, %dma_wait3A_599, %add3A, %dma_wait3A_604, %dma_wait3A_605] : memref<200x8x32x8x128xf32, #tpu.memory_space<hbm>> -> memref<1x1x1x8x128xf32, #tpu.memory_space<hbm>>
    %dma_wait3A_607 = tpu.memref_squeeze %dma_wait3A_606 : memref<1x1x1x8x128xf32, #tpu.memory_space<hbm>> -> memref<8x128xf32, #tpu.memory_space<hbm>>
    %dma_wait3A_608 = arith.constant 0 : i32
    %dma_wait3A_609 = arith.constant 0 : i32
    %dma_wait3A_610 = tpu.memref_slice %arg4[%dma_wait3A_598, %dma_wait3A_599, %add3A, %dma_wait3A_608, %dma_wait3A_609] : memref<200x8x32x8x128xf32, #tpu.memory_space<hbm>> -> memref<1x1x1x8x128xf32, #tpu.memory_space<hbm>>
    %dma_wait3A_611 = tpu.memref_squeeze %dma_wait3A_610 : memref<1x1x1x8x128xf32, #tpu.memory_space<hbm>> -> memref<8x128xf32, #tpu.memory_space<hbm>>
    %dma_wait3A_612 = arith.constant 0 : i32
    %dma_wait3A_613 = arith.constant 0 : i32
    %dma_wait3A_614 = tpu.memref_slice %arg10[%dma_wait3A_597, %dma_wait3A_612, %dma_wait3A_613] : memref<8x8x129xf32, #tpu.memory_space<vmem>> -> memref<1x8x128xf32, #tpu.memory_space<vmem>>
    %dma_wait3A_615 = tpu.memref_squeeze %dma_wait3A_614 : memref<1x8x128xf32, #tpu.memory_space<vmem>> -> memref<8x128xf32, #tpu.memory_space<vmem>>
    tpu.wait_dma2 semaphore(%arg18 : memref<!tpu.dma_semaphore, #tpu.memory_space<semaphore_mem>>) src(%dma_wait3A_615 : memref<8x128xf32, #tpu.memory_space<vmem>>) dst(%dma_wait3A_611 : memref<8x128xf32, #tpu.memory_space<hbm>>)
    %dma_wait3A_616 = arith.constant 7 : i32
    %dma_wait3A_617 = arith.constant 0 : i32
    %dma_wait3A_618 = arith.constant 7 : i32
    %dma_wait3A_619 = arith.constant 0 : i32
    %dma_wait3A_620 = arith.constant 0 : i32
    %dma_wait3A_621 = tpu.memref_slice %arg10[%dma_wait3A_616, %dma_wait3A_619, %dma_wait3A_620] : memref<8x8x129xf32, #tpu.memory_space<vmem>> -> memref<1x8x128xf32, #tpu.memory_space<vmem>>
    %dma_wait3A_622 = tpu.memref_squeeze %dma_wait3A_621 : memref<1x8x128xf32, #tpu.memory_space<vmem>> -> memref<8x128xf32, #tpu.memory_space<vmem>>
    %dma_wait3A_623 = arith.constant 0 : i32
    %dma_wait3A_624 = arith.constant 0 : i32
    %dma_wait3A_625 = tpu.memref_slice %arg4[%dma_wait3A_617, %dma_wait3A_618, %add3A, %dma_wait3A_623, %dma_wait3A_624] : memref<200x8x32x8x128xf32, #tpu.memory_space<hbm>> -> memref<1x1x1x8x128xf32, #tpu.memory_space<hbm>>
    %dma_wait3A_626 = tpu.memref_squeeze %dma_wait3A_625 : memref<1x1x1x8x128xf32, #tpu.memory_space<hbm>> -> memref<8x128xf32, #tpu.memory_space<hbm>>
    %dma_wait3A_627 = arith.constant 0 : i32
    %dma_wait3A_628 = arith.constant 0 : i32
    %dma_wait3A_629 = tpu.memref_slice %arg4[%dma_wait3A_617, %dma_wait3A_618, %add3A, %dma_wait3A_627, %dma_wait3A_628] : memref<200x8x32x8x128xf32, #tpu.memory_space<hbm>> -> memref<1x1x1x8x128xf32, #tpu.memory_space<hbm>>
    %dma_wait3A_630 = tpu.memref_squeeze %dma_wait3A_629 : memref<1x1x1x8x128xf32, #tpu.memory_space<hbm>> -> memref<8x128xf32, #tpu.memory_space<hbm>>
    %dma_wait3A_631 = arith.constant 0 : i32
    %dma_wait3A_632 = arith.constant 0 : i32
    %dma_wait3A_633 = tpu.memref_slice %arg10[%dma_wait3A_616, %dma_wait3A_631, %dma_wait3A_632] : memref<8x8x129xf32, #tpu.memory_space<vmem>> -> memref<1x8x128xf32, #tpu.memory_space<vmem>>
    %dma_wait3A_634 = tpu.memref_squeeze %dma_wait3A_633 : memref<1x8x128xf32, #tpu.memory_space<vmem>> -> memref<8x128xf32, #tpu.memory_space<vmem>>
    tpu.wait_dma2 semaphore(%arg18 : memref<!tpu.dma_semaphore, #tpu.memory_space<semaphore_mem>>) src(%dma_wait3A_634 : memref<8x128xf32, #tpu.memory_space<vmem>>) dst(%dma_wait3A_630 : memref<8x128xf32, #tpu.memory_space<hbm>>)
    return
  }
}

</mosaic_0001>

<sc_bundles>
// kernel: kernel.3.cloned.1.call-start
scs
__scs_entry_jumppad:
0x0: {  	(pc) =	sbr.rel $0x88, $3  }
0x1: {  	(tag) =	ssettag $0x0;
	lr =	simm.s32 $0x1  }
0x2: {  	[smem:$0x3F9F] =	sst lr;
	_ =	strace $0xD0000000  }
0x3: {  	_ = 	snop  }
0x4: {  	_ = 	snop  }
0x5: {  	_ = 	snop  }
0x6: {  	_ = 	snop  }
0x7: {  	_ = 	snop  }
__scs_overlays_trampoline_lowered:
0x8: {  	[smem:$0x3FAE] =	sst s0  }
0x9: {  	[smem:$0x3FAF] =	sst s1  }
0xa: {  	[smem:$0x3FB0] =	sst s2  }
0xb: {  	[smem:$0x3FB1] =	sst s3  }
0xc: {  	[smem:$0x3FB2] =	sst s4  }
0xd: {  	[smem:$0x3FB3] =	sst s5  }
0xe: {  	[smem:$0x3FB4] =	sst s6  }
0xf: {  	[smem:$0x3FB5] =	sst s7  }
0x10: {  	[smem:$0x3FB6] =	sst s8  }
0x11: {  	[smem:$0x3FB7] =	sst s9;
	s0 =	simm.s32 @!p0 $0x0  }
0x12: {  	s1 =	sld [smem:$0x3F9D];
	s0 =	simm.s32 @p0 $0x1  }
0x13: {  	[smem:$0x3FB8] =	sst s0;
	s0 =	simm.s32 @!p1 $0x0  }
0x14: {  	s2 =	sld [smem:$0x3F9C];
	s0 =	simm.s32 @p1 $0x1  }
0x15: {  	[smem:$0x3FB9] =	sst s0;
	s0 =	simm.s32 @!p2 $0x0  }
0x16: {  	s3 =	sld [smem:$0x3FDB];
	s0 =	simm.s32 @p2 $0x1  }
0x17: {  	s4 =	simm.s32 $0x1BF5;
	[smem:$0x3FBB] =	sst s0  }
0x18: {  	s0 =	sld [smem:$0x3F9E];
	_ =	swait.ge [sflag:s4], $0x0  }
0x19: {  	s7 =	sld [smem:$0x3F9F]  }
0x1a: {  	s8 =	sadd.s32 $0xFFFFE003, lr  }
0x1b: {  	s9 =	sadd.s32 $0xFFFFFEF7, lr;
	s5 =	simm.s32 $0xFFFFFFFF;
	p2 =	slt.u32 s8, $0xFFFFF086  }
0x1c: {  	p1 =	slt.u32 s9, $0xF7A;
	s5 =	simm.s32 @!p2 $0x0  }
0x1d: {  	s5 =	simm.s32 @p1 $0x1;
	p0 =	seq.s32 s7, s2  }
0x1e: {  	s7 =	smul.u32 @!p0 $0xF7A, s2;
	p2 =	seq.s32 @!p0 s5, $0x0  }
0x1f: {  	s9 =	smul.u32 $0xF7A, s1;
	s8 =	simm.s32 @!p0 $0x1BF5;
	p2 =	por !p2, p0  }
0x20: {  	[sflag:s8] =	ssyncset.s32 @!p0 $0xFFFFF086;
	s6 =	sadd.s32 @!p0 s3, s7;
	s7 =	simm.s32 @!p0 $0x108  }
0x21: {  	s3 =	sadd.s32 s3, s9;
	s6 =	sadd.s32 @!p0 $0x88, s6;
	s7 =	simm.s32 @p2 $0x1082  }
0x22: {  	[simem:s7], [sflag:s8] =	dma.local @!p0 [hbm:s6], $0xF7A  }
0x23: {  	s9 =	sor.u32 $0xD0000000, s2;
	s6 =	simm.s32 $0x108;
	_ =	swait.ge @!p0 [sflag:s8], $0x0  }
0x24: {  	s3 =	sadd.s32 $0x88, s3;
	s6 =	simm.s32 @!p1 $0x1082;
	[sflag:s4] =	ssyncset.s32 $0xFFFFF086  }
0x25: {  	[simem:s6], [sflag:s4] =	dma.local [hbm:s3], $0xF7A  }
0x26: {  	[smem:$0x3F9F] =	sst s1;
	(tag) =	ssettag s2;
	_ =	strace s9  }
0x27: {  	s1 =	sld [smem:$0x3FAF]  }
0x28: {  	s2 =	sld [smem:$0x3FB0]  }
0x29: {  	s4 =	sld [smem:$0x3FB2]  }
0x2a: {  	p0 =	seq.s32 s5, $0x0;
	s5 =	sld [smem:$0x3FB3]  }
0x2b: {  	s6 =	sld [smem:$0x3FB4]  }
0x2c: {  	s7 =	sld [smem:$0x3FB5]  }
0x2d: {  	s3 =	simm.s32 $0x108;
	s8 =	sld [smem:$0x3FB6]  }
0x2e: {  	s3 =	simm.s32 @!p0 $0x1082;
	s9 =	sld [smem:$0x3FB7]  }
0x2f: {  	lr =	sadd.s32 s0, s3;
	s0 =	sld [smem:$0x3FAE]  }
0x30: {  	s3 =	sld [smem:$0x3FB1]  }
0x31: {  	[smem:$0x3FBA] =	sst s10  }
0x32: {  	s10 =	sld [smem:$0x3FB8];
	_ =	sdelay $0x3  }
0x33: {  	p0 =	seq.s32 s10, $0x1;
	s10 =	sld [smem:$0x3FBA];
	_ =	sdelay $0x3  }
0x34: {  	[smem:$0x3FBA] =	sst s10  }
0x35: {  	s10 =	sld [smem:$0x3FB9];
	_ =	sdelay $0x3  }
0x36: {  	p1 =	seq.s32 s10, $0x1;
	s10 =	sld [smem:$0x3FBA];
	_ =	sdelay $0x3  }
0x37: {  	[smem:$0x3FBA] =	sst s10  }
0x38: {  	s10 =	sld [smem:$0x3FBB]  }
0x39: {  	_ = 	snop;
	(pc) =	sbr.ind lr, $3  }
0x3a: {  	_ = 	snop  }
0x3b: {  	_ = 	snop  }
0x3c: {  	p2 =	seq.s32 s10, $0x1;
	s10 =	sld [smem:$0x3FBA]  }
0x3d: {  	_ =	shalt  }
0x3e: {  	_ =	shalt  }
0x3f: {  	_ =	shalt  }
0x40: {  	_ =	shalt  }
0x41: {  	_ =	shalt  }
0x42: {  	_ =	shalt  }
0x43: {  	_ =	shalt  }
0x44: {  	_ =	shalt  }
0x45: {  	_ =	shalt  }
0x46: {  	_ =	shalt  }
0x47: {  	_ =	shalt  }
0x48: {  	_ =	shalt  }
0x49: {  	_ =	shalt  }
0x4a: {  	_ =	shalt  }
0x4b: {  	_ =	shalt  }
0x4c: {  	_ =	shalt  }
0x4d: {  	_ =	shalt  }
0x4e: {  	_ =	shalt  }
0x4f: {  	_ =	shalt  }
0x50: {  	_ =	shalt  }
0x51: {  	_ =	shalt  }
0x52: {  	_ =	shalt  }
0x53: {  	_ =	shalt  }
0x54: {  	_ =	shalt  }
0x55: {  	_ =	shalt  }
0x56: {  	_ =	shalt  }
0x57: {  	_ =	shalt  }
0x58: {  	_ =	shalt  }
0x59: {  	_ =	shalt  }
0x5a: {  	_ =	shalt  }
0x5b: {  	_ =	shalt  }
0x5c: {  	_ =	shalt  }
0x5d: {  	_ =	shalt  }
0x5e: {  	_ =	shalt  }
0x5f: {  	_ =	shalt  }
0x60: {  	_ =	shalt  }
0x61: {  	_ =	shalt  }
0x62: {  	_ =	shalt  }
0x63: {  	_ =	shalt  }
0x64: {  	_ =	shalt  }
0x65: {  	_ =	shalt  }
0x66: {  	_ =	shalt  }
0x67: {  	_ =	shalt  }
0x68: {  	_ =	shalt  }
0x69: {  	_ =	shalt  }
0x6a: {  	_ =	shalt  }
0x6b: {  	_ =	shalt  }
0x6c: {  	_ =	shalt  }
0x6d: {  	_ =	shalt  }
0x6e: {  	_ =	shalt  }
0x6f: {  	_ =	shalt  }
0x70: {  	_ =	shalt  }
0x71: {  	_ =	shalt  }
0x72: {  	_ =	shalt  }
0x73: {  	_ =	shalt  }
0x74: {  	_ =	shalt  }
0x75: {  	_ =	shalt  }
0x76: {  	_ =	shalt  }
0x77: {  	_ =	shalt  }
0x78: {  	_ =	shalt  }
0x79: {  	_ =	shalt  }
0x7a: {  	_ =	shalt  }
0x7b: {  	_ =	shalt  }
0x7c: {  	_ =	shalt  }
0x7d: {  	_ =	shalt  }
0x7e: {  	_ =	shalt  }
0x7f: {  	_ =	shalt  }
0x80: {  	_ =	shalt  }
0x81: {  	_ =	shalt  }
0x82: {  	_ =	shalt  }
0x83: {  	_ =	shalt  }
0x84: {  	_ =	shalt  }
0x85: {  	_ =	shalt  }
0x86: {  	_ =	shalt  }
0x87: {  	_ =	shalt  }
.Lfunc_end0:
.L_simem_size_0:
called_computation_lowered:
.L_overlay_start_0:
0x88: {  	s2 =	sld [smem:$0x3FD9]  }
0x89: {  	s3 =	sld [smem:$0x3FFE];
	_ =	sdelay $0x1  }
0x8a: {  	s1 =	srdreg.scid  }
0x8b: {  	s0 =	sand.u32 $0x1, s1  }
0x8c: {  	s17 =	sshll.u32 s0, $0xA;
	s2 =	sadd.s32 s3, s2  }
0x8d: {  	s2 =	sadd.s32 s2, s17  }
0x8e: {  	[smem:$0x3FC6] =	sst s2  }
0x8f: {  	_ = 	snop  }
0x90: {  	s2 =	sld [smem:$0x3FD0];
	(tm) =	ssettm $0x1  }
0x91: {  	s18 =	sld [smem:$0x3FFB];
	_ =	sdelay $0x3  }
0x92: {  	_ =	strace s18  }
0x93: {  	s3 =	sld [smem:$0x3FFC];
	_ =	sdelay $0x3  }
0x94: {  	_ =	strace s3  }
0x95: {  	s3 =	sld [smem:$0x3FFD];
	_ =	sdelay $0x3  }
0x96: {  	_ =	strace s3  }
0x97: {  	_ =	strace $0x8FFFFFFF  }
0x98: {  	s19 =	sld [smem:$0x3FDB];
	_ =	sdelay $0x1  }
0x99: {  	s4 =	simm.s32 $_scs_section_size  }
0x9a: {  	s5 =	simm.s32 $_size__tile_overlayer_lowered;
	s6 =	simm.s32 $_tile_overlayer_lowered  }
0x9b: {  	s22 =	simm.s32 $0x1BFF;
	s21 =	sshll.u32 s6, $0x1;
	s3 =	sadd.s32 s4, s19  }
0x9c: {  	s7 =	simm.s32 $0x0;
	s20 =	sshll.u32 s5, $0x1;
	s5 =	sadd.s32 s21, s3  }
0x9d: {  	[timem:s7], [sflag:s22] =	dma.local [hbm:s5], s20  }
0x9e: {  	_ =	swait.ge [sflag:s22], s20  }
0x9f: {  	s4 =	ssub.s32 $0x0, s20;
	[sflag:s22] =	ssyncset.done $0x0  }
0xa0: {  	[sflag:s22] =	ssyncadd.s32 s4;
	_ =	sdelay $0x1  }
0xa1: {  	s23 =	simm.s32 $0x1B8B  }
0xa2: {  	_ =	swait.ge [sflag:s23], $0x1  }
0xa3: {  	[sflag:s23] =	ssyncset.done $0x0  }
0xa4: {  	s25 =	simm.s32 $0x1B8E;
	s24 =	sld [smem:$0x3FFE];
	[sflag:s23] =	ssyncadd.s32 $0xFFFFFFFF  }
0xa5: {  	s26 =	simm.s32 $execute0_lowered;
	[smem:$0x3FD2] =	sst s25  }
0xa6: {  	s5 =	sshll.u32 s26, $0x1;
	_ =	strace $0x80000046;
	[dreg:$0x1] =	wrdreg $0xFFFFFFFF  }
0xa7: {  	s28 =	simm.s32 $_size_execute0_lowered;
	s3 =	sadd.s32 s3, s5;
	[dreg:$0x0] =	wrdreg $0x0  }
0xa8: {  	s5 =	sshll.u32 s28, $0x1;
	[dreg:$0x2] =	wrdreg s3  }
0xa9: {  	[dreg:$0x3] =	wrdreg s5  }
0xaa: {  	[dreg:$0x4] =	wrdreg $0xC0  }
0xab: {  	_ =	task [dreg:s7], $0x5FFFF  }
0xac: {  	[dreg:$0x1] =	wrdreg $0xFFFFFFFF  }
0xad: {  	[dreg:$0x0] =	wrdreg $0x60  }
0xae: {  	[dreg:$0x2] =	wrdreg s24  }
0xaf: {  	[dreg:$0x3] =	wrdreg s2  }
0xb0: {  	[dreg:$0x4] =	wrdreg $0x9  }
0xb1: {  	_ =	task.clear_ibuf [dreg:s7], $0x5FFFF;
	_ =	strace $0x90000046  }
0xb2: {  	s29 =	simm.s32 $0x9;
	_ =	strace $0x80000048  }
0xb3: {  	_ =	swait.ge [sflag:s29], $0x1  }
0xb4: {  	[sflag:s29] =	ssyncadd.s32 $0xFFFFFFFF  }
0xb5: {  	_ =	strace $0x90000048  }
0xb6: {  	_ =	sfence  }
0xb7: {  	s30 =	sld [smem:$0x0];
	_ =	sdelay $0x2  }
0xb8: {  	s31 =	sshll.u32 s1, $0xD;
	s1 =	sshrl.u32 s1, $0x2  }
0xb9: {  	s3 =	sand.u32 $0x4000, s31;
	s1 =	sadd.s32 s1, s30  }
0xba: {  	s0 =	sor.u32 s3, s0;
	s1 =	sshll.u32 s1, $0x11  }
0xbb: {  	s0 =	sor.u32 s1, s0  }
0xbc: {  	s0 =	sadd.s32 $0x8F2B, s0  }
0xbd: {  	[sflag:s0] =	ssyncadd.remote.s32 $0x1  }
0xbe: {  	_ =	sfence.sel $0xFFFF  }
0xbf: {  	[dreg:$0x0] =	wrdreg $0xFFFFFFFF;
	(pc) =	sbr.abs _section_cstart, $3  }
0xc0: {  	[dreg:$0x1] =	wrdreg $0xFFFFFFFF  }
0xc1: {  	_ =	task.clear_ibuf [dreg:s7], $0x2FFFF;
	_ =	strace $0x9FFFFFFF  }
0xc2: {  	(tm) =	ssettm $0x7FFFFFFF  }
0xc3: {  	_ =	shalt  }
tec
execute0_lowered:
.L_overlay_start_1:
0x0: {  	(tag) =	ssettag $0x1  }
0x1: {  	s0 =	rddreg [dreg:$0x0]  }
0x2: {  	s8 =	rddreg [dreg:$0x1];
	s3 =	simm.s32 $0x0  }
0x3: {  	[smem:$0x7FF] =	sst s3;
	s7 =	sadd.s32 $0x1000, s8  }
0x4: {  	s9 =	sadd.s32 $0x2000, s8;
	_ =	strace $0x80000047;
	[dreg:$0x5] =	wrdreg s7  }
0x5: {  	s10 =	sadd.s32 $0x3000, s8;
	[dreg:$0x6] =	wrdreg s9  }
0x6: {  	s11 =	sadd.s32 $0x4000, s8;
	[dreg:$0x7] =	wrdreg s10  }
0x7: {  	s12 =	sadd.s32 $0x5000, s8;
	[dreg:$0x8] =	wrdreg s11  }
0x8: {  	s13 =	sadd.s32 $0x6000, s8;
	[dreg:$0x9] =	wrdreg s12  }
0x9: {  	v0 =	vlaneseq.u32;
	s14 =	sadd.s32 $0x7000, s8;
	[dreg:$0xa] =	wrdreg s13  }
0xa: {  	s15 =	sadd.s32 $0x8000, s8;
	v0 =	vmul.u32 $0x88, v0;
	[dreg:$0xb] =	wrdreg s14  }
0xb: {  	s16 =	sadd.s32 $0x9000, s8;
	[dreg:$0xc] =	wrdreg s15  }
0xc: {  	s17 =	sadd.s32 $0xA000, s8;
	[dreg:$0xd] =	wrdreg s16;
	v2 =	vadd.s32 $0x880, v0  }
0xd: {  	s18 =	sadd.s32 $0xB000, s8;
	[dreg:$0xe] =	wrdreg s17;
	v16 =	vadd.s32 $0x1980, v0;
	[tilespmem:$0x1FEB0] =	vst v2  }
0xe: {  	s1 =	srdreg.scid;
	s19 =	sadd.s32 $0xC000, s8;
	[dreg:$0xf] =	wrdreg s18;
	v10 =	vadd.s32 $0x1101, v0;
	[tilespmem:$0x1FED0] =	vst v16  }
0xf: {  	s2 =	stileid.u32;
	s20 =	sadd.s32 $0xD000, s8;
	[dreg:$0x10] =	wrdreg s19;
	v23 =	vadd.s32 $0x1981, v0;
	[tilespmem:$0x1FEE0] =	vst v10  }
0x10: {  	s1 =	sand.u32 $0x1, s1;
	s21 =	sadd.s32 $0xE000, s8;
	[dreg:$0x11] =	wrdreg s20;
	v14 =	vadd.s32 $0x1102, v0;
	[tilespmem:$0x1FEF0] =	vst v23  }
0x11: {  	s2 =	sshll.u32 s2, $0x1;
	s22 =	sadd.s32 $0xF000, s8;
	[dreg:$0x12] =	wrdreg s21;
	v15 =	vadd.s32 $0x1982, v0;
	[tilespmem:$0x1FF00] =	vst v14  }
0x12: {  	s23 =	sadd.s32 $0x10000, s8;
	s24 =	sadd.s32 $0x11000, s8;
	[dreg:$0x13] =	wrdreg s22;
	v18 =	vadd.s32 $0x1103, v0;
	[tilespmem:$0x1FF10] =	vst v15  }
0x13: {  	s25 =	sadd.s32 $0x12000, s8;
	s26 =	sadd.s32 $0x13000, s8;
	[dreg:$0x14] =	wrdreg s23;
	v19 =	vadd.s32 $0x1983, v0;
	[tilespmem:$0x1FF20] =	vst v18  }
0x14: {  	s29 =	sadd.s32 $0x15000, s8;
	s30 =	sadd.s32 $0x16000, s8;
	[dreg:$0x15] =	wrdreg s24;
	v11 =	vadd.s32 $0x1984, v0;
	[tilespmem:$0x1FF30] =	vst v19  }
0x15: {  	s31 =	sadd.s32 $0x17000, s8;
	s2 =	sor.u32 s1, s2;
	[dreg:$0x16] =	wrdreg s25;
	v30 =	vadd.s32 $0x1105, v0;
	[tilespmem:$0x1FF50] =	vst v11  }
0x16: {  	s1 =	ssub.s32 $0x2, s1;
	[dreg:$0x18] =	wrdreg s26;
	s25 =	sadd.s32 $0x1B000, s8;
	v27 =	vadd.s32 $0x1985, v0;
	[tilespmem:$0x1FF60] =	vst v30  }
0x17: {  	s7 =	sadd.s32 $0x1E000, s8;
	s9 =	simm.s32 $0x80;
	s10 =	simm.s32 $0x1;
	v33 =	vadd.s32 $0x1106, v0;
	[tilespmem:$0x1FF70] =	vst v27  }
0x18: {  	s11 =	simm.s32 $0xE400;
	s12 =	simm.s32 $0x2;
	s13 =	simm.s32 $0x6;
	v31 =	vadd.s32 $0x1986, v0;
	[tilespmem:$0x1FF80] =	vst v33  }
0x19: {  	v1 =	vimm.s32 $0x0;
	vm0 =	vcmask $0x300;
	s14 =	simm.s32 $0x10600;
	s15 =	simm.s32 $0x3;
	s16 =	simm.s32 $0x7;
	v12 =	vadd.s32 $0x1987, v0;
	[tilespmem:$0x1FF90] =	vst v31  }
0x1a: {  	v1 =	vsel vm0, $0x3, v1;
	s17 =	simm.s32 $0x12800;
	s18 =	simm.s32 $0x4;
	s19 =	simm.s32 $0x8;
	v13 =	vor.u32 $0x3, v0;
	[tilespmem:$0x1FFA0] =	vst v12  }
0x1b: {  	s20 =	simm.s32 $0x14A00;
	s4 =	sshll.u32 s2, $0x4;
	s6 =	sshrl.u32 s1, $0x1;
	v7 =	vor.u32 $0x1, v0;
	v9 =	vadd.s32 $0x881, v0;
	v34 =	vor.u32 $0x2, v0;
	[tilespmem:$0x1FFB0] =	vst v13  }
0x1c: {  	v20 =	vor.u32 $0x4, v0;
	v28 =	vor.u32 $0x5, v0;
	v22 =	vadd.s32 $0x885, v0;
	s5 =	sadd.s32 s4, s0;
	s28 =	ssub.s32 s1, s6;
	s6 =	sshll.u32 s2, $0x7;
	[tilespmem:$0x1FFD0] =	vst v34  }
0x1d: {  	s23 =	simm.s32 $0x0;
	v32 =	vadd.s32 $0x882, v0;
	v5 =	vadd.s32 $0x883, v0;
	v21 =	vadd.s32 $0x884, v0;
	[tilespmem:$0x1FFE0] =	vst v28;
	s5 =	sadd.s32 $0x600, s5;
	[dreg:$0x4] =	wrdreg s6  }
0x1e: {  	v24 =	vadd.s32 $0x1104, v0;
	v29 =	vor.u32 $0x6, v0;
	s4 =	sadd.s32 $0xF42A00, s0;
	v2 =	vadd.s32 $0x1100, v0;
	[tilespmem:$0x1FFF0] =	vst v7;
	s0 =	smax.u32 s28, $0x1;
	[dreg:$0x3] =	wrdreg s5  }
0x1f: {  	v26 =	vadd.s32 $0x886, v0;
	s1 =	sadd.s32 $0x18000, s8;
	v4 =	vmovc v18;
	s28 =	sadd.s32 $0x14000, s8;
	[tilespmem:$0x1FEC0] =	vst v2;
	[dreg:$0x17] =	wrdreg s0;
	v18 =	vmovc v20;
	v20 =	vmov v22;
	v22 =	vmov v24  }
0x20: {  	v3 =	vor.u32 $0x7, v0;
	v17 =	vadd.s32 $0x887, v0;
	v8 =	vadd.s32 $0x1107, v0;
	v25 =	vmovc v0;
	s2 =	sadd.s32 $0x1C000, s8;
	s6 =	sadd.s32 $0x1D000, s8;
	[dreg:$0x19] =	wrdreg s28;
	[tilespmem:$0x1FF40] =	vst v22  }
0x21: {  	v6 =	vmovc v33;
	s0 =	sadd.s32 $0x19000, s8;
	s5 =	sadd.s32 $0x1A000, s8;
	s8 =	sadd.s32 $0x1F000, s8;
	v24 =	vmovc v26;
	v16 =	vmov v30;
	v2 =	vmov v10;
	v10 =	vmov v23;
	[tilespmem:$0x1FFC0] =	vst v18  }
.LBB2_1:
0x22: {  	s21 =	rddreg [dreg:$0x3];
	s22 =	simm.s32 $0x1000  }
0x23: {  	[tilespmem:s3], [sflag:$0x9] =	stream.strided.gather [hbm4b:s21+s9], $0x6400, s22, s9, $0x38;
	[tilespmem:$0x16C00] =	vst v63  }
0x24: {  	[dreg:$0x1a] =	wrdreg s23;
	s22 =	simm.s32 $0x9  }
0x25: {  	_ =	swait.ge [sflag:s22], $0x6400  }
0x26: {  	[sflag:s22] =	ssyncset.done $0x0  }
0x27: {  	s23 =	simm.s32 $0x6400;
	[sflag:s22] =	ssyncadd.s32 $0xFFFF9C00  }
0x28: {  	[tilespmem:s23], [sflag:$0x1] =	stream.indirect.gather [hbm4b:s4+s9], $0x40, s3, s9, $0xb8;
	[tilespmem:$0x16C00] =	vst v63  }
0x29: {  	s24 =	simm.s32 $0x8400  }
0x2a: {  	[tilespmem:s24], [sflag:$0x2] =	stream.indirect.gather [hbm4b:s4+s9], $0x40, s9, s9, $0xb8;
	[tilespmem:$0x16C00] =	vst v63  }
0x2b: {  	s26 =	simm.s32 $0x100;
	s28 =	simm.s32 $0xA400;
	v61 =	vmovc v9;
	v41 =	vmov v21;
	v21 =	vmov v2;
	v58 =	vmov v28;
	s21 =	simm.s32 $0x0  }
0x2c: {  	v28 =	vmovc v4;
	v30 =	vmovc v16;
	v2 =	vmov v29;
	v29 =	vmov v6;
	v6 =	vmov v34;
	[tilespmem:s28], [sflag:$0x3] =	stream.indirect.gather [hbm4b:s4+s9], $0x40, s26, s9, $0xb8;
	[tilespmem:$0x16C00] =	vst v63  }
.LBB2_2:
0x2d: {  	s22 =	sshll.u32 s21, $0x9  }
0x2e: {  	s23 =	sand.u32 $0x3FFFFE00, s22  }
0x2f: {  	s24 =	simm.s32 $0xC400;
	s22 =	sor.u32 $0x180, s23  }
0x30: {  	[tilespmem:s24], [sflag:$0x4] =	stream.indirect.gather [hbm4b:s4+s9], $0x40, s22, s9, $0xb8;
	[tilespmem:$0x16C00] =	vst v63  }
0x31: {  	_ =	swait.ge [sflag:s10], $0x2000  }
0x32: {  	p0 =	seq.s32 s21, $0x0;
	[sflag:s10] =	ssyncset.done $0x0  }
0x33: {  	s22 =	simm.s32 @!p0 $0x5;
	[sflag:s10] =	ssyncadd.s32 $0xFFFFE000  }
0x34: {  	_ =	swait.ge @!p0 [sflag:s22], $0x400  }
0x35: {  	[sflag:s22] =	ssyncset.done @!p0 $0x0  }
0x36: {  	[sflag:s22] =	ssyncadd.s32 @!p0 $0xFFFFFC00  }
0x37: {  	_ =	swait.ge @!p0 [sflag:s22], $0x400  }
0x38: {  	[sflag:s22] =	ssyncset.done @!p0 $0x0  }
0x39: {  	[sflag:s22] =	ssyncadd.s32 @!p0 $0xFFFFFC00  }
0x3a: {  	_ =	swait.ge @!p0 [sflag:s22], $0x400  }
0x3b: {  	[sflag:s22] =	ssyncset.done @!p0 $0x0  }
0x3c: {  	[sflag:s22] =	ssyncadd.s32 @!p0 $0xFFFFFC00  }
0x3d: {  	_ =	swait.ge @!p0 [sflag:s22], $0x400  }
0x3e: {  	[sflag:s22] =	ssyncset.done @!p0 $0x0  }
0x3f: {  	[sflag:s22] =	ssyncadd.s32 @!p0 $0xFFFFFC00  }
0x40: {  	_ =	swait.ge @!p0 [sflag:s22], $0x400  }
0x41: {  	[sflag:s22] =	ssyncset.done @!p0 $0x0  }
0x42: {  	[sflag:s22] =	ssyncadd.s32 @!p0 $0xFFFFFC00  }
0x43: {  	_ =	swait.ge @!p0 [sflag:s22], $0x400  }
0x44: {  	[sflag:s22] =	ssyncset.done @!p0 $0x0  }
0x45: {  	s26 =	simm.s32 $0x0;
	[sflag:s22] =	ssyncadd.s32 @!p0 $0xFFFFFC00  }
0x46: {  	v33 =	vmov s26;
	s26 =	simm.s32 $0x2;
	_ =	swait.ge @!p0 [sflag:s22], $0x400  }
0x47: {  	v35 =	vmov s26;
	s26 =	simm.s32 $0x5;
	[sflag:s22] =	ssyncset.done @!p0 $0x0  }
0x48: {  	s28 =	simm.s32 $0x3;
	v38 =	vmov s26;
	s26 =	simm.s32 $0x7;
	[sflag:s22] =	ssyncadd.s32 @!p0 $0xFFFFFC00  }
0x49: {  	v36 =	vmov s28;
	s24 =	simm.s32 $0x1;
	v40 =	vmov s26;
	_ =	swait.ge @!p0 [sflag:s22], $0x400  }
0x4a: {  	v33 =	vshrl.u32 v33, $0x3;
	v34 =	vmov s24;
	s24 =	simm.s32 $0x4;
	v40 =	vshrl.u32 v40, $0x3;
	[sflag:s22] =	ssyncset.done @!p0 $0x0  }
0x4b: {  	v33 =	vshll.u32 v33, v1;
	v37 =	vmov s24;
	s24 =	simm.s32 $0x6500;
	v40 =	vshll.u32 v40, v1;
	[sflag:s22] =	ssyncadd.s32 @!p0 $0xFFFFFC00  }
0x4c: {  	v35 =	vshrl.u32 v35, $0x3;
	v34 =	vshrl.u32 v34, $0x3;
	v9 =	vbroadcast v40, $0x0;
	v60 =	vld [tilespmem:s24+$0xC0]  }
0x4d: {  	v16 =	vbroadcast v33, $0x0;
	v35 =	vshll.u32 v35, v1;
	v34 =	vshll.u32 v34, v1;
	v43 =	vld [tilespmem:s24+$0xFFFFFF00]  }
0x4e: {  	v37 =	vshrl.u32 v37, $0x3;
	v23 =	vbroadcast v34, $0x0;
	v46 =	vadd.s32 v3, v9;
	v45 =	vld [tilespmem:s24+$0xFFFFFF40]  }
0x4f: {  	s28 =	simm.s32 $0x6;
	v63 =	vadd.s32 v25, v16;
	v44 =	vshll.u32 v37, v1;
	v37 =	vbroadcast v35, $0x0;
	v47 =	vld [tilespmem:s24+$0xFFFFFF80]  }
0x50: {  	v39 =	vmov s28;
	v36 =	vshrl.u32 v36, $0x3;
	v48 =	vadd.s32 v7, v23  }
0x51: {  	v42 =	vshrl.u32 v39, $0x3;
	v50 =	vadd.s32 v6, v37;
	v39 =	vmul.f32 $8.000000000e+00, v60  }
0x52: {  	v36 =	vshll.u32 v36, v1;
	v49 =	vld [tilespmem:s24+$0xFFFFFFC0];
	v43 =	vmul.f32 $8.000000000e+00, v43  }
0x53: {  	v38 =	vshrl.u32 v38, $0x3;
	v36 =	vbroadcast v36, $0x0;
	v51 =	vld [tilespmem:s24+$0x0];
	v45 =	vmul.f32 $8.000000000e+00, v45;
	[tilespmem:v46+s11+$0x0] =	vst.idx.msk $0xffff, v39  }
0x54: {  	v62 =	vshll.u32 v38, v1;
	v35 =	vbroadcast v44, $0x0;
	v53 =	vld [tilespmem:s24+$0x40];
	v59 =	vmul.f32 $8.000000000e+00, v47;
	[tilespmem:v63+s11+$0x0] =	vst.idx.msk $0xffff, v43  }
0x55: {  	v42 =	vshll.u32 v42, v1;
	v52 =	vadd.s32 v13, v36;
	v33 =	vbroadcast v62, $0x0;
	v55 =	vld [tilespmem:s24+$0x80];
	[tilespmem:v48+s11+$0x0] =	vst.idx.msk $0xffff, v45  }
0x56: {  	v34 =	vbroadcast v42, $0x0;
	v54 =	vadd.s32 v18, v35;
	[tilespmem:v50+s11+$0x0] =	vst.idx.msk $0xffff, v59;
	v44 =	vld [tilespmem:s24+$0xD0]  }
0x57: {  	s26 =	simm.s32 $0x8;
	v43 =	vadd.s32 v58, v33;
	v0 =	vld [tilespmem:$0x1FEB0]  }
0x58: {  	v57 =	vmov s26;
	v60 =	vmul.f32 $8.000000000e+00, v49;
	v47 =	vadd.s32 v2, v34;
	v49 =	vld [tilespmem:s24+$0xFFFFFF50]  }
0x59: {  	v42 =	vshrl.u32 v57, $0x3;
	v62 =	vmul.f32 $8.000000000e+00, v51;
	v50 =	vadd.s32 v17, v9;
	v57 =	vld [tilespmem:s24+$0xFFFFFF90]  }
0x5a: {  	v63 =	vmul.f32 $8.000000000e+00, v53;
	v53 =	vadd.s32 v61, v23;
	v46 =	vld [tilespmem:s24+$0xFFFFFF10];
	[tilespmem:v52+s11+$0x0] =	vst.idx.msk $0xffff, v60  }
0x5b: {  	v38 =	vmul.f32 $8.000000000e+00, v55;
	v55 =	vadd.s32 v32, v37;
	[tilespmem:v54+s11+$0x0] =	vst.idx.msk $0xffff, v62  }
0x5c: {  	[tilespmem:v43+s11+$0x0] =	vst.idx.msk $0xffff, v63;
	v56 =	vadd.s32 v0, v16;
	v43 =	vmul.f32 $8.000000000e+00, v44  }
0x5d: {  	v58 =	vld [tilespmem:s24+$0xFFFFFFD0];
	[tilespmem:v47+s11+$0x0] =	vst.idx.msk $0xffff, v38;
	v39 =	vmul.f32 $8.000000000e+00, v49  }
0x5e: {  	v59 =	vld [tilespmem:s24+$0x10];
	v63 =	vmul.f32 $8.000000000e+00, v57;
	[tilespmem:v50+s11+$0x0] =	vst.idx.msk $0xffff, v43  }
0x5f: {  	v26 =	vmov v61;
	s26 =	simm.s32 $0x9;
	v61 =	vld [tilespmem:s24+$0x90];
	v45 =	vmul.f32 $8.000000000e+00, v46;
	[tilespmem:v53+s11+$0x0] =	vst.idx.msk $0xffff, v39  }
0x60: {  	v48 =	vmov s26;
	s26 =	simm.s32 $0xA;
	v46 =	vadd.s32 v5, v36;
	v60 =	vld [tilespmem:s24+$0x50];
	[tilespmem:v55+s11+$0x0] =	vst.idx.msk $0xffff, v63  }
0x61: {  	v51 =	vmov s26;
	s26 =	simm.s32 $0xB;
	v49 =	vadd.s32 v41, v35;
	v50 =	vld [tilespmem:s24+$0xE0];
	[tilespmem:v56+s11+$0x0] =	vst.idx.msk $0xffff, v45  }
0x62: {  	v52 =	vmov s26;
	s26 =	simm.s32 $0xC;
	v53 =	vadd.s32 v24, v34;
	v0 =	vld [tilespmem:$0x1FEC0]  }
0x63: {  	v54 =	vmov s26;
	v39 =	vmul.f32 $8.000000000e+00, v58;
	v57 =	vld [tilespmem:s24+$0xFFFFFF60];
	v45 =	vadd.s32 v20, v33  }
0x64: {  	s26 =	simm.s32 $0xD;
	v43 =	vshll.u32 v42, v1;
	v42 =	vmul.f32 $8.000000000e+00, v59;
	v55 =	vadd.s32 v8, v9;
	v59 =	vld [tilespmem:s24+$0xFFFFFFA0]  }
0x65: {  	v62 =	vadd.s32 v21, v23;
	v44 =	vmov s26;
	s26 =	simm.s32 $0xE;
	v47 =	vmul.f32 $8.000000000e+00, v61;
	v56 =	vld [tilespmem:s24+$0xFFFFFF20];
	[tilespmem:v46+s11+$0x0] =	vst.idx.msk $0xffff, v39  }
0x66: {  	v38 =	vmov s26;
	v46 =	vmul.f32 $8.000000000e+00, v60;
	[tilespmem:v49+s11+$0x0] =	vst.idx.msk $0xffff, v42;
	v49 =	vadd.s32 v14, v37  }
0x67: {  	v61 =	vshrl.u32 v44, $0x3;
	[tilespmem:v53+s11+$0x0] =	vst.idx.msk $0xffff, v47;
	v44 =	vmul.f32 $8.000000000e+00, v50;
	v58 =	vadd.s32 v0, v16  }
0x68: {  	v42 =	vshrl.u32 v38, $0x3;
	v38 =	vbroadcast v43, $0x0;
	v63 =	vld [tilespmem:s24+$0xFFFFFFE0];
	v43 =	vmul.f32 $8.000000000e+00, v57;
	[tilespmem:v45+s11+$0x0] =	vst.idx.msk $0xffff, v46  }
0x69: {  	v39 =	vld [tilespmem:s24+$0x20];
	v59 =	vmul.f32 $8.000000000e+00, v59;
	[tilespmem:v55+s11+$0x0] =	vst.idx.msk $0xffff, v44  }
0x6a: {  	v60 =	vld [tilespmem:s24+$0xA0];
	[tilespmem:v62+s11+$0x0] =	vst.idx.msk $0xffff, v43;
	v50 =	vmul.f32 $8.000000000e+00, v56  }
0x6b: {  	v48 =	vshrl.u32 v48, $0x3;
	v56 =	vadd.s32 v28, v36;
	v40 =	vld [tilespmem:s24+$0x60];
	[tilespmem:v49+s11+$0x0] =	vst.idx.msk $0xffff, v59  }
0x6c: {  	v51 =	vshrl.u32 v51, $0x3;
	v52 =	vshrl.u32 v52, $0x3;
	v57 =	vadd.s32 v22, v35;
	v55 =	vld [tilespmem:s24+$0xF0];
	[tilespmem:v58+s11+$0x0] =	vst.idx.msk $0xffff, v50  }
0x6d: {  	v4 =	vmovc v41;
	v41 =	vshrl.u32 v54, $0x3;
	v54 =	vadd.s32 v30, v33;
	v47 =	vshll.u32 v48, v1;
	v0 =	vld [tilespmem:$0x1FED0]  }
0x6e: {  	v53 =	vadd.s32 v12, v9;
	v45 =	vshll.u32 v52, v1;
	v52 =	vld [tilespmem:s24+$0xFFFFFF70];
	v62 =	vmul.f32 $8.000000000e+00, v63  }
0x6f: {  	v44 =	vshll.u32 v51, v1;
	v51 =	vadd.s32 v29, v34;
	v63 =	vmul.f32 $8.000000000e+00, v39;
	v49 =	vld [tilespmem:s24+$0xFFFFFFB0]  }
0x70: {  	v9 =	vmov v6;
	v46 =	vshll.u32 v41, v1;
	v43 =	vshll.u32 v61, v1;
	v50 =	vld [tilespmem:s24+$0xFFFFFF30];
	[tilespmem:v56+s11+$0x0] =	vst.idx.msk $0xffff, v62  }
0x71: {  	v41 =	vadd.s32 v10, v23;
	v23 =	vmovc v21;
	v21 =	vmov v28;
	v28 =	vmov v30;
	[tilespmem:v57+s11+$0x0] =	vst.idx.msk $0xffff, v63;
	v56 =	vld [tilespmem:s24+$0xFFFFFFF0]  }
0x72: {  	s28 =	simm.s32 $0xF;
	s22 =	sshll.u32 s21, $0x11;
	s26 =	simm.s32 $0x10;
	v30 =	vmovc v2;
	v39 =	vmul.f32 $8.000000000e+00, v40;
	v40 =	vmul.f32 $8.000000000e+00, v60;
	v48 =	vadd.s32 v0, v16;
	v16 =	vmovc v26;
	v26 =	vld [tilespmem:$0x1FFE0]  }
.LBB2_3:
0x73: {  	v58 =	vld [tilespmem:s24+$0x30]  }
0x74: {  	v0 =	vld [tilespmem:$0x1FEB0]  }
0x75: {  	v57 =	vmov s28;
	v37 =	vadd.s32 v15, v37;
	v6 =	vld [tilespmem:$0x1FED0];
	[tilespmem:v54+s11+$0x0] =	vst.idx.msk $0xffff, v39;
	v60 =	vmul.f32 $8.000000000e+00, v55  }
0x76: {  	v36 =	vadd.s32 v19, v36;
	v35 =	vadd.s32 v11, v35;
	[tilespmem:v51+s11+$0x0] =	vst.idx.msk $0xffff, v40;
	v62 =	vld [tilespmem:s24+$0x70];
	v50 =	vmul.f32 $8.000000000e+00, v50  }
0x77: {  	v33 =	vadd.s32 v27, v33;
	v61 =	vshrl.u32 v57, $0x3;
	v63 =	vmul.f32 $8.000000000e+00, v52;
	v52 =	vld [tilespmem:s24+$0xB0];
	s24 =	sadd.s32 $0x200, s24;
	[tilespmem:v53+s11+$0x0] =	vst.idx.msk $0xffff, v60  }
0x78: {  	v39 =	vmov v38;
	v38 =	vshll.u32 v61, v1;
	v54 =	vmul.f32 $8.000000000e+00, v49;
	[tilespmem:v48+s11+$0x0] =	vst.idx.msk $0xffff, v50;
	v53 =	vld [tilespmem:s24+$0xC0]  }
0x79: {  	v34 =	vadd.s32 v31, v34;
	v40 =	vbroadcast v38, $0x0;
	v57 =	vmul.f32 $8.000000000e+00, v56;
	[tilespmem:v41+s11+$0x0] =	vst.idx.msk $0xffff, v63;
	v48 =	vld [tilespmem:s24+$0xFFFFFF00]  }
0x7a: {  	v41 =	vbroadcast v47, $0x0;
	[tilespmem:v37+s11+$0x0] =	vst.idx.msk $0xffff, v54;
	v60 =	vmul.f32 $8.000000000e+00, v58;
	v59 =	vld [tilespmem:s24+$0xFFFFFF40]  }
0x7b: {  	v47 =	vadd.s32 v3, v40;
	v37 =	vbroadcast v44, $0x0;
	[tilespmem:v36+s11+$0x0] =	vst.idx.msk $0xffff, v57;
	v61 =	vld [tilespmem:s24+$0xFFFFFF80];
	v62 =	vmul.f32 $8.000000000e+00, v62  }
0x7c: {  	v42 =	vshll.u32 v42, v1;
	v51 =	vadd.s32 v25, v39;
	v63 =	vld [tilespmem:s24+$0xFFFFFFC0];
	[tilespmem:v35+s11+$0x0] =	vst.idx.msk $0xffff, v60;
	v56 =	vmul.f32 $8.000000000e+00, v52  }
0x7d: {  	v36 =	vbroadcast v45, $0x0;
	v49 =	vadd.s32 v7, v41;
	v45 =	vadd.s32 v9, v37;
	v52 =	vld [tilespmem:s24+$0x0];
	[tilespmem:v33+s11+$0x0] =	vst.idx.msk $0xffff, v62  }
0x7e: {  	v35 =	vbroadcast v46, $0x0;
	[tilespmem:v34+s11+$0x0] =	vst.idx.msk $0xffff, v56;
	v56 =	vadd.s32 v0, v39;
	v0 =	vld [tilespmem:$0x1FEC0];
	v57 =	vmul.f32 $8.000000000e+00, v53  }
0x7f: {  	v33 =	vbroadcast v43, $0x0;
	v58 =	vmul.f32 $8.000000000e+00, v48;
	v48 =	vadd.s32 v13, v36;
	v53 =	vld [tilespmem:s24+$0x40]  }
0x80: {  	s28 =	sadd.s32 $0x1, s26;
	v43 =	vadd.s32 v18, v35;
	v34 =	vbroadcast v42, $0x0;
	v59 =	vmul.f32 $8.000000000e+00, v59;
	v50 =	vld [tilespmem:s24+$0x80];
	[tilespmem:v47+s11+$0x0] =	vst.idx.msk $0xffff, v57  }
0x81: {  	v54 =	vmov s28;
	v62 =	vadd.s32 v26, v33;
	v61 =	vmul.f32 $8.000000000e+00, v61;
	[tilespmem:v51+s11+$0x0] =	vst.idx.msk $0xffff, v58;
	v47 =	vld [tilespmem:s24+$0xD0]  }
0x82: {  	v60 =	vmov s26;
	v63 =	vmul.f32 $8.000000000e+00, v63;
	[tilespmem:v49+s11+$0x0] =	vst.idx.msk $0xffff, v59;
	v49 =	vadd.s32 v30, v34;
	v51 =	vld [tilespmem:s24+$0xFFFFFF10]  }
0x83: {  	v42 =	vshrl.u32 v60, $0x3;
	[tilespmem:v45+s11+$0x0] =	vst.idx.msk $0xffff, v61;
	v60 =	vmul.f32 $8.000000000e+00, v52;
	v45 =	vadd.s32 v17, v40;
	v55 =	vld [tilespmem:s24+$0xFFFFFF50]  }
0x84: {  	s28 =	sadd.s32 $0x2, s26;
	v54 =	vshrl.u32 v54, $0x3;
	v57 =	vld [tilespmem:s24+$0xFFFFFF90];
	[tilespmem:v48+s11+$0x0] =	vst.idx.msk $0xffff, v63;
	v61 =	vmul.f32 $8.000000000e+00, v53  }
0x85: {  	v52 =	vmov s28;
	[tilespmem:v43+s11+$0x0] =	vst.idx.msk $0xffff, v60;
	v53 =	vadd.s32 v16, v41;
	v43 =	vmul.f32 $8.000000000e+00, v50;
	v58 =	vld [tilespmem:s24+$0xFFFFFFD0]  }
0x86: {  	s28 =	sadd.s32 $0x3, s26;
	v52 =	vshrl.u32 v52, $0x3;
	v50 =	vadd.s32 v32, v37;
	v59 =	vld [tilespmem:s24+$0x10];
	[tilespmem:v62+s11+$0x0] =	vst.idx.msk $0xffff, v61;
	v38 =	vmul.f32 $8.000000000e+00, v47  }
0x87: {  	v48 =	vmov s28;
	s28 =	sadd.s32 $0x4, s26;
	[tilespmem:v49+s11+$0x0] =	vst.idx.msk $0xffff, v43;
	v47 =	vmul.f32 $8.000000000e+00, v51;
	v51 =	vadd.s32 v5, v36;
	v60 =	vld [tilespmem:s24+$0x50]  }
0x88: {  	v44 =	vmov s28;
	v49 =	vmul.f32 $8.000000000e+00, v55;
	v55 =	vadd.s32 v4, v35;
	v61 =	vld [tilespmem:s24+$0x90];
	[tilespmem:v45+s11+$0x0] =	vst.idx.msk $0xffff, v38  }
0x89: {  	s28 =	sadd.s32 $0x5, s26;
	v48 =	vshrl.u32 v48, $0x3;
	v62 =	vmul.f32 $8.000000000e+00, v57;
	[tilespmem:v56+s11+$0x0] =	vst.idx.msk $0xffff, v47;
	v45 =	vadd.s32 v20, v33;
	v47 =	vld [tilespmem:s24+$0xE0]  }
0x8a: {  	v46 =	vmov s28;
	[tilespmem:v53+s11+$0x0] =	vst.idx.msk $0xffff, v49;
	v53 =	vadd.s32 v24, v34;
	v56 =	vld [tilespmem:s24+$0xFFFFFF20];
	v63 =	vmul.f32 $8.000000000e+00, v58  }
0x8b: {  	s28 =	sadd.s32 $0x6, s26;
	v38 =	vshll.u32 v42, v1;
	[tilespmem:v50+s11+$0x0] =	vst.idx.msk $0xffff, v62;
	v42 =	vmul.f32 $8.000000000e+00, v59;
	v50 =	vadd.s32 v8, v40;
	v57 =	vld [tilespmem:s24+$0xFFFFFF60]  }
0x8c: {  	v43 =	vmov s28;
	v58 =	vadd.s32 v0, v39;
	v59 =	vld [tilespmem:s24+$0xFFFFFFA0];
	[tilespmem:v51+s11+$0x0] =	vst.idx.msk $0xffff, v63;
	v49 =	vmul.f32 $8.000000000e+00, v60  }
0x8d: {  	v60 =	vshrl.u32 v44, $0x3;
	v51 =	vadd.s32 v23, v41;
	[tilespmem:v55+s11+$0x0] =	vst.idx.msk $0xffff, v42;
	v44 =	vmul.f32 $8.000000000e+00, v61;
	v62 =	vld [tilespmem:s24+$0xFFFFFFE0]  }
0x8e: {  	v61 =	vshrl.u32 v46, $0x3;
	v46 =	vadd.s32 v14, v37;
	v63 =	vld [tilespmem:s24+$0x20];
	[tilespmem:v45+s11+$0x0] =	vst.idx.msk $0xffff, v49;
	v45 =	vmul.f32 $8.000000000e+00, v47  }
0x8f: {  	v42 =	vshrl.u32 v43, $0x3;
	[tilespmem:v53+s11+$0x0] =	vst.idx.msk $0xffff, v44;
	v43 =	vmul.f32 $8.000000000e+00, v56;
	v56 =	vadd.s32 v21, v36;
	v0 =	vld [tilespmem:s24+$0x60]  }
0x90: {  	p1 =	slt.u32 s26, $0x78;
	v41 =	vadd.s32 v10, v41;
	v49 =	vmul.f32 $8.000000000e+00, v57;
	v57 =	vadd.s32 v22, v35;
	v2 =	vld [tilespmem:s24+$0xA0];
	[tilespmem:v50+s11+$0x0] =	vst.idx.msk $0xffff, v45  }
.Ltmp0:
0x91: {  	v44 =	vshll.u32 v52, v1;
	v53 =	vadd.s32 v12, v40;
	[tilespmem:v58+s11+$0x0] =	vst.idx.msk $0xffff, v43;
	v43 =	vmul.f32 $8.000000000e+00, v59;
	v55 =	vld [tilespmem:s24+$0xF0];
	(pc) =	sbr.rel @p1 .LBB2_3-.Ltmp0, $4  }
0x92: {  	v47 =	vshll.u32 v54, v1;
	v54 =	vadd.s32 v28, v33;
	[tilespmem:v51+s11+$0x0] =	vst.idx.msk $0xffff, v49;
	v50 =	vld [tilespmem:s24+$0xFFFFFF30];
	v62 =	vmul.f32 $8.000000000e+00, v62  }
0x93: {  	v51 =	vadd.s32 v29, v34;
	v45 =	vshll.u32 v48, v1;
	v52 =	vld [tilespmem:s24+$0xFFFFFF70];
	v63 =	vmul.f32 $8.000000000e+00, v63;
	[tilespmem:v46+s11+$0x0] =	vst.idx.msk $0xffff, v43  }
0x94: {  	v38 =	vbroadcast v38, $0x0;
	v48 =	vadd.s32 v6, v39;
	v46 =	vshll.u32 v60, v1;
	v49 =	vld [tilespmem:s24+$0xFFFFFFB0];
	[tilespmem:v56+s11+$0x0] =	vst.idx.msk $0xffff, v62  }
0x95: {  	s28 =	sadd.s32 $0x7, s26;
	s26 =	sadd.s32 $0x8, s26;
	v43 =	vshll.u32 v61, v1;
	v39 =	vmul.f32 $8.000000000e+00, v0;
	[tilespmem:v57+s11+$0x0] =	vst.idx.msk $0xffff, v63;
	v40 =	vmul.f32 $8.000000000e+00, v2;
	v56 =	vld [tilespmem:s24+$0xFFFFFFF0]  }
0x96: {  	_ =	sdelay $0x3  }
0x97: {  	v2 =	vadd.s32 v15, v37;
	v63 =	vld [tilespmem:s24+$0x30];
	v59 =	vmul.f32 $8.000000000e+00, v55;
	s26 =	sadd.s32 $0x200, s24;
	[tilespmem:v54+s11+$0x0] =	vst.idx.msk $0xffff, v39  }
0x98: {  	v0 =	vmov s28;
	v36 =	vadd.s32 v19, v36;
	v50 =	vmul.f32 $8.000000000e+00, v50;
	[tilespmem:v51+s11+$0x0] =	vst.idx.msk $0xffff, v40;
	v62 =	vld [tilespmem:s26+$0xFFFFFF00]  }
0x99: {  	v35 =	vadd.s32 v11, v35;
	v0 =	vshrl.u32 v0, $0x3;
	v54 =	vld [tilespmem:s24+$0x70];
	v60 =	vmul.f32 $8.000000000e+00, v52;
	[tilespmem:v53+s11+$0x0] =	vst.idx.msk $0xffff, v59  }
0x9a: {  	v0 =	vshll.u32 v0, v1;
	v51 =	vld [tilespmem:s24+$0xB0];
	v59 =	vadd.s32 v25, v38;
	[tilespmem:v48+s11+$0x0] =	vst.idx.msk $0xffff, v50;
	v61 =	vmul.f32 $8.000000000e+00, v49  }
0x9b: {  	v33 =	vadd.s32 v27, v33;
	v39 =	vld [tilespmem:s26+$0xC0];
	v0 =	vbroadcast v0, $0x0;
	[tilespmem:v41+s11+$0x0] =	vst.idx.msk $0xffff, v60;
	v56 =	vmul.f32 $8.000000000e+00, v56  }
0x9c: {  	v34 =	vadd.s32 v31, v34;
	v47 =	vbroadcast v47, $0x0;
	v57 =	vld [tilespmem:s26+$0xFFFFFF40];
	[tilespmem:v2+s11+$0x0] =	vst.idx.msk $0xffff, v61;
	v2 =	vmul.f32 $8.000000000e+00, v63  }
0x9d: {  	v44 =	vbroadcast v44, $0x0;
	v60 =	vld [tilespmem:s26+$0xFFFFFF80];
	v58 =	vadd.s32 v3, v0;
	[tilespmem:v36+s11+$0x0] =	vst.idx.msk $0xffff, v56;
	v62 =	vmul.f32 $8.000000000e+00, v62  }
0x9e: {  	v40 =	vadd.s32 v7, v47;
	v63 =	vmul.f32 $8.000000000e+00, v54;
	[tilespmem:v35+s11+$0x0] =	vst.idx.msk $0xffff, v2  }
0x9f: {  	v55 =	vadd.s32 v9, v44;
	v2 =	vmul.f32 $8.000000000e+00, v51;
	[tilespmem:v59+s11+$0x0] =	vst.idx.msk $0xffff, v62  }
0xa0: {  	v52 =	vld [tilespmem:s26+$0xFFFFFFC0];
	v39 =	vmul.f32 $8.000000000e+00, v39;
	[tilespmem:v33+s11+$0x0] =	vst.idx.msk $0xffff, v63  }
0xa1: {  	v45 =	vbroadcast v45, $0x0;
	v61 =	vld [tilespmem:s26+$0x0];
	[tilespmem:v34+s11+$0x0] =	vst.idx.msk $0xffff, v2;
	v2 =	vmul.f32 $8.000000000e+00, v57  }
0xa2: {  	v46 =	vbroadcast v46, $0x0;
	v56 =	vld [tilespmem:s26+$0x40];
	[tilespmem:v58+s11+$0x0] =	vst.idx.msk $0xffff, v39;
	v58 =	vmul.f32 $8.000000000e+00, v60  }
0xa3: {  	v42 =	vshll.u32 v42, v1;
	v43 =	vbroadcast v43, $0x0;
	v63 =	vadd.s32 v13, v45;
	v57 =	vld [tilespmem:s26+$0x80];
	[tilespmem:v40+s11+$0x0] =	vst.idx.msk $0xffff, v2  }
0xa4: {  	v42 =	vbroadcast v42, $0x0;
	v34 =	vadd.s32 v18, v46;
	v39 =	vld [tilespmem:s26+$0xD0];
	[tilespmem:v55+s11+$0x0] =	vst.idx.msk $0xffff, v58  }
0xa5: {  	v59 =	vadd.s32 v26, v43;
	v6 =	vld [tilespmem:$0x1FEB0]  }
0xa6: {  	v2 =	vmul.f32 $8.000000000e+00, v52;
	v40 =	vadd.s32 v30, v42;
	v50 =	vld [tilespmem:s26+$0xFFFFFF50]  }
0xa7: {  	v35 =	vadd.s32 v17, v0;
	v61 =	vmul.f32 $8.000000000e+00, v61;
	v62 =	vld [tilespmem:s26+$0xFFFFFF90]  }
0xa8: {  	v60 =	vld [tilespmem:s26+$0xFFFFFF10];
	[tilespmem:v63+s11+$0x0] =	vst.idx.msk $0xffff, v2;
	v2 =	vmul.f32 $8.000000000e+00, v56;
	v56 =	vadd.s32 v16, v47  }
0xa9: {  	v55 =	vadd.s32 v32, v44;
	[tilespmem:v34+s11+$0x0] =	vst.idx.msk $0xffff, v61;
	v54 =	vmul.f32 $8.000000000e+00, v57  }
0xaa: {  	[tilespmem:v59+s11+$0x0] =	vst.idx.msk $0xffff, v2;
	v2 =	vmul.f32 $8.000000000e+00, v39;
	v51 =	vadd.s32 v6, v38  }
0xab: {  	[tilespmem:v40+s11+$0x0] =	vst.idx.msk $0xffff, v54;
	v61 =	vmul.f32 $8.000000000e+00, v50  }
0xac: {  	[tilespmem:v35+s11+$0x0] =	vst.idx.msk $0xffff, v2;
	v2 =	vmul.f32 $8.000000000e+00, v62  }
0xad: {  	v63 =	vld [tilespmem:s26+$0xFFFFFFD0];
	v58 =	vmul.f32 $8.000000000e+00, v60;
	[tilespmem:v56+s11+$0x0] =	vst.idx.msk $0xffff, v61  }
0xae: {  	v57 =	vld [tilespmem:s26+$0x10];
	[tilespmem:v55+s11+$0x0] =	vst.idx.msk $0xffff, v2  }
0xaf: {  	v60 =	vld [tilespmem:s26+$0x50];
	[tilespmem:v51+s11+$0x0] =	vst.idx.msk $0xffff, v58  }
0xb0: {  	v59 =	vadd.s32 v5, v45;
	v6 =	vld [tilespmem:$0x1FEC0]  }
0xb1: {  	v40 =	vadd.s32 v4, v46;
	v50 =	vld [tilespmem:s26+$0x90]  }
0xb2: {  	v35 =	vadd.s32 v20, v43;
	v62 =	vld [tilespmem:s26+$0xE0]  }
0xb3: {  	v36 =	vadd.s32 v24, v42;
	v63 =	vmul.f32 $8.000000000e+00, v63;
	v51 =	vld [tilespmem:s26+$0xFFFFFF20]  }
0xb4: {  	v34 =	vadd.s32 v8, v0;
	v56 =	vld [tilespmem:s26+$0xFFFFFF60];
	v2 =	vmul.f32 $8.000000000e+00, v57  }
0xb5: {  	v58 =	vld [tilespmem:s26+$0xFFFFFFA0];
	[tilespmem:v59+s11+$0x0] =	vst.idx.msk $0xffff, v63;
	v59 =	vmul.f32 $8.000000000e+00, v60;
	v57 =	vadd.s32 v6, v38  }
0xb6: {  	v60 =	vadd.s32 v23, v47;
	[tilespmem:v40+s11+$0x0] =	vst.idx.msk $0xffff, v2;
	v2 =	vmul.f32 $8.000000000e+00, v50  }
0xb7: {  	v40 =	vadd.s32 v14, v44;
	v62 =	vmul.f32 $8.000000000e+00, v62;
	v61 =	vld [tilespmem:s26+$0xFFFFFFE0];
	[tilespmem:v35+s11+$0x0] =	vst.idx.msk $0xffff, v59  }
0xb8: {  	v50 =	vld [tilespmem:s26+$0x20];
	[tilespmem:v36+s11+$0x0] =	vst.idx.msk $0xffff, v2;
	v63 =	vmul.f32 $8.000000000e+00, v51  }
0xb9: {  	v37 =	vadd.s32 v21, v45;
	v2 =	vmul.f32 $8.000000000e+00, v56;
	[tilespmem:v34+s11+$0x0] =	vst.idx.msk $0xffff, v62;
	v54 =	vld [tilespmem:s26+$0x60]  }
0xba: {  	v56 =	vld [tilespmem:s26+$0xA0];
	[tilespmem:v57+s11+$0x0] =	vst.idx.msk $0xffff, v63;
	v57 =	vmul.f32 $8.000000000e+00, v58  }
0xbb: {  	v55 =	vadd.s32 v22, v46;
	v59 =	vld [tilespmem:s26+$0xF0];
	[tilespmem:v60+s11+$0x0] =	vst.idx.msk $0xffff, v2  }
0xbc: {  	v2 =	vmul.f32 $8.000000000e+00, v61;
	v61 =	vld [tilespmem:s26+$0xFFFFFF70];
	v58 =	vadd.s32 v28, v43;
	[tilespmem:v40+s11+$0x0] =	vst.idx.msk $0xffff, v57  }
0xbd: {  	v60 =	vadd.s32 v29, v42;
	v6 =	vld [tilespmem:$0x1FED0]  }
0xbe: {  	v0 =	vadd.s32 v12, v0;
	v62 =	vmul.f32 $8.000000000e+00, v50;
	v40 =	vld [tilespmem:s26+$0xFFFFFFB0];
	[tilespmem:v37+s11+$0x0] =	vst.idx.msk $0xffff, v2  }
0xbf: {  	v50 =	vadd.s32 v10, v47;
	v2 =	vmul.f32 $8.000000000e+00, v54;
	v51 =	vld [tilespmem:s26+$0xFFFFFFF0]  }
0xc0: {  	v53 =	vadd.s32 v15, v44;
	v52 =	vmul.f32 $8.000000000e+00, v56;
	v41 =	vld [tilespmem:s26+$0xFFFFFF30];
	[tilespmem:v55+s11+$0x0] =	vst.idx.msk $0xffff, v62  }
0xc1: {  	v56 =	vadd.s32 v19, v45;
	v54 =	vld [tilespmem:s26+$0x30];
	[tilespmem:v58+s11+$0x0] =	vst.idx.msk $0xffff, v2;
	v2 =	vmul.f32 $8.000000000e+00, v59  }
0xc2: {  	[tilespmem:v60+s11+$0x0] =	vst.idx.msk $0xffff, v52;
	v58 =	vmul.f32 $8.000000000e+00, v61;
	v57 =	vld [tilespmem:s26+$0x70];
	v63 =	vadd.s32 v6, v38  }
0xc3: {  	v59 =	vadd.s32 v11, v46;
	[tilespmem:v0+s11+$0x0] =	vst.idx.msk $0xffff, v2;
	v0 =	vmul.f32 $8.000000000e+00, v40  }
0xc4: {  	v2 =	vadd.s32 v27, v43;
	[tilespmem:v50+s11+$0x0] =	vst.idx.msk $0xffff, v58;
	v61 =	vmul.f32 $8.000000000e+00, v51  }
0xc5: {  	v60 =	vld [tilespmem:s26+$0xB0];
	v55 =	vmul.f32 $8.000000000e+00, v41;
	[tilespmem:v53+s11+$0x0] =	vst.idx.msk $0xffff, v0  }
0xc6: {  	v0 =	vmul.f32 $8.000000000e+00, v54;
	[tilespmem:v56+s11+$0x0] =	vst.idx.msk $0xffff, v61  }
0xc7: {  	v62 =	vadd.s32 v31, v42;
	[tilespmem:v63+s11+$0x0] =	vst.idx.msk $0xffff, v55;
	v63 =	vmul.f32 $8.000000000e+00, v57  }
0xc8: {  	[tilespmem:v59+s11+$0x0] =	vst.idx.msk $0xffff, v0  }
0xc9: {  	[tilespmem:v2+s11+$0x0] =	vst.idx.msk $0xffff, v63  }
0xca: {  	v0 =	vmul.f32 $8.000000000e+00, v60;
	s28 =	rddreg [dreg:$0x4]  }
0xcb: {  	s26 =	rddreg [dreg:$0x1];
	s22 =	sor.u32 s28, s22  }
0xcc: {  	[tilespmem:v62+s11+$0x0] =	vst.idx.msk $0xffff, v0;
	s24 =	sadd.s32 s26, s22  }
0xcd: {  	[hbm4b:s24+s3] =	stream.linear.scatter [tilespmem:s11], [sflag:$0x5], $0x80, $0x38;
	[tilespmem:$0x16C00] =	vst v63  }
0xce: {  	s28 =	simm.s32 $0xE488;
	s26 =	sadd.s32 $0x10, s24  }
0xcf: {  	[hbm4b:s26+s3] =	stream.linear.scatter [tilespmem:s28], [sflag:$0x5], $0x80, $0x38;
	[tilespmem:$0x16C00] =	vst v63  }
0xd0: {  	s26 =	sadd.s32 $0x20, s24;
	s28 =	simm.s32 $0xE510  }
0xd1: {  	[hbm4b:s26+s3] =	stream.linear.scatter [tilespmem:s28], [sflag:$0x5], $0x80, $0x38;
	[tilespmem:$0x16C00] =	vst v63  }
0xd2: {  	s26 =	sadd.s32 $0x30, s24;
	s28 =	simm.s32 $0xE598  }
0xd3: {  	[hbm4b:s26+s3] =	stream.linear.scatter [tilespmem:s28], [sflag:$0x5], $0x80, $0x38;
	[tilespmem:$0x16C00] =	vst v63  }
0xd4: {  	s26 =	sadd.s32 $0x40, s24;
	s28 =	simm.s32 $0xE620  }
0xd5: {  	[hbm4b:s26+s3] =	stream.linear.scatter [tilespmem:s28], [sflag:$0x5], $0x80, $0x38;
	[tilespmem:$0x16C00] =	vst v63  }
0xd6: {  	s26 =	sadd.s32 $0x50, s24;
	s28 =	simm.s32 $0xE6A8  }
0xd7: {  	[hbm4b:s26+s3] =	stream.linear.scatter [tilespmem:s28], [sflag:$0x5], $0x80, $0x38;
	[tilespmem:$0x16C00] =	vst v63  }
0xd8: {  	s26 =	sadd.s32 $0x60, s24;
	s28 =	simm.s32 $0xE730  }
0xd9: {  	[hbm4b:s26+s3] =	stream.linear.scatter [tilespmem:s28], [sflag:$0x5], $0x80, $0x38;
	[tilespmem:$0x16C00] =	vst v63  }
0xda: {  	s24 =	sadd.s32 $0x70, s24;
	s28 =	simm.s32 $0xE7B8;
	s26 =	rddreg [dreg:$0x5]  }
0xdb: {  	[hbm4b:s24+s3] =	stream.linear.scatter [tilespmem:s28], [sflag:$0x5], $0x80, $0x38;
	[tilespmem:$0x16C00] =	vst v63  }
0xdc: {  	s24 =	sadd.s32 s22, s26;
	s28 =	simm.s32 $0xE840  }
0xdd: {  	[hbm4b:s24+s3] =	stream.linear.scatter [tilespmem:s28], [sflag:$0x5], $0x80, $0x38;
	[tilespmem:$0x16C00] =	vst v63  }
0xde: {  	s26 =	sadd.s32 $0x10, s24;
	s28 =	simm.s32 $0xE8C8  }
0xdf: {  	[hbm4b:s26+s3] =	stream.linear.scatter [tilespmem:s28], [sflag:$0x5], $0x80, $0x38;
	[tilespmem:$0x16C00] =	vst v63  }
0xe0: {  	s26 =	sadd.s32 $0x20, s24;
	s28 =	simm.s32 $0xE950  }
0xe1: {  	[hbm4b:s26+s3] =	stream.linear.scatter [tilespmem:s28], [sflag:$0x5], $0x80, $0x38;
	[tilespmem:$0x16C00] =	vst v63  }
0xe2: {  	s26 =	sadd.s32 $0x30, s24;
	s28 =	simm.s32 $0xE9D8  }
0xe3: {  	[hbm4b:s26+s3] =	stream.linear.scatter [tilespmem:s28], [sflag:$0x5], $0x80, $0x38;
	[tilespmem:$0x16C00] =	vst v63  }
0xe4: {  	s26 =	sadd.s32 $0x40, s24;
	s28 =	simm.s32 $0xEA60  }
0xe5: {  	[hbm4b:s26+s3] =	stream.linear.scatter [tilespmem:s28], [sflag:$0x5], $0x80, $0x38;
	[tilespmem:$0x16C00] =	vst v63  }
0xe6: {  	s26 =	sadd.s32 $0x50, s24;
	s28 =	simm.s32 $0xEAE8  }
0xe7: {  	[hbm4b:s26+s3] =	stream.linear.scatter [tilespmem:s28], [sflag:$0x5], $0x80, $0x38;
	[tilespmem:$0x16C00] =	vst v63  }
0xe8: {  	s26 =	sadd.s32 $0x60, s24;
	s28 =	simm.s32 $0xEB70  }
0xe9: {  	[hbm4b:s26+s3] =	stream.linear.scatter [tilespmem:s28], [sflag:$0x5], $0x80, $0x38;
	[tilespmem:$0x16C00] =	vst v63  }
0xea: {  	s24 =	sadd.s32 $0x70, s24;
	s28 =	simm.s32 $0xEBF8;
	s26 =	rddreg [dreg:$0x6]  }
0xeb: {  	[hbm4b:s24+s3] =	stream.linear.scatter [tilespmem:s28], [sflag:$0x5], $0x80, $0x38;
	[tilespmem:$0x16C00] =	vst v63  }
0xec: {  	s24 =	sadd.s32 s22, s26;
	s28 =	simm.s32 $0xEC80  }
0xed: {  	[hbm4b:s24+s3] =	stream.linear.scatter [tilespmem:s28], [sflag:$0x5], $0x80, $0x38;
	[tilespmem:$0x16C00] =	vst v63  }
0xee: {  	s26 =	sadd.s32 $0x10, s24;
	s28 =	simm.s32 $0xED08  }
0xef: {  	[hbm4b:s26+s3] =	stream.linear.scatter [tilespmem:s28], [sflag:$0x5], $0x80, $0x38;
	[tilespmem:$0x16C00] =	vst v63  }
0xf0: {  	s26 =	sadd.s32 $0x20, s24;
	s28 =	simm.s32 $0xED90  }
0xf1: {  	[hbm4b:s26+s3] =	stream.linear.scatter [tilespmem:s28], [sflag:$0x5], $0x80, $0x38;
	[tilespmem:$0x16C00] =	vst v63  }
0xf2: {  	s26 =	sadd.s32 $0x30, s24;
	s28 =	simm.s32 $0xEE18  }
0xf3: {  	[hbm4b:s26+s3] =	stream.linear.scatter [tilespmem:s28], [sflag:$0x5], $0x80, $0x38;
	[tilespmem:$0x16C00] =	vst v63  }
0xf4: {  	s26 =	sadd.s32 $0x40, s24;
	s28 =	simm.s32 $0xEEA0  }
0xf5: {  	[hbm4b:s26+s3] =	stream.linear.scatter [tilespmem:s28], [sflag:$0x5], $0x80, $0x38;
	[tilespmem:$0x16C00] =	vst v63  }
0xf6: {  	s26 =	sadd.s32 $0x50, s24;
	s28 =	simm.s32 $0xEF28  }
0xf7: {  	[hbm4b:s26+s3] =	stream.linear.scatter [tilespmem:s28], [sflag:$0x5], $0x80, $0x38;
	[tilespmem:$0x16C00] =	vst v63  }
0xf8: {  	s26 =	sadd.s32 $0x60, s24;
	s28 =	simm.s32 $0xEFB0  }
0xf9: {  	[hbm4b:s26+s3] =	stream.linear.scatter [tilespmem:s28], [sflag:$0x5], $0x80, $0x38;
	[tilespmem:$0x16C00] =	vst v63  }
0xfa: {  	s24 =	sadd.s32 $0x70, s24;
	s28 =	simm.s32 $0xF038;
	s26 =	rddreg [dreg:$0x7]  }
0xfb: {  	[hbm4b:s24+s3] =	stream.linear.scatter [tilespmem:s28], [sflag:$0x5], $0x80, $0x38;
	[tilespmem:$0x16C00] =	vst v63  }
0xfc: {  	s24 =	sadd.s32 s22, s26;
	s28 =	simm.s32 $0xF0C0  }
0xfd: {  	[hbm4b:s24+s3] =	stream.linear.scatter [tilespmem:s28], [sflag:$0x5], $0x80, $0x38;
	[tilespmem:$0x16C00] =	vst v63  }
0xfe: {  	s26 =	sadd.s32 $0x10, s24;
	s28 =	simm.s32 $0xF148  }
0xff: {  	[hbm4b:s26+s3] =	stream.linear.scatter [tilespmem:s28], [sflag:$0x5], $0x80, $0x38;
	[tilespmem:$0x16C00] =	vst v63  }
0x100: {  	s26 =	sadd.s32 $0x20, s24;
	s28 =	simm.s32 $0xF1D0  }
0x101: {  	[hbm4b:s26+s3] =	stream.linear.scatter [tilespmem:s28], [sflag:$0x5], $0x80, $0x38;
	[tilespmem:$0x16C00] =	vst v63  }
0x102: {  	s26 =	sadd.s32 $0x30, s24;
	s28 =	simm.s32 $0xF258  }
0x103: {  	[hbm4b:s26+s3] =	stream.linear.scatter [tilespmem:s28], [sflag:$0x5], $0x80, $0x38;
	[tilespmem:$0x16C00] =	vst v63  }
0x104: {  	s26 =	sadd.s32 $0x40, s24;
	s28 =	simm.s32 $0xF2E0  }
0x105: {  	[hbm4b:s26+s3] =	stream.linear.scatter [tilespmem:s28], [sflag:$0x5], $0x80, $0x38;
	[tilespmem:$0x16C00] =	vst v63  }
0x106: {  	s26 =	sadd.s32 $0x50, s24;
	s28 =	simm.s32 $0xF368  }
0x107: {  	[hbm4b:s26+s3] =	stream.linear.scatter [tilespmem:s28], [sflag:$0x5], $0x80, $0x38;
	[tilespmem:$0x16C00] =	vst v63  }
0x108: {  	s26 =	sadd.s32 $0x60, s24;
	s28 =	simm.s32 $0xF3F0  }
0x109: {  	[hbm4b:s26+s3] =	stream.linear.scatter [tilespmem:s28], [sflag:$0x5], $0x80, $0x38;
	[tilespmem:$0x16C00] =	vst v63  }
0x10a: {  	s24 =	sadd.s32 $0x70, s24;
	s28 =	simm.s32 $0xF478;
	s26 =	rddreg [dreg:$0x8]  }
0x10b: {  	[hbm4b:s24+s3] =	stream.linear.scatter [tilespmem:s28], [sflag:$0x5], $0x80, $0x38;
	[tilespmem:$0x16C00] =	vst v63  }
0x10c: {  	s24 =	sadd.s32 s22, s26;
	s28 =	simm.s32 $0xF500  }
0x10d: {  	[hbm4b:s24+s3] =	stream.linear.scatter [tilespmem:s28], [sflag:$0x5], $0x80, $0x38;
	[tilespmem:$0x16C00] =	vst v63  }
0x10e: {  	s26 =	sadd.s32 $0x10, s24;
	s28 =	simm.s32 $0xF588  }
0x10f: {  	[hbm4b:s26+s3] =	stream.linear.scatter [tilespmem:s28], [sflag:$0x5], $0x80, $0x38;
	[tilespmem:$0x16C00] =	vst v63  }
0x110: {  	s26 =	sadd.s32 $0x20, s24;
	s28 =	simm.s32 $0xF610  }
0x111: {  	[hbm4b:s26+s3] =	stream.linear.scatter [tilespmem:s28], [sflag:$0x5], $0x80, $0x38;
	[tilespmem:$0x16C00] =	vst v63  }
0x112: {  	s26 =	sadd.s32 $0x30, s24;
	s28 =	simm.s32 $0xF698  }
0x113: {  	[hbm4b:s26+s3] =	stream.linear.scatter [tilespmem:s28], [sflag:$0x5], $0x80, $0x38;
	[tilespmem:$0x16C00] =	vst v63  }
0x114: {  	s26 =	sadd.s32 $0x40, s24;
	s28 =	simm.s32 $0xF720  }
0x115: {  	[hbm4b:s26+s3] =	stream.linear.scatter [tilespmem:s28], [sflag:$0x5], $0x80, $0x38;
	[tilespmem:$0x16C00] =	vst v63  }
0x116: {  	s26 =	sadd.s32 $0x50, s24;
	s28 =	simm.s32 $0xF7A8  }
0x117: {  	[hbm4b:s26+s3] =	stream.linear.scatter [tilespmem:s28], [sflag:$0x5], $0x80, $0x38;
	[tilespmem:$0x16C00] =	vst v63  }
0x118: {  	s26 =	sadd.s32 $0x60, s24;
	s28 =	simm.s32 $0xF830  }
0x119: {  	[hbm4b:s26+s3] =	stream.linear.scatter [tilespmem:s28], [sflag:$0x5], $0x80, $0x38;
	[tilespmem:$0x16C00] =	vst v63  }
0x11a: {  	s24 =	sadd.s32 $0x70, s24;
	s28 =	simm.s32 $0xF8B8;
	s26 =	rddreg [dreg:$0x9]  }
0x11b: {  	[hbm4b:s24+s3] =	stream.linear.scatter [tilespmem:s28], [sflag:$0x5], $0x80, $0x38;
	[tilespmem:$0x16C00] =	vst v63  }
0x11c: {  	s24 =	sadd.s32 s22, s26;
	s28 =	simm.s32 $0xF940  }
0x11d: {  	[hbm4b:s24+s3] =	stream.linear.scatter [tilespmem:s28], [sflag:$0x5], $0x80, $0x38;
	[tilespmem:$0x16C00] =	vst v63  }
0x11e: {  	s26 =	sadd.s32 $0x10, s24;
	s28 =	simm.s32 $0xF9C8  }
0x11f: {  	[hbm4b:s26+s3] =	stream.linear.scatter [tilespmem:s28], [sflag:$0x5], $0x80, $0x38;
	[tilespmem:$0x16C00] =	vst v63  }
0x120: {  	s26 =	sadd.s32 $0x20, s24;
	s28 =	simm.s32 $0xFA50  }
0x121: {  	[hbm4b:s26+s3] =	stream.linear.scatter [tilespmem:s28], [sflag:$0x5], $0x80, $0x38;
	[tilespmem:$0x16C00] =	vst v63  }
0x122: {  	s26 =	sadd.s32 $0x30, s24;
	s28 =	simm.s32 $0xFAD8  }
0x123: {  	[hbm4b:s26+s3] =	stream.linear.scatter [tilespmem:s28], [sflag:$0x5], $0x80, $0x38;
	[tilespmem:$0x16C00] =	vst v63  }
0x124: {  	s26 =	sadd.s32 $0x40, s24;
	s28 =	simm.s32 $0xFB60  }
0x125: {  	[hbm4b:s26+s3] =	stream.linear.scatter [tilespmem:s28], [sflag:$0x5], $0x80, $0x38;
	[tilespmem:$0x16C00] =	vst v63  }
0x126: {  	s26 =	sadd.s32 $0x50, s24;
	s28 =	simm.s32 $0xFBE8  }
0x127: {  	[hbm4b:s26+s3] =	stream.linear.scatter [tilespmem:s28], [sflag:$0x5], $0x80, $0x38;
	[tilespmem:$0x16C00] =	vst v63  }
0x128: {  	s26 =	sadd.s32 $0x60, s24;
	s28 =	simm.s32 $0xFC70  }
0x129: {  	[hbm4b:s26+s3] =	stream.linear.scatter [tilespmem:s28], [sflag:$0x5], $0x80, $0x38;
	[tilespmem:$0x16C00] =	vst v63  }
0x12a: {  	s24 =	sadd.s32 $0x70, s24;
	s28 =	simm.s32 $0xFCF8;
	s26 =	rddreg [dreg:$0xa]  }
0x12b: {  	[hbm4b:s24+s3] =	stream.linear.scatter [tilespmem:s28], [sflag:$0x5], $0x80, $0x38;
	[tilespmem:$0x16C00] =	vst v63  }
0x12c: {  	s24 =	sadd.s32 s22, s26;
	s28 =	simm.s32 $0xFD80  }
0x12d: {  	[hbm4b:s24+s3] =	stream.linear.scatter [tilespmem:s28], [sflag:$0x5], $0x80, $0x38;
	[tilespmem:$0x16C00] =	vst v63  }
0x12e: {  	s26 =	sadd.s32 $0x10, s24;
	s28 =	simm.s32 $0xFE08  }
0x12f: {  	[hbm4b:s26+s3] =	stream.linear.scatter [tilespmem:s28], [sflag:$0x5], $0x80, $0x38;
	[tilespmem:$0x16C00] =	vst v63  }
0x130: {  	s26 =	sadd.s32 $0x20, s24;
	s28 =	simm.s32 $0xFE90  }
0x131: {  	[hbm4b:s26+s3] =	stream.linear.scatter [tilespmem:s28], [sflag:$0x5], $0x80, $0x38;
	[tilespmem:$0x16C00] =	vst v63  }
0x132: {  	s26 =	sadd.s32 $0x30, s24;
	s28 =	simm.s32 $0xFF18  }
0x133: {  	[hbm4b:s26+s3] =	stream.linear.scatter [tilespmem:s28], [sflag:$0x5], $0x80, $0x38;
	[tilespmem:$0x16C00] =	vst v63  }
0x134: {  	s26 =	sadd.s32 $0x40, s24;
	s28 =	simm.s32 $0xFFA0  }
0x135: {  	[hbm4b:s26+s3] =	stream.linear.scatter [tilespmem:s28], [sflag:$0x5], $0x80, $0x38;
	[tilespmem:$0x16C00] =	vst v63  }
0x136: {  	s26 =	sadd.s32 $0x50, s24;
	s28 =	simm.s32 $0x10028  }
0x137: {  	[hbm4b:s26+s3] =	stream.linear.scatter [tilespmem:s28], [sflag:$0x5], $0x80, $0x38;
	[tilespmem:$0x16C00] =	vst v63  }
0x138: {  	s26 =	sadd.s32 $0x60, s24;
	s28 =	simm.s32 $0x100B0  }
0x139: {  	[hbm4b:s26+s3] =	stream.linear.scatter [tilespmem:s28], [sflag:$0x5], $0x80, $0x38;
	[tilespmem:$0x16C00] =	vst v63  }
0x13a: {  	s24 =	sadd.s32 $0x70, s24;
	s28 =	simm.s32 $0x10138;
	s26 =	rddreg [dreg:$0xb]  }
0x13b: {  	[hbm4b:s24+s3] =	stream.linear.scatter [tilespmem:s28], [sflag:$0x5], $0x80, $0x38;
	[tilespmem:$0x16C00] =	vst v63  }
0x13c: {  	s24 =	sadd.s32 s22, s26;
	s28 =	simm.s32 $0x101C0  }
0x13d: {  	[hbm4b:s24+s3] =	stream.linear.scatter [tilespmem:s28], [sflag:$0x5], $0x80, $0x38;
	[tilespmem:$0x16C00] =	vst v63  }
0x13e: {  	s26 =	sadd.s32 $0x10, s24;
	s28 =	simm.s32 $0x10248  }
0x13f: {  	[hbm4b:s26+s3] =	stream.linear.scatter [tilespmem:s28], [sflag:$0x5], $0x80, $0x38;
	[tilespmem:$0x16C00] =	vst v63  }
0x140: {  	s26 =	sadd.s32 $0x20, s24;
	s28 =	simm.s32 $0x102D0  }
0x141: {  	[hbm4b:s26+s3] =	stream.linear.scatter [tilespmem:s28], [sflag:$0x5], $0x80, $0x38;
	[tilespmem:$0x16C00] =	vst v63  }
0x142: {  	s26 =	sadd.s32 $0x30, s24;
	s28 =	simm.s32 $0x10358  }
0x143: {  	[hbm4b:s26+s3] =	stream.linear.scatter [tilespmem:s28], [sflag:$0x5], $0x80, $0x38;
	[tilespmem:$0x16C00] =	vst v63  }
0x144: {  	s26 =	sadd.s32 $0x40, s24;
	s28 =	simm.s32 $0x103E0  }
0x145: {  	[hbm4b:s26+s3] =	stream.linear.scatter [tilespmem:s28], [sflag:$0x5], $0x80, $0x38;
	[tilespmem:$0x16C00] =	vst v63  }
0x146: {  	p1 =	sne.s32 s21, $0x31;
	s26 =	sadd.s32 $0x50, s24;
	s28 =	simm.s32 $0x10468  }
0x147: {  	[hbm4b:s26+s3] =	stream.linear.scatter [tilespmem:s28], [sflag:$0x5], $0x80, $0x38;
	[tilespmem:$0x16C00] =	vst v63  }
.Ltmp1:
0x148: {  	_ = 	snop;
	(pc) =	sbr.rel @p1 .LBB2_6-.Ltmp1, $4  }
0x149: {  	s26 =	sadd.s32 $0x60, s24;
	s28 =	simm.s32 $0x104F0  }
0x14a: {  	[hbm4b:s26+s3] =	stream.linear.scatter [tilespmem:s28], [sflag:$0x5], $0x80, $0x38;
	[tilespmem:$0x16C00] =	vst v63  }
0x14b: {  	s24 =	sadd.s32 $0x70, s24;
	s28 =	simm.s32 $0x10578  }
0x14c: {  	[hbm4b:s24+s3] =	stream.linear.scatter [tilespmem:s28], [sflag:$0x5], $0x80, $0x38;
	[tilespmem:$0x16C00] =	vst v63  }
.Ltmp2:
0x14d: {  	(pc) =	sbr.rel .LBB2_7-.Ltmp2, $4  }
0x14e: {  	_ = 	snop  }
0x14f: {  	_ =	swait.ge [sflag:s12], $0x2000  }
0x150: {  	[sflag:s12] =	ssyncset.done $0x0  }
0x151: {  	[sflag:s12] =	ssyncadd.s32 $0xFFFFE000  }
.LBB2_6:
.Ltmp3:
0x152: {  	s24 =	sadd.s32 $0x200, s23;
	s26 =	simm.s32 $0x6400;
	(pc) =	sbr.rel @p0 .LBB2_8-.Ltmp3, $4  }
0x153: {  	[tilespmem:s26], [sflag:$0x1] =	stream.indirect.gather [hbm4b:s4+s9], $0x40, s24, s9, $0xb8;
	[tilespmem:$0x16C00] =	vst v63  }
0x154: {  	_ =	swait.ge [sflag:s12], $0x2000  }
0x155: {  	[sflag:s12] =	ssyncset.done $0x0  }
0x156: {  	[sflag:s12] =	ssyncadd.s32 $0xFFFFE000  }
.LBB2_7:
0x157: {  	_ =	swait.ge [sflag:s13], $0x400  }
0x158: {  	[sflag:s13] =	ssyncset.done $0x0  }
0x159: {  	[sflag:s13] =	ssyncadd.s32 $0xFFFFFC00  }
0x15a: {  	_ =	swait.ge [sflag:s13], $0x400  }
0x15b: {  	[sflag:s13] =	ssyncset.done $0x0  }
0x15c: {  	[sflag:s13] =	ssyncadd.s32 $0xFFFFFC00  }
0x15d: {  	_ =	swait.ge [sflag:s13], $0x400  }
0x15e: {  	[sflag:s13] =	ssyncset.done $0x0  }
0x15f: {  	[sflag:s13] =	ssyncadd.s32 $0xFFFFFC00  }
0x160: {  	_ =	swait.ge [sflag:s13], $0x400  }
0x161: {  	[sflag:s13] =	ssyncset.done $0x0  }
0x162: {  	[sflag:s13] =	ssyncadd.s32 $0xFFFFFC00  }
0x163: {  	_ =	swait.ge [sflag:s13], $0x400  }
0x164: {  	[sflag:s13] =	ssyncset.done $0x0  }
0x165: {  	[sflag:s13] =	ssyncadd.s32 $0xFFFFFC00  }
0x166: {  	_ =	swait.ge [sflag:s13], $0x400  }
0x167: {  	[sflag:s13] =	ssyncset.done $0x0  }
0x168: {  	[sflag:s13] =	ssyncadd.s32 $0xFFFFFC00  }
0x169: {  	_ =	swait.ge [sflag:s13], $0x400  }
0x16a: {  	[sflag:s13] =	ssyncset.done $0x0  }
0x16b: {  	[sflag:s13] =	ssyncadd.s32 $0xFFFFFC00  }
0x16c: {  	_ =	swait.ge [sflag:s13], $0x400  }
0x16d: {  	[sflag:s13] =	ssyncset.done $0x0  }
0x16e: {  	[sflag:s13] =	ssyncadd.s32 $0xFFFFFC00  }
.LBB2_8:
0x16f: {  	s24 =	simm.s32 $0x0;
	s26 =	simm.s32 $0x2  }
0x170: {  	s28 =	simm.s32 $0x3;
	v0 =	vmov s24;
	v33 =	vmov s26;
	s26 =	simm.s32 $0x5  }
0x171: {  	s24 =	simm.s32 $0x1;
	v34 =	vmov s28;
	s28 =	simm.s32 $0x6;
	v0 =	vshrl.u32 v0, $0x3;
	v36 =	vmov s26;
	s26 =	simm.s32 $0x7  }
0x172: {  	v2 =	vmov s24;
	s24 =	simm.s32 $0x4;
	v37 =	vmov s28;
	v38 =	vmov s26  }
0x173: {  	v35 =	vmov s24;
	v0 =	vshll.u32 v0, v1;
	s24 =	simm.s32 $0x8500;
	v38 =	vshrl.u32 v38, $0x3  }
0x174: {  	v2 =	vshrl.u32 v2, $0x3;
	v39 =	vbroadcast v0, $0x0;
	v61 =	vld [tilespmem:s24+$0xFFFFFF00];
	v38 =	vshll.u32 v38, v1  }
0x175: {  	v33 =	vshrl.u32 v33, $0x3;
	v0 =	vld [tilespmem:s24+$0xC0];
	v2 =	vshll.u32 v2, v1;
	v41 =	vbroadcast v38, $0x0  }
0x176: {  	v33 =	vshll.u32 v33, v1;
	v43 =	vld [tilespmem:s24+$0xFFFFFF40];
	v40 =	vbroadcast v2, $0x0;
	v45 =	vadd.s32 v25, v39  }
0x177: {  	v42 =	vshrl.u32 v37, $0x3;
	v46 =	vld [tilespmem:s24+$0xFFFFFF80];
	v37 =	vbroadcast v33, $0x0;
	v2 =	vadd.s32 v3, v41  }
0x178: {  	v34 =	vshrl.u32 v34, $0x3;
	v36 =	vshrl.u32 v36, $0x3;
	v47 =	vadd.s32 v7, v40  }
0x179: {  	v34 =	vshll.u32 v34, v1;
	v49 =	vadd.s32 v9, v37;
	v38 =	vmul.f32 $8.000000000e+00, v61  }
0x17a: {  	v35 =	vshrl.u32 v35, $0x3;
	v44 =	vshll.u32 v36, v1;
	v48 =	vld [tilespmem:s24+$0xFFFFFFC0];
	v0 =	vmul.f32 $8.000000000e+00, v0  }
0x17b: {  	v36 =	vbroadcast v34, $0x0;
	v50 =	vld [tilespmem:s24+$0x0];
	v35 =	vshll.u32 v35, v1;
	v43 =	vmul.f32 $8.000000000e+00, v43;
	[tilespmem:v45+s14+$0x0] =	vst.idx.msk $0xffff, v38  }
0x17c: {  	v52 =	vld [tilespmem:s24+$0x40];
	v35 =	vbroadcast v35, $0x0;
	[tilespmem:v2+s14+$0x0] =	vst.idx.msk $0xffff, v0;
	v2 =	vmul.f32 $8.000000000e+00, v46  }
0x17d: {  	v42 =	vshll.u32 v42, v1;
	v53 =	vld [tilespmem:s24+$0x80];
	v33 =	vbroadcast v44, $0x0;
	v51 =	vadd.s32 v13, v36;
	[tilespmem:v47+s14+$0x0] =	vst.idx.msk $0xffff, v43  }
0x17e: {  	v34 =	vbroadcast v42, $0x0;
	v44 =	vadd.s32 v18, v35;
	v63 =	vld [tilespmem:s24+$0xD0];
	[tilespmem:v49+s14+$0x0] =	vst.idx.msk $0xffff, v2  }
0x17f: {  	v62 =	vadd.s32 v26, v33;
	v6 =	vld [tilespmem:$0x1FEB0]  }
0x180: {  	v60 =	vmul.f32 $8.000000000e+00, v48;
	v46 =	vadd.s32 v30, v34;
	v48 =	vld [tilespmem:s24+$0xFFFFFF50]  }
0x181: {  	v2 =	vmul.f32 $8.000000000e+00, v50;
	v49 =	vadd.s32 v17, v41;
	v55 =	vld [tilespmem:s24+$0xFFFFFF90]  }
0x182: {  	v61 =	vmul.f32 $8.000000000e+00, v52;
	v52 =	vadd.s32 v16, v40;
	v45 =	vld [tilespmem:s24+$0xFFFFFF10];
	[tilespmem:v51+s14+$0x0] =	vst.idx.msk $0xffff, v60  }
0x183: {  	[tilespmem:v44+s14+$0x0] =	vst.idx.msk $0xffff, v2;
	v2 =	vmul.f32 $8.000000000e+00, v53;
	v53 =	vadd.s32 v32, v37  }
0x184: {  	[tilespmem:v62+s14+$0x0] =	vst.idx.msk $0xffff, v61;
	v62 =	vmul.f32 $8.000000000e+00, v63;
	v54 =	vadd.s32 v6, v39  }
0x185: {  	v61 =	vmul.f32 $8.000000000e+00, v48;
	[tilespmem:v46+s14+$0x0] =	vst.idx.msk $0xffff, v2  }
0x186: {  	v56 =	vld [tilespmem:s24+$0xFFFFFFD0];
	[tilespmem:v49+s14+$0x0] =	vst.idx.msk $0xffff, v62;
	v62 =	vmul.f32 $8.000000000e+00, v55  }
0x187: {  	v58 =	vld [tilespmem:s24+$0x50];
	v63 =	vmul.f32 $8.000000000e+00, v45;
	[tilespmem:v52+s14+$0x0] =	vst.idx.msk $0xffff, v61  }
0x188: {  	s26 =	simm.s32 $0x8;
	v57 =	vld [tilespmem:s24+$0x10];
	[tilespmem:v53+s14+$0x0] =	vst.idx.msk $0xffff, v62  }
0x189: {  	v0 =	vmov s26;
	s26 =	simm.s32 $0x9;
	v60 =	vadd.s32 v5, v36;
	v59 =	vld [tilespmem:s24+$0x90];
	[tilespmem:v54+s14+$0x0] =	vst.idx.msk $0xffff, v63  }
0x18a: {  	v7 =	vmovc v32;
	v47 =	vmov s26;
	s26 =	simm.s32 $0xA;
	v32 =	vmov v3;
	v48 =	vadd.s32 v4, v35;
	v3 =	vld [tilespmem:$0x1FEC0]  }
0x18b: {  	v43 =	vadd.s32 v20, v33;
	v50 =	vmov s26;
	s26 =	simm.s32 $0xB;
	v55 =	vld [tilespmem:s24+$0xFFFFFF60]  }
0x18c: {  	v51 =	vmov s26;
	s26 =	simm.s32 $0xC;
	v52 =	vadd.s32 v24, v34;
	v49 =	vld [tilespmem:s24+$0xE0];
	v63 =	vmul.f32 $8.000000000e+00, v56  }
0x18d: {  	v0 =	vshrl.u32 v0, $0x3;
	v44 =	vmov s26;
	s26 =	simm.s32 $0xD;
	v38 =	vmul.f32 $8.000000000e+00, v57;
	v54 =	vld [tilespmem:s24+$0xFFFFFF20]  }
0x18e: {  	v42 =	vmov s26;
	v45 =	vmul.f32 $8.000000000e+00, v58;
	v58 =	vadd.s32 v23, v40;
	v56 =	vld [tilespmem:s24+$0xFFFFFFA0];
	[tilespmem:v60+s14+$0x0] =	vst.idx.msk $0xffff, v63  }
0x18f: {  	s26 =	simm.s32 $0xE;
	v57 =	vshrl.u32 v51, $0x3;
	[tilespmem:v48+s14+$0x0] =	vst.idx.msk $0xffff, v38;
	v38 =	vmul.f32 $8.000000000e+00, v59;
	v60 =	vld [tilespmem:s24+$0xFFFFFFE0];
	v51 =	vadd.s32 v3, v39  }
0x190: {  	v0 =	vshll.u32 v0, v1;
	v2 =	vmov s26;
	v53 =	vadd.s32 v8, v41  }
0x191: {  	v48 =	vadd.s32 v14, v37;
	[tilespmem:v52+s14+$0x0] =	vst.idx.msk $0xffff, v38;
	v38 =	vbroadcast v0, $0x0;
	v0 =	vmul.f32 $8.000000000e+00, v55  }
0x192: {  	v59 =	vshrl.u32 v42, $0x3;
	[tilespmem:v43+s14+$0x0] =	vst.idx.msk $0xffff, v45;
	v42 =	vshrl.u32 v2, $0x3;
	v2 =	vmul.f32 $8.000000000e+00, v54  }
0x193: {  	v49 =	vmul.f32 $8.000000000e+00, v49;
	v61 =	vld [tilespmem:s24+$0x20];
	[tilespmem:v58+s14+$0x0] =	vst.idx.msk $0xffff, v0;
	v54 =	vadd.s32 v21, v36  }
0x194: {  	v62 =	vld [tilespmem:s24+$0x60];
	v0 =	vmul.f32 $8.000000000e+00, v60;
	[tilespmem:v51+s14+$0x0] =	vst.idx.msk $0xffff, v2;
	v2 =	vmul.f32 $8.000000000e+00, v56  }
0x195: {  	[tilespmem:v53+s14+$0x0] =	vst.idx.msk $0xffff, v49;
	v3 =	vmov v40;
	v40 =	vld [tilespmem:s24+$0xA0]  }
0x196: {  	v47 =	vshrl.u32 v47, $0x3;
	v50 =	vshrl.u32 v50, $0x3;
	v63 =	vadd.s32 v22, v35;
	v52 =	vld [tilespmem:s24+$0xFFFFFF70];
	[tilespmem:v48+s14+$0x0] =	vst.idx.msk $0xffff, v2  }
0x197: {  	v47 =	vshll.u32 v47, v1;
	v46 =	vshrl.u32 v44, $0x3;
	v44 =	vshll.u32 v50, v1;
	v6 =	vld [tilespmem:$0x1FED0]  }
0x198: {  	v46 =	vshll.u32 v46, v1;
	v45 =	vshll.u32 v57, v1;
	v56 =	vld [tilespmem:s24+$0xF0];
	[tilespmem:v54+s14+$0x0] =	vst.idx.msk $0xffff, v0;
	v0 =	vmov v9  }
0x199: {  	v43 =	vshll.u32 v59, v1;
	v55 =	vadd.s32 v28, v33;
	v50 =	vld [tilespmem:s24+$0xFFFFFF30];
	v2 =	vmul.f32 $8.000000000e+00, v61  }
0x19a: {  	v53 =	vadd.s32 v12, v41;
	v41 =	vadd.s32 v10, v3;
	v51 =	vadd.s32 v29, v34;
	v49 =	vld [tilespmem:s24+$0xFFFFFFB0]  }
0x19b: {  	v40 =	vmul.f32 $8.000000000e+00, v40;
	v9 =	vmovc v10;
	v54 =	vld [tilespmem:s24+$0xFFFFFFF0];
	[tilespmem:v63+s14+$0x0] =	vst.idx.msk $0xffff, v2;
	v10 =	vmovc v0;
	v0 =	vmov v13;
	v13 =	vmov v14  }
0x19c: {  	s28 =	simm.s32 $0xF;
	s26 =	simm.s32 $0x10;
	v14 =	vmovc v5;
	v5 =	vmovc v0;
	v48 =	vadd.s32 v6, v39;
	v39 =	vmul.f32 $8.000000000e+00, v62;
	v6 =	vmov v16;
	v16 =	vld [tilespmem:$0x1FFF0]  }
.LBB2_9:
0x19d: {  	v0 =	vmov s28;
	v60 =	vld [tilespmem:s24+$0x30]  }
0x19e: {  	v2 =	vadd.s32 v15, v37;
	v36 =	vadd.s32 v19, v36;
	v3 =	vld [tilespmem:$0x1FEB0];
	[tilespmem:v55+s14+$0x0] =	vst.idx.msk $0xffff, v39;
	v62 =	vmul.f32 $8.000000000e+00, v56  }
0x19f: {  	v35 =	vadd.s32 v11, v35;
	v0 =	vshrl.u32 v0, $0x3;
	[tilespmem:v51+s14+$0x0] =	vst.idx.msk $0xffff, v40;
	v63 =	vmul.f32 $8.000000000e+00, v50;
	v56 =	vld [tilespmem:s24+$0x70]  }
0x1a0: {  	v33 =	vadd.s32 v27, v33;
	v0 =	vshll.u32 v0, v1;
	v58 =	vld [tilespmem:s24+$0xB0];
	v57 =	vmul.f32 $8.000000000e+00, v52;
	s24 =	sadd.s32 $0x200, s24;
	[tilespmem:v53+s14+$0x0] =	vst.idx.msk $0xffff, v62  }
0x1a1: {  	v42 =	vshll.u32 v42, v1;
	v40 =	vbroadcast v0, $0x0;
	v0 =	vmul.f32 $8.000000000e+00, v49;
	[tilespmem:v48+s14+$0x0] =	vst.idx.msk $0xffff, v63;
	v53 =	vld [tilespmem:s24+$0xC0]  }
0x1a2: {  	v34 =	vadd.s32 v31, v34;
	v39 =	vmov v38;
	v61 =	vmul.f32 $8.000000000e+00, v54;
	[tilespmem:v41+s14+$0x0] =	vst.idx.msk $0xffff, v57;
	v38 =	vld [tilespmem:s24+$0xFFFFFF00]  }
0x1a3: {  	v41 =	vbroadcast v47, $0x0;
	v62 =	vadd.s32 v32, v40;
	[tilespmem:v2+s14+$0x0] =	vst.idx.msk $0xffff, v0;
	v0 =	vmul.f32 $8.000000000e+00, v60;
	v49 =	vld [tilespmem:s24+$0xFFFFFF40]  }
0x1a4: {  	v37 =	vbroadcast v44, $0x0;
	v2 =	vadd.s32 v25, v39;
	[tilespmem:v36+s14+$0x0] =	vst.idx.msk $0xffff, v61;
	v63 =	vld [tilespmem:s24+$0xFFFFFF80];
	v59 =	vmul.f32 $8.000000000e+00, v56  }
0x1a5: {  	v36 =	vbroadcast v45, $0x0;
	v61 =	vld [tilespmem:s24+$0xFFFFFFC0];
	v60 =	vadd.s32 v16, v41;
	[tilespmem:v35+s14+$0x0] =	vst.idx.msk $0xffff, v0;
	v0 =	vmul.f32 $8.000000000e+00, v58  }
0x1a6: {  	v45 =	vadd.s32 v10, v37;
	v35 =	vbroadcast v46, $0x0;
	v56 =	vld [tilespmem:s24+$0x0];
	[tilespmem:v33+s14+$0x0] =	vst.idx.msk $0xffff, v59;
	v57 =	vmul.f32 $8.000000000e+00, v53  }
0x1a7: {  	v58 =	vadd.s32 v5, v36;
	[tilespmem:v34+s14+$0x0] =	vst.idx.msk $0xffff, v0;
	v33 =	vbroadcast v43, $0x0;
	v38 =	vmul.f32 $8.000000000e+00, v38;
	v59 =	vld [tilespmem:s24+$0x40]  }
0x1a8: {  	v34 =	vbroadcast v42, $0x0;
	v43 =	vadd.s32 v18, v35;
	v0 =	vmul.f32 $8.000000000e+00, v49;
	v49 =	vld [tilespmem:s24+$0x80];
	[tilespmem:v62+s14+$0x0] =	vst.idx.msk $0xffff, v57  }
0x1a9: {  	[tilespmem:v2+s14+$0x0] =	vst.idx.msk $0xffff, v38;
	v2 =	vmul.f32 $8.000000000e+00, v63;
	v38 =	vadd.s32 v26, v33;
	v46 =	vld [tilespmem:s24+$0xD0]  }
0x1aa: {  	[tilespmem:v60+s14+$0x0] =	vst.idx.msk $0xffff, v0;
	v0 =	vmul.f32 $8.000000000e+00, v61;
	v60 =	vadd.s32 v30, v34;
	v63 =	vld [tilespmem:s24+$0xFFFFFF10]  }
0x1ab: {  	v62 =	vmov s26;
	v61 =	vld [tilespmem:s24+$0xFFFFFF50];
	[tilespmem:v45+s14+$0x0] =	vst.idx.msk $0xffff, v2;
	v2 =	vmul.f32 $8.000000000e+00, v56;
	v45 =	vadd.s32 v17, v40  }
0x1ac: {  	v54 =	vadd.s32 v3, v39;
	v42 =	vshrl.u32 v62, $0x3;
	[tilespmem:v58+s14+$0x0] =	vst.idx.msk $0xffff, v0;
	v62 =	vld [tilespmem:s24+$0xFFFFFF90];
	v0 =	vmul.f32 $8.000000000e+00, v59  }
0x1ad: {  	v53 =	vadd.s32 v6, v41;
	v56 =	vld [tilespmem:s24+$0xFFFFFFD0];
	[tilespmem:v43+s14+$0x0] =	vst.idx.msk $0xffff, v2;
	v2 =	vmul.f32 $8.000000000e+00, v49  }
0x1ae: {  	v49 =	vadd.s32 v7, v37;
	v57 =	vld [tilespmem:s24+$0x10];
	[tilespmem:v38+s14+$0x0] =	vst.idx.msk $0xffff, v0;
	v0 =	vmul.f32 $8.000000000e+00, v46  }
0x1af: {  	v3 =	vld [tilespmem:$0x1FEC0];
	v47 =	vadd.s32 v14, v36;
	v63 =	vmul.f32 $8.000000000e+00, v63;
	[tilespmem:v60+s14+$0x0] =	vst.idx.msk $0xffff, v2  }
0x1b0: {  	s28 =	sadd.s32 $0x1, s26;
	v58 =	vld [tilespmem:s24+$0x50];
	v60 =	vmul.f32 $8.000000000e+00, v61;
	v61 =	vadd.s32 v4, v35;
	[tilespmem:v45+s14+$0x0] =	vst.idx.msk $0xffff, v0  }
0x1b1: {  	v50 =	vmov s28;
	s28 =	sadd.s32 $0x2, s26;
	v59 =	vld [tilespmem:s24+$0x90];
	[tilespmem:v54+s14+$0x0] =	vst.idx.msk $0xffff, v63;
	v62 =	vmul.f32 $8.000000000e+00, v62  }
0x1b2: {  	v52 =	vmov s28;
	s28 =	sadd.s32 $0x3, s26;
	v45 =	vadd.s32 v20, v33;
	[tilespmem:v53+s14+$0x0] =	vst.idx.msk $0xffff, v60;
	v63 =	vmul.f32 $8.000000000e+00, v56;
	v54 =	vld [tilespmem:s24+$0xFFFFFF20]  }
0x1b3: {  	v44 =	vmov s28;
	s28 =	sadd.s32 $0x4, s26;
	v53 =	vadd.s32 v24, v34;
	v46 =	vld [tilespmem:s24+$0xE0];
	[tilespmem:v49+s14+$0x0] =	vst.idx.msk $0xffff, v62;
	v60 =	vmul.f32 $8.000000000e+00, v57  }
0x1b4: {  	v43 =	vmov s28;
	s28 =	sadd.s32 $0x5, s26;
	v57 =	vshrl.u32 v44, $0x3;
	v44 =	vadd.s32 v3, v39;
	[tilespmem:v47+s14+$0x0] =	vst.idx.msk $0xffff, v63;
	v56 =	vld [tilespmem:s24+$0xFFFFFFA0]  }
0x1b5: {  	v38 =	vmov s28;
	s28 =	sadd.s32 $0x6, s26;
	v55 =	vld [tilespmem:s24+$0xFFFFFF60];
	v49 =	vadd.s32 v8, v40;
	v47 =	vmul.f32 $8.000000000e+00, v58;
	[tilespmem:v61+s14+$0x0] =	vst.idx.msk $0xffff, v60  }
0x1b6: {  	v2 =	vmov s28;
	v51 =	vmul.f32 $8.000000000e+00, v59;
	v60 =	vadd.s32 v13, v37;
	v61 =	vld [tilespmem:s24+$0x20]  }
0x1b7: {  	v0 =	vshll.u32 v42, v1;
	v42 =	vshrl.u32 v2, $0x3;
	[tilespmem:v45+s14+$0x0] =	vst.idx.msk $0xffff, v47;
	v2 =	vmul.f32 $8.000000000e+00, v54  }
0x1b8: {  	v48 =	vadd.s32 v23, v41;
	v58 =	vld [tilespmem:s24+$0xFFFFFFE0];
	v45 =	vmul.f32 $8.000000000e+00, v46;
	[tilespmem:v53+s14+$0x0] =	vst.idx.msk $0xffff, v51  }
0x1b9: {  	v50 =	vshrl.u32 v50, $0x3;
	v52 =	vshrl.u32 v52, $0x3;
	v62 =	vld [tilespmem:s24+$0x60];
	[tilespmem:v44+s14+$0x0] =	vst.idx.msk $0xffff, v2;
	v2 =	vmul.f32 $8.000000000e+00, v56  }
0x1ba: {  	v59 =	vshrl.u32 v38, $0x3;
	v38 =	vbroadcast v0, $0x0;
	v54 =	vadd.s32 v21, v36;
	v3 =	vld [tilespmem:s24+$0xA0];
	[tilespmem:v49+s14+$0x0] =	vst.idx.msk $0xffff, v45  }
0x1bb: {  	p2 =	slt.u32 s26, $0x78;
	v63 =	vadd.s32 v22, v35;
	v0 =	vmul.f32 $8.000000000e+00, v55;
	[tilespmem:v60+s14+$0x0] =	vst.idx.msk $0xffff, v2;
	v2 =	vmul.f32 $8.000000000e+00, v61;
	v61 =	vld [tilespmem:$0x1FED0]  }
.Ltmp4:
0x1bc: {  	v41 =	vadd.s32 v9, v41;
	v43 =	vshrl.u32 v43, $0x3;
	v47 =	vshll.u32 v50, v1;
	v56 =	vld [tilespmem:s24+$0xF0];
	(pc) =	sbr.rel @p2 .LBB2_9-.Ltmp4, $4  }
0x1bd: {  	v55 =	vadd.s32 v28, v33;
	v51 =	vadd.s32 v29, v34;
	[tilespmem:v48+s14+$0x0] =	vst.idx.msk $0xffff, v0;
	v0 =	vmul.f32 $8.000000000e+00, v58;
	v50 =	vld [tilespmem:s24+$0xFFFFFF30]  }
0x1be: {  	v53 =	vadd.s32 v12, v40;
	v46 =	vshll.u32 v43, v1;
	v44 =	vshll.u32 v52, v1;
	v52 =	vld [tilespmem:s24+$0xFFFFFF70]  }
0x1bf: {  	v43 =	vshll.u32 v59, v1;
	v45 =	vshll.u32 v57, v1;
	v49 =	vld [tilespmem:s24+$0xFFFFFFB0];
	[tilespmem:v54+s14+$0x0] =	vst.idx.msk $0xffff, v0  }
0x1c0: {  	s28 =	sadd.s32 $0x7, s26;
	s26 =	sadd.s32 $0x8, s26;
	v54 =	vld [tilespmem:s24+$0xFFFFFFF0];
	[tilespmem:v63+s14+$0x0] =	vst.idx.msk $0xffff, v2;
	v40 =	vmul.f32 $8.000000000e+00, v3;
	v48 =	vadd.s32 v61, v39;
	v39 =	vmul.f32 $8.000000000e+00, v62  }
0x1c1: {  	_ =	sdelay $0x3  }
0x1c2: {  	v0 =	vmov s28;
	v2 =	vadd.s32 v15, v37;
	v3 =	vld [tilespmem:s24+$0x30];
	v56 =	vmul.f32 $8.000000000e+00, v56;
	[tilespmem:v55+s14+$0x0] =	vst.idx.msk $0xffff, v39  }
0x1c3: {  	v36 =	vadd.s32 v19, v36;
	v0 =	vshrl.u32 v0, $0x3;
	v57 =	vmul.f32 $8.000000000e+00, v50;
	[tilespmem:v51+s14+$0x0] =	vst.idx.msk $0xffff, v40;
	v58 =	vld [tilespmem:s24+$0x70]  }
0x1c4: {  	v35 =	vadd.s32 v11, v35;
	s28 =	sadd.s32 $0x200, s24;
	v0 =	vshll.u32 v0, v1;
	v59 =	vmul.f32 $8.000000000e+00, v52;
	v51 =	vld [tilespmem:s24+$0xB0];
	[tilespmem:v53+s14+$0x0] =	vst.idx.msk $0xffff, v56  }
0x1c5: {  	v33 =	vadd.s32 v27, v33;
	v37 =	vld [tilespmem:s28+$0xC0];
	v0 =	vbroadcast v0, $0x0;
	[tilespmem:v48+s14+$0x0] =	vst.idx.msk $0xffff, v57;
	v60 =	vmul.f32 $8.000000000e+00, v49  }
0x1c6: {  	v34 =	vadd.s32 v31, v34;
	v61 =	vld [tilespmem:s28+$0xFFFFFF00];
	[tilespmem:v41+s14+$0x0] =	vst.idx.msk $0xffff, v59;
	v62 =	vmul.f32 $8.000000000e+00, v54  }
0x1c7: {  	v47 =	vbroadcast v47, $0x0;
	v41 =	vld [tilespmem:s28+$0xFFFFFF40];
	v49 =	vadd.s32 v32, v0;
	[tilespmem:v2+s14+$0x0] =	vst.idx.msk $0xffff, v60;
	v2 =	vmul.f32 $8.000000000e+00, v3  }
0x1c8: {  	v44 =	vbroadcast v44, $0x0;
	v63 =	vld [tilespmem:s28+$0xFFFFFF80];
	v3 =	vadd.s32 v25, v38;
	[tilespmem:v36+s14+$0x0] =	vst.idx.msk $0xffff, v62;
	v56 =	vmul.f32 $8.000000000e+00, v58  }
0x1c9: {  	v40 =	vadd.s32 v16, v47;
	[tilespmem:v35+s14+$0x0] =	vst.idx.msk $0xffff, v2;
	v2 =	vmul.f32 $8.000000000e+00, v51  }
0x1ca: {  	v37 =	vmul.f32 $8.000000000e+00, v37;
	v58 =	vadd.s32 v10, v44;
	[tilespmem:v33+s14+$0x0] =	vst.idx.msk $0xffff, v56  }
0x1cb: {  	v57 =	vld [tilespmem:s28+$0xFFFFFFC0];
	v60 =	vmul.f32 $8.000000000e+00, v61;
	[tilespmem:v34+s14+$0x0] =	vst.idx.msk $0xffff, v2  }
0x1cc: {  	v45 =	vbroadcast v45, $0x0;
	v59 =	vld [tilespmem:s28+$0x0];
	v2 =	vmul.f32 $8.000000000e+00, v41;
	[tilespmem:v49+s14+$0x0] =	vst.idx.msk $0xffff, v37  }
0x1cd: {  	v46 =	vbroadcast v46, $0x0;
	v62 =	vld [tilespmem:s28+$0x40];
	[tilespmem:v3+s14+$0x0] =	vst.idx.msk $0xffff, v60;
	v3 =	vmul.f32 $8.000000000e+00, v63  }
0x1ce: {  	v42 =	vshll.u32 v42, v1;
	v43 =	vbroadcast v43, $0x0;
	v61 =	vadd.s32 v5, v45;
	v41 =	vld [tilespmem:s28+$0x80];
	[tilespmem:v40+s14+$0x0] =	vst.idx.msk $0xffff, v2  }
0x1cf: {  	v42 =	vbroadcast v42, $0x0;
	v34 =	vadd.s32 v18, v46;
	v37 =	vld [tilespmem:s28+$0xD0];
	[tilespmem:v58+s14+$0x0] =	vst.idx.msk $0xffff, v3  }
0x1d0: {  	v52 =	vmov v16;
	v16 =	vmov v10;
	v33 =	vadd.s32 v26, v43;
	v10 =	vld [tilespmem:$0x1FEB0]  }
0x1d1: {  	v2 =	vmul.f32 $8.000000000e+00, v57;
	v40 =	vadd.s32 v30, v42;
	v49 =	vld [tilespmem:s28+$0xFFFFFF50]  }
0x1d2: {  	v35 =	vadd.s32 v17, v0;
	v3 =	vmul.f32 $8.000000000e+00, v59;
	v60 =	vld [tilespmem:s28+$0xFFFFFF90]  }
0x1d3: {  	v63 =	vld [tilespmem:s28+$0xFFFFFF10];
	[tilespmem:v61+s14+$0x0] =	vst.idx.msk $0xffff, v2;
	v2 =	vmul.f32 $8.000000000e+00, v62;
	v61 =	vadd.s32 v6, v47  }
0x1d4: {  	[tilespmem:v34+s14+$0x0] =	vst.idx.msk $0xffff, v3;
	v3 =	vmul.f32 $8.000000000e+00, v41;
	v34 =	vadd.s32 v7, v44  }
0x1d5: {  	v55 =	vmov v30;
	[tilespmem:v33+s14+$0x0] =	vst.idx.msk $0xffff, v2;
	v2 =	vmul.f32 $8.000000000e+00, v37;
	v30 =	vadd.s32 v10, v38  }
0x1d6: {  	v62 =	vld [tilespmem:s28+$0xFFFFFFD0];
	[tilespmem:v40+s14+$0x0] =	vst.idx.msk $0xffff, v3;
	v3 =	vmul.f32 $8.000000000e+00, v49  }
0x1d7: {  	v41 =	vld [tilespmem:s28+$0x10];
	[tilespmem:v35+s14+$0x0] =	vst.idx.msk $0xffff, v2;
	v2 =	vmul.f32 $8.000000000e+00, v60  }
0x1d8: {  	v63 =	vmul.f32 $8.000000000e+00, v63;
	v39 =	vld [tilespmem:s28+$0x50];
	[tilespmem:v61+s14+$0x0] =	vst.idx.msk $0xffff, v3  }
0x1d9: {  	v37 =	vadd.s32 v14, v45;
	v49 =	vld [tilespmem:s28+$0x90];
	[tilespmem:v34+s14+$0x0] =	vst.idx.msk $0xffff, v2  }
0x1da: {  	v40 =	vadd.s32 v4, v46;
	v35 =	vld [tilespmem:s28+$0xE0];
	[tilespmem:v30+s14+$0x0] =	vst.idx.msk $0xffff, v63  }
0x1db: {  	v57 =	vmov v14;
	v14 =	vmov v4;
	v30 =	vadd.s32 v20, v43;
	v4 =	vld [tilespmem:$0x1FEC0]  }
0x1dc: {  	v36 =	vadd.s32 v24, v42;
	v3 =	vmul.f32 $8.000000000e+00, v62;
	v48 =	vld [tilespmem:s28+$0xFFFFFF60]  }
0x1dd: {  	v2 =	vmul.f32 $8.000000000e+00, v41;
	v34 =	vadd.s32 v8, v0;
	v51 =	vld [tilespmem:s28+$0xFFFFFFA0]  }
0x1de: {  	v50 =	vld [tilespmem:s28+$0xFFFFFF20];
	[tilespmem:v37+s14+$0x0] =	vst.idx.msk $0xffff, v3;
	v3 =	vmul.f32 $8.000000000e+00, v39;
	v37 =	vadd.s32 v23, v47  }
0x1df: {  	[tilespmem:v40+s14+$0x0] =	vst.idx.msk $0xffff, v2;
	v2 =	vmul.f32 $8.000000000e+00, v49;
	v40 =	vadd.s32 v13, v44;
	v39 =	vld [tilespmem:s28+$0xFFFFFFE0]  }
0x1e0: {  	[tilespmem:v30+s14+$0x0] =	vst.idx.msk $0xffff, v3;
	v3 =	vmul.f32 $8.000000000e+00, v35;
	v41 =	vadd.s32 v4, v38  }
0x1e1: {  	v49 =	vld [tilespmem:s28+$0x20];
	[tilespmem:v36+s14+$0x0] =	vst.idx.msk $0xffff, v2;
	v2 =	vmul.f32 $8.000000000e+00, v48  }
0x1e2: {  	v48 =	vld [tilespmem:s28+$0xA0];
	v35 =	vadd.s32 v21, v45;
	[tilespmem:v34+s14+$0x0] =	vst.idx.msk $0xffff, v3;
	v3 =	vmul.f32 $8.000000000e+00, v51  }
0x1e3: {  	v30 =	vmul.f32 $8.000000000e+00, v50;
	v50 =	vld [tilespmem:s28+$0x60];
	[tilespmem:v37+s14+$0x0] =	vst.idx.msk $0xffff, v2  }
0x1e4: {  	v36 =	vadd.s32 v22, v46;
	v2 =	vmul.f32 $8.000000000e+00, v39;
	v39 =	vld [tilespmem:s28+$0xFFFFFF70];
	[tilespmem:v40+s14+$0x0] =	vst.idx.msk $0xffff, v3  }
0x1e5: {  	v34 =	vld [tilespmem:s28+$0xF0];
	[tilespmem:v41+s14+$0x0] =	vst.idx.msk $0xffff, v30;
	v30 =	vadd.s32 v28, v43  }
0x1e6: {  	v37 =	vadd.s32 v29, v42;
	v4 =	vld [tilespmem:$0x1FED0]  }
0x1e7: {  	v0 =	vadd.s32 v12, v0;
	v3 =	vmul.f32 $8.000000000e+00, v49;
	v40 =	vld [tilespmem:s28+$0xFFFFFFB0];
	[tilespmem:v35+s14+$0x0] =	vst.idx.msk $0xffff, v2  }
0x1e8: {  	v59 =	vmov v20;
	v2 =	vmul.f32 $8.000000000e+00, v50;
	v35 =	vadd.s32 v9, v47;
	v51 =	vld [tilespmem:s28+$0xFFFFFFF0]  }
0x1e9: {  	v20 =	vmovc v22;
	v22 =	vmov v28;
	v28 =	vadd.s32 v15, v44;
	v41 =	vld [tilespmem:s28+$0xFFFFFF30];
	[tilespmem:v36+s14+$0x0] =	vst.idx.msk $0xffff, v3;
	v3 =	vmul.f32 $8.000000000e+00, v48  }
0x1ea: {  	v45 =	vadd.s32 v19, v45;
	v29 =	vld [tilespmem:s28+$0x30];
	[tilespmem:v30+s14+$0x0] =	vst.idx.msk $0xffff, v2;
	v2 =	vmul.f32 $8.000000000e+00, v34  }
0x1eb: {  	[tilespmem:v37+s14+$0x0] =	vst.idx.msk $0xffff, v3;
	v3 =	vmul.f32 $8.000000000e+00, v39;
	v38 =	vadd.s32 v4, v38;
	v48 =	vld [tilespmem:s28+$0x70]  }
0x1ec: {  	v49 =	vadd.s32 v11, v46;
	v50 =	vld [tilespmem:s28+$0xB0];
	[tilespmem:v0+s14+$0x0] =	vst.idx.msk $0xffff, v2;
	v0 =	vmul.f32 $8.000000000e+00, v40  }
0x1ed: {  	[tilespmem:v35+s14+$0x0] =	vst.idx.msk $0xffff, v3;
	v2 =	vadd.s32 v27, v43;
	v3 =	vmul.f32 $8.000000000e+00, v51  }
0x1ee: {  	v30 =	vmul.f32 $8.000000000e+00, v41;
	v51 =	vadd.s32 v31, v42;
	[tilespmem:v28+s14+$0x0] =	vst.idx.msk $0xffff, v0  }
0x1ef: {  	v0 =	vmul.f32 $8.000000000e+00, v29;
	[tilespmem:v45+s14+$0x0] =	vst.idx.msk $0xffff, v3  }
0x1f0: {  	[tilespmem:v38+s14+$0x0] =	vst.idx.msk $0xffff, v30;
	v3 =	vmul.f32 $8.000000000e+00, v48  }
0x1f1: {  	[tilespmem:v49+s14+$0x0] =	vst.idx.msk $0xffff, v0;
	v0 =	vmul.f32 $8.000000000e+00, v50  }
0x1f2: {  	[tilespmem:v2+s14+$0x0] =	vst.idx.msk $0xffff, v3  }
0x1f3: {  	[tilespmem:v51+s14+$0x0] =	vst.idx.msk $0xffff, v0  }
0x1f4: {  	s26 =	rddreg [dreg:$0xc]  }
0x1f5: {  	s24 =	sadd.s32 s22, s26  }
0x1f6: {  	[hbm4b:s24+s3] =	stream.linear.scatter [tilespmem:s14], [sflag:$0x6], $0x80, $0x38;
	[tilespmem:$0x16C00] =	vst v63  }
0x1f7: {  	s28 =	simm.s32 $0x10688;
	s26 =	sadd.s32 $0x10, s24  }
0x1f8: {  	[hbm4b:s26+s3] =	stream.linear.scatter [tilespmem:s28], [sflag:$0x6], $0x80, $0x38;
	[tilespmem:$0x16C00] =	vst v63  }
0x1f9: {  	s26 =	sadd.s32 $0x20, s24;
	s28 =	simm.s32 $0x10710  }
0x1fa: {  	[hbm4b:s26+s3] =	stream.linear.scatter [tilespmem:s28], [sflag:$0x6], $0x80, $0x38;
	[tilespmem:$0x16C00] =	vst v63  }
0x1fb: {  	s26 =	sadd.s32 $0x30, s24;
	s28 =	simm.s32 $0x10798  }
0x1fc: {  	[hbm4b:s26+s3] =	stream.linear.scatter [tilespmem:s28], [sflag:$0x6], $0x80, $0x38;
	[tilespmem:$0x16C00] =	vst v63  }
0x1fd: {  	s26 =	sadd.s32 $0x40, s24;
	s28 =	simm.s32 $0x10820  }
0x1fe: {  	[hbm4b:s26+s3] =	stream.linear.scatter [tilespmem:s28], [sflag:$0x6], $0x80, $0x38;
	[tilespmem:$0x16C00] =	vst v63  }
0x1ff: {  	s26 =	sadd.s32 $0x50, s24;
	s28 =	simm.s32 $0x108A8  }
0x200: {  	[hbm4b:s26+s3] =	stream.linear.scatter [tilespmem:s28], [sflag:$0x6], $0x80, $0x38;
	[tilespmem:$0x16C00] =	vst v63  }
0x201: {  	s26 =	sadd.s32 $0x60, s24;
	s28 =	simm.s32 $0x10930  }
0x202: {  	[hbm4b:s26+s3] =	stream.linear.scatter [tilespmem:s28], [sflag:$0x6], $0x80, $0x38;
	[tilespmem:$0x16C00] =	vst v63  }
0x203: {  	s24 =	sadd.s32 $0x70, s24;
	s28 =	simm.s32 $0x109B8;
	s26 =	rddreg [dreg:$0xd]  }
0x204: {  	[hbm4b:s24+s3] =	stream.linear.scatter [tilespmem:s28], [sflag:$0x6], $0x80, $0x38;
	[tilespmem:$0x16C00] =	vst v63  }
0x205: {  	s24 =	sadd.s32 s22, s26;
	s28 =	simm.s32 $0x10A40  }
0x206: {  	[hbm4b:s24+s3] =	stream.linear.scatter [tilespmem:s28], [sflag:$0x6], $0x80, $0x38;
	[tilespmem:$0x16C00] =	vst v63  }
0x207: {  	s26 =	sadd.s32 $0x10, s24;
	s28 =	simm.s32 $0x10AC8  }
0x208: {  	[hbm4b:s26+s3] =	stream.linear.scatter [tilespmem:s28], [sflag:$0x6], $0x80, $0x38;
	[tilespmem:$0x16C00] =	vst v63  }
0x209: {  	s26 =	sadd.s32 $0x20, s24;
	s28 =	simm.s32 $0x10B50  }
0x20a: {  	[hbm4b:s26+s3] =	stream.linear.scatter [tilespmem:s28], [sflag:$0x6], $0x80, $0x38;
	[tilespmem:$0x16C00] =	vst v63  }
0x20b: {  	s26 =	sadd.s32 $0x30, s24;
	s28 =	simm.s32 $0x10BD8  }
0x20c: {  	[hbm4b:s26+s3] =	stream.linear.scatter [tilespmem:s28], [sflag:$0x6], $0x80, $0x38;
	[tilespmem:$0x16C00] =	vst v63  }
0x20d: {  	s26 =	sadd.s32 $0x40, s24;
	s28 =	simm.s32 $0x10C60  }
0x20e: {  	[hbm4b:s26+s3] =	stream.linear.scatter [tilespmem:s28], [sflag:$0x6], $0x80, $0x38;
	[tilespmem:$0x16C00] =	vst v63  }
0x20f: {  	s26 =	sadd.s32 $0x50, s24;
	s28 =	simm.s32 $0x10CE8  }
0x210: {  	[hbm4b:s26+s3] =	stream.linear.scatter [tilespmem:s28], [sflag:$0x6], $0x80, $0x38;
	[tilespmem:$0x16C00] =	vst v63  }
0x211: {  	s26 =	sadd.s32 $0x60, s24;
	s28 =	simm.s32 $0x10D70  }
0x212: {  	[hbm4b:s26+s3] =	stream.linear.scatter [tilespmem:s28], [sflag:$0x6], $0x80, $0x38;
	[tilespmem:$0x16C00] =	vst v63  }
0x213: {  	s24 =	sadd.s32 $0x70, s24;
	s28 =	simm.s32 $0x10DF8;
	s26 =	rddreg [dreg:$0xe]  }
0x214: {  	[hbm4b:s24+s3] =	stream.linear.scatter [tilespmem:s28], [sflag:$0x6], $0x80, $0x38;
	[tilespmem:$0x16C00] =	vst v63  }
0x215: {  	s24 =	sadd.s32 s22, s26;
	s28 =	simm.s32 $0x10E80  }
0x216: {  	[hbm4b:s24+s3] =	stream.linear.scatter [tilespmem:s28], [sflag:$0x6], $0x80, $0x38;
	[tilespmem:$0x16C00] =	vst v63  }
0x217: {  	s26 =	sadd.s32 $0x10, s24;
	s28 =	simm.s32 $0x10F08  }
0x218: {  	[hbm4b:s26+s3] =	stream.linear.scatter [tilespmem:s28], [sflag:$0x6], $0x80, $0x38;
	[tilespmem:$0x16C00] =	vst v63  }
0x219: {  	s26 =	sadd.s32 $0x20, s24;
	s28 =	simm.s32 $0x10F90  }
0x21a: {  	[hbm4b:s26+s3] =	stream.linear.scatter [tilespmem:s28], [sflag:$0x6], $0x80, $0x38;
	[tilespmem:$0x16C00] =	vst v63  }
0x21b: {  	s26 =	sadd.s32 $0x30, s24;
	s28 =	simm.s32 $0x11018  }
0x21c: {  	[hbm4b:s26+s3] =	stream.linear.scatter [tilespmem:s28], [sflag:$0x6], $0x80, $0x38;
	[tilespmem:$0x16C00] =	vst v63  }
0x21d: {  	s26 =	sadd.s32 $0x40, s24;
	s28 =	simm.s32 $0x110A0  }
0x21e: {  	[hbm4b:s26+s3] =	stream.linear.scatter [tilespmem:s28], [sflag:$0x6], $0x80, $0x38;
	[tilespmem:$0x16C00] =	vst v63  }
0x21f: {  	s26 =	sadd.s32 $0x50, s24;
	s28 =	simm.s32 $0x11128  }
0x220: {  	[hbm4b:s26+s3] =	stream.linear.scatter [tilespmem:s28], [sflag:$0x6], $0x80, $0x38;
	[tilespmem:$0x16C00] =	vst v63  }
0x221: {  	s26 =	sadd.s32 $0x60, s24;
	s28 =	simm.s32 $0x111B0  }
0x222: {  	[hbm4b:s26+s3] =	stream.linear.scatter [tilespmem:s28], [sflag:$0x6], $0x80, $0x38;
	[tilespmem:$0x16C00] =	vst v63  }
0x223: {  	s24 =	sadd.s32 $0x70, s24;
	s28 =	simm.s32 $0x11238;
	s26 =	rddreg [dreg:$0xf]  }
0x224: {  	[hbm4b:s24+s3] =	stream.linear.scatter [tilespmem:s28], [sflag:$0x6], $0x80, $0x38;
	[tilespmem:$0x16C00] =	vst v63  }
0x225: {  	s24 =	sadd.s32 s22, s26;
	s28 =	simm.s32 $0x112C0  }
0x226: {  	[hbm4b:s24+s3] =	stream.linear.scatter [tilespmem:s28], [sflag:$0x6], $0x80, $0x38;
	[tilespmem:$0x16C00] =	vst v63  }
0x227: {  	s26 =	sadd.s32 $0x10, s24;
	s28 =	simm.s32 $0x11348  }
0x228: {  	[hbm4b:s26+s3] =	stream.linear.scatter [tilespmem:s28], [sflag:$0x6], $0x80, $0x38;
	[tilespmem:$0x16C00] =	vst v63  }
0x229: {  	s26 =	sadd.s32 $0x20, s24;
	s28 =	simm.s32 $0x113D0  }
0x22a: {  	[hbm4b:s26+s3] =	stream.linear.scatter [tilespmem:s28], [sflag:$0x6], $0x80, $0x38;
	[tilespmem:$0x16C00] =	vst v63  }
0x22b: {  	s26 =	sadd.s32 $0x30, s24;
	s28 =	simm.s32 $0x11458  }
0x22c: {  	[hbm4b:s26+s3] =	stream.linear.scatter [tilespmem:s28], [sflag:$0x6], $0x80, $0x38;
	[tilespmem:$0x16C00] =	vst v63  }
0x22d: {  	s26 =	sadd.s32 $0x40, s24;
	s28 =	simm.s32 $0x114E0  }
0x22e: {  	[hbm4b:s26+s3] =	stream.linear.scatter [tilespmem:s28], [sflag:$0x6], $0x80, $0x38;
	[tilespmem:$0x16C00] =	vst v63  }
0x22f: {  	s26 =	sadd.s32 $0x50, s24;
	s28 =	simm.s32 $0x11568  }
0x230: {  	[hbm4b:s26+s3] =	stream.linear.scatter [tilespmem:s28], [sflag:$0x6], $0x80, $0x38;
	[tilespmem:$0x16C00] =	vst v63  }
0x231: {  	s26 =	sadd.s32 $0x60, s24;
	s28 =	simm.s32 $0x115F0  }
0x232: {  	[hbm4b:s26+s3] =	stream.linear.scatter [tilespmem:s28], [sflag:$0x6], $0x80, $0x38;
	[tilespmem:$0x16C00] =	vst v63  }
0x233: {  	s24 =	sadd.s32 $0x70, s24;
	s28 =	simm.s32 $0x11678;
	s26 =	rddreg [dreg:$0x10]  }
0x234: {  	[hbm4b:s24+s3] =	stream.linear.scatter [tilespmem:s28], [sflag:$0x6], $0x80, $0x38;
	[tilespmem:$0x16C00] =	vst v63  }
0x235: {  	s24 =	sadd.s32 s22, s26;
	s28 =	simm.s32 $0x11700  }
0x236: {  	[hbm4b:s24+s3] =	stream.linear.scatter [tilespmem:s28], [sflag:$0x6], $0x80, $0x38;
	[tilespmem:$0x16C00] =	vst v63  }
0x237: {  	s26 =	sadd.s32 $0x10, s24;
	s28 =	simm.s32 $0x11788  }
0x238: {  	[hbm4b:s26+s3] =	stream.linear.scatter [tilespmem:s28], [sflag:$0x6], $0x80, $0x38;
	[tilespmem:$0x16C00] =	vst v63  }
0x239: {  	s26 =	sadd.s32 $0x20, s24;
	s28 =	simm.s32 $0x11810  }
0x23a: {  	[hbm4b:s26+s3] =	stream.linear.scatter [tilespmem:s28], [sflag:$0x6], $0x80, $0x38;
	[tilespmem:$0x16C00] =	vst v63  }
0x23b: {  	s26 =	sadd.s32 $0x30, s24;
	s28 =	simm.s32 $0x11898  }
0x23c: {  	[hbm4b:s26+s3] =	stream.linear.scatter [tilespmem:s28], [sflag:$0x6], $0x80, $0x38;
	[tilespmem:$0x16C00] =	vst v63  }
0x23d: {  	s26 =	sadd.s32 $0x40, s24;
	s28 =	simm.s32 $0x11920  }
0x23e: {  	[hbm4b:s26+s3] =	stream.linear.scatter [tilespmem:s28], [sflag:$0x6], $0x80, $0x38;
	[tilespmem:$0x16C00] =	vst v63  }
0x23f: {  	s26 =	sadd.s32 $0x50, s24;
	s28 =	simm.s32 $0x119A8  }
0x240: {  	[hbm4b:s26+s3] =	stream.linear.scatter [tilespmem:s28], [sflag:$0x6], $0x80, $0x38;
	[tilespmem:$0x16C00] =	vst v63  }
0x241: {  	s26 =	sadd.s32 $0x60, s24;
	s28 =	simm.s32 $0x11A30  }
0x242: {  	[hbm4b:s26+s3] =	stream.linear.scatter [tilespmem:s28], [sflag:$0x6], $0x80, $0x38;
	[tilespmem:$0x16C00] =	vst v63  }
0x243: {  	s24 =	sadd.s32 $0x70, s24;
	s28 =	simm.s32 $0x11AB8;
	s26 =	rddreg [dreg:$0x11]  }
0x244: {  	[hbm4b:s24+s3] =	stream.linear.scatter [tilespmem:s28], [sflag:$0x6], $0x80, $0x38;
	[tilespmem:$0x16C00] =	vst v63  }
0x245: {  	s24 =	sadd.s32 s22, s26;
	s28 =	simm.s32 $0x11B40  }
0x246: {  	[hbm4b:s24+s3] =	stream.linear.scatter [tilespmem:s28], [sflag:$0x6], $0x80, $0x38;
	[tilespmem:$0x16C00] =	vst v63  }
0x247: {  	s26 =	sadd.s32 $0x10, s24;
	s28 =	simm.s32 $0x11BC8  }
0x248: {  	[hbm4b:s26+s3] =	stream.linear.scatter [tilespmem:s28], [sflag:$0x6], $0x80, $0x38;
	[tilespmem:$0x16C00] =	vst v63  }
0x249: {  	s26 =	sadd.s32 $0x20, s24;
	s28 =	simm.s32 $0x11C50  }
0x24a: {  	[hbm4b:s26+s3] =	stream.linear.scatter [tilespmem:s28], [sflag:$0x6], $0x80, $0x38;
	[tilespmem:$0x16C00] =	vst v63  }
0x24b: {  	s26 =	sadd.s32 $0x30, s24;
	s28 =	simm.s32 $0x11CD8  }
0x24c: {  	[hbm4b:s26+s3] =	stream.linear.scatter [tilespmem:s28], [sflag:$0x6], $0x80, $0x38;
	[tilespmem:$0x16C00] =	vst v63  }
0x24d: {  	s26 =	sadd.s32 $0x40, s24;
	s28 =	simm.s32 $0x11D60  }
0x24e: {  	[hbm4b:s26+s3] =	stream.linear.scatter [tilespmem:s28], [sflag:$0x6], $0x80, $0x38;
	[tilespmem:$0x16C00] =	vst v63  }
0x24f: {  	s26 =	sadd.s32 $0x50, s24;
	s28 =	simm.s32 $0x11DE8  }
0x250: {  	[hbm4b:s26+s3] =	stream.linear.scatter [tilespmem:s28], [sflag:$0x6], $0x80, $0x38;
	[tilespmem:$0x16C00] =	vst v63  }
0x251: {  	s26 =	sadd.s32 $0x60, s24;
	s28 =	simm.s32 $0x11E70  }
0x252: {  	[hbm4b:s26+s3] =	stream.linear.scatter [tilespmem:s28], [sflag:$0x6], $0x80, $0x38;
	[tilespmem:$0x16C00] =	vst v63  }
0x253: {  	s24 =	sadd.s32 $0x70, s24;
	s28 =	simm.s32 $0x11EF8;
	s26 =	rddreg [dreg:$0x12]  }
0x254: {  	[hbm4b:s24+s3] =	stream.linear.scatter [tilespmem:s28], [sflag:$0x6], $0x80, $0x38;
	[tilespmem:$0x16C00] =	vst v63  }
0x255: {  	s24 =	sadd.s32 s22, s26;
	s28 =	simm.s32 $0x11F80  }
0x256: {  	[hbm4b:s24+s3] =	stream.linear.scatter [tilespmem:s28], [sflag:$0x6], $0x80, $0x38;
	[tilespmem:$0x16C00] =	vst v63  }
0x257: {  	s26 =	sadd.s32 $0x10, s24;
	s28 =	simm.s32 $0x12008  }
0x258: {  	[hbm4b:s26+s3] =	stream.linear.scatter [tilespmem:s28], [sflag:$0x6], $0x80, $0x38;
	[tilespmem:$0x16C00] =	vst v63  }
0x259: {  	s26 =	sadd.s32 $0x20, s24;
	s28 =	simm.s32 $0x12090  }
0x25a: {  	[hbm4b:s26+s3] =	stream.linear.scatter [tilespmem:s28], [sflag:$0x6], $0x80, $0x38;
	[tilespmem:$0x16C00] =	vst v63  }
0x25b: {  	s26 =	sadd.s32 $0x30, s24;
	s28 =	simm.s32 $0x12118  }
0x25c: {  	[hbm4b:s26+s3] =	stream.linear.scatter [tilespmem:s28], [sflag:$0x6], $0x80, $0x38;
	[tilespmem:$0x16C00] =	vst v63  }
0x25d: {  	s26 =	sadd.s32 $0x40, s24;
	s28 =	simm.s32 $0x121A0  }
0x25e: {  	[hbm4b:s26+s3] =	stream.linear.scatter [tilespmem:s28], [sflag:$0x6], $0x80, $0x38;
	[tilespmem:$0x16C00] =	vst v63  }
0x25f: {  	s26 =	sadd.s32 $0x50, s24;
	s28 =	simm.s32 $0x12228  }
0x260: {  	[hbm4b:s26+s3] =	stream.linear.scatter [tilespmem:s28], [sflag:$0x6], $0x80, $0x38;
	[tilespmem:$0x16C00] =	vst v63  }
0x261: {  	s26 =	sadd.s32 $0x60, s24;
	s28 =	simm.s32 $0x122B0  }
0x262: {  	[hbm4b:s26+s3] =	stream.linear.scatter [tilespmem:s28], [sflag:$0x6], $0x80, $0x38;
	[tilespmem:$0x16C00] =	vst v63  }
0x263: {  	s24 =	sadd.s32 $0x70, s24;
	s28 =	simm.s32 $0x12338;
	s26 =	rddreg [dreg:$0x13]  }
0x264: {  	[hbm4b:s24+s3] =	stream.linear.scatter [tilespmem:s28], [sflag:$0x6], $0x80, $0x38;
	[tilespmem:$0x16C00] =	vst v63  }
0x265: {  	s24 =	sadd.s32 s22, s26;
	s28 =	simm.s32 $0x123C0  }
0x266: {  	[hbm4b:s24+s3] =	stream.linear.scatter [tilespmem:s28], [sflag:$0x6], $0x80, $0x38;
	[tilespmem:$0x16C00] =	vst v63  }
0x267: {  	s26 =	sadd.s32 $0x10, s24;
	s28 =	simm.s32 $0x12448  }
0x268: {  	[hbm4b:s26+s3] =	stream.linear.scatter [tilespmem:s28], [sflag:$0x6], $0x80, $0x38;
	[tilespmem:$0x16C00] =	vst v63  }
0x269: {  	s26 =	sadd.s32 $0x20, s24;
	s28 =	simm.s32 $0x124D0  }
0x26a: {  	[hbm4b:s26+s3] =	stream.linear.scatter [tilespmem:s28], [sflag:$0x6], $0x80, $0x38;
	[tilespmem:$0x16C00] =	vst v63  }
0x26b: {  	s26 =	sadd.s32 $0x30, s24;
	s28 =	simm.s32 $0x12558  }
0x26c: {  	[hbm4b:s26+s3] =	stream.linear.scatter [tilespmem:s28], [sflag:$0x6], $0x80, $0x38;
	[tilespmem:$0x16C00] =	vst v63  }
0x26d: {  	s26 =	sadd.s32 $0x40, s24;
	s28 =	simm.s32 $0x125E0  }
0x26e: {  	[hbm4b:s26+s3] =	stream.linear.scatter [tilespmem:s28], [sflag:$0x6], $0x80, $0x38;
	[tilespmem:$0x16C00] =	vst v63  }
0x26f: {  	s26 =	sadd.s32 $0x50, s24;
	s28 =	simm.s32 $0x12668  }
0x270: {  	[hbm4b:s26+s3] =	stream.linear.scatter [tilespmem:s28], [sflag:$0x6], $0x80, $0x38;
	[tilespmem:$0x16C00] =	vst v63  }
.Ltmp5:
0x271: {  	_ = 	snop;
	(pc) =	sbr.rel @p1 .LBB2_12-.Ltmp5, $4  }
0x272: {  	s26 =	sadd.s32 $0x60, s24;
	s28 =	simm.s32 $0x126F0  }
0x273: {  	[hbm4b:s26+s3] =	stream.linear.scatter [tilespmem:s28], [sflag:$0x6], $0x80, $0x38;
	[tilespmem:$0x16C00] =	vst v63  }
0x274: {  	v53 =	vmovc v5;
	v54 =	vmov v18;
	v5 =	vmov v26;
	v56 =	vmov v7;
	s24 =	sadd.s32 $0x70, s24;
	s28 =	simm.s32 $0x12778  }
0x275: {  	v58 =	vmovc v17;
	v60 =	vmovc v23;
	v61 =	vmov v13;
	v62 =	vmov v21;
	v63 =	vmov v24;
	[hbm4b:s24+s3] =	stream.linear.scatter [tilespmem:s28], [sflag:$0x6], $0x80, $0x38;
	[tilespmem:$0x16C00] =	vst v63  }
.Ltmp6:
0x276: {  	(pc) =	sbr.rel .LBB2_13-.Ltmp6, $4  }
0x277: {  	_ = 	snop  }
0x278: {  	_ =	swait.ge [sflag:s15], $0x2000  }
0x279: {  	[sflag:s15] =	ssyncset.done $0x0  }
0x27a: {  	[sflag:s15] =	ssyncadd.s32 $0xFFFFE000  }
.LBB2_12:
.Ltmp7:
0x27b: {  	s24 =	sadd.s32 $0x280, s23;
	s26 =	simm.s32 $0x8400;
	(pc) =	sbr.rel @p0 .LBB2_14-.Ltmp7, $4  }
0x27c: {  	[tilespmem:s26], [sflag:$0x2] =	stream.indirect.gather [hbm4b:s4+s9], $0x40, s24, s9, $0xb8;
	[tilespmem:$0x16C00] =	vst v63  }
0x27d: {  	_ =	swait.ge [sflag:s15], $0x2000  }
0x27e: {  	[sflag:s15] =	ssyncset.done $0x0  }
0x27f: {  	[sflag:s15] =	ssyncadd.s32 $0xFFFFE000  }
.LBB2_13:
0x280: {  	_ =	swait.ge [sflag:s16], $0x400  }
0x281: {  	[sflag:s16] =	ssyncset.done $0x0  }
0x282: {  	[sflag:s16] =	ssyncadd.s32 $0xFFFFFC00  }
0x283: {  	_ =	swait.ge [sflag:s16], $0x400  }
0x284: {  	[sflag:s16] =	ssyncset.done $0x0  }
0x285: {  	[sflag:s16] =	ssyncadd.s32 $0xFFFFFC00  }
0x286: {  	_ =	swait.ge [sflag:s16], $0x400  }
0x287: {  	[sflag:s16] =	ssyncset.done $0x0  }
0x288: {  	[sflag:s16] =	ssyncadd.s32 $0xFFFFFC00  }
0x289: {  	_ =	swait.ge [sflag:s16], $0x400  }
0x28a: {  	[sflag:s16] =	ssyncset.done $0x0  }
0x28b: {  	[sflag:s16] =	ssyncadd.s32 $0xFFFFFC00  }
0x28c: {  	_ =	swait.ge [sflag:s16], $0x400  }
0x28d: {  	[sflag:s16] =	ssyncset.done $0x0  }
0x28e: {  	[sflag:s16] =	ssyncadd.s32 $0xFFFFFC00  }
0x28f: {  	_ =	swait.ge [sflag:s16], $0x400  }
0x290: {  	[sflag:s16] =	ssyncset.done $0x0  }
0x291: {  	[sflag:s16] =	ssyncadd.s32 $0xFFFFFC00  }
0x292: {  	_ =	swait.ge [sflag:s16], $0x400  }
0x293: {  	[sflag:s16] =	ssyncset.done $0x0  }
0x294: {  	[sflag:s16] =	ssyncadd.s32 $0xFFFFFC00  }
0x295: {  	_ =	swait.ge [sflag:s16], $0x400  }
0x296: {  	[sflag:s16] =	ssyncset.done $0x0  }
0x297: {  	[sflag:s16] =	ssyncadd.s32 $0xFFFFFC00  }
.LBB2_14:
0x298: {  	s24 =	simm.s32 $0x0;
	s26 =	simm.s32 $0x2  }
0x299: {  	s28 =	simm.s32 $0x3;
	v0 =	vmov s24;
	v3 =	vmov s26;
	s26 =	simm.s32 $0x5  }
0x29a: {  	s24 =	simm.s32 $0x1;
	v33 =	vmov s28;
	s28 =	simm.s32 $0x6;
	v0 =	vshrl.u32 v0, $0x3;
	v35 =	vmov s26;
	s26 =	simm.s32 $0x7  }
0x29b: {  	v2 =	vmov s24;
	s24 =	simm.s32 $0x4;
	v36 =	vmov s28;
	v37 =	vmov s26  }
0x29c: {  	v34 =	vmov s24;
	v0 =	vshll.u32 v0, v1;
	s24 =	simm.s32 $0xA500;
	v37 =	vshrl.u32 v37, $0x3  }
0x29d: {  	v2 =	vshrl.u32 v2, $0x3;
	v39 =	vbroadcast v0, $0x0;
	v38 =	vld [tilespmem:s24+$0xFFFFFF00];
	v37 =	vshll.u32 v37, v1  }
0x29e: {  	v3 =	vshrl.u32 v3, $0x3;
	v0 =	vld [tilespmem:s24+$0xC0];
	v2 =	vshll.u32 v2, v1;
	v41 =	vbroadcast v37, $0x0  }
0x29f: {  	v3 =	vshll.u32 v3, v1;
	v42 =	vld [tilespmem:s24+$0xFFFFFF40];
	v9 =	vbroadcast v2, $0x0;
	v44 =	vadd.s32 v25, v39  }
0x2a0: {  	v33 =	vshrl.u32 v33, $0x3;
	v45 =	vld [tilespmem:s24+$0xFFFFFF80];
	v37 =	vbroadcast v3, $0x0;
	v2 =	vadd.s32 v32, v41  }
0x2a1: {  	v35 =	vshrl.u32 v35, $0x3;
	v36 =	vshrl.u32 v36, $0x3;
	v46 =	vadd.s32 v52, v9  }
0x2a2: {  	v34 =	vshrl.u32 v34, $0x3;
	v48 =	vadd.s32 v16, v37;
	v38 =	vmul.f32 $8.000000000e+00, v38  }
0x2a3: {  	v33 =	vshll.u32 v33, v1;
	v47 =	vld [tilespmem:s24+$0xFFFFFFC0];
	v34 =	vshll.u32 v34, v1;
	v0 =	vmul.f32 $8.000000000e+00, v0  }
0x2a4: {  	v49 =	vld [tilespmem:s24+$0x0];
	v3 =	vshll.u32 v36, v1;
	v36 =	vbroadcast v33, $0x0;
	v42 =	vmul.f32 $8.000000000e+00, v42;
	[tilespmem:v44+s17+$0x0] =	vst.idx.msk $0xffff, v38  }
0x2a5: {  	v43 =	vshll.u32 v35, v1;
	v51 =	vld [tilespmem:s24+$0x40];
	v35 =	vbroadcast v34, $0x0;
	[tilespmem:v2+s17+$0x0] =	vst.idx.msk $0xffff, v0;
	v2 =	vmul.f32 $8.000000000e+00, v45  }
0x2a6: {  	v15 =	vmov v52;
	v33 =	vbroadcast v43, $0x0;
	v52 =	vld [tilespmem:s24+$0x80];
	v50 =	vadd.s32 v53, v36;
	[tilespmem:v46+s17+$0x0] =	vst.idx.msk $0xffff, v42  }
0x2a7: {  	v34 =	vbroadcast v3, $0x0;
	v43 =	vadd.s32 v54, v35;
	v38 =	vld [tilespmem:s24+$0xD0];
	[tilespmem:v48+s17+$0x0] =	vst.idx.msk $0xffff, v2  }
0x2a8: {  	v10 =	vmov v16;
	v3 =	vadd.s32 v5, v33;
	v16 =	vld [tilespmem:$0x1FEB0]  }
0x2a9: {  	v42 =	vmul.f32 $8.000000000e+00, v47;
	v45 =	vadd.s32 v55, v34;
	v47 =	vld [tilespmem:s24+$0xFFFFFF50]  }
0x2aa: {  	v18 =	vmov v54;
	v2 =	vmul.f32 $8.000000000e+00, v49;
	v48 =	vadd.s32 v58, v41;
	v54 =	vld [tilespmem:s24+$0xFFFFFF90]  }
0x2ab: {  	v44 =	vld [tilespmem:s24+$0xFFFFFF10];
	[tilespmem:v50+s17+$0x0] =	vst.idx.msk $0xffff, v42;
	v42 =	vmul.f32 $8.000000000e+00, v51;
	v51 =	vadd.s32 v6, v9  }
0x2ac: {  	[tilespmem:v43+s17+$0x0] =	vst.idx.msk $0xffff, v2;
	v2 =	vmul.f32 $8.000000000e+00, v52;
	v52 =	vadd.s32 v56, v37  }
0x2ad: {  	v21 =	vmov v53;
	[tilespmem:v3+s17+$0x0] =	vst.idx.msk $0xffff, v42;
	v3 =	vmul.f32 $8.000000000e+00, v38;
	v53 =	vadd.s32 v16, v39  }
0x2ae: {  	[tilespmem:v45+s17+$0x0] =	vst.idx.msk $0xffff, v2;
	v45 =	vmul.f32 $8.000000000e+00, v47  }
0x2af: {  	v30 =	vmov v55;
	v55 =	vld [tilespmem:s24+$0xFFFFFFD0];
	[tilespmem:v48+s17+$0x0] =	vst.idx.msk $0xffff, v3;
	v3 =	vmul.f32 $8.000000000e+00, v54  }
0x2b0: {  	v7 =	vmov v56;
	v56 =	vld [tilespmem:s24+$0x10];
	v42 =	vmul.f32 $8.000000000e+00, v44;
	[tilespmem:v51+s17+$0x0] =	vst.idx.msk $0xffff, v45  }
0x2b1: {  	v29 =	vmov v58;
	s26 =	simm.s32 $0x8;
	v58 =	vld [tilespmem:s24+$0x90];
	[tilespmem:v52+s17+$0x0] =	vst.idx.msk $0xffff, v3  }
0x2b2: {  	v0 =	vmov s26;
	s26 =	simm.s32 $0x9;
	v47 =	vadd.s32 v14, v35;
	v48 =	vld [tilespmem:s24+$0xE0];
	[tilespmem:v53+s17+$0x0] =	vst.idx.msk $0xffff, v42  }
0x2b3: {  	v46 =	vmov s26;
	s26 =	simm.s32 $0xA;
	v44 =	vadd.s32 v57, v36;
	v19 =	vld [tilespmem:$0x1FEC0]  }
0x2b4: {  	v26 =	vmovc v5;
	v5 =	vmovc v57;
	v0 =	vshrl.u32 v0, $0x3;
	v49 =	vmov s26;
	s26 =	simm.s32 $0xB;
	v57 =	vld [tilespmem:s24+$0x50];
	v51 =	vadd.s32 v63, v34  }
0x2b5: {  	v50 =	vmov s26;
	s26 =	simm.s32 $0xC;
	v54 =	vld [tilespmem:s24+$0xFFFFFF60];
	v3 =	vmul.f32 $8.000000000e+00, v56;
	v52 =	vadd.s32 v8, v41  }
0x2b6: {  	v43 =	vmov s26;
	s26 =	simm.s32 $0xD;
	v40 =	vmul.f32 $8.000000000e+00, v55;
	v42 =	vadd.s32 v59, v33;
	v53 =	vld [tilespmem:s24+$0xFFFFFF20]  }
0x2b7: {  	v38 =	vmov s26;
	v45 =	vadd.s32 v60, v9;
	[tilespmem:v47+s17+$0x0] =	vst.idx.msk $0xffff, v3;
	v3 =	vmul.f32 $8.000000000e+00, v58  }
0x2b8: {  	v27 =	vmovc v59;
	s26 =	simm.s32 $0xE;
	v59 =	vshrl.u32 v50, $0x3;
	[tilespmem:v44+s17+$0x0] =	vst.idx.msk $0xffff, v40;
	v56 =	vmul.f32 $8.000000000e+00, v48;
	v50 =	vadd.s32 v19, v39  }
0x2b9: {  	v0 =	vshll.u32 v0, v1;
	v2 =	vmov s26;
	v55 =	vld [tilespmem:s24+$0xFFFFFFA0];
	v44 =	vmul.f32 $8.000000000e+00, v57;
	[tilespmem:v51+s17+$0x0] =	vst.idx.msk $0xffff, v3  }
0x2ba: {  	v11 =	vmovc v60;
	v58 =	vshrl.u32 v38, $0x3;
	v38 =	vbroadcast v0, $0x0;
	v0 =	vmul.f32 $8.000000000e+00, v54;
	v57 =	vld [tilespmem:s24+$0xFFFFFFE0];
	[tilespmem:v52+s17+$0x0] =	vst.idx.msk $0xffff, v56  }
0x2bb: {  	v13 =	vmovc v61;
	v60 =	vadd.s32 v61, v37;
	v61 =	vld [tilespmem:s24+$0x20];
	[tilespmem:v42+s17+$0x0] =	vst.idx.msk $0xffff, v44;
	v42 =	vshrl.u32 v2, $0x3;
	v2 =	vmul.f32 $8.000000000e+00, v53  }
0x2bc: {  	[tilespmem:v45+s17+$0x0] =	vst.idx.msk $0xffff, v0;
	v40 =	vld [tilespmem:s24+$0xA0]  }
0x2bd: {  	v56 =	vld [tilespmem:s24+$0xF0];
	[tilespmem:v50+s17+$0x0] =	vst.idx.msk $0xffff, v2  }
0x2be: {  	v23 =	vmovc v6;
	v4 =	vmov v14;
	v14 =	vmov v62;
	v62 =	vadd.s32 v62, v36;
	v6 =	vld [tilespmem:$0x1FF80]  }
0x2bf: {  	v52 =	vld [tilespmem:s24+$0xFFFFFF70];
	v2 =	vmul.f32 $8.000000000e+00, v55  }
0x2c0: {  	v31 =	vmov v63;
	v3 =	vadd.s32 v20, v35;
	v63 =	vld [tilespmem:s24+$0x60]  }
0x2c1: {  	v49 =	vshrl.u32 v49, $0x3;
	v0 =	vmul.f32 $8.000000000e+00, v57;
	v50 =	vld [tilespmem:s24+$0xFFFFFF30];
	[tilespmem:v60+s17+$0x0] =	vst.idx.msk $0xffff, v2  }
0x2c2: {  	v44 =	vshll.u32 v49, v1;
	v49 =	vld [tilespmem:s24+$0xFFFFFFB0]  }
0x2c3: {  	v2 =	vmul.f32 $8.000000000e+00, v61;
	v51 =	vadd.s32 v6, v34;
	v6 =	vld [tilespmem:$0x1FED0];
	[tilespmem:v62+s17+$0x0] =	vst.idx.msk $0xffff, v0  }
0x2c4: {  	v46 =	vshrl.u32 v46, $0x3;
	v0 =	vld [tilespmem:$0x1FEF0]  }
0x2c5: {  	v24 =	vmov v20;
	v43 =	vshrl.u32 v43, $0x3;
	v47 =	vshll.u32 v46, v1;
	v54 =	vld [tilespmem:s24+$0xFFFFFFF0];
	[tilespmem:v3+s17+$0x0] =	vst.idx.msk $0xffff, v2  }
0x2c6: {  	v46 =	vshll.u32 v43, v1;
	v43 =	vshll.u32 v58, v1;
	v45 =	vshll.u32 v59, v1;
	v20 =	vmovc v14;
	v28 =	vld [tilespmem:$0x1FF10]  }
0x2c7: {  	v14 =	vmovc v10;
	v10 =	vmovc v15;
	v55 =	vadd.s32 v22, v33;
	v22 =	vmov v18;
	v18 =	vmov v21;
	v21 =	vld [tilespmem:$0x1FF30]  }
0x2c8: {  	v15 =	vmovc v7;
	v53 =	vadd.s32 v12, v41;
	v12 =	vmovc v11;
	v11 =	vmov v23;
	v2 =	vmov v16;
	v17 =	vld [tilespmem:$0x1FF50]  }
0x2c9: {  	v23 =	vmovc v4;
	v40 =	vmul.f32 $8.000000000e+00, v40;
	v16 =	vmovc v13;
	v7 =	vmov v2;
	v13 =	vld [tilespmem:$0x1FF90];
	v48 =	vadd.s32 v6, v39  }
0x2ca: {  	s28 =	simm.s32 $0xF;
	s26 =	simm.s32 $0x10;
	v39 =	vmul.f32 $8.000000000e+00, v63;
	v6 =	vmovc v25;
	v25 =	vmovc v19;
	v19 =	vmov v5;
	v41 =	vadd.s32 v0, v9;
	v9 =	vld [tilespmem:$0x1FF70]  }
.LBB2_15:
0x2cb: {  	_ = 	snop  }
0x2cc: {  	v0 =	vmov s28  }
0x2cd: {  	v2 =	vadd.s32 v28, v37;
	v3 =	vld [tilespmem:s24+$0x30];
	v36 =	vadd.s32 v21, v36;
	[tilespmem:v55+s17+$0x0] =	vst.idx.msk $0xffff, v39;
	v63 =	vmul.f32 $8.000000000e+00, v56  }
0x2ce: {  	v35 =	vadd.s32 v17, v35;
	v0 =	vshrl.u32 v0, $0x3;
	[tilespmem:v51+s17+$0x0] =	vst.idx.msk $0xffff, v40;
	v57 =	vld [tilespmem:s24+$0x70];
	v56 =	vmul.f32 $8.000000000e+00, v50  }
0x2cf: {  	v33 =	vadd.s32 v9, v33;
	v0 =	vshll.u32 v0, v1;
	v59 =	vld [tilespmem:s24+$0xB0];
	s24 =	sadd.s32 $0x200, s24;
	v58 =	vmul.f32 $8.000000000e+00, v52;
	[tilespmem:v53+s17+$0x0] =	vst.idx.msk $0xffff, v63  }
0x2d0: {  	v42 =	vshll.u32 v42, v1;
	v40 =	vbroadcast v0, $0x0;
	v0 =	vmul.f32 $8.000000000e+00, v49;
	[tilespmem:v48+s17+$0x0] =	vst.idx.msk $0xffff, v56;
	v53 =	vld [tilespmem:s24+$0xC0]  }
0x2d1: {  	v34 =	vadd.s32 v13, v34;
	v39 =	vmov v38;
	v61 =	vmul.f32 $8.000000000e+00, v54;
	[tilespmem:v41+s17+$0x0] =	vst.idx.msk $0xffff, v58;
	v38 =	vld [tilespmem:s24+$0xFFFFFF00]  }
0x2d2: {  	v41 =	vbroadcast v47, $0x0;
	v63 =	vadd.s32 v32, v40;
	[tilespmem:v2+s17+$0x0] =	vst.idx.msk $0xffff, v0;
	v0 =	vmul.f32 $8.000000000e+00, v3;
	v62 =	vld [tilespmem:s24+$0xFFFFFF40]  }
0x2d3: {  	v37 =	vbroadcast v44, $0x0;
	v2 =	vadd.s32 v6, v39;
	[tilespmem:v36+s17+$0x0] =	vst.idx.msk $0xffff, v61;
	v3 =	vld [tilespmem:s24+$0xFFFFFF80];
	v60 =	vmul.f32 $8.000000000e+00, v57  }
0x2d4: {  	v36 =	vbroadcast v45, $0x0;
	v61 =	vld [tilespmem:s24+$0xFFFFFFC0];
	v48 =	vadd.s32 v10, v41;
	[tilespmem:v35+s17+$0x0] =	vst.idx.msk $0xffff, v0;
	v0 =	vmul.f32 $8.000000000e+00, v59  }
0x2d5: {  	v45 =	vadd.s32 v14, v37;
	v35 =	vbroadcast v46, $0x0;
	v51 =	vld [tilespmem:s24+$0x0];
	[tilespmem:v33+s17+$0x0] =	vst.idx.msk $0xffff, v60;
	v56 =	vmul.f32 $8.000000000e+00, v53  }
0x2d6: {  	v44 =	vadd.s32 v18, v36;
	v33 =	vbroadcast v43, $0x0;
	v57 =	vld [tilespmem:s24+$0x40];
	[tilespmem:v34+s17+$0x0] =	vst.idx.msk $0xffff, v0;
	v38 =	vmul.f32 $8.000000000e+00, v38  }
0x2d7: {  	v58 =	vadd.s32 v22, v35;
	v34 =	vbroadcast v42, $0x0;
	v59 =	vld [tilespmem:s24+$0x80];
	v0 =	vmul.f32 $8.000000000e+00, v62;
	[tilespmem:v63+s17+$0x0] =	vst.idx.msk $0xffff, v56  }
0x2d8: {  	[tilespmem:v2+s17+$0x0] =	vst.idx.msk $0xffff, v38;
	v2 =	vmul.f32 $8.000000000e+00, v3;
	v3 =	vadd.s32 v26, v33;
	v63 =	vld [tilespmem:s24+$0xD0]  }
0x2d9: {  	v47 =	vadd.s32 v30, v34;
	[tilespmem:v48+s17+$0x0] =	vst.idx.msk $0xffff, v0;
	v0 =	vmul.f32 $8.000000000e+00, v61;
	v60 =	vld [tilespmem:s24+$0xFFFFFF10]  }
0x2da: {  	v62 =	vmov s26;
	v61 =	vld [tilespmem:s24+$0xFFFFFF50];
	[tilespmem:v45+s17+$0x0] =	vst.idx.msk $0xffff, v2;
	v2 =	vmul.f32 $8.000000000e+00, v51;
	v45 =	vadd.s32 v29, v40  }
0x2db: {  	v53 =	vadd.s32 v7, v39;
	v42 =	vshrl.u32 v62, $0x3;
	[tilespmem:v44+s17+$0x0] =	vst.idx.msk $0xffff, v0;
	v0 =	vmul.f32 $8.000000000e+00, v57;
	v62 =	vld [tilespmem:s24+$0xFFFFFF90]  }
0x2dc: {  	v52 =	vadd.s32 v11, v41;
	v55 =	vld [tilespmem:s24+$0xFFFFFFD0];
	[tilespmem:v58+s17+$0x0] =	vst.idx.msk $0xffff, v2;
	v2 =	vmul.f32 $8.000000000e+00, v59  }
0x2dd: {  	s28 =	sadd.s32 $0x1, s26;
	v56 =	vld [tilespmem:s24+$0x10];
	[tilespmem:v3+s17+$0x0] =	vst.idx.msk $0xffff, v0;
	v0 =	vmul.f32 $8.000000000e+00, v63  }
0x2de: {  	v49 =	vadd.s32 v15, v37;
	v48 =	vmov s28;
	s28 =	sadd.s32 $0x2, s26;
	v63 =	vmul.f32 $8.000000000e+00, v60;
	v57 =	vld [tilespmem:s24+$0x50];
	[tilespmem:v47+s17+$0x0] =	vst.idx.msk $0xffff, v2  }
0x2df: {  	v51 =	vmov s28;
	s28 =	sadd.s32 $0x3, s26;
	v60 =	vadd.s32 v19, v36;
	v61 =	vmul.f32 $8.000000000e+00, v61;
	v58 =	vld [tilespmem:s24+$0x90];
	[tilespmem:v45+s17+$0x0] =	vst.idx.msk $0xffff, v0  }
0x2e0: {  	v50 =	vadd.s32 v23, v35;
	v44 =	vmov s28;
	[tilespmem:v53+s17+$0x0] =	vst.idx.msk $0xffff, v63;
	v45 =	vld [tilespmem:s24+$0xE0]  }
0x2e1: {  	s28 =	sadd.s32 $0x4, s26;
	v0 =	vshll.u32 v42, v1;
	v62 =	vmul.f32 $8.000000000e+00, v62;
	v42 =	vadd.s32 v27, v33;
	[tilespmem:v52+s17+$0x0] =	vst.idx.msk $0xffff, v61;
	v53 =	vld [tilespmem:s24+$0xFFFFFF20]  }
0x2e2: {  	v43 =	vmov s28;
	v63 =	vmul.f32 $8.000000000e+00, v55;
	v52 =	vadd.s32 v31, v34;
	v54 =	vld [tilespmem:s24+$0xFFFFFF60]  }
0x2e3: {  	s28 =	sadd.s32 $0x5, s26;
	v59 =	vshrl.u32 v44, $0x3;
	v44 =	vadd.s32 v25, v39;
	[tilespmem:v49+s17+$0x0] =	vst.idx.msk $0xffff, v62;
	v38 =	vmul.f32 $8.000000000e+00, v56;
	v56 =	vld [tilespmem:$0x1FF60]  }
0x2e4: {  	v3 =	vmov s28;
	s28 =	sadd.s32 $0x6, s26;
	v55 =	vld [tilespmem:s24+$0xFFFFFFA0];
	[tilespmem:v60+s17+$0x0] =	vst.idx.msk $0xffff, v63;
	v46 =	vmul.f32 $8.000000000e+00, v57;
	v57 =	vadd.s32 v12, v41  }
0x2e5: {  	v2 =	vmov s28;
	v49 =	vadd.s32 v8, v40;
	v60 =	vld [tilespmem:s24+$0xFFFFFFE0];
	[tilespmem:v50+s17+$0x0] =	vst.idx.msk $0xffff, v38;
	v50 =	vmul.f32 $8.000000000e+00, v58  }
0x2e6: {  	v58 =	vadd.s32 v16, v37;
	v61 =	vld [tilespmem:s24+$0x20];
	[tilespmem:v42+s17+$0x0] =	vst.idx.msk $0xffff, v46;
	v42 =	vshrl.u32 v2, $0x3;
	v2 =	vmul.f32 $8.000000000e+00, v53  }
0x2e7: {  	v62 =	vadd.s32 v20, v36;
	v38 =	vbroadcast v0, $0x0;
	v63 =	vld [tilespmem:s24+$0x60];
	[tilespmem:v52+s17+$0x0] =	vst.idx.msk $0xffff, v50;
	v0 =	vmul.f32 $8.000000000e+00, v54  }
0x2e8: {  	v45 =	vmul.f32 $8.000000000e+00, v45;
	v5 =	vld [tilespmem:s24+$0xA0];
	[tilespmem:v44+s17+$0x0] =	vst.idx.msk $0xffff, v2  }
0x2e9: {  	v2 =	vmul.f32 $8.000000000e+00, v55;
	[tilespmem:v57+s17+$0x0] =	vst.idx.msk $0xffff, v0;
	v57 =	vld [tilespmem:$0x1FF80]  }
0x2ea: {  	[tilespmem:v49+s17+$0x0] =	vst.idx.msk $0xffff, v45;
	v0 =	vmul.f32 $8.000000000e+00, v60;
	v60 =	vld [tilespmem:$0x1FFA0]  }
0x2eb: {  	[tilespmem:v58+s17+$0x0] =	vst.idx.msk $0xffff, v2;
	v2 =	vmul.f32 $8.000000000e+00, v61;
	v61 =	vld [tilespmem:$0x1FED0]  }
0x2ec: {  	p2 =	slt.u32 s26, $0x78;
	v4 =	vadd.s32 v24, v35;
	v48 =	vshrl.u32 v48, $0x3;
	[tilespmem:v62+s17+$0x0] =	vst.idx.msk $0xffff, v0;
	v0 =	vld [tilespmem:$0x1FEF0]  }
.Ltmp8:
0x2ed: {  	v51 =	vshrl.u32 v51, $0x3;
	v43 =	vshrl.u32 v43, $0x3;
	v55 =	vadd.s32 v56, v33;
	v56 =	vld [tilespmem:s24+$0xF0];
	(pc) =	sbr.rel @p2 .LBB2_15-.Ltmp8, $4  }
0x2ee: {  	v3 =	vshrl.u32 v3, $0x3;
	v47 =	vshll.u32 v48, v1;
	v46 =	vshll.u32 v43, v1;
	v50 =	vld [tilespmem:s24+$0xFFFFFF30]  }
0x2ef: {  	v43 =	vshll.u32 v3, v1;
	v44 =	vshll.u32 v51, v1;
	v45 =	vshll.u32 v59, v1;
	v52 =	vld [tilespmem:s24+$0xFFFFFF70]  }
0x2f0: {  	v49 =	vld [tilespmem:s24+$0xFFFFFFB0];
	v51 =	vadd.s32 v57, v34;
	v53 =	vadd.s32 v60, v40;
	v40 =	vmul.f32 $8.000000000e+00, v5  }
0x2f1: {  	s28 =	sadd.s32 $0x7, s26;
	s26 =	sadd.s32 $0x8, s26;
	v54 =	vld [tilespmem:s24+$0xFFFFFFF0];
	[tilespmem:v4+s17+$0x0] =	vst.idx.msk $0xffff, v2;
	v48 =	vadd.s32 v61, v39;
	v39 =	vmul.f32 $8.000000000e+00, v63;
	v41 =	vadd.s32 v0, v41  }
0x2f2: {  	_ =	sdelay $0x3  }
0x2f3: {  	v0 =	vmov s28;
	v2 =	vadd.s32 v28, v37;
	v3 =	vld [tilespmem:s24+$0x30];
	v4 =	vmul.f32 $8.000000000e+00, v56;
	[tilespmem:v55+s17+$0x0] =	vst.idx.msk $0xffff, v39  }
0x2f4: {  	v36 =	vadd.s32 v21, v36;
	[tilespmem:v51+s17+$0x0] =	vst.idx.msk $0xffff, v40;
	v0 =	vshrl.u32 v0, $0x3;
	v5 =	vmul.f32 $8.000000000e+00, v50;
	v58 =	vld [tilespmem:s24+$0x70]  }
0x2f5: {  	v35 =	vadd.s32 v17, v35;
	s28 =	sadd.s32 $0x200, s24;
	v40 =	vld [tilespmem:s24+$0xB0];
	v0 =	vshll.u32 v0, v1;
	v59 =	vmul.f32 $8.000000000e+00, v52;
	[tilespmem:v53+s17+$0x0] =	vst.idx.msk $0xffff, v4  }
0x2f6: {  	v33 =	vadd.s32 v9, v33;
	v4 =	vld [tilespmem:s28+$0xC0];
	v0 =	vbroadcast v0, $0x0;
	[tilespmem:v48+s17+$0x0] =	vst.idx.msk $0xffff, v5;
	v5 =	vmul.f32 $8.000000000e+00, v49  }
0x2f7: {  	v42 =	vshll.u32 v42, v1;
	v34 =	vadd.s32 v13, v34;
	v60 =	vld [tilespmem:s28+$0xFFFFFF00];
	[tilespmem:v41+s17+$0x0] =	vst.idx.msk $0xffff, v59;
	v61 =	vmul.f32 $8.000000000e+00, v54  }
0x2f8: {  	v47 =	vbroadcast v47, $0x0;
	v62 =	vld [tilespmem:s28+$0xFFFFFF40];
	v63 =	vadd.s32 v32, v0;
	[tilespmem:v2+s17+$0x0] =	vst.idx.msk $0xffff, v5;
	v2 =	vmul.f32 $8.000000000e+00, v3  }
0x2f9: {  	v44 =	vbroadcast v44, $0x0;
	v3 =	vadd.s32 v6, v38;
	v5 =	vld [tilespmem:s28+$0xFFFFFF80];
	[tilespmem:v36+s17+$0x0] =	vst.idx.msk $0xffff, v61;
	v51 =	vmul.f32 $8.000000000e+00, v58  }
0x2fa: {  	v45 =	vbroadcast v45, $0x0;
	v53 =	vadd.s32 v10, v47;
	v54 =	vld [tilespmem:s28+$0xFFFFFFC0];
	[tilespmem:v35+s17+$0x0] =	vst.idx.msk $0xffff, v2;
	v2 =	vmul.f32 $8.000000000e+00, v40  }
0x2fb: {  	v46 =	vbroadcast v46, $0x0;
	v56 =	vld [tilespmem:s28+$0x0];
	v55 =	vadd.s32 v14, v44;
	v4 =	vmul.f32 $8.000000000e+00, v4;
	[tilespmem:v33+s17+$0x0] =	vst.idx.msk $0xffff, v51  }
0x2fc: {  	v43 =	vbroadcast v43, $0x0;
	v59 =	vld [tilespmem:s28+$0x40];
	v57 =	vmul.f32 $8.000000000e+00, v60;
	v58 =	vadd.s32 v18, v45;
	[tilespmem:v34+s17+$0x0] =	vst.idx.msk $0xffff, v2  }
0x2fd: {  	v42 =	vbroadcast v42, $0x0;
	v60 =	vadd.s32 v22, v46;
	v61 =	vld [tilespmem:s28+$0x80];
	v2 =	vmul.f32 $8.000000000e+00, v62;
	[tilespmem:v63+s17+$0x0] =	vst.idx.msk $0xffff, v4  }
0x2fe: {  	[tilespmem:v3+s17+$0x0] =	vst.idx.msk $0xffff, v57;
	v3 =	vmul.f32 $8.000000000e+00, v5;
	v4 =	vadd.s32 v26, v43;
	v5 =	vld [tilespmem:s28+$0xD0]  }
0x2ff: {  	v62 =	vadd.s32 v30, v42;
	v33 =	vld [tilespmem:s28+$0xFFFFFF10];
	[tilespmem:v53+s17+$0x0] =	vst.idx.msk $0xffff, v2;
	v2 =	vmul.f32 $8.000000000e+00, v54  }
0x300: {  	v54 =	vadd.s32 v29, v0;
	v63 =	vld [tilespmem:s28+$0xFFFFFF50];
	[tilespmem:v55+s17+$0x0] =	vst.idx.msk $0xffff, v3;
	v3 =	vmul.f32 $8.000000000e+00, v56  }
0x301: {  	v55 =	vadd.s32 v7, v38;
	v56 =	vld [tilespmem:s28+$0xFFFFFF90];
	[tilespmem:v58+s17+$0x0] =	vst.idx.msk $0xffff, v2;
	v2 =	vmul.f32 $8.000000000e+00, v59  }
0x302: {  	v57 =	vadd.s32 v11, v47;
	v58 =	vld [tilespmem:s28+$0xFFFFFFD0];
	[tilespmem:v60+s17+$0x0] =	vst.idx.msk $0xffff, v3;
	v3 =	vmul.f32 $8.000000000e+00, v61  }
0x303: {  	v59 =	vadd.s32 v15, v44;
	v60 =	vld [tilespmem:s28+$0x10];
	[tilespmem:v4+s17+$0x0] =	vst.idx.msk $0xffff, v2;
	v2 =	vmul.f32 $8.000000000e+00, v5  }
0x304: {  	v4 =	vmul.f32 $8.000000000e+00, v33;
	v5 =	vadd.s32 v19, v45;
	v61 =	vld [tilespmem:s28+$0x50];
	[tilespmem:v62+s17+$0x0] =	vst.idx.msk $0xffff, v3  }
0x305: {  	v62 =	vadd.s32 v23, v46;
	v3 =	vmul.f32 $8.000000000e+00, v63;
	v63 =	vld [tilespmem:s28+$0x90];
	[tilespmem:v54+s17+$0x0] =	vst.idx.msk $0xffff, v2  }
0x306: {  	[tilespmem:v55+s17+$0x0] =	vst.idx.msk $0xffff, v4;
	v2 =	vmul.f32 $8.000000000e+00, v56;
	v4 =	vadd.s32 v27, v43;
	v35 =	vld [tilespmem:s28+$0xE0]  }
0x307: {  	v53 =	vadd.s32 v31, v42;
	v40 =	vld [tilespmem:s28+$0xFFFFFF20];
	[tilespmem:v57+s17+$0x0] =	vst.idx.msk $0xffff, v3;
	v3 =	vmul.f32 $8.000000000e+00, v58  }
0x308: {  	v55 =	vadd.s32 v8, v0;
	v54 =	vld [tilespmem:s28+$0xFFFFFF60];
	[tilespmem:v59+s17+$0x0] =	vst.idx.msk $0xffff, v2;
	v2 =	vmul.f32 $8.000000000e+00, v60  }
0x309: {  	v56 =	vadd.s32 v25, v38;
	v57 =	vld [tilespmem:s28+$0xFFFFFFA0];
	[tilespmem:v5+s17+$0x0] =	vst.idx.msk $0xffff, v3;
	v3 =	vmul.f32 $8.000000000e+00, v61  }
0x30a: {  	v5 =	vadd.s32 v12, v47;
	[tilespmem:v62+s17+$0x0] =	vst.idx.msk $0xffff, v2;
	v2 =	vmul.f32 $8.000000000e+00, v63  }
0x30b: {  	v59 =	vadd.s32 v16, v44;
	[tilespmem:v4+s17+$0x0] =	vst.idx.msk $0xffff, v3;
	v3 =	vmul.f32 $8.000000000e+00, v35  }
0x30c: {  	v4 =	vmul.f32 $8.000000000e+00, v40;
	[tilespmem:v53+s17+$0x0] =	vst.idx.msk $0xffff, v2  }
0x30d: {  	v2 =	vmul.f32 $8.000000000e+00, v54;
	[tilespmem:v55+s17+$0x0] =	vst.idx.msk $0xffff, v3  }
0x30e: {  	[tilespmem:v56+s17+$0x0] =	vst.idx.msk $0xffff, v4;
	v3 =	vmul.f32 $8.000000000e+00, v57  }
0x30f: {  	v4 =	vld [tilespmem:$0x1FF60];
	[tilespmem:v5+s17+$0x0] =	vst.idx.msk $0xffff, v2  }
0x310: {  	v51 =	vmov v7;
	v7 =	vmov v11;
	v11 =	vmov v15;
	v5 =	vld [tilespmem:$0x1FF80];
	[tilespmem:v59+s17+$0x0] =	vst.idx.msk $0xffff, v3  }
0x311: {  	v15 =	vmovc v19;
	v19 =	vmovc v23;
	v23 =	vmov v27;
	v27 =	vmov v31;
	v31 =	vmov v8;
	v8 =	vld [tilespmem:$0x1FFA0];
	_ =	sdelay $0x1  }
0x312: {  	v58 =	vld [tilespmem:s28+$0xFFFFFFE0];
	_ =	sdelay $0x1  }
0x313: {  	v61 =	vadd.s32 v20, v45  }
0x314: {  	v0 =	vadd.s32 v8, v0;
	v8 =	vld [tilespmem:$0x1FED0]  }
0x315: {  	v60 =	vld [tilespmem:s28+$0x20]  }
0x316: {  	v62 =	vld [tilespmem:s28+$0x60];
	v2 =	vmul.f32 $8.000000000e+00, v58  }
0x317: {  	v63 =	vadd.s32 v24, v46;
	v53 =	vld [tilespmem:s28+$0xA0]  }
0x318: {  	v34 =	vld [tilespmem:s28+$0xF0];
	v4 =	vadd.s32 v4, v43;
	[tilespmem:v61+s17+$0x0] =	vst.idx.msk $0xffff, v2  }
0x319: {  	v5 =	vadd.s32 v5, v42;
	v55 =	vadd.s32 v8, v38;
	v8 =	vld [tilespmem:$0x1FEF0]  }
0x31a: {  	v41 =	vld [tilespmem:s28+$0xFFFFFF30];
	v3 =	vmul.f32 $8.000000000e+00, v60  }
0x31b: {  	v56 =	vld [tilespmem:s28+$0xFFFFFFB0];
	v2 =	vmul.f32 $8.000000000e+00, v62  }
0x31c: {  	v54 =	vld [tilespmem:s28+$0xFFFFFF70];
	[tilespmem:v63+s17+$0x0] =	vst.idx.msk $0xffff, v3;
	v3 =	vmul.f32 $8.000000000e+00, v53  }
0x31d: {  	v59 =	vadd.s32 v28, v44;
	[tilespmem:v4+s17+$0x0] =	vst.idx.msk $0xffff, v2;
	v60 =	vld [tilespmem:s28+$0x30]  }
0x31e: {  	v58 =	vld [tilespmem:s28+$0xFFFFFFF0];
	v2 =	vmul.f32 $8.000000000e+00, v34;
	[tilespmem:v5+s17+$0x0] =	vst.idx.msk $0xffff, v3;
	v57 =	vadd.s32 v8, v47  }
0x31f: {  	v4 =	vmul.f32 $8.000000000e+00, v41;
	v5 =	vadd.s32 v17, v46;
	v63 =	vld [tilespmem:s28+$0xB0]  }
0x320: {  	v61 =	vadd.s32 v21, v45;
	v62 =	vld [tilespmem:s28+$0x70];
	[tilespmem:v0+s17+$0x0] =	vst.idx.msk $0xffff, v2;
	v0 =	vmul.f32 $8.000000000e+00, v56  }
0x321: {  	v3 =	vmul.f32 $8.000000000e+00, v54;
	[tilespmem:v55+s17+$0x0] =	vst.idx.msk $0xffff, v4;
	v4 =	vadd.s32 v13, v42  }
0x322: {  	v2 =	vadd.s32 v9, v43;
	[tilespmem:v59+s17+$0x0] =	vst.idx.msk $0xffff, v0;
	v0 =	vmul.f32 $8.000000000e+00, v60  }
0x323: {  	[tilespmem:v57+s17+$0x0] =	vst.idx.msk $0xffff, v3;
	v3 =	vmul.f32 $8.000000000e+00, v58  }
0x324: {  	[tilespmem:v5+s17+$0x0] =	vst.idx.msk $0xffff, v0;
	v0 =	vmul.f32 $8.000000000e+00, v63  }
0x325: {  	[tilespmem:v61+s17+$0x0] =	vst.idx.msk $0xffff, v3;
	v3 =	vmul.f32 $8.000000000e+00, v62  }
0x326: {  	[tilespmem:v4+s17+$0x0] =	vst.idx.msk $0xffff, v0  }
0x327: {  	[tilespmem:v2+s17+$0x0] =	vst.idx.msk $0xffff, v3  }
0x328: {  	s26 =	rddreg [dreg:$0x14]  }
0x329: {  	s24 =	sadd.s32 s22, s26  }
0x32a: {  	[hbm4b:s24+s3] =	stream.linear.scatter [tilespmem:s17], [sflag:$0x7], $0x80, $0x38;
	[tilespmem:$0x16C00] =	vst v63  }
0x32b: {  	s28 =	simm.s32 $0x12888;
	s26 =	sadd.s32 $0x10, s24  }
0x32c: {  	[hbm4b:s26+s3] =	stream.linear.scatter [tilespmem:s28], [sflag:$0x7], $0x80, $0x38;
	[tilespmem:$0x16C00] =	vst v63  }
0x32d: {  	s26 =	sadd.s32 $0x20, s24;
	s28 =	simm.s32 $0x12910  }
0x32e: {  	[hbm4b:s26+s3] =	stream.linear.scatter [tilespmem:s28], [sflag:$0x7], $0x80, $0x38;
	[tilespmem:$0x16C00] =	vst v63  }
0x32f: {  	s26 =	sadd.s32 $0x30, s24;
	s28 =	simm.s32 $0x12998  }
0x330: {  	[hbm4b:s26+s3] =	stream.linear.scatter [tilespmem:s28], [sflag:$0x7], $0x80, $0x38;
	[tilespmem:$0x16C00] =	vst v63  }
0x331: {  	s26 =	sadd.s32 $0x40, s24;
	s28 =	simm.s32 $0x12A20  }
0x332: {  	[hbm4b:s26+s3] =	stream.linear.scatter [tilespmem:s28], [sflag:$0x7], $0x80, $0x38;
	[tilespmem:$0x16C00] =	vst v63  }
0x333: {  	s26 =	sadd.s32 $0x50, s24;
	s28 =	simm.s32 $0x12AA8  }
0x334: {  	[hbm4b:s26+s3] =	stream.linear.scatter [tilespmem:s28], [sflag:$0x7], $0x80, $0x38;
	[tilespmem:$0x16C00] =	vst v63  }
0x335: {  	s26 =	sadd.s32 $0x60, s24;
	s28 =	simm.s32 $0x12B30  }
0x336: {  	[hbm4b:s26+s3] =	stream.linear.scatter [tilespmem:s28], [sflag:$0x7], $0x80, $0x38;
	[tilespmem:$0x16C00] =	vst v63  }
0x337: {  	s24 =	sadd.s32 $0x70, s24;
	s28 =	simm.s32 $0x12BB8;
	s26 =	rddreg [dreg:$0x15]  }
0x338: {  	[hbm4b:s24+s3] =	stream.linear.scatter [tilespmem:s28], [sflag:$0x7], $0x80, $0x38;
	[tilespmem:$0x16C00] =	vst v63  }
0x339: {  	s24 =	sadd.s32 s22, s26;
	s28 =	simm.s32 $0x12C40  }
0x33a: {  	[hbm4b:s24+s3] =	stream.linear.scatter [tilespmem:s28], [sflag:$0x7], $0x80, $0x38;
	[tilespmem:$0x16C00] =	vst v63  }
0x33b: {  	s26 =	sadd.s32 $0x10, s24;
	s28 =	simm.s32 $0x12CC8  }
0x33c: {  	[hbm4b:s26+s3] =	stream.linear.scatter [tilespmem:s28], [sflag:$0x7], $0x80, $0x38;
	[tilespmem:$0x16C00] =	vst v63  }
0x33d: {  	s26 =	sadd.s32 $0x20, s24;
	s28 =	simm.s32 $0x12D50  }
0x33e: {  	[hbm4b:s26+s3] =	stream.linear.scatter [tilespmem:s28], [sflag:$0x7], $0x80, $0x38;
	[tilespmem:$0x16C00] =	vst v63  }
0x33f: {  	s26 =	sadd.s32 $0x30, s24;
	s28 =	simm.s32 $0x12DD8  }
0x340: {  	[hbm4b:s26+s3] =	stream.linear.scatter [tilespmem:s28], [sflag:$0x7], $0x80, $0x38;
	[tilespmem:$0x16C00] =	vst v63  }
0x341: {  	s26 =	sadd.s32 $0x40, s24;
	s28 =	simm.s32 $0x12E60  }
0x342: {  	[hbm4b:s26+s3] =	stream.linear.scatter [tilespmem:s28], [sflag:$0x7], $0x80, $0x38;
	[tilespmem:$0x16C00] =	vst v63  }
0x343: {  	s26 =	sadd.s32 $0x50, s24;
	s28 =	simm.s32 $0x12EE8  }
0x344: {  	[hbm4b:s26+s3] =	stream.linear.scatter [tilespmem:s28], [sflag:$0x7], $0x80, $0x38;
	[tilespmem:$0x16C00] =	vst v63  }
0x345: {  	s26 =	sadd.s32 $0x60, s24;
	s28 =	simm.s32 $0x12F70  }
0x346: {  	[hbm4b:s26+s3] =	stream.linear.scatter [tilespmem:s28], [sflag:$0x7], $0x80, $0x38;
	[tilespmem:$0x16C00] =	vst v63  }
0x347: {  	s24 =	sadd.s32 $0x70, s24;
	s28 =	simm.s32 $0x12FF8;
	s26 =	rddreg [dreg:$0x16]  }
0x348: {  	[hbm4b:s24+s3] =	stream.linear.scatter [tilespmem:s28], [sflag:$0x7], $0x80, $0x38;
	[tilespmem:$0x16C00] =	vst v63  }
0x349: {  	s24 =	sadd.s32 s22, s26;
	s28 =	simm.s32 $0x13080  }
0x34a: {  	[hbm4b:s24+s3] =	stream.linear.scatter [tilespmem:s28], [sflag:$0x7], $0x80, $0x38;
	[tilespmem:$0x16C00] =	vst v63  }
0x34b: {  	s26 =	sadd.s32 $0x10, s24;
	s28 =	simm.s32 $0x13108  }
0x34c: {  	[hbm4b:s26+s3] =	stream.linear.scatter [tilespmem:s28], [sflag:$0x7], $0x80, $0x38;
	[tilespmem:$0x16C00] =	vst v63  }
0x34d: {  	s26 =	sadd.s32 $0x20, s24;
	s28 =	simm.s32 $0x13190  }
0x34e: {  	[hbm4b:s26+s3] =	stream.linear.scatter [tilespmem:s28], [sflag:$0x7], $0x80, $0x38;
	[tilespmem:$0x16C00] =	vst v63  }
0x34f: {  	s26 =	sadd.s32 $0x30, s24;
	s28 =	simm.s32 $0x13218  }
0x350: {  	[hbm4b:s26+s3] =	stream.linear.scatter [tilespmem:s28], [sflag:$0x7], $0x80, $0x38;
	[tilespmem:$0x16C00] =	vst v63  }
0x351: {  	s26 =	sadd.s32 $0x40, s24;
	s28 =	simm.s32 $0x132A0  }
0x352: {  	[hbm4b:s26+s3] =	stream.linear.scatter [tilespmem:s28], [sflag:$0x7], $0x80, $0x38;
	[tilespmem:$0x16C00] =	vst v63  }
0x353: {  	s26 =	sadd.s32 $0x50, s24;
	s28 =	simm.s32 $0x13328  }
0x354: {  	[hbm4b:s26+s3] =	stream.linear.scatter [tilespmem:s28], [sflag:$0x7], $0x80, $0x38;
	[tilespmem:$0x16C00] =	vst v63  }
0x355: {  	s26 =	sadd.s32 $0x60, s24;
	s28 =	simm.s32 $0x133B0  }
0x356: {  	[hbm4b:s26+s3] =	stream.linear.scatter [tilespmem:s28], [sflag:$0x7], $0x80, $0x38;
	[tilespmem:$0x16C00] =	vst v63  }
0x357: {  	s24 =	sadd.s32 $0x70, s24;
	s28 =	simm.s32 $0x13438;
	s26 =	rddreg [dreg:$0x18]  }
0x358: {  	[hbm4b:s24+s3] =	stream.linear.scatter [tilespmem:s28], [sflag:$0x7], $0x80, $0x38;
	[tilespmem:$0x16C00] =	vst v63  }
0x359: {  	s24 =	sadd.s32 s22, s26;
	s28 =	simm.s32 $0x134C0  }
0x35a: {  	[hbm4b:s24+s3] =	stream.linear.scatter [tilespmem:s28], [sflag:$0x7], $0x80, $0x38;
	[tilespmem:$0x16C00] =	vst v63  }
0x35b: {  	s26 =	sadd.s32 $0x10, s24;
	s28 =	simm.s32 $0x13548  }
0x35c: {  	[hbm4b:s26+s3] =	stream.linear.scatter [tilespmem:s28], [sflag:$0x7], $0x80, $0x38;
	[tilespmem:$0x16C00] =	vst v63  }
0x35d: {  	s26 =	sadd.s32 $0x20, s24;
	s28 =	simm.s32 $0x135D0  }
0x35e: {  	[hbm4b:s26+s3] =	stream.linear.scatter [tilespmem:s28], [sflag:$0x7], $0x80, $0x38;
	[tilespmem:$0x16C00] =	vst v63  }
0x35f: {  	s26 =	sadd.s32 $0x30, s24;
	s28 =	simm.s32 $0x13658  }
0x360: {  	[hbm4b:s26+s3] =	stream.linear.scatter [tilespmem:s28], [sflag:$0x7], $0x80, $0x38;
	[tilespmem:$0x16C00] =	vst v63  }
0x361: {  	s26 =	sadd.s32 $0x40, s24;
	s28 =	simm.s32 $0x136E0  }
0x362: {  	[hbm4b:s26+s3] =	stream.linear.scatter [tilespmem:s28], [sflag:$0x7], $0x80, $0x38;
	[tilespmem:$0x16C00] =	vst v63  }
0x363: {  	s26 =	sadd.s32 $0x50, s24;
	s28 =	simm.s32 $0x13768  }
0x364: {  	[hbm4b:s26+s3] =	stream.linear.scatter [tilespmem:s28], [sflag:$0x7], $0x80, $0x38;
	[tilespmem:$0x16C00] =	vst v63  }
0x365: {  	s26 =	sadd.s32 $0x60, s24;
	s28 =	simm.s32 $0x137F0  }
0x366: {  	[hbm4b:s26+s3] =	stream.linear.scatter [tilespmem:s28], [sflag:$0x7], $0x80, $0x38;
	[tilespmem:$0x16C00] =	vst v63  }
0x367: {  	s24 =	sadd.s32 $0x70, s24;
	s28 =	simm.s32 $0x13878;
	s26 =	rddreg [dreg:$0x19]  }
0x368: {  	[hbm4b:s24+s3] =	stream.linear.scatter [tilespmem:s28], [sflag:$0x7], $0x80, $0x38;
	[tilespmem:$0x16C00] =	vst v63  }
0x369: {  	s24 =	sadd.s32 s22, s26;
	s28 =	simm.s32 $0x13900  }
0x36a: {  	[hbm4b:s24+s3] =	stream.linear.scatter [tilespmem:s28], [sflag:$0x7], $0x80, $0x38;
	[tilespmem:$0x16C00] =	vst v63  }
0x36b: {  	s26 =	sadd.s32 $0x10, s24;
	s28 =	simm.s32 $0x13988  }
0x36c: {  	[hbm4b:s26+s3] =	stream.linear.scatter [tilespmem:s28], [sflag:$0x7], $0x80, $0x38;
	[tilespmem:$0x16C00] =	vst v63  }
0x36d: {  	s26 =	sadd.s32 $0x20, s24;
	s28 =	simm.s32 $0x13A10  }
0x36e: {  	[hbm4b:s26+s3] =	stream.linear.scatter [tilespmem:s28], [sflag:$0x7], $0x80, $0x38;
	[tilespmem:$0x16C00] =	vst v63  }
0x36f: {  	s26 =	sadd.s32 $0x30, s24;
	s28 =	simm.s32 $0x13A98  }
0x370: {  	[hbm4b:s26+s3] =	stream.linear.scatter [tilespmem:s28], [sflag:$0x7], $0x80, $0x38;
	[tilespmem:$0x16C00] =	vst v63  }
0x371: {  	s26 =	sadd.s32 $0x40, s24;
	s28 =	simm.s32 $0x13B20  }
0x372: {  	[hbm4b:s26+s3] =	stream.linear.scatter [tilespmem:s28], [sflag:$0x7], $0x80, $0x38;
	[tilespmem:$0x16C00] =	vst v63  }
0x373: {  	s26 =	sadd.s32 $0x50, s24;
	s28 =	simm.s32 $0x13BA8  }
0x374: {  	[hbm4b:s26+s3] =	stream.linear.scatter [tilespmem:s28], [sflag:$0x7], $0x80, $0x38;
	[tilespmem:$0x16C00] =	vst v63  }
0x375: {  	s26 =	sadd.s32 $0x60, s24;
	s28 =	simm.s32 $0x13C30  }
0x376: {  	[hbm4b:s26+s3] =	stream.linear.scatter [tilespmem:s28], [sflag:$0x7], $0x80, $0x38;
	[tilespmem:$0x16C00] =	vst v63  }
0x377: {  	s24 =	sadd.s32 $0x70, s24;
	s28 =	simm.s32 $0x13CB8  }
0x378: {  	[hbm4b:s24+s3] =	stream.linear.scatter [tilespmem:s28], [sflag:$0x7], $0x80, $0x38;
	[tilespmem:$0x16C00] =	vst v63  }
0x379: {  	s24 =	sadd.s32 s22, s29;
	s28 =	simm.s32 $0x13D40  }
0x37a: {  	[hbm4b:s24+s3] =	stream.linear.scatter [tilespmem:s28], [sflag:$0x7], $0x80, $0x38;
	[tilespmem:$0x16C00] =	vst v63  }
0x37b: {  	s26 =	sadd.s32 $0x10, s24;
	s28 =	simm.s32 $0x13DC8  }
0x37c: {  	[hbm4b:s26+s3] =	stream.linear.scatter [tilespmem:s28], [sflag:$0x7], $0x80, $0x38;
	[tilespmem:$0x16C00] =	vst v63  }
0x37d: {  	s26 =	sadd.s32 $0x20, s24;
	s28 =	simm.s32 $0x13E50  }
0x37e: {  	[hbm4b:s26+s3] =	stream.linear.scatter [tilespmem:s28], [sflag:$0x7], $0x80, $0x38;
	[tilespmem:$0x16C00] =	vst v63  }
0x37f: {  	s26 =	sadd.s32 $0x30, s24;
	s28 =	simm.s32 $0x13ED8  }
0x380: {  	[hbm4b:s26+s3] =	stream.linear.scatter [tilespmem:s28], [sflag:$0x7], $0x80, $0x38;
	[tilespmem:$0x16C00] =	vst v63  }
0x381: {  	s26 =	sadd.s32 $0x40, s24;
	s28 =	simm.s32 $0x13F60  }
0x382: {  	[hbm4b:s26+s3] =	stream.linear.scatter [tilespmem:s28], [sflag:$0x7], $0x80, $0x38;
	[tilespmem:$0x16C00] =	vst v63  }
0x383: {  	s26 =	sadd.s32 $0x50, s24;
	s28 =	simm.s32 $0x13FE8  }
0x384: {  	[hbm4b:s26+s3] =	stream.linear.scatter [tilespmem:s28], [sflag:$0x7], $0x80, $0x38;
	[tilespmem:$0x16C00] =	vst v63  }
0x385: {  	s26 =	sadd.s32 $0x60, s24;
	s28 =	simm.s32 $0x14070  }
0x386: {  	[hbm4b:s26+s3] =	stream.linear.scatter [tilespmem:s28], [sflag:$0x7], $0x80, $0x38;
	[tilespmem:$0x16C00] =	vst v63  }
0x387: {  	s24 =	sadd.s32 $0x70, s24;
	s28 =	simm.s32 $0x140F8  }
0x388: {  	[hbm4b:s24+s3] =	stream.linear.scatter [tilespmem:s28], [sflag:$0x7], $0x80, $0x38;
	[tilespmem:$0x16C00] =	vst v63  }
0x389: {  	s24 =	sadd.s32 s22, s30;
	s28 =	simm.s32 $0x14180  }
0x38a: {  	[hbm4b:s24+s3] =	stream.linear.scatter [tilespmem:s28], [sflag:$0x7], $0x80, $0x38;
	[tilespmem:$0x16C00] =	vst v63  }
0x38b: {  	s26 =	sadd.s32 $0x10, s24;
	s28 =	simm.s32 $0x14208  }
0x38c: {  	[hbm4b:s26+s3] =	stream.linear.scatter [tilespmem:s28], [sflag:$0x7], $0x80, $0x38;
	[tilespmem:$0x16C00] =	vst v63  }
0x38d: {  	s26 =	sadd.s32 $0x20, s24;
	s28 =	simm.s32 $0x14290  }
0x38e: {  	[hbm4b:s26+s3] =	stream.linear.scatter [tilespmem:s28], [sflag:$0x7], $0x80, $0x38;
	[tilespmem:$0x16C00] =	vst v63  }
0x38f: {  	s26 =	sadd.s32 $0x30, s24;
	s28 =	simm.s32 $0x14318  }
0x390: {  	[hbm4b:s26+s3] =	stream.linear.scatter [tilespmem:s28], [sflag:$0x7], $0x80, $0x38;
	[tilespmem:$0x16C00] =	vst v63  }
0x391: {  	s26 =	sadd.s32 $0x40, s24;
	s28 =	simm.s32 $0x143A0  }
0x392: {  	[hbm4b:s26+s3] =	stream.linear.scatter [tilespmem:s28], [sflag:$0x7], $0x80, $0x38;
	[tilespmem:$0x16C00] =	vst v63  }
0x393: {  	s26 =	sadd.s32 $0x50, s24;
	s28 =	simm.s32 $0x14428  }
0x394: {  	[hbm4b:s26+s3] =	stream.linear.scatter [tilespmem:s28], [sflag:$0x7], $0x80, $0x38;
	[tilespmem:$0x16C00] =	vst v63  }
0x395: {  	s26 =	sadd.s32 $0x60, s24;
	s28 =	simm.s32 $0x144B0  }
0x396: {  	[hbm4b:s26+s3] =	stream.linear.scatter [tilespmem:s28], [sflag:$0x7], $0x80, $0x38;
	[tilespmem:$0x16C00] =	vst v63  }
0x397: {  	s24 =	sadd.s32 $0x70, s24;
	s28 =	simm.s32 $0x14538  }
0x398: {  	[hbm4b:s24+s3] =	stream.linear.scatter [tilespmem:s28], [sflag:$0x7], $0x80, $0x38;
	[tilespmem:$0x16C00] =	vst v63  }
0x399: {  	s24 =	sadd.s32 s22, s31;
	s28 =	simm.s32 $0x145C0  }
0x39a: {  	[hbm4b:s24+s3] =	stream.linear.scatter [tilespmem:s28], [sflag:$0x7], $0x80, $0x38;
	[tilespmem:$0x16C00] =	vst v63  }
0x39b: {  	s26 =	sadd.s32 $0x10, s24;
	s28 =	simm.s32 $0x14648  }
0x39c: {  	[hbm4b:s26+s3] =	stream.linear.scatter [tilespmem:s28], [sflag:$0x7], $0x80, $0x38;
	[tilespmem:$0x16C00] =	vst v63  }
0x39d: {  	s26 =	sadd.s32 $0x20, s24;
	s28 =	simm.s32 $0x146D0  }
0x39e: {  	[hbm4b:s26+s3] =	stream.linear.scatter [tilespmem:s28], [sflag:$0x7], $0x80, $0x38;
	[tilespmem:$0x16C00] =	vst v63  }
0x39f: {  	s26 =	sadd.s32 $0x30, s24;
	s28 =	simm.s32 $0x14758  }
0x3a0: {  	[hbm4b:s26+s3] =	stream.linear.scatter [tilespmem:s28], [sflag:$0x7], $0x80, $0x38;
	[tilespmem:$0x16C00] =	vst v63  }
0x3a1: {  	s26 =	sadd.s32 $0x40, s24;
	s28 =	simm.s32 $0x147E0  }
0x3a2: {  	[hbm4b:s26+s3] =	stream.linear.scatter [tilespmem:s28], [sflag:$0x7], $0x80, $0x38;
	[tilespmem:$0x16C00] =	vst v63  }
0x3a3: {  	s26 =	sadd.s32 $0x50, s24;
	s28 =	simm.s32 $0x14868  }
0x3a4: {  	[hbm4b:s26+s3] =	stream.linear.scatter [tilespmem:s28], [sflag:$0x7], $0x80, $0x38;
	[tilespmem:$0x16C00] =	vst v63  }
.Ltmp9:
0x3a5: {  	_ = 	snop;
	(pc) =	sbr.rel @p1 .LBB2_18-.Ltmp9, $4  }
0x3a6: {  	s26 =	sadd.s32 $0x60, s24;
	s28 =	simm.s32 $0x148F0  }
0x3a7: {  	[hbm4b:s26+s3] =	stream.linear.scatter [tilespmem:s28], [sflag:$0x7], $0x80, $0x38;
	[tilespmem:$0x16C00] =	vst v63  }
0x3a8: {  	v50 =	vmovc v6;
	v52 =	vmov v32;
	v6 =	vmov v10;
	v10 =	vmov v14;
	s24 =	sadd.s32 $0x70, s24;
	s28 =	simm.s32 $0x14978  }
0x3a9: {  	v14 =	vmovc v18;
	v18 =	vmovc v22;
	v22 =	vmov v26;
	v26 =	vmov v30;
	v30 =	vmov v29;
	[hbm4b:s24+s3] =	stream.linear.scatter [tilespmem:s28], [sflag:$0x7], $0x80, $0x38;
	[tilespmem:$0x16C00] =	vst v63  }
.Ltmp10:
0x3aa: {  	(pc) =	sbr.rel .LBB2_19-.Ltmp10, $4  }
0x3ab: {  	_ = 	snop  }
0x3ac: {  	_ =	swait.ge [sflag:s18], $0x2000  }
0x3ad: {  	[sflag:s18] =	ssyncset.done $0x0  }
0x3ae: {  	[sflag:s18] =	ssyncadd.s32 $0xFFFFE000  }
.LBB2_18:
.Ltmp11:
0x3af: {  	s23 =	sadd.s32 $0x300, s23;
	s24 =	simm.s32 $0xA400;
	(pc) =	sbr.rel @p0 .LBB2_20-.Ltmp11, $4  }
0x3b0: {  	[tilespmem:s24], [sflag:$0x3] =	stream.indirect.gather [hbm4b:s4+s9], $0x40, s23, s9, $0xb8;
	[tilespmem:$0x16C00] =	vst v63  }
0x3b1: {  	_ =	swait.ge [sflag:s18], $0x2000  }
0x3b2: {  	[sflag:s18] =	ssyncset.done $0x0  }
0x3b3: {  	[sflag:s18] =	ssyncadd.s32 $0xFFFFE000  }
.LBB2_19:
0x3b4: {  	_ =	swait.ge [sflag:s19], $0x400  }
0x3b5: {  	[sflag:s19] =	ssyncset.done $0x0  }
0x3b6: {  	[sflag:s19] =	ssyncadd.s32 $0xFFFFFC00  }
0x3b7: {  	_ =	swait.ge [sflag:s19], $0x400  }
0x3b8: {  	[sflag:s19] =	ssyncset.done $0x0  }
0x3b9: {  	[sflag:s19] =	ssyncadd.s32 $0xFFFFFC00  }
0x3ba: {  	_ =	swait.ge [sflag:s19], $0x400  }
0x3bb: {  	[sflag:s19] =	ssyncset.done $0x0  }
0x3bc: {  	[sflag:s19] =	ssyncadd.s32 $0xFFFFFC00  }
0x3bd: {  	_ =	swait.ge [sflag:s19], $0x400  }
0x3be: {  	[sflag:s19] =	ssyncset.done $0x0  }
0x3bf: {  	[sflag:s19] =	ssyncadd.s32 $0xFFFFFC00  }
0x3c0: {  	_ =	swait.ge [sflag:s19], $0x400  }
0x3c1: {  	[sflag:s19] =	ssyncset.done $0x0  }
0x3c2: {  	[sflag:s19] =	ssyncadd.s32 $0xFFFFFC00  }
0x3c3: {  	_ =	swait.ge [sflag:s19], $0x400  }
0x3c4: {  	[sflag:s19] =	ssyncset.done $0x0  }
0x3c5: {  	[sflag:s19] =	ssyncadd.s32 $0xFFFFFC00  }
0x3c6: {  	_ =	swait.ge [sflag:s19], $0x400  }
0x3c7: {  	[sflag:s19] =	ssyncset.done $0x0  }
0x3c8: {  	[sflag:s19] =	ssyncadd.s32 $0xFFFFFC00  }
0x3c9: {  	_ =	swait.ge [sflag:s19], $0x400  }
0x3ca: {  	[sflag:s19] =	ssyncset.done $0x0  }
0x3cb: {  	[sflag:s19] =	ssyncadd.s32 $0xFFFFFC00  }
.LBB2_20:
0x3cc: {  	s23 =	simm.s32 $0x0;
	s28 =	simm.s32 $0x1  }
0x3cd: {  	s24 =	simm.s32 $0x2;
	s26 =	simm.s32 $0x3;
	v0 =	vmov s23;
	v2 =	vmov s28  }
0x3ce: {  	v3 =	vmov s24;
	v4 =	vmov s26;
	s24 =	simm.s32 $0x4;
	s26 =	simm.s32 $0x5;
	s28 =	simm.s32 $0x6;
	v0 =	vshrl.u32 v0, $0x3  }
0x3cf: {  	v5 =	vmov s24;
	v33 =	vmov s26;
	v34 =	vmov s28  }
0x3d0: {  	s26 =	simm.s32 $0x7;
	v2 =	vshrl.u32 v2, $0x3;
	v3 =	vshrl.u32 v3, $0x3;
	v4 =	vshrl.u32 v4, $0x3  }
0x3d1: {  	v0 =	vshll.u32 v0, v1;
	v35 =	vmov s26;
	v5 =	vshrl.u32 v5, $0x3  }
0x3d2: {  	s23 =	simm.s32 $0xC500;
	v33 =	vshrl.u32 v33, $0x3;
	v34 =	vshrl.u32 v34, $0x3;
	v35 =	vshrl.u32 v35, $0x3  }
0x3d3: {  	v38 =	vld [tilespmem:s23+$0xFFFFFF00];
	v2 =	vshll.u32 v2, v1;
	v39 =	vbroadcast v0, $0x0;
	v35 =	vshll.u32 v35, v1  }
0x3d4: {  	v3 =	vshll.u32 v3, v1;
	v4 =	vshll.u32 v4, v1;
	v0 =	vld [tilespmem:s23+$0xC0];
	v41 =	vbroadcast v35, $0x0  }
0x3d5: {  	v42 =	vld [tilespmem:s23+$0xFFFFFF40];
	v5 =	vshll.u32 v5, v1;
	v40 =	vbroadcast v2, $0x0;
	v43 =	vadd.s32 v50, v39  }
0x3d6: {  	v44 =	vld [tilespmem:s23+$0xFFFFFF80];
	v33 =	vshll.u32 v33, v1;
	v37 =	vbroadcast v3, $0x0;
	v2 =	vadd.s32 v52, v41  }
0x3d7: {  	v46 =	vld [tilespmem:s23+$0xFFFFFFC0];
	v3 =	vshll.u32 v34, v1;
	v36 =	vbroadcast v4, $0x0;
	v45 =	vadd.s32 v6, v40  }
0x3d8: {  	v47 =	vld [tilespmem:s23+$0x0];
	v4 =	vadd.s32 v10, v37;
	v35 =	vbroadcast v5, $0x0;
	v5 =	vmul.f32 $8.000000000e+00, v38  }
0x3d9: {  	v48 =	vld [tilespmem:s23+$0x40];
	v33 =	vbroadcast v33, $0x0;
	v57 =	vadd.s32 v14, v36;
	v0 =	vmul.f32 $8.000000000e+00, v0  }
0x3da: {  	v58 =	vld [tilespmem:s23+$0x80];
	v34 =	vbroadcast v3, $0x0;
	v42 =	vmul.f32 $8.000000000e+00, v42;
	v49 =	vadd.s32 v18, v35;
	[tilespmem:v43+s20+$0x0] =	vst.idx.msk $0xffff, v5  }
0x3db: {  	v3 =	vadd.s32 v22, v33;
	v43 =	vld [tilespmem:s23+$0xFFFFFF10];
	[tilespmem:v2+s20+$0x0] =	vst.idx.msk $0xffff, v0;
	v2 =	vmul.f32 $8.000000000e+00, v44  }
0x3dc: {  	v59 =	vmul.f32 $8.000000000e+00, v46;
	v60 =	vadd.s32 v26, v34;
	[tilespmem:v45+s20+$0x0] =	vst.idx.msk $0xffff, v42;
	v5 =	vld [tilespmem:s23+$0xD0]  }
0x3dd: {  	v25 =	vmov v51;
	v51 =	vadd.s32 v51, v39;
	v61 =	vld [tilespmem:s23+$0xFFFFFF50];
	[tilespmem:v4+s20+$0x0] =	vst.idx.msk $0xffff, v2;
	v2 =	vmul.f32 $8.000000000e+00, v47  }
0x3de: {  	v20 =	vmov v52;
	v62 =	vmul.f32 $8.000000000e+00, v48;
	[tilespmem:v57+s20+$0x0] =	vst.idx.msk $0xffff, v59;
	v4 =	vadd.s32 v30, v41;
	v52 =	vld [tilespmem:s23+$0xFFFFFF90]  }
0x3df: {  	v63 =	vadd.s32 v7, v40;
	[tilespmem:v49+s20+$0x0] =	vst.idx.msk $0xffff, v2;
	v2 =	vmul.f32 $8.000000000e+00, v58  }
0x3e0: {  	v24 =	vmov v50;
	v50 =	vadd.s32 v11, v37;
	[tilespmem:v3+s20+$0x0] =	vst.idx.msk $0xffff, v62;
	v32 =	vmul.f32 $8.000000000e+00, v43  }
0x3e1: {  	v3 =	vmul.f32 $8.000000000e+00, v5;
	[tilespmem:v60+s20+$0x0] =	vst.idx.msk $0xffff, v2  }
0x3e2: {  	v60 =	vmul.f32 $8.000000000e+00, v61;
	[tilespmem:v51+s20+$0x0] =	vst.idx.msk $0xffff, v32  }
0x3e3: {  	v53 =	vld [tilespmem:s23+$0xFFFFFFD0];
	[tilespmem:v4+s20+$0x0] =	vst.idx.msk $0xffff, v3;
	v3 =	vmul.f32 $8.000000000e+00, v52  }
0x3e4: {  	[tilespmem:v63+s20+$0x0] =	vst.idx.msk $0xffff, v60  }
0x3e5: {  	v43 =	vadd.s32 v15, v36;
	[tilespmem:v50+s20+$0x0] =	vst.idx.msk $0xffff, v3  }
0x3e6: {  	v8 =	vld [tilespmem:$0x1FEC0];
	_ =	sdelay $0x1  }
0x3e7: {  	v54 =	vld [tilespmem:s23+$0x10];
	v63 =	vmul.f32 $8.000000000e+00, v53;
	_ =	sdelay $0x1  }
0x3e8: {  	v61 =	vadd.s32 v19, v35;
	[tilespmem:v43+s20+$0x0] =	vst.idx.msk $0xffff, v63  }
0x3e9: {  	v17 =	vmov v8;
	v32 =	vadd.s32 v8, v39;
	v8 =	vld [tilespmem:$0x1FEE0]  }
0x3ea: {  	s28 =	simm.s32 $0x8;
	v55 =	vld [tilespmem:s23+$0x50]  }
0x3eb: {  	v0 =	vmov s28;
	s28 =	simm.s32 $0xA;
	v56 =	vld [tilespmem:s23+$0x90];
	v3 =	vmul.f32 $8.000000000e+00, v54  }
0x3ec: {  	v47 =	vmov s28;
	s28 =	simm.s32 $0xC;
	v51 =	vld [tilespmem:s23+$0xFFFFFF20]  }
0x3ed: {  	v49 =	vmov s28;
	v4 =	vadd.s32 v23, v33;
	v62 =	vld [tilespmem:s23+$0xE0];
	[tilespmem:v61+s20+$0x0] =	vst.idx.msk $0xffff, v3  }
0x3ee: {  	v48 =	vadd.s32 v27, v34;
	v43 =	vshrl.u32 v49, $0x3;
	v21 =	vmovc v8;
	v49 =	vadd.s32 v8, v40;
	v8 =	vld [tilespmem:$0x1FF00]  }
0x3ef: {  	s26 =	simm.s32 $0x9;
	v50 =	vadd.s32 v31, v41  }
0x3f0: {  	v45 =	vmov s26;
	s26 =	simm.s32 $0xB;
	s28 =	simm.s32 $0xE;
	v63 =	vmul.f32 $8.000000000e+00, v55  }
0x3f1: {  	v42 =	vmov s26;
	v2 =	vmov s28;
	v3 =	vmul.f32 $8.000000000e+00, v56  }
0x3f2: {  	v14 =	vmovc v11;
	v11 =	vmovc v15;
	v52 =	vshrl.u32 v47, $0x3;
	v53 =	vshrl.u32 v42, $0x3;
	v47 =	vld [tilespmem:s23+$0xFFFFFF60];
	[tilespmem:v4+s20+$0x0] =	vst.idx.msk $0xffff, v63;
	v4 =	vmul.f32 $8.000000000e+00, v62  }
0x3f3: {  	v42 =	vshrl.u32 v2, $0x3;
	v2 =	vmul.f32 $8.000000000e+00, v51;
	v15 =	vmovc v8;
	v46 =	vadd.s32 v8, v37;
	v8 =	vld [tilespmem:$0x1FF20];
	[tilespmem:v48+s20+$0x0] =	vst.idx.msk $0xffff, v3  }
0x3f4: {  	v3 =	vld [tilespmem:$0x1FF40];
	[tilespmem:v50+s20+$0x0] =	vst.idx.msk $0xffff, v4  }
0x3f5: {  	[tilespmem:v32+s20+$0x0] =	vst.idx.msk $0xffff, v2  }
0x3f6: {  	v0 =	vshrl.u32 v0, $0x3;
	v4 =	vld [tilespmem:$0x1FF60]  }
0x3f7: {  	v0 =	vshll.u32 v0, v1  }
0x3f8: {  	v38 =	vbroadcast v0, $0x0;
	v57 =	vld [tilespmem:s23+$0xFFFFFFA0];
	v0 =	vmul.f32 $8.000000000e+00, v47;
	_ =	sdelay $0x1  }
0x3f9: {  	[tilespmem:v49+s20+$0x0] =	vst.idx.msk $0xffff, v0  }
0x3fa: {  	v32 =	vmov v4;
	v55 =	vadd.s32 v4, v33;
	v4 =	vld [tilespmem:$0x1FF80]  }
0x3fb: {  	v58 =	vld [tilespmem:s23+$0xFFFFFFE0]  }
0x3fc: {  	v59 =	vld [tilespmem:s23+$0x20];
	v2 =	vmul.f32 $8.000000000e+00, v57  }
0x3fd: {  	v61 =	vld [tilespmem:s23+$0x60]  }
0x3fe: {  	v62 =	vld [tilespmem:s23+$0xA0];
	[tilespmem:v46+s20+$0x0] =	vst.idx.msk $0xffff, v2  }
0x3ff: {  	v60 =	vadd.s32 v8, v36;
	v13 =	vmov v4;
	v51 =	vadd.s32 v4, v34;
	v4 =	vld [tilespmem:$0x1FFA0]  }
0x400: {  	v56 =	vld [tilespmem:s23+$0xF0]  }
0x401: {  	v50 =	vld [tilespmem:s23+$0xFFFFFF30];
	v29 =	vmov v8;
	v8 =	vmov v3;
	v3 =	vadd.s32 v3, v35  }
0x402: {  	v45 =	vshrl.u32 v45, $0x3;
	v44 =	vshll.u32 v52, v1;
	v0 =	vmul.f32 $8.000000000e+00, v58;
	v52 =	vld [tilespmem:s23+$0xFFFFFF70]  }
0x403: {  	v47 =	vshll.u32 v45, v1;
	v45 =	vshll.u32 v53, v1;
	v49 =	vld [tilespmem:s23+$0xFFFFFFB0]  }
0x404: {  	v2 =	vmul.f32 $8.000000000e+00, v59;
	v12 =	vmov v4;
	v53 =	vadd.s32 v4, v41;
	v4 =	vld [tilespmem:$0x1FED0];
	[tilespmem:v60+s20+$0x0] =	vst.idx.msk $0xffff, v0  }
0x405: {  	v0 =	vld [tilespmem:$0x1FEF0]  }
0x406: {  	v54 =	vld [tilespmem:s23+$0xFFFFFFF0];
	[tilespmem:v3+s20+$0x0] =	vst.idx.msk $0xffff, v2  }
0x407: {  	s26 =	simm.s32 $0xD;
	v6 =	vld [tilespmem:$0x1FF10]  }
0x408: {  	v5 =	vmov s26;
	v22 =	vld [tilespmem:$0x1FF30]  }
0x409: {  	v5 =	vshrl.u32 v5, $0x3;
	v18 =	vld [tilespmem:$0x1FF50]  }
0x40a: {  	v46 =	vshll.u32 v43, v1;
	v43 =	vshll.u32 v5, v1;
	v9 =	vld [tilespmem:$0x1FF70];
	v48 =	vadd.s32 v4, v39  }
0x40b: {  	s24 =	simm.s32 $0x10;
	s26 =	simm.s32 $0xF;
	v28 =	vld [tilespmem:$0x1FF90];
	v16 =	vmovc v4;
	v39 =	vmul.f32 $8.000000000e+00, v61;
	v10 =	vmovc v0;
	v41 =	vadd.s32 v0, v40;
	v40 =	vmul.f32 $8.000000000e+00, v62  }
.LBB2_21:
0x40c: {  	_ = 	snop  }
0x40d: {  	v0 =	vmov s26;
	v2 =	vadd.s32 v6, v37;
	v3 =	vld [tilespmem:s23+$0x30]  }
0x40e: {  	v62 =	vld [tilespmem:$0x1FFB0];
	[tilespmem:v55+s20+$0x0] =	vst.idx.msk $0xffff, v39;
	v0 =	vshrl.u32 v0, $0x3;
	v5 =	vmul.f32 $8.000000000e+00, v50  }
0x40f: {  	[tilespmem:v51+s20+$0x0] =	vst.idx.msk $0xffff, v40;
	v55 =	vld [tilespmem:s23+$0x70];
	v0 =	vshll.u32 v0, v1  }
0x410: {  	v36 =	vadd.s32 v22, v36;
	v57 =	vld [tilespmem:s23+$0xB0];
	s23 =	sadd.s32 $0x200, s23;
	v40 =	vbroadcast v0, $0x0;
	v0 =	vmul.f32 $8.000000000e+00, v49;
	[tilespmem:v48+s20+$0x0] =	vst.idx.msk $0xffff, v5  }
0x411: {  	v4 =	vmul.f32 $8.000000000e+00, v56;
	v5 =	vadd.s32 v9, v33;
	v58 =	vld [tilespmem:s23+$0xFFFFFF00]  }
0x412: {  	v35 =	vadd.s32 v18, v35;
	v39 =	vmov v38;
	v51 =	vld [tilespmem:$0x1FFF0];
	v56 =	vmul.f32 $8.000000000e+00, v52;
	[tilespmem:v2+s20+$0x0] =	vst.idx.msk $0xffff, v0  }
0x413: {  	v59 =	vmul.f32 $8.000000000e+00, v54;
	[tilespmem:v53+s20+$0x0] =	vst.idx.msk $0xffff, v4;
	v0 =	vmul.f32 $8.000000000e+00, v3;
	v2 =	vadd.s32 v24, v39;
	v3 =	vld [tilespmem:s23+$0xFFFFFF80]  }
0x414: {  	[tilespmem:v41+s20+$0x0] =	vst.idx.msk $0xffff, v56;
	v53 =	vld [tilespmem:$0x1FFD0];
	v38 =	vmul.f32 $8.000000000e+00, v55  }
0x415: {  	[tilespmem:v36+s20+$0x0] =	vst.idx.msk $0xffff, v59;
	v4 =	vld [tilespmem:s23+$0xC0]  }
0x416: {  	v34 =	vadd.s32 v28, v34;
	v60 =	vld [tilespmem:s23+$0xFFFFFF40];
	[tilespmem:v5+s20+$0x0] =	vst.idx.msk $0xffff, v38;
	v5 =	vmul.f32 $8.000000000e+00, v58  }
0x417: {  	v61 =	vadd.s32 v20, v40;
	v41 =	vbroadcast v47, $0x0;
	[tilespmem:v35+s20+$0x0] =	vst.idx.msk $0xffff, v0;
	v0 =	vmul.f32 $8.000000000e+00, v57;
	v57 =	vld [tilespmem:$0x1FFC0]  }
0x418: {  	v37 =	vbroadcast v44, $0x0;
	[tilespmem:v2+s20+$0x0] =	vst.idx.msk $0xffff, v5;
	v2 =	vmul.f32 $8.000000000e+00, v3;
	v3 =	vld [tilespmem:$0x1FFE0]  }
0x419: {  	v36 =	vbroadcast v45, $0x0;
	v48 =	vld [tilespmem:s23+$0xFFFFFFC0];
	v52 =	vadd.s32 v51, v41  }
0x41a: {  	v35 =	vbroadcast v46, $0x0;
	v55 =	vld [tilespmem:s23+$0x0];
	v54 =	vadd.s32 v53, v37;
	v4 =	vmul.f32 $8.000000000e+00, v4  }
0x41b: {  	v42 =	vshll.u32 v42, v1;
	v33 =	vbroadcast v43, $0x0;
	v63 =	vadd.s32 v62, v36;
	[tilespmem:v34+s20+$0x0] =	vst.idx.msk $0xffff, v0;
	v56 =	vld [tilespmem:s23+$0x40]  }
0x41c: {  	s28 =	sadd.s32 $0x1, s24;
	v34 =	vbroadcast v42, $0x0;
	v59 =	vld [tilespmem:s23+$0x80];
	v0 =	vmul.f32 $8.000000000e+00, v60;
	v58 =	vadd.s32 v57, v35;
	[tilespmem:v61+s20+$0x0] =	vst.idx.msk $0xffff, v4  }
0x41d: {  	v49 =	vadd.s32 v14, v37;
	v47 =	vmov s28;
	v5 =	vld [tilespmem:s23+$0xD0];
	v3 =	vadd.s32 v3, v33  }
0x41e: {  	s28 =	sadd.s32 $0x2, s24;
	v45 =	vadd.s32 v30, v40;
	[tilespmem:v52+s20+$0x0] =	vst.idx.msk $0xffff, v0;
	v0 =	vmul.f32 $8.000000000e+00, v48;
	v61 =	vadd.s32 v26, v34;
	v60 =	vld [tilespmem:s23+$0xFFFFFF10]  }
0x41f: {  	v50 =	vmov s28;
	v47 =	vshrl.u32 v47, $0x3;
	v62 =	vld [tilespmem:s23+$0xFFFFFF50];
	[tilespmem:v54+s20+$0x0] =	vst.idx.msk $0xffff, v2;
	v2 =	vmul.f32 $8.000000000e+00, v55  }
0x420: {  	v51 =	vadd.s32 v25, v39;
	v46 =	vadd.s32 v7, v41;
	[tilespmem:v63+s20+$0x0] =	vst.idx.msk $0xffff, v0;
	v52 =	vld [tilespmem:s23+$0xFFFFFF90];
	v0 =	vmul.f32 $8.000000000e+00, v56  }
0x421: {  	v50 =	vshrl.u32 v50, $0x3;
	v47 =	vshll.u32 v47, v1;
	v63 =	vld [tilespmem:s23+$0xFFFFFFD0];
	[tilespmem:v58+s20+$0x0] =	vst.idx.msk $0xffff, v2;
	v2 =	vmul.f32 $8.000000000e+00, v59  }
0x422: {  	s28 =	sadd.s32 $0x3, s24;
	v44 =	vshll.u32 v50, v1;
	v42 =	vadd.s32 v11, v36;
	v54 =	vld [tilespmem:s23+$0x10];
	[tilespmem:v3+s20+$0x0] =	vst.idx.msk $0xffff, v0;
	v0 =	vmul.f32 $8.000000000e+00, v5  }
0x423: {  	v38 =	vmov s28;
	v4 =	vmov s24;
	[tilespmem:v61+s20+$0x0] =	vst.idx.msk $0xffff, v2;
	v5 =	vmul.f32 $8.000000000e+00, v60;
	v55 =	vld [tilespmem:s23+$0x50]  }
0x424: {  	v4 =	vshrl.u32 v4, $0x3;
	v61 =	vadd.s32 v19, v35;
	v60 =	vmul.f32 $8.000000000e+00, v62;
	v62 =	vld [tilespmem:s23+$0x90];
	[tilespmem:v45+s20+$0x0] =	vst.idx.msk $0xffff, v0  }
0x425: {  	s28 =	sadd.s32 $0x4, s24;
	v0 =	vshll.u32 v4, v1;
	[tilespmem:v51+s20+$0x0] =	vst.idx.msk $0xffff, v5;
	v4 =	vmul.f32 $8.000000000e+00, v52;
	v5 =	vadd.s32 v23, v33;
	v45 =	vld [tilespmem:s23+$0xE0]  }
0x426: {  	v43 =	vmov s28;
	v63 =	vmul.f32 $8.000000000e+00, v63;
	[tilespmem:v46+s20+$0x0] =	vst.idx.msk $0xffff, v60;
	v46 =	vadd.s32 v27, v34;
	v51 =	vld [tilespmem:s23+$0xFFFFFF20]  }
0x427: {  	v53 =	vshrl.u32 v38, $0x3;
	v52 =	vld [tilespmem:s23+$0xFFFFFF60];
	[tilespmem:v49+s20+$0x0] =	vst.idx.msk $0xffff, v4;
	v4 =	vmul.f32 $8.000000000e+00, v54;
	v49 =	vadd.s32 v31, v40  }
0x428: {  	s28 =	sadd.s32 $0x5, s24;
	v43 =	vshrl.u32 v43, $0x3;
	[tilespmem:v42+s20+$0x0] =	vst.idx.msk $0xffff, v63;
	v54 =	vadd.s32 v17, v39;
	v57 =	vld [tilespmem:s23+$0xFFFFFFA0];
	v55 =	vmul.f32 $8.000000000e+00, v55  }
0x429: {  	v58 =	vadd.s32 v21, v41;
	v3 =	vmov s28;
	s28 =	sadd.s32 $0x6, s24;
	v59 =	vld [tilespmem:s23+$0xFFFFFFE0];
	[tilespmem:v61+s20+$0x0] =	vst.idx.msk $0xffff, v4;
	v4 =	vmul.f32 $8.000000000e+00, v62  }
0x42a: {  	v48 =	vadd.s32 v15, v37;
	v2 =	vmov s28;
	v60 =	vld [tilespmem:s23+$0x20];
	[tilespmem:v5+s20+$0x0] =	vst.idx.msk $0xffff, v55;
	v5 =	vmul.f32 $8.000000000e+00, v45  }
0x42b: {  	v42 =	vshrl.u32 v2, $0x3;
	v61 =	vadd.s32 v29, v36;
	v2 =	vmul.f32 $8.000000000e+00, v51;
	[tilespmem:v46+s20+$0x0] =	vst.idx.msk $0xffff, v4;
	v62 =	vld [tilespmem:s23+$0x60]  }
0x42c: {  	p0 =	slt.u32 s24, $0x78;
	v38 =	vbroadcast v0, $0x0;
	v0 =	vmul.f32 $8.000000000e+00, v52;
	v4 =	vadd.s32 v8, v35;
	v63 =	vld [tilespmem:s23+$0xA0];
	[tilespmem:v49+s20+$0x0] =	vst.idx.msk $0xffff, v5  }
.Ltmp12:
0x42d: {  	v41 =	vadd.s32 v10, v41;
	v3 =	vshrl.u32 v3, $0x3;
	[tilespmem:v54+s20+$0x0] =	vst.idx.msk $0xffff, v2;
	v2 =	vmul.f32 $8.000000000e+00, v57;
	v56 =	vld [tilespmem:s23+$0xF0];
	(pc) =	sbr.rel @p0 .LBB2_21-.Ltmp12, $4  }
0x42e: {  	v55 =	vadd.s32 v32, v33;
	v51 =	vadd.s32 v13, v34;
	[tilespmem:v58+s20+$0x0] =	vst.idx.msk $0xffff, v0;
	v0 =	vmul.f32 $8.000000000e+00, v59;
	v50 =	vld [tilespmem:s23+$0xFFFFFF30]  }
0x42f: {  	v45 =	vshll.u32 v53, v1;
	v53 =	vadd.s32 v12, v40;
	v52 =	vld [tilespmem:s23+$0xFFFFFF70];
	[tilespmem:v48+s20+$0x0] =	vst.idx.msk $0xffff, v2;
	v2 =	vmul.f32 $8.000000000e+00, v60  }
0x430: {  	v46 =	vshll.u32 v43, v1;
	v43 =	vshll.u32 v3, v1;
	[tilespmem:v61+s20+$0x0] =	vst.idx.msk $0xffff, v0;
	v49 =	vld [tilespmem:s23+$0xFFFFFFB0]  }
0x431: {  	s26 =	sadd.s32 $0x7, s24;
	s24 =	sadd.s32 $0x8, s24;
	v48 =	vadd.s32 v16, v39;
	v54 =	vld [tilespmem:s23+$0xFFFFFFF0];
	v39 =	vmul.f32 $8.000000000e+00, v62;
	[tilespmem:v4+s20+$0x0] =	vst.idx.msk $0xffff, v2;
	v40 =	vmul.f32 $8.000000000e+00, v63  }
0x432: {  	_ =	sdelay $0x3  }
0x433: {  	v0 =	vmov s26;
	v2 =	vadd.s32 v6, v37;
	v3 =	vld [tilespmem:s23+$0x30];
	v4 =	vmul.f32 $8.000000000e+00, v56;
	[tilespmem:v55+s20+$0x0] =	vst.idx.msk $0xffff, v39  }
0x434: {  	v36 =	vadd.s32 v22, v36;
	v0 =	vshrl.u32 v0, $0x3;
	v5 =	vmul.f32 $8.000000000e+00, v50;
	[tilespmem:v51+s20+$0x0] =	vst.idx.msk $0xffff, v40;
	v37 =	vld [tilespmem:s23+$0x70]  }
0x435: {  	v35 =	vadd.s32 v18, v35;
	s26 =	sadd.s32 $0x200, s23;
	v0 =	vshll.u32 v0, v1;
	v55 =	vmul.f32 $8.000000000e+00, v52;
	v40 =	vld [tilespmem:s23+$0xB0];
	[tilespmem:v53+s20+$0x0] =	vst.idx.msk $0xffff, v4  }
0x436: {  	v33 =	vadd.s32 v9, v33;
	v4 =	vld [tilespmem:s26+$0xC0];
	v0 =	vbroadcast v0, $0x0;
	[tilespmem:v48+s20+$0x0] =	vst.idx.msk $0xffff, v5;
	v5 =	vmul.f32 $8.000000000e+00, v49  }
0x437: {  	v34 =	vadd.s32 v28, v34;
	v61 =	vld [tilespmem:s26+$0xFFFFFF00];
	[tilespmem:v41+s20+$0x0] =	vst.idx.msk $0xffff, v55;
	v62 =	vmul.f32 $8.000000000e+00, v54  }
0x438: {  	v54 =	vadd.s32 v20, v0;
	[tilespmem:v2+s20+$0x0] =	vst.idx.msk $0xffff, v5;
	v2 =	vmul.f32 $8.000000000e+00, v3  }
0x439: {  	v63 =	vld [tilespmem:s26+$0xFFFFFF40];
	v3 =	vadd.s32 v24, v38;
	[tilespmem:v36+s20+$0x0] =	vst.idx.msk $0xffff, v62;
	v55 =	vmul.f32 $8.000000000e+00, v37  }
0x43a: {  	v50 =	vmov v20;
	v20 =	vmov v24;
	v24 =	vld [tilespmem:$0x1FFF0];
	[tilespmem:v35+s20+$0x0] =	vst.idx.msk $0xffff, v2;
	v2 =	vmul.f32 $8.000000000e+00, v40  }
0x43b: {  	v60 =	vmov v6;
	v4 =	vmul.f32 $8.000000000e+00, v4;
	v6 =	vld [tilespmem:$0x1FFD0];
	[tilespmem:v33+s20+$0x0] =	vst.idx.msk $0xffff, v55  }
0x43c: {  	v57 =	vmul.f32 $8.000000000e+00, v61;
	v51 =	vld [tilespmem:$0x1FFB0];
	[tilespmem:v34+s20+$0x0] =	vst.idx.msk $0xffff, v2  }
0x43d: {  	v58 =	vmov v18;
	v18 =	vld [tilespmem:$0x1FFC0];
	[tilespmem:v54+s20+$0x0] =	vst.idx.msk $0xffff, v4  }
0x43e: {  	v47 =	vbroadcast v47, $0x0;
	v5 =	vld [tilespmem:s26+$0xFFFFFF80];
	[tilespmem:v3+s20+$0x0] =	vst.idx.msk $0xffff, v57  }
0x43f: {  	v44 =	vbroadcast v44, $0x0;
	v53 =	vld [tilespmem:$0x1FFE0]  }
0x440: {  	v45 =	vbroadcast v45, $0x0;
	v39 =	vld [tilespmem:s26+$0xFFFFFFC0];
	v37 =	vadd.s32 v24, v47  }
0x441: {  	v46 =	vbroadcast v46, $0x0;
	v40 =	vld [tilespmem:s26+$0x0];
	v35 =	vadd.s32 v6, v44  }
0x442: {  	v42 =	vshll.u32 v42, v1;
	v43 =	vbroadcast v43, $0x0;
	v62 =	vld [tilespmem:s26+$0x40];
	v61 =	vadd.s32 v51, v45  }
0x443: {  	v42 =	vbroadcast v42, $0x0;
	v2 =	vmul.f32 $8.000000000e+00, v63;
	v63 =	vld [tilespmem:s26+$0x80];
	v34 =	vadd.s32 v18, v46  }
0x444: {  	v3 =	vmul.f32 $8.000000000e+00, v5;
	v5 =	vld [tilespmem:s26+$0xD0];
	v4 =	vadd.s32 v53, v43  }
0x445: {  	v33 =	vld [tilespmem:s26+$0xFFFFFF10];
	[tilespmem:v37+s20+$0x0] =	vst.idx.msk $0xffff, v2;
	v2 =	vmul.f32 $8.000000000e+00, v39;
	v37 =	vadd.s32 v26, v42  }
0x446: {  	v57 =	vld [tilespmem:s26+$0xFFFFFF50];
	[tilespmem:v35+s20+$0x0] =	vst.idx.msk $0xffff, v3;
	v3 =	vmul.f32 $8.000000000e+00, v40;
	v35 =	vadd.s32 v30, v0  }
0x447: {  	v40 =	vadd.s32 v25, v38;
	v49 =	vld [tilespmem:s26+$0xFFFFFF90];
	[tilespmem:v61+s20+$0x0] =	vst.idx.msk $0xffff, v2;
	v2 =	vmul.f32 $8.000000000e+00, v62  }
0x448: {  	v61 =	vadd.s32 v7, v47;
	v62 =	vld [tilespmem:s26+$0xFFFFFFD0];
	[tilespmem:v34+s20+$0x0] =	vst.idx.msk $0xffff, v3;
	v3 =	vmul.f32 $8.000000000e+00, v63  }
0x449: {  	v52 =	vadd.s32 v14, v44;
	v55 =	vld [tilespmem:s26+$0x10];
	[tilespmem:v4+s20+$0x0] =	vst.idx.msk $0xffff, v2;
	v2 =	vmul.f32 $8.000000000e+00, v5  }
0x44a: {  	v4 =	vmul.f32 $8.000000000e+00, v33;
	v5 =	vadd.s32 v11, v45;
	v63 =	vld [tilespmem:s26+$0x50];
	[tilespmem:v37+s20+$0x0] =	vst.idx.msk $0xffff, v3  }
0x44b: {  	v3 =	vmul.f32 $8.000000000e+00, v57;
	v37 =	vadd.s32 v19, v46;
	v57 =	vld [tilespmem:s26+$0x90];
	[tilespmem:v35+s20+$0x0] =	vst.idx.msk $0xffff, v2  }
0x44c: {  	[tilespmem:v40+s20+$0x0] =	vst.idx.msk $0xffff, v4;
	v2 =	vmul.f32 $8.000000000e+00, v49;
	v4 =	vadd.s32 v23, v43;
	v35 =	vld [tilespmem:s26+$0xE0]  }
0x44d: {  	v40 =	vld [tilespmem:s26+$0xFFFFFF20];
	[tilespmem:v61+s20+$0x0] =	vst.idx.msk $0xffff, v3;
	v61 =	vadd.s32 v27, v42;
	v3 =	vmul.f32 $8.000000000e+00, v62  }
0x44e: {  	v34 =	vadd.s32 v31, v0;
	v62 =	vld [tilespmem:s26+$0xFFFFFF60];
	[tilespmem:v52+s20+$0x0] =	vst.idx.msk $0xffff, v2;
	v2 =	vmul.f32 $8.000000000e+00, v55  }
0x44f: {  	v41 =	vadd.s32 v17, v38;
	v49 =	vld [tilespmem:s26+$0xFFFFFFA0];
	[tilespmem:v5+s20+$0x0] =	vst.idx.msk $0xffff, v3;
	v3 =	vmul.f32 $8.000000000e+00, v63  }
0x450: {  	v5 =	vadd.s32 v21, v47;
	v63 =	vld [tilespmem:s26+$0xFFFFFFE0];
	[tilespmem:v37+s20+$0x0] =	vst.idx.msk $0xffff, v2;
	v2 =	vmul.f32 $8.000000000e+00, v57  }
0x451: {  	v37 =	vadd.s32 v15, v44;
	v39 =	vld [tilespmem:s26+$0x20];
	[tilespmem:v4+s20+$0x0] =	vst.idx.msk $0xffff, v3;
	v3 =	vmul.f32 $8.000000000e+00, v35  }
0x452: {  	v52 =	vadd.s32 v29, v45;
	v4 =	vmul.f32 $8.000000000e+00, v40;
	v57 =	vld [tilespmem:s26+$0x60];
	[tilespmem:v61+s20+$0x0] =	vst.idx.msk $0xffff, v2  }
0x453: {  	v2 =	vmul.f32 $8.000000000e+00, v62;
	v61 =	vadd.s32 v8, v46;
	v62 =	vld [tilespmem:s26+$0xA0];
	[tilespmem:v34+s20+$0x0] =	vst.idx.msk $0xffff, v3  }
0x454: {  	[tilespmem:v41+s20+$0x0] =	vst.idx.msk $0xffff, v4;
	v3 =	vmul.f32 $8.000000000e+00, v49;
	v4 =	vadd.s32 v32, v43;
	v34 =	vld [tilespmem:s26+$0xF0]  }
0x455: {  	v41 =	vld [tilespmem:s26+$0xFFFFFF30];
	[tilespmem:v5+s20+$0x0] =	vst.idx.msk $0xffff, v2;
	v5 =	vadd.s32 v13, v42;
	v2 =	vmul.f32 $8.000000000e+00, v63  }
0x456: {  	v0 =	vadd.s32 v12, v0;
	v63 =	vld [tilespmem:s26+$0xFFFFFF70];
	[tilespmem:v37+s20+$0x0] =	vst.idx.msk $0xffff, v3;
	v3 =	vmul.f32 $8.000000000e+00, v39  }
0x457: {  	v37 =	vadd.s32 v16, v38;
	v38 =	vld [tilespmem:s26+$0xFFFFFFB0];
	[tilespmem:v52+s20+$0x0] =	vst.idx.msk $0xffff, v2;
	v2 =	vmul.f32 $8.000000000e+00, v57  }
0x458: {  	v47 =	vadd.s32 v10, v47;
	v49 =	vld [tilespmem:s26+$0xFFFFFFF0];
	[tilespmem:v61+s20+$0x0] =	vst.idx.msk $0xffff, v3;
	v3 =	vmul.f32 $8.000000000e+00, v62  }
0x459: {  	v59 =	vmov v22;
	v52 =	vadd.s32 v60, v44;
	v57 =	vld [tilespmem:s26+$0x30];
	[tilespmem:v4+s20+$0x0] =	vst.idx.msk $0xffff, v2;
	v2 =	vmul.f32 $8.000000000e+00, v34  }
0x45a: {  	v61 =	vadd.s32 v59, v45;
	v4 =	vmul.f32 $8.000000000e+00, v41;
	v62 =	vld [tilespmem:s26+$0x70];
	[tilespmem:v5+s20+$0x0] =	vst.idx.msk $0xffff, v3  }
0x45b: {  	v3 =	vmul.f32 $8.000000000e+00, v63;
	v5 =	vadd.s32 v58, v46;
	v63 =	vld [tilespmem:s26+$0xB0];
	[tilespmem:v0+s20+$0x0] =	vst.idx.msk $0xffff, v2  }
0x45c: {  	[tilespmem:v37+s20+$0x0] =	vst.idx.msk $0xffff, v4;
	v0 =	vmul.f32 $8.000000000e+00, v38;
	v2 =	vadd.s32 v9, v43  }
0x45d: {  	v4 =	vadd.s32 v28, v42;
	[tilespmem:v47+s20+$0x0] =	vst.idx.msk $0xffff, v3;
	v3 =	vmul.f32 $8.000000000e+00, v49  }
0x45e: {  	[tilespmem:v52+s20+$0x0] =	vst.idx.msk $0xffff, v0;
	v0 =	vmul.f32 $8.000000000e+00, v57  }
0x45f: {  	[tilespmem:v61+s20+$0x0] =	vst.idx.msk $0xffff, v3;
	v3 =	vmul.f32 $8.000000000e+00, v62  }
0x460: {  	[tilespmem:v5+s20+$0x0] =	vst.idx.msk $0xffff, v0;
	v0 =	vmul.f32 $8.000000000e+00, v63  }
0x461: {  	[tilespmem:v2+s20+$0x0] =	vst.idx.msk $0xffff, v3  }
0x462: {  	s23 =	sadd.s32 s22, s1;
	[tilespmem:v4+s20+$0x0] =	vst.idx.msk $0xffff, v0  }
0x463: {  	[hbm4b:s23+s3] =	stream.linear.scatter [tilespmem:s20], [sflag:$0x8], $0x80, $0x38;
	[tilespmem:$0x16C00] =	vst v63  }
0x464: {  	s28 =	simm.s32 $0x14A88;
	s24 =	sadd.s32 $0x10, s23  }
0x465: {  	[hbm4b:s24+s3] =	stream.linear.scatter [tilespmem:s28], [sflag:$0x8], $0x80, $0x38;
	[tilespmem:$0x16C00] =	vst v63  }
0x466: {  	s26 =	sadd.s32 $0x20, s23;
	s28 =	simm.s32 $0x14B10  }
0x467: {  	[hbm4b:s26+s3] =	stream.linear.scatter [tilespmem:s28], [sflag:$0x8], $0x80, $0x38;
	[tilespmem:$0x16C00] =	vst v63  }
0x468: {  	s26 =	sadd.s32 $0x30, s23;
	s28 =	simm.s32 $0x14B98  }
0x469: {  	[hbm4b:s26+s3] =	stream.linear.scatter [tilespmem:s28], [sflag:$0x8], $0x80, $0x38;
	[tilespmem:$0x16C00] =	vst v63  }
0x46a: {  	s26 =	sadd.s32 $0x40, s23;
	s28 =	simm.s32 $0x14C20  }
0x46b: {  	[hbm4b:s26+s3] =	stream.linear.scatter [tilespmem:s28], [sflag:$0x8], $0x80, $0x38;
	[tilespmem:$0x16C00] =	vst v63  }
0x46c: {  	s26 =	sadd.s32 $0x50, s23;
	s28 =	simm.s32 $0x14CA8  }
0x46d: {  	[hbm4b:s26+s3] =	stream.linear.scatter [tilespmem:s28], [sflag:$0x8], $0x80, $0x38;
	[tilespmem:$0x16C00] =	vst v63  }
0x46e: {  	s26 =	sadd.s32 $0x60, s23;
	s28 =	simm.s32 $0x14D30  }
0x46f: {  	[hbm4b:s26+s3] =	stream.linear.scatter [tilespmem:s28], [sflag:$0x8], $0x80, $0x38;
	[tilespmem:$0x16C00] =	vst v63  }
0x470: {  	s23 =	sadd.s32 $0x70, s23;
	s26 =	simm.s32 $0x14DB8  }
0x471: {  	[hbm4b:s23+s3] =	stream.linear.scatter [tilespmem:s26], [sflag:$0x8], $0x80, $0x38;
	[tilespmem:$0x16C00] =	vst v63  }
0x472: {  	s28 =	simm.s32 $0x14E40;
	s23 =	sadd.s32 s22, s0  }
0x473: {  	[hbm4b:s23+s3] =	stream.linear.scatter [tilespmem:s28], [sflag:$0x8], $0x80, $0x38;
	[tilespmem:$0x16C00] =	vst v63  }
0x474: {  	s26 =	sadd.s32 $0x10, s23;
	s28 =	simm.s32 $0x14EC8  }
0x475: {  	[hbm4b:s26+s3] =	stream.linear.scatter [tilespmem:s28], [sflag:$0x8], $0x80, $0x38;
	[tilespmem:$0x16C00] =	vst v63  }
0x476: {  	s26 =	sadd.s32 $0x20, s23;
	s28 =	simm.s32 $0x14F50  }
0x477: {  	[hbm4b:s26+s3] =	stream.linear.scatter [tilespmem:s28], [sflag:$0x8], $0x80, $0x38;
	[tilespmem:$0x16C00] =	vst v63  }
0x478: {  	s26 =	sadd.s32 $0x30, s23;
	s28 =	simm.s32 $0x14FD8  }
0x479: {  	[hbm4b:s26+s3] =	stream.linear.scatter [tilespmem:s28], [sflag:$0x8], $0x80, $0x38;
	[tilespmem:$0x16C00] =	vst v63  }
0x47a: {  	s26 =	sadd.s32 $0x40, s23;
	s28 =	simm.s32 $0x15060  }
0x47b: {  	[hbm4b:s26+s3] =	stream.linear.scatter [tilespmem:s28], [sflag:$0x8], $0x80, $0x38;
	[tilespmem:$0x16C00] =	vst v63  }
0x47c: {  	s26 =	sadd.s32 $0x50, s23;
	s28 =	simm.s32 $0x150E8  }
0x47d: {  	[hbm4b:s26+s3] =	stream.linear.scatter [tilespmem:s28], [sflag:$0x8], $0x80, $0x38;
	[tilespmem:$0x16C00] =	vst v63  }
0x47e: {  	s26 =	sadd.s32 $0x60, s23;
	s28 =	simm.s32 $0x15170  }
0x47f: {  	[hbm4b:s26+s3] =	stream.linear.scatter [tilespmem:s28], [sflag:$0x8], $0x80, $0x38;
	[tilespmem:$0x16C00] =	vst v63  }
0x480: {  	s23 =	sadd.s32 $0x70, s23;
	s26 =	simm.s32 $0x151F8  }
0x481: {  	[hbm4b:s23+s3] =	stream.linear.scatter [tilespmem:s26], [sflag:$0x8], $0x80, $0x38;
	[tilespmem:$0x16C00] =	vst v63  }
0x482: {  	s28 =	simm.s32 $0x15280;
	s23 =	sadd.s32 s22, s5  }
0x483: {  	[hbm4b:s23+s3] =	stream.linear.scatter [tilespmem:s28], [sflag:$0x8], $0x80, $0x38;
	[tilespmem:$0x16C00] =	vst v63  }
0x484: {  	s26 =	sadd.s32 $0x10, s23;
	s28 =	simm.s32 $0x15308  }
0x485: {  	[hbm4b:s26+s3] =	stream.linear.scatter [tilespmem:s28], [sflag:$0x8], $0x80, $0x38;
	[tilespmem:$0x16C00] =	vst v63  }
0x486: {  	s26 =	sadd.s32 $0x20, s23;
	s28 =	simm.s32 $0x15390  }
0x487: {  	[hbm4b:s26+s3] =	stream.linear.scatter [tilespmem:s28], [sflag:$0x8], $0x80, $0x38;
	[tilespmem:$0x16C00] =	vst v63  }
0x488: {  	s26 =	sadd.s32 $0x30, s23;
	s28 =	simm.s32 $0x15418  }
0x489: {  	[hbm4b:s26+s3] =	stream.linear.scatter [tilespmem:s28], [sflag:$0x8], $0x80, $0x38;
	[tilespmem:$0x16C00] =	vst v63  }
0x48a: {  	s26 =	sadd.s32 $0x40, s23;
	s28 =	simm.s32 $0x154A0  }
0x48b: {  	[hbm4b:s26+s3] =	stream.linear.scatter [tilespmem:s28], [sflag:$0x8], $0x80, $0x38;
	[tilespmem:$0x16C00] =	vst v63  }
0x48c: {  	s26 =	sadd.s32 $0x50, s23;
	s28 =	simm.s32 $0x15528  }
0x48d: {  	[hbm4b:s26+s3] =	stream.linear.scatter [tilespmem:s28], [sflag:$0x8], $0x80, $0x38;
	[tilespmem:$0x16C00] =	vst v63  }
0x48e: {  	s26 =	sadd.s32 $0x60, s23;
	s28 =	simm.s32 $0x155B0  }
0x48f: {  	[hbm4b:s26+s3] =	stream.linear.scatter [tilespmem:s28], [sflag:$0x8], $0x80, $0x38;
	[tilespmem:$0x16C00] =	vst v63  }
0x490: {  	s23 =	sadd.s32 $0x70, s23;
	s26 =	simm.s32 $0x15638  }
0x491: {  	[hbm4b:s23+s3] =	stream.linear.scatter [tilespmem:s26], [sflag:$0x8], $0x80, $0x38;
	[tilespmem:$0x16C00] =	vst v63  }
0x492: {  	s28 =	simm.s32 $0x156C0;
	s23 =	sadd.s32 s22, s25  }
0x493: {  	[hbm4b:s23+s3] =	stream.linear.scatter [tilespmem:s28], [sflag:$0x8], $0x80, $0x38;
	[tilespmem:$0x16C00] =	vst v63  }
0x494: {  	s26 =	sadd.s32 $0x10, s23;
	s28 =	simm.s32 $0x15748  }
0x495: {  	[hbm4b:s26+s3] =	stream.linear.scatter [tilespmem:s28], [sflag:$0x8], $0x80, $0x38;
	[tilespmem:$0x16C00] =	vst v63  }
0x496: {  	s26 =	sadd.s32 $0x20, s23;
	s28 =	simm.s32 $0x157D0  }
0x497: {  	[hbm4b:s26+s3] =	stream.linear.scatter [tilespmem:s28], [sflag:$0x8], $0x80, $0x38;
	[tilespmem:$0x16C00] =	vst v63  }
0x498: {  	s26 =	sadd.s32 $0x30, s23;
	s28 =	simm.s32 $0x15858  }
0x499: {  	[hbm4b:s26+s3] =	stream.linear.scatter [tilespmem:s28], [sflag:$0x8], $0x80, $0x38;
	[tilespmem:$0x16C00] =	vst v63  }
0x49a: {  	s26 =	sadd.s32 $0x40, s23;
	s28 =	simm.s32 $0x158E0  }
0x49b: {  	[hbm4b:s26+s3] =	stream.linear.scatter [tilespmem:s28], [sflag:$0x8], $0x80, $0x38;
	[tilespmem:$0x16C00] =	vst v63  }
0x49c: {  	s26 =	sadd.s32 $0x50, s23;
	s28 =	simm.s32 $0x15968  }
0x49d: {  	[hbm4b:s26+s3] =	stream.linear.scatter [tilespmem:s28], [sflag:$0x8], $0x80, $0x38;
	[tilespmem:$0x16C00] =	vst v63  }
0x49e: {  	s26 =	sadd.s32 $0x60, s23;
	s28 =	simm.s32 $0x159F0  }
0x49f: {  	[hbm4b:s26+s3] =	stream.linear.scatter [tilespmem:s28], [sflag:$0x8], $0x80, $0x38;
	[tilespmem:$0x16C00] =	vst v63  }
0x4a0: {  	s23 =	sadd.s32 $0x70, s23;
	s26 =	simm.s32 $0x15A78  }
0x4a1: {  	[hbm4b:s23+s3] =	stream.linear.scatter [tilespmem:s26], [sflag:$0x8], $0x80, $0x38;
	[tilespmem:$0x16C00] =	vst v63  }
0x4a2: {  	s28 =	simm.s32 $0x15B00;
	s23 =	sadd.s32 s22, s2  }
0x4a3: {  	[hbm4b:s23+s3] =	stream.linear.scatter [tilespmem:s28], [sflag:$0x8], $0x80, $0x38;
	[tilespmem:$0x16C00] =	vst v63  }
0x4a4: {  	s26 =	sadd.s32 $0x10, s23;
	s28 =	simm.s32 $0x15B88  }
0x4a5: {  	[hbm4b:s26+s3] =	stream.linear.scatter [tilespmem:s28], [sflag:$0x8], $0x80, $0x38;
	[tilespmem:$0x16C00] =	vst v63  }
0x4a6: {  	s26 =	sadd.s32 $0x20, s23;
	s28 =	simm.s32 $0x15C10  }
0x4a7: {  	[hbm4b:s26+s3] =	stream.linear.scatter [tilespmem:s28], [sflag:$0x8], $0x80, $0x38;
	[tilespmem:$0x16C00] =	vst v63  }
0x4a8: {  	s26 =	sadd.s32 $0x30, s23;
	s28 =	simm.s32 $0x15C98  }
0x4a9: {  	[hbm4b:s26+s3] =	stream.linear.scatter [tilespmem:s28], [sflag:$0x8], $0x80, $0x38;
	[tilespmem:$0x16C00] =	vst v63  }
0x4aa: {  	s26 =	sadd.s32 $0x40, s23;
	s28 =	simm.s32 $0x15D20  }
0x4ab: {  	[hbm4b:s26+s3] =	stream.linear.scatter [tilespmem:s28], [sflag:$0x8], $0x80, $0x38;
	[tilespmem:$0x16C00] =	vst v63  }
0x4ac: {  	s26 =	sadd.s32 $0x50, s23;
	s28 =	simm.s32 $0x15DA8  }
0x4ad: {  	[hbm4b:s26+s3] =	stream.linear.scatter [tilespmem:s28], [sflag:$0x8], $0x80, $0x38;
	[tilespmem:$0x16C00] =	vst v63  }
0x4ae: {  	s26 =	sadd.s32 $0x60, s23;
	s28 =	simm.s32 $0x15E30  }
0x4af: {  	[hbm4b:s26+s3] =	stream.linear.scatter [tilespmem:s28], [sflag:$0x8], $0x80, $0x38;
	[tilespmem:$0x16C00] =	vst v63  }
0x4b0: {  	s23 =	sadd.s32 $0x70, s23;
	s26 =	simm.s32 $0x15EB8  }
0x4b1: {  	[hbm4b:s23+s3] =	stream.linear.scatter [tilespmem:s26], [sflag:$0x8], $0x80, $0x38;
	[tilespmem:$0x16C00] =	vst v63  }
0x4b2: {  	s28 =	simm.s32 $0x15F40;
	s23 =	sadd.s32 s22, s6  }
0x4b3: {  	[hbm4b:s23+s3] =	stream.linear.scatter [tilespmem:s28], [sflag:$0x8], $0x80, $0x38;
	[tilespmem:$0x16C00] =	vst v63  }
0x4b4: {  	s26 =	sadd.s32 $0x10, s23;
	s28 =	simm.s32 $0x15FC8  }
0x4b5: {  	[hbm4b:s26+s3] =	stream.linear.scatter [tilespmem:s28], [sflag:$0x8], $0x80, $0x38;
	[tilespmem:$0x16C00] =	vst v63  }
0x4b6: {  	s26 =	sadd.s32 $0x20, s23;
	s28 =	simm.s32 $0x16050  }
0x4b7: {  	[hbm4b:s26+s3] =	stream.linear.scatter [tilespmem:s28], [sflag:$0x8], $0x80, $0x38;
	[tilespmem:$0x16C00] =	vst v63  }
0x4b8: {  	s26 =	sadd.s32 $0x30, s23;
	s28 =	simm.s32 $0x160D8  }
0x4b9: {  	[hbm4b:s26+s3] =	stream.linear.scatter [tilespmem:s28], [sflag:$0x8], $0x80, $0x38;
	[tilespmem:$0x16C00] =	vst v63  }
0x4ba: {  	s26 =	sadd.s32 $0x40, s23;
	s28 =	simm.s32 $0x16160  }
0x4bb: {  	[hbm4b:s26+s3] =	stream.linear.scatter [tilespmem:s28], [sflag:$0x8], $0x80, $0x38;
	[tilespmem:$0x16C00] =	vst v63  }
0x4bc: {  	s26 =	sadd.s32 $0x50, s23;
	s28 =	simm.s32 $0x161E8  }
0x4bd: {  	[hbm4b:s26+s3] =	stream.linear.scatter [tilespmem:s28], [sflag:$0x8], $0x80, $0x38;
	[tilespmem:$0x16C00] =	vst v63  }
0x4be: {  	s26 =	sadd.s32 $0x60, s23;
	s28 =	simm.s32 $0x16270  }
0x4bf: {  	[hbm4b:s26+s3] =	stream.linear.scatter [tilespmem:s28], [sflag:$0x8], $0x80, $0x38;
	[tilespmem:$0x16C00] =	vst v63  }
0x4c0: {  	s23 =	sadd.s32 $0x70, s23;
	s26 =	simm.s32 $0x162F8  }
0x4c1: {  	[hbm4b:s23+s3] =	stream.linear.scatter [tilespmem:s26], [sflag:$0x8], $0x80, $0x38;
	[tilespmem:$0x16C00] =	vst v63  }
0x4c2: {  	s28 =	simm.s32 $0x16380;
	s23 =	sadd.s32 s22, s7  }
0x4c3: {  	[hbm4b:s23+s3] =	stream.linear.scatter [tilespmem:s28], [sflag:$0x8], $0x80, $0x38;
	[tilespmem:$0x16C00] =	vst v63  }
0x4c4: {  	s26 =	sadd.s32 $0x10, s23;
	s28 =	simm.s32 $0x16408  }
0x4c5: {  	[hbm4b:s26+s3] =	stream.linear.scatter [tilespmem:s28], [sflag:$0x8], $0x80, $0x38;
	[tilespmem:$0x16C00] =	vst v63  }
0x4c6: {  	s26 =	sadd.s32 $0x20, s23;
	s28 =	simm.s32 $0x16490  }
0x4c7: {  	[hbm4b:s26+s3] =	stream.linear.scatter [tilespmem:s28], [sflag:$0x8], $0x80, $0x38;
	[tilespmem:$0x16C00] =	vst v63  }
0x4c8: {  	s26 =	sadd.s32 $0x30, s23;
	s28 =	simm.s32 $0x16518  }
0x4c9: {  	[hbm4b:s26+s3] =	stream.linear.scatter [tilespmem:s28], [sflag:$0x8], $0x80, $0x38;
	[tilespmem:$0x16C00] =	vst v63  }
0x4ca: {  	s26 =	sadd.s32 $0x40, s23;
	s28 =	simm.s32 $0x165A0  }
0x4cb: {  	[hbm4b:s26+s3] =	stream.linear.scatter [tilespmem:s28], [sflag:$0x8], $0x80, $0x38;
	[tilespmem:$0x16C00] =	vst v63  }
0x4cc: {  	s26 =	sadd.s32 $0x50, s23;
	s28 =	simm.s32 $0x16628  }
0x4cd: {  	[hbm4b:s26+s3] =	stream.linear.scatter [tilespmem:s28], [sflag:$0x8], $0x80, $0x38;
	[tilespmem:$0x16C00] =	vst v63  }
0x4ce: {  	s26 =	sadd.s32 $0x60, s23;
	s28 =	simm.s32 $0x166B0  }
0x4cf: {  	[hbm4b:s26+s3] =	stream.linear.scatter [tilespmem:s28], [sflag:$0x8], $0x80, $0x38;
	[tilespmem:$0x16C00] =	vst v63  }
0x4d0: {  	s23 =	sadd.s32 $0x70, s23;
	s28 =	simm.s32 $0x16738  }
0x4d1: {  	[hbm4b:s23+s3] =	stream.linear.scatter [tilespmem:s28], [sflag:$0x8], $0x80, $0x38;
	[tilespmem:$0x16C00] =	vst v63  }
0x4d2: {  	s24 =	simm.s32 $0x167C0;
	s22 =	sadd.s32 s22, s8  }
0x4d3: {  	[hbm4b:s22+s3] =	stream.linear.scatter [tilespmem:s24], [sflag:$0x8], $0x80, $0x38;
	[tilespmem:$0x16C00] =	vst v63  }
0x4d4: {  	s26 =	sadd.s32 $0x10, s22;
	s28 =	simm.s32 $0x16848  }
0x4d5: {  	[hbm4b:s26+s3] =	stream.linear.scatter [tilespmem:s28], [sflag:$0x8], $0x80, $0x38;
	[tilespmem:$0x16C00] =	vst v63  }
0x4d6: {  	s26 =	sadd.s32 $0x20, s22;
	s28 =	simm.s32 $0x168D0  }
0x4d7: {  	[hbm4b:s26+s3] =	stream.linear.scatter [tilespmem:s28], [sflag:$0x8], $0x80, $0x38;
	[tilespmem:$0x16C00] =	vst v63  }
0x4d8: {  	s26 =	sadd.s32 $0x30, s22;
	s28 =	simm.s32 $0x16958  }
0x4d9: {  	[hbm4b:s26+s3] =	stream.linear.scatter [tilespmem:s28], [sflag:$0x8], $0x80, $0x38;
	[tilespmem:$0x16C00] =	vst v63  }
0x4da: {  	s21 =	sadd.s32 $0x1, s21;
	s26 =	sadd.s32 $0x40, s22;
	s28 =	simm.s32 $0x169E0  }
0x4db: {  	v22 =	vmov v19;
	[hbm4b:s26+s3] =	stream.linear.scatter [tilespmem:s28], [sflag:$0x8], $0x80, $0x38;
	[tilespmem:$0x16C00] =	vst v63  }
0x4dc: {  	p0 =	sne.s32 s21, $0x32;
	v54 =	vmov v26;
	v26 =	vmov v30;
	s26 =	sadd.s32 $0x50, s22;
	s28 =	simm.s32 $0x16A68  }
0x4dd: {  	v56 =	vmovc v28;
	v30 =	vmovc v23;
	v17 =	vmov v26;
	v19 =	vmov v59;
	v23 =	vmov v27;
	[hbm4b:s26+s3] =	stream.linear.scatter [tilespmem:s28], [sflag:$0x8], $0x80, $0x38;
	[tilespmem:$0x16C00] =	vst v63  }
.Ltmp13:
0x4de: {  	v27 =	vmovc v9;
	v55 =	vmovc v31;
	v31 =	vmov v56;
	v41 =	vmov v22;
	v22 =	vmov v8;
	(pc) =	sbr.rel @p0 .LBB2_2-.Ltmp13, $4  }
0x4df: {  	v8 =	vmovc v55;
	v28 =	vmovc v29;
	v29 =	vmov v13;
	v13 =	vmov v51;
	v3 =	vmov v14;
	s24 =	sadd.s32 $0x60, s22;
	s26 =	simm.s32 $0x16AF0  }
0x4e0: {  	v61 =	vmovc v7;
	v7 =	vmovc v24;
	v24 =	vmov v23;
	v5 =	vmov v11;
	v11 =	vmov v58;
	[hbm4b:s24+s3] =	stream.linear.scatter [tilespmem:s26], [sflag:$0x8], $0x80, $0x38;
	[tilespmem:$0x16C00] =	vst v63  }
0x4e1: {  	v58 =	vmovc v53;
	v2 =	vmovc v54;
	v14 =	vmov v15;
	v15 =	vmov v60;
	v0 =	vmov v20;
	s22 =	sadd.s32 $0x70, s22;
	s28 =	simm.s32 $0x16B78  }
0x4e2: {  	v20 =	vmovc v30;
	v30 =	vmovc v32;
	v32 =	vmov v3;
	v25 =	vmov v0;
	v3 =	vmov v50;
	[hbm4b:s22+s3] =	stream.linear.scatter [tilespmem:s28], [sflag:$0x8], $0x80, $0x38;
	[tilespmem:$0x16C00] =	vst v63  }
0x4e3: {  	_ =	swait.ge [sflag:s19], $0x400  }
0x4e4: {  	[sflag:s19] =	ssyncset.done $0x0  }
0x4e5: {  	[sflag:s19] =	ssyncadd.s32 $0xFFFFFC00  }
0x4e6: {  	_ =	swait.ge [sflag:s19], $0x400  }
0x4e7: {  	[sflag:s19] =	ssyncset.done $0x0  }
0x4e8: {  	[sflag:s19] =	ssyncadd.s32 $0xFFFFFC00  }
0x4e9: {  	_ =	swait.ge [sflag:s19], $0x400  }
0x4ea: {  	[sflag:s19] =	ssyncset.done $0x0  }
0x4eb: {  	[sflag:s19] =	ssyncadd.s32 $0xFFFFFC00  }
0x4ec: {  	_ =	swait.ge [sflag:s19], $0x400  }
0x4ed: {  	[sflag:s19] =	ssyncset.done $0x0  }
0x4ee: {  	[sflag:s19] =	ssyncadd.s32 $0xFFFFFC00  }
0x4ef: {  	_ =	swait.ge [sflag:s19], $0x400  }
0x4f0: {  	[sflag:s19] =	ssyncset.done $0x0  }
0x4f1: {  	[sflag:s19] =	ssyncadd.s32 $0xFFFFFC00  }
0x4f2: {  	_ =	swait.ge [sflag:s19], $0x400  }
0x4f3: {  	[sflag:s19] =	ssyncset.done $0x0  }
0x4f4: {  	[sflag:s19] =	ssyncadd.s32 $0xFFFFFC00  }
0x4f5: {  	_ =	swait.ge [sflag:s19], $0x400  }
0x4f6: {  	[sflag:s19] =	ssyncset.done $0x0  }
0x4f7: {  	[sflag:s19] =	ssyncadd.s32 $0xFFFFFC00  }
0x4f8: {  	_ =	swait.ge [sflag:s19], $0x400  }
0x4f9: {  	[sflag:s19] =	ssyncset.done $0x0  }
0x4fa: {  	[sflag:s19] =	ssyncadd.s32 $0xFFFFFC00  }
0x4fb: {  	_ =	swait.ge [sflag:s16], $0x400  }
0x4fc: {  	[sflag:s16] =	ssyncset.done $0x0  }
0x4fd: {  	[sflag:s16] =	ssyncadd.s32 $0xFFFFFC00  }
0x4fe: {  	_ =	swait.ge [sflag:s16], $0x400  }
0x4ff: {  	[sflag:s16] =	ssyncset.done $0x0  }
0x500: {  	[sflag:s16] =	ssyncadd.s32 $0xFFFFFC00  }
0x501: {  	_ =	swait.ge [sflag:s16], $0x400  }
0x502: {  	[sflag:s16] =	ssyncset.done $0x0  }
0x503: {  	[sflag:s16] =	ssyncadd.s32 $0xFFFFFC00  }
0x504: {  	_ =	swait.ge [sflag:s16], $0x400  }
0x505: {  	[sflag:s16] =	ssyncset.done $0x0  }
0x506: {  	[sflag:s16] =	ssyncadd.s32 $0xFFFFFC00  }
0x507: {  	_ =	swait.ge [sflag:s16], $0x400  }
0x508: {  	[sflag:s16] =	ssyncset.done $0x0  }
0x509: {  	[sflag:s16] =	ssyncadd.s32 $0xFFFFFC00  }
0x50a: {  	_ =	swait.ge [sflag:s16], $0x400  }
0x50b: {  	[sflag:s16] =	ssyncset.done $0x0  }
0x50c: {  	[sflag:s16] =	ssyncadd.s32 $0xFFFFFC00  }
0x50d: {  	_ =	swait.ge [sflag:s16], $0x400  }
0x50e: {  	[sflag:s16] =	ssyncset.done $0x0  }
0x50f: {  	[sflag:s16] =	ssyncadd.s32 $0xFFFFFC00  }
0x510: {  	_ =	swait.ge [sflag:s16], $0x400  }
0x511: {  	[sflag:s16] =	ssyncset.done $0x0  }
0x512: {  	[sflag:s16] =	ssyncadd.s32 $0xFFFFFC00  }
0x513: {  	_ =	swait.ge [sflag:s13], $0x400  }
0x514: {  	[sflag:s13] =	ssyncset.done $0x0  }
0x515: {  	[sflag:s13] =	ssyncadd.s32 $0xFFFFFC00  }
0x516: {  	_ =	swait.ge [sflag:s13], $0x400  }
0x517: {  	[sflag:s13] =	ssyncset.done $0x0  }
0x518: {  	[sflag:s13] =	ssyncadd.s32 $0xFFFFFC00  }
0x519: {  	_ =	swait.ge [sflag:s13], $0x400  }
0x51a: {  	[sflag:s13] =	ssyncset.done $0x0  }
0x51b: {  	[sflag:s13] =	ssyncadd.s32 $0xFFFFFC00  }
0x51c: {  	_ =	swait.ge [sflag:s13], $0x400  }
0x51d: {  	[sflag:s13] =	ssyncset.done $0x0  }
0x51e: {  	[sflag:s13] =	ssyncadd.s32 $0xFFFFFC00  }
0x51f: {  	_ =	swait.ge [sflag:s13], $0x400  }
0x520: {  	[sflag:s13] =	ssyncset.done $0x0  }
0x521: {  	[sflag:s13] =	ssyncadd.s32 $0xFFFFFC00  }
0x522: {  	_ =	swait.ge [sflag:s13], $0x400  }
0x523: {  	[sflag:s13] =	ssyncset.done $0x0  }
0x524: {  	[sflag:s13] =	ssyncadd.s32 $0xFFFFFC00  }
0x525: {  	_ =	swait.ge [sflag:s13], $0x400  }
0x526: {  	[sflag:s13] =	ssyncset.done $0x0  }
0x527: {  	[sflag:s13] =	ssyncadd.s32 $0xFFFFFC00  }
0x528: {  	_ =	swait.ge [sflag:s13], $0x400  }
0x529: {  	[sflag:s13] =	ssyncset.done $0x0  }
0x52a: {  	s22 =	simm.s32 $0x5;
	[sflag:s13] =	ssyncadd.s32 $0xFFFFFC00  }
0x52b: {  	_ =	swait.ge [sflag:s22], $0x400  }
0x52c: {  	[sflag:s22] =	ssyncset.done $0x0  }
0x52d: {  	[sflag:s22] =	ssyncadd.s32 $0xFFFFFC00  }
0x52e: {  	_ =	swait.ge [sflag:s22], $0x400  }
0x52f: {  	[sflag:s22] =	ssyncset.done $0x0  }
0x530: {  	[sflag:s22] =	ssyncadd.s32 $0xFFFFFC00  }
0x531: {  	_ =	swait.ge [sflag:s22], $0x400  }
0x532: {  	[sflag:s22] =	ssyncset.done $0x0  }
0x533: {  	[sflag:s22] =	ssyncadd.s32 $0xFFFFFC00  }
0x534: {  	_ =	swait.ge [sflag:s22], $0x400  }
0x535: {  	[sflag:s22] =	ssyncset.done $0x0  }
0x536: {  	[sflag:s22] =	ssyncadd.s32 $0xFFFFFC00  }
0x537: {  	_ =	swait.ge [sflag:s22], $0x400  }
0x538: {  	[sflag:s22] =	ssyncset.done $0x0  }
0x539: {  	[sflag:s22] =	ssyncadd.s32 $0xFFFFFC00  }
0x53a: {  	_ =	swait.ge [sflag:s22], $0x400  }
0x53b: {  	[sflag:s22] =	ssyncset.done $0x0  }
0x53c: {  	[sflag:s22] =	ssyncadd.s32 $0xFFFFFC00  }
0x53d: {  	_ =	swait.ge [sflag:s22], $0x400  }
0x53e: {  	[sflag:s22] =	ssyncset.done $0x0  }
0x53f: {  	[sflag:s22] =	ssyncadd.s32 $0xFFFFFC00  }
0x540: {  	_ =	swait.ge [sflag:s22], $0x400  }
0x541: {  	s23 =	rddreg [dreg:$0x1a]  }
0x542: {  	s21 =	rddreg [dreg:$0x17];
	s23 =	sadd.s32 $0x1, s23  }
0x543: {  	p0 =	sne.s32 s23, s21  }
.Ltmp14:
0x544: {  	_ = 	snop;
	(pc) =	sbr.rel @p0 .LBB2_1-.Ltmp14, $3  }
0x545: {  	_ =	sdelay $0x1  }
0x546: {  	v34 =	vmovc v6;
	v6 =	vmov v29;
	v29 =	vmov v2;
	v16 =	vmov v30;
	[sflag:s22] =	ssyncset.done $0x0  }
0x547: {  	v4 =	vmovc v28;
	v28 =	vmovc v58;
	v2 =	vmov v21;
	v21 =	vmov v41;
	v9 =	vmov v61;
	[sflag:s22] =	ssyncadd.s32 $0xFFFFFC00  }
0x548: {  	_ =	sfence.sel $0x180000  }
0x549: {  	[bflag:$0x0] =	sbarrier.arrive $0xFFFF  }
0x54a: {  	_ =	strace $0x90000047  }
0x54b: {  	s0 =	stileid.u32;
	[bflag:$0x2] =	sbarrier.arrive $0xFFFF  }
0x54c: {  	p0 =	sne.s32 s0, $0x0;
	s0 =	rddreg [dreg:$0x2]  }
0x54d: {  	s0 =	sadd.s32 @!p0 $0x100000, s0  }
0x54e: {  	[sflag:s0] =	ssyncadd.tile.s32 @!p0 $0x1;
	_ =	shalt  }
.Lfunc_end2:
_tile_overlayer_lowered:
.L_overlay_start_2:
0x54f: {  	(tag) =	ssettag $0x2  }
0x550: {  	s0 =	rddreg [dreg:$0x0];
	s2 =	stileid.u32  }
0x551: {  	s1 =	rddreg [dreg:$0x1];
	p0 =	sne.s32 s2, $0x0  }
0x552: {  	s3 =	rddreg [dreg:$0x2];
	[bflag:$0x3] =	sbarrier.arrive $0xFFFF;
	s2 =	simm.s32 @!p0 $0x1C09  }
0x553: {  	[timem:s3], [sflag:s2] =	dma.local @!p0 [hbm:s0], s1  }
0x554: {  	s0 =	simm.s32 @!p0 $0x9  }
0x555: {  	_ =	swait.ge @!p0 [sflag:s0], s1  }
0x556: {  	s1 =	ssub.s32 @!p0 $0x0, s1;
	[sflag:s0] =	ssyncset.done @!p0 $0x0  }
0x557: {  	[sflag:s0] =	ssyncadd.s32 @!p0 s1  }
0x558: {  	[bflag:$0x3] =	sbarrier.arrive $0xFFFF  }
0x559: {  	_ =	shalt  }

</sc_bundles>
